<compile_context>
chip_gen: v7x
topology: tpu7x:2x2x1
jax: 0.10.2.dev20260603
libtpu: 0.0.44.dev20260713+nightly
codegen_flags: <defaults>
</compile_context>

<pallas_src>
import functools

import jax
import jax.numpy as jnp
import numpy as np
from jax import lax
from jax.experimental import pallas as pl
from jax.experimental.pallas import tpu as pltpu
from jax.experimental.pallas import tpu_sc as plsc

NCLS = 21
B = 4
H = 512
W = 512
HW = H * W
NW = 32
ROWS_PER_W = H // NW
ACC_PAD = 16 * NCLS + 16

LN2 = 0.6931471805599453


def _ln_tables():
    k = np.arange(256)
    mk = 1.0 + k / 256.0
    mk1 = 1.0 + (k + 1) / 256.0
    bs = (np.log(mk1) - np.log(mk)) * 256.0
    as_ = np.log(mk) - bs * mk
    nb = (-bs).astype(np.float32)
    na2 = (-as_ + 127.0 * LN2).astype(np.float32)
    return na2, nb


_NA2_TAB, _NB_TAB = _ln_tables()


def _focal_main_body(in_hbm, t_hbm, na_hbm, nb_hbm, s_out, f_out, in_v, t_v,
                     na_v, nb_v, s_acc, f_acc, svec, fvec, sem0, sem1):
    wid = lax.axis_index("s") * 2 + lax.axis_index("c")
    h0 = wid * ROWS_PER_W
    iota = lax.iota(jnp.int32, 16)
    zeros = jnp.zeros((16,), jnp.float32)
    zeros_i = jnp.zeros((16,), jnp.int32)
    ones = jnp.ones((16,), jnp.float32)
    lane_base = iota * NCLS
    sems = [sem0, sem1]

    for k in range(ACC_PAD // 16):
        s_acc[pl.ds(k * 16, 16)] = zeros
        f_acc[pl.ds(k * 16, 16)] = zeros
    for k in range(128 // 16):
        svec[pl.ds(k * 16, 16)] = zeros
        fvec[pl.ds(k * 16, 16)] = zeros

    def start_row(r, slot):
        h = h0 + r
        for b in range(B):
            pltpu.async_copy(
                in_hbm.at[b, :, pl.ds(h, 1), :],
                in_v.at[slot, pl.ds(b * NCLS, NCLS)],
                sems[slot],
            )
        pltpu.async_copy(
            t_hbm.at[:, :, pl.ds(h, 1), :], t_v.at[slot], sems[slot]
        )

    def wait_row(slot):
        for b in range(B):
            pltpu.make_async_copy(
                in_hbm.at[b, :, pl.ds(0, 1), :],
                in_v.at[slot, pl.ds(b * NCLS, NCLS)],
                sems[slot],
            ).wait()
        pltpu.make_async_copy(
            t_hbm.at[:, :, pl.ds(0, 1), :], t_v.at[slot], sems[slot]
        ).wait()

    def do_vreg(slot, off):
        wvec = off + iota
        tsum = jnp.zeros((16,), jnp.float32)
        ts = []
        for b in range(B):
            tb = t_v[slot, b, 0, 0, pl.ds(off, 16)]
            ct = tb + (b * NCLS)
            pb = plsc.load_gather(in_v.at[slot], [ct, zeros_i, wvec])
            pb = jnp.maximum(pb, 1e-5)
            i = plsc.bitcast(pb, jnp.int32)
            kk = (i >> 15) & 0xFF
            m = plsc.bitcast((i & 0x007FFFFF) | 0x3F800000, jnp.float32)
            na = plsc.load_gather(na_v, [kk])
            nb = plsc.load_gather(nb_v, [kk])
            nlnp = na + nb * m - (i >> 23).astype(jnp.float32) * LN2
            omp = 1.0 - pb
            tsum = tsum + omp * omp * nlnp
            ts.append(tb)
        for b in range(B):
            idx = lane_base + ts[b]
            plsc.addupdate_scatter(s_acc, [idx], tsum)
            plsc.addupdate_scatter(f_acc, [idx], ones)

    def compute_row(slot):
        @plsc.parallel_loop(0, W, step=32)
        def px_body(off):
            do_vreg(slot, off)
            do_vreg(slot, off + 16)

    start_row(0, 0)
    pltpu.async_copy(na_hbm, na_v, sem1)
    pltpu.async_copy(nb_hbm, nb_v, sem1)
    pltpu.make_async_copy(na_hbm, na_v, sem1).wait()
    pltpu.make_async_copy(nb_hbm, nb_v, sem1).wait()

    def pair_body(pr, carry):
        r0 = pr * 2
        start_row(r0 + 1, 1)
        wait_row(0)
        compute_row(0)

        @pl.when(r0 + 2 < ROWS_PER_W)
        def _():
            start_row(r0 + 2, 0)

        wait_row(1)
        compute_row(1)
        return carry

    lax.fori_loop(0, ROWS_PER_W // 2, pair_body, 0)

    acc_s0 = zeros
    acc_s1 = zeros
    acc_f0 = zeros
    acc_f1 = zeros
    for l in range(16):
        acc_s0 = acc_s0 + s_acc[pl.ds(l * NCLS, 16)]
        acc_s1 = acc_s1 + s_acc[pl.ds(l * NCLS + 5, 16)]
        acc_f0 = acc_f0 + f_acc[pl.ds(l * NCLS, 16)]
        acc_f1 = acc_f1 + f_acc[pl.ds(l * NCLS + 5, 16)]
    svec[pl.ds(5, 16)] = acc_s1
    svec[pl.ds(0, 16)] = acc_s0
    fvec[pl.ds(5, 16)] = acc_f1
    fvec[pl.ds(0, 16)] = acc_f0

    pltpu.async_copy(svec, s_out.at[wid], sem0)
    pltpu.async_copy(fvec, f_out.at[wid], sem1)
    pltpu.make_async_copy(svec, s_out.at[wid], sem0).wait()
    pltpu.make_async_copy(fvec, f_out.at[wid], sem1).wait()


_focal_main = functools.partial(
    pl.kernel,
    out_type=[
        jax.ShapeDtypeStruct((NW, 128), jnp.float32),
        jax.ShapeDtypeStruct((NW, 128), jnp.float32),
    ],
    mesh=plsc.VectorSubcoreMesh(core_axis_name="c", subcore_axis_name="s"),
    scratch_types=[
        pltpu.VMEM((2, B * NCLS, 1, W), jnp.float32),
        pltpu.VMEM((2, B, 1, 1, W), jnp.int32),
        pltpu.VMEM((256,), jnp.float32),
        pltpu.VMEM((256,), jnp.float32),
        pltpu.VMEM((ACC_PAD,), jnp.float32),
        pltpu.VMEM((ACC_PAD,), jnp.float32),
        pltpu.VMEM((128,), jnp.float32),
        pltpu.VMEM((128,), jnp.float32),
        pltpu.SemaphoreType.DMA,
        pltpu.SemaphoreType.DMA,
    ],
    compiler_params=pltpu.CompilerParams(needs_layout_passes=False),
)(_focal_main_body)


def _combine_body(s_ref, f_ref, o_ref):
    s = jnp.sum(s_ref[...], axis=0)
    f = jnp.sum(f_ref[...], axis=0)
    cw = 1.0 / jnp.log(1.1 + f * (1.0 / float(B * HW)))
    o_ref[...] = jnp.sum(cw * s).reshape(1, 1)


def kernel(input, target):
    t = target.astype(jnp.int32)
    s_tab, f_tab = _focal_main(
        input, t, jnp.asarray(_NA2_TAB), jnp.asarray(_NB_TAB)
    )
    out = pl.pallas_call(
        _combine_body,
        out_shape=jax.ShapeDtypeStruct((1, 1), jnp.float32),
    )(s_tab, f_tab)
    return out[0, 0]

# --- scband reference (transcript-rebuilt; emitter-appended) ---
"""Pipeline reference for scband-focal-loss-71262097375487 (READ-ONLY COPY).

The authoritative reference and input builder live on the scoring server;
editing this copy changes nothing except your own understanding.
"""

import jax, jax.numpy as jnp
import numpy as np

NUM_CLASSES = 21
ALPHA = 1.0
GAMMA = 2.0


def _compute_class_weights(frequency):
    # classWeights[i] = 1 / log(1.1 + freq_i / sum(freq))
    frequency = frequency / jnp.sum(frequency)
    return 1.0 / jnp.log(1.1 + frequency)


def setup_inputs(seed: int = 0) -> dict:
    key = jax.random.key(seed)
    k1, k2 = jax.random.split(key)
    # 'input' is assumed to be post-softmax probabilities in the original module
    inp = jax.random.uniform(k1, (4, NUM_CLASSES, 512, 512), dtype=jnp.float32)
    # target must have same ndim as input for the dim=1 scatter: [B, 1, H, W]
    target = jax.random.randint(k2, (4, 1, 512, 512), 0, NUM_CLASSES).astype(jnp.int64)
    return {"input": inp, "target": target}


def reference(input, target):
    # frequency = [sum(target == i) for i in range(num_classes)]  (float32, like torch.Tensor)
    frequency = jnp.array([jnp.sum(target == i) for i in range(NUM_CLASSES)], dtype=jnp.float32)
    classWeights = _compute_class_weights(frequency)
    # per-class loop writing classWeights[i] where target == i  ==  gather classWeights[target]
    weightsMask = classWeights[target].astype(jnp.float32)  # [B, 1, H, W]
    # scatter_(dim=1, index=target, src=1)  ==  one-hot along class axis
    target = target.astype(jnp.int32)
    one_hot_label = (jnp.arange(NUM_CLASSES, dtype=jnp.int32)[None, :, None, None] == target).astype(input.dtype)  # [B, C, H, W]
    p_t = jnp.sum(input * one_hot_label, axis=1)  # [B, H, W]
    p_t = jnp.clip(p_t, 1e-05, 1.0)
    # NOTE: weightsMask is [B,1,H,W] and the p_t term is [B,H,W]; broadcasting yields [B,B,H,W],
    # exactly as in the original torch code, before the final sum.
    focal_loss = -1.0 * weightsMask * jnp.power(1.0 - p_t, GAMMA) * jnp.log(p_t)
    return jnp.sum(focal_loss)

if __name__ == "__main__":
    import jax
    _d = setup_inputs()
    print(jax.jit(kernel)(*tuple(_d.values())))

</pallas_src>

<mosaic_0001>
#map = affine_map<(d0, d1) -> (0, 0, 0, 0)>
#map1 = affine_map<(d0, d1) -> (0)>
#map2 = affine_map<(d0, d1) -> (0, 0)>
module attributes {stable_mosaic.version = 14 : i64} {
  func.func @_focal_main_body(%arg0: i32, %arg1: i32, %arg2: memref<4x21x512x512xf32, #tpu.memory_space<hbm>>, %arg3: memref<4x1x512x512xi32, #tpu.memory_space<hbm>>, %arg4: memref<256xf32, #tpu.memory_space<hbm>>, %arg5: memref<256xf32, #tpu.memory_space<hbm>>, %arg6: memref<32x128xf32, #tpu.memory_space<hbm>>, %arg7: memref<32x128xf32, #tpu.memory_space<hbm>>, %arg8: memref<2x84x1x512xf32, #tpu.memory_space<vmem>>, %arg9: memref<2x4x1x1x512xi32, #tpu.memory_space<vmem>>, %arg10: memref<256xf32, #tpu.memory_space<vmem>>, %arg11: memref<256xf32, #tpu.memory_space<vmem>>, %arg12: memref<352xf32, #tpu.memory_space<vmem>>, %arg13: memref<352xf32, #tpu.memory_space<vmem>>, %arg14: memref<128xf32, #tpu.memory_space<vmem>>, %arg15: memref<128xf32, #tpu.memory_space<vmem>>, %arg16: memref<!tpu.dma_semaphore, #tpu.memory_space<semaphore_mem>>, %arg17: memref<!tpu.dma_semaphore, #tpu.memory_space<semaphore_mem>>) attributes {dimension_semantics = [#tpu.dimension_semantics<core_parallel>, #tpu.dimension_semantics<subcore_parallel>], iteration_bounds = array<i64: 2, 16>, scalar_prefetch = 0 : i64, scratch_operands = 10 : i64, tpu.core_type = #tpu.core_type<sc_vector_subcore>, window_params = [{transform_indices = #map}, {transform_indices = #map}, {transform_indices = #map1}, {transform_indices = #map1}, {transform_indices = #map2}, {transform_indices = #map2}]} {
    %mul3A = arith.constant 2 : i32
    %mul3A_0 = arith.muli %arg1, %mul3A : i32
    %add3A = arith.addi %mul3A_0, %arg0 : i32
    %mul3A_1 = arith.constant 16 : i32
    %mul3A_2 = arith.muli %add3A, %mul3A_1 : i32
    %iota3A = tpu.iota {dimensions = array<i32: 0>} : vector<16xi32>
    %broadcast_in_dim3A = arith.constant 0.000000e+00 : f32
    %broadcast_in_dim3A_3 = vector.broadcast %broadcast_in_dim3A : f32 to vector<16xf32>
    %broadcast_in_dim3A_4 = arith.constant 0 : i32
    %broadcast_in_dim3A_5 = vector.broadcast %broadcast_in_dim3A_4 : i32 to vector<16xi32>
    %broadcast_in_dim3A_6 = arith.constant 1.000000e+00 : f32
    %broadcast_in_dim3A_7 = vector.broadcast %broadcast_in_dim3A_6 : f32 to vector<16xf32>
    %mul3A_8 = arith.constant 21 : i32
    %mul3A_9 = vector.broadcast %mul3A_8 : i32 to vector<16xi32>
    %mul3A_10 = arith.muli %iota3A, %mul3A_9 : vector<16xi32>
    %swap3A = arith.constant 0 : index
    %swap3A_11 = tpu.vector_load %arg12[%swap3A] {strides = array<i32>} : memref<352xf32, #tpu.memory_space<vmem>>, vector<16xf32>,
    tpu.vector_store %arg12[%swap3A], %broadcast_in_dim3A_3 {strides = array<i32>} : memref<352xf32, #tpu.memory_space<vmem>>, vector<16xf32>,
    %swap3A_12 = arith.constant 0 : index
    %swap3A_13 = tpu.vector_load %arg13[%swap3A_12] {strides = array<i32>} : memref<352xf32, #tpu.memory_space<vmem>>, vector<16xf32>,
    tpu.vector_store %arg13[%swap3A_12], %broadcast_in_dim3A_3 {strides = array<i32>} : memref<352xf32, #tpu.memory_space<vmem>>, vector<16xf32>,
    %swap3A_14 = arith.constant 16 : index
    %swap3A_15 = tpu.vector_load %arg12[%swap3A_14] {strides = array<i32>} : memref<352xf32, #tpu.memory_space<vmem>>, vector<16xf32>,
    tpu.vector_store %arg12[%swap3A_14], %broadcast_in_dim3A_3 {strides = array<i32>} : memref<352xf32, #tpu.memory_space<vmem>>, vector<16xf32>,
    %swap3A_16 = arith.constant 16 : index
    %swap3A_17 = tpu.vector_load %arg13[%swap3A_16] {strides = array<i32>} : memref<352xf32, #tpu.memory_space<vmem>>, vector<16xf32>,
    tpu.vector_store %arg13[%swap3A_16], %broadcast_in_dim3A_3 {strides = array<i32>} : memref<352xf32, #tpu.memory_space<vmem>>, vector<16xf32>,
    %swap3A_18 = arith.constant 32 : index
    %swap3A_19 = tpu.vector_load %arg12[%swap3A_18] {strides = array<i32>} : memref<352xf32, #tpu.memory_space<vmem>>, vector<16xf32>,
    tpu.vector_store %arg12[%swap3A_18], %broadcast_in_dim3A_3 {strides = array<i32>} : memref<352xf32, #tpu.memory_space<vmem>>, vector<16xf32>,
    %swap3A_20 = arith.constant 32 : index
    %swap3A_21 = tpu.vector_load %arg13[%swap3A_20] {strides = array<i32>} : memref<352xf32, #tpu.memory_space<vmem>>, vector<16xf32>,
    tpu.vector_store %arg13[%swap3A_20], %broadcast_in_dim3A_3 {strides = array<i32>} : memref<352xf32, #tpu.memory_space<vmem>>, vector<16xf32>,
    %swap3A_22 = arith.constant 48 : index
    %swap3A_23 = tpu.vector_load %arg12[%swap3A_22] {strides = array<i32>} : memref<352xf32, #tpu.memory_space<vmem>>, vector<16xf32>,
    tpu.vector_store %arg12[%swap3A_22], %broadcast_in_dim3A_3 {strides = array<i32>} : memref<352xf32, #tpu.memory_space<vmem>>, vector<16xf32>,
    %swap3A_24 = arith.constant 48 : index
    %swap3A_25 = tpu.vector_load %arg13[%swap3A_24] {strides = array<i32>} : memref<352xf32, #tpu.memory_space<vmem>>, vector<16xf32>,
    tpu.vector_store %arg13[%swap3A_24], %broadcast_in_dim3A_3 {strides = array<i32>} : memref<352xf32, #tpu.memory_space<vmem>>, vector<16xf32>,
    %swap3A_26 = arith.constant 64 : index
    %swap3A_27 = tpu.vector_load %arg12[%swap3A_26] {strides = array<i32>} : memref<352xf32, #tpu.memory_space<vmem>>, vector<16xf32>,
    tpu.vector_store %arg12[%swap3A_26], %broadcast_in_dim3A_3 {strides = array<i32>} : memref<352xf32, #tpu.memory_space<vmem>>, vector<16xf32>,
    %swap3A_28 = arith.constant 64 : index
    %swap3A_29 = tpu.vector_load %arg13[%swap3A_28] {strides = array<i32>} : memref<352xf32, #tpu.memory_space<vmem>>, vector<16xf32>,
    tpu.vector_store %arg13[%swap3A_28], %broadcast_in_dim3A_3 {strides = array<i32>} : memref<352xf32, #tpu.memory_space<vmem>>, vector<16xf32>,
    %swap3A_30 = arith.constant 80 : index
    %swap3A_31 = tpu.vector_load %arg12[%swap3A_30] {strides = array<i32>} : memref<352xf32, #tpu.memory_space<vmem>>, vector<16xf32>,
    tpu.vector_store %arg12[%swap3A_30], %broadcast_in_dim3A_3 {strides = array<i32>} : memref<352xf32, #tpu.memory_space<vmem>>, vector<16xf32>,
    %swap3A_32 = arith.constant 80 : index
    %swap3A_33 = tpu.vector_load %arg13[%swap3A_32] {strides = array<i32>} : memref<352xf32, #tpu.memory_space<vmem>>, vector<16xf32>,
    tpu.vector_store %arg13[%swap3A_32], %broadcast_in_dim3A_3 {strides = array<i32>} : memref<352xf32, #tpu.memory_space<vmem>>, vector<16xf32>,
    %swap3A_34 = arith.constant 96 : index
    %swap3A_35 = tpu.vector_load %arg12[%swap3A_34] {strides = array<i32>} : memref<352xf32, #tpu.memory_space<vmem>>, vector<16xf32>,
    tpu.vector_store %arg12[%swap3A_34], %broadcast_in_dim3A_3 {strides = array<i32>} : memref<352xf32, #tpu.memory_space<vmem>>, vector<16xf32>,
    %swap3A_36 = arith.constant 96 : index
    %swap3A_37 = tpu.vector_load %arg13[%swap3A_36] {strides = array<i32>} : memref<352xf32, #tpu.memory_space<vmem>>, vector<16xf32>,
    tpu.vector_store %arg13[%swap3A_36], %broadcast_in_dim3A_3 {strides = array<i32>} : memref<352xf32, #tpu.memory_space<vmem>>, vector<16xf32>,
    %swap3A_38 = arith.constant 112 : index
    %swap3A_39 = tpu.vector_load %arg12[%swap3A_38] {strides = array<i32>} : memref<352xf32, #tpu.memory_space<vmem>>, vector<16xf32>,
    tpu.vector_store %arg12[%swap3A_38], %broadcast_in_dim3A_3 {strides = array<i32>} : memref<352xf32, #tpu.memory_space<vmem>>, vector<16xf32>,
    %swap3A_40 = arith.constant 112 : index
    %swap3A_41 = tpu.vector_load %arg13[%swap3A_40] {strides = array<i32>} : memref<352xf32, #tpu.memory_space<vmem>>, vector<16xf32>,
    tpu.vector_store %arg13[%swap3A_40], %broadcast_in_dim3A_3 {strides = array<i32>} : memref<352xf32, #tpu.memory_space<vmem>>, vector<16xf32>,
    %swap3A_42 = arith.constant 128 : index
    %swap3A_43 = tpu.vector_load %arg12[%swap3A_42] {strides = array<i32>} : memref<352xf32, #tpu.memory_space<vmem>>, vector<16xf32>,
    tpu.vector_store %arg12[%swap3A_42], %broadcast_in_dim3A_3 {strides = array<i32>} : memref<352xf32, #tpu.memory_space<vmem>>, vector<16xf32>,
    %swap3A_44 = arith.constant 128 : index
    %swap3A_45 = tpu.vector_load %arg13[%swap3A_44] {strides = array<i32>} : memref<352xf32, #tpu.memory_space<vmem>>, vector<16xf32>,
    tpu.vector_store %arg13[%swap3A_44], %broadcast_in_dim3A_3 {strides = array<i32>} : memref<352xf32, #tpu.memory_space<vmem>>, vector<16xf32>,
    %swap3A_46 = arith.constant 144 : index
    %swap3A_47 = tpu.vector_load %arg12[%swap3A_46] {strides = array<i32>} : memref<352xf32, #tpu.memory_space<vmem>>, vector<16xf32>,
    tpu.vector_store %arg12[%swap3A_46], %broadcast_in_dim3A_3 {strides = array<i32>} : memref<352xf32, #tpu.memory_space<vmem>>, vector<16xf32>,
    %swap3A_48 = arith.constant 144 : index
    %swap3A_49 = tpu.vector_load %arg13[%swap3A_48] {strides = array<i32>} : memref<352xf32, #tpu.memory_space<vmem>>, vector<16xf32>,
    tpu.vector_store %arg13[%swap3A_48], %broadcast_in_dim3A_3 {strides = array<i32>} : memref<352xf32, #tpu.memory_space<vmem>>, vector<16xf32>,
    %swap3A_50 = arith.constant 160 : index
    %swap3A_51 = tpu.vector_load %arg12[%swap3A_50] {strides = array<i32>} : memref<352xf32, #tpu.memory_space<vmem>>, vector<16xf32>,
    tpu.vector_store %arg12[%swap3A_50], %broadcast_in_dim3A_3 {strides = array<i32>} : memref<352xf32, #tpu.memory_space<vmem>>, vector<16xf32>,
    %swap3A_52 = arith.constant 160 : index
    %swap3A_53 = tpu.vector_load %arg13[%swap3A_52] {strides = array<i32>} : memref<352xf32, #tpu.memory_space<vmem>>, vector<16xf32>,
    tpu.vector_store %arg13[%swap3A_52], %broadcast_in_dim3A_3 {strides = array<i32>} : memref<352xf32, #tpu.memory_space<vmem>>, vector<16xf32>,
    %swap3A_54 = arith.constant 176 : index
    %swap3A_55 = tpu.vector_load %arg12[%swap3A_54] {strides = array<i32>} : memref<352xf32, #tpu.memory_space<vmem>>, vector<16xf32>,
    tpu.vector_store %arg12[%swap3A_54], %broadcast_in_dim3A_3 {strides = array<i32>} : memref<352xf32, #tpu.memory_space<vmem>>, vector<16xf32>,
    %swap3A_56 = arith.constant 176 : index
    %swap3A_57 = tpu.vector_load %arg13[%swap3A_56] {strides = array<i32>} : memref<352xf32, #tpu.memory_space<vmem>>, vector<16xf32>,
    tpu.vector_store %arg13[%swap3A_56], %broadcast_in_dim3A_3 {strides = array<i32>} : memref<352xf32, #tpu.memory_space<vmem>>, vector<16xf32>,
    %swap3A_58 = arith.constant 192 : index
    %swap3A_59 = tpu.vector_load %arg12[%swap3A_58] {strides = array<i32>} : memref<352xf32, #tpu.memory_space<vmem>>, vector<16xf32>,
    tpu.vector_store %arg12[%swap3A_58], %broadcast_in_dim3A_3 {strides = array<i32>} : memref<352xf32, #tpu.memory_space<vmem>>, vector<16xf32>,
    %swap3A_60 = arith.constant 192 : index
    %swap3A_61 = tpu.vector_load %arg13[%swap3A_60] {strides = array<i32>} : memref<352xf32, #tpu.memory_space<vmem>>, vector<16xf32>,
    tpu.vector_store %arg13[%swap3A_60], %broadcast_in_dim3A_3 {strides = array<i32>} : memref<352xf32, #tpu.memory_space<vmem>>, vector<16xf32>,
    %swap3A_62 = arith.constant 208 : index
    %swap3A_63 = tpu.vector_load %arg12[%swap3A_62] {strides = array<i32>} : memref<352xf32, #tpu.memory_space<vmem>>, vector<16xf32>,
    tpu.vector_store %arg12[%swap3A_62], %broadcast_in_dim3A_3 {strides = array<i32>} : memref<352xf32, #tpu.memory_space<vmem>>, vector<16xf32>,
    %swap3A_64 = arith.constant 208 : index
    %swap3A_65 = tpu.vector_load %arg13[%swap3A_64] {strides = array<i32>} : memref<352xf32, #tpu.memory_space<vmem>>, vector<16xf32>,
    tpu.vector_store %arg13[%swap3A_64], %broadcast_in_dim3A_3 {strides = array<i32>} : memref<352xf32, #tpu.memory_space<vmem>>, vector<16xf32>,
    %swap3A_66 = arith.constant 224 : index
    %swap3A_67 = tpu.vector_load %arg12[%swap3A_66] {strides = array<i32>} : memref<352xf32, #tpu.memory_space<vmem>>, vector<16xf32>,
    tpu.vector_store %arg12[%swap3A_66], %broadcast_in_dim3A_3 {strides = array<i32>} : memref<352xf32, #tpu.memory_space<vmem>>, vector<16xf32>,
    %swap3A_68 = arith.constant 224 : index
    %swap3A_69 = tpu.vector_load %arg13[%swap3A_68] {strides = array<i32>} : memref<352xf32, #tpu.memory_space<vmem>>, vector<16xf32>,
    tpu.vector_store %arg13[%swap3A_68], %broadcast_in_dim3A_3 {strides = array<i32>} : memref<352xf32, #tpu.memory_space<vmem>>, vector<16xf32>,
    %swap3A_70 = arith.constant 240 : index
    %swap3A_71 = tpu.vector_load %arg12[%swap3A_70] {strides = array<i32>} : memref<352xf32, #tpu.memory_space<vmem>>, vector<16xf32>,
    tpu.vector_store %arg12[%swap3A_70], %broadcast_in_dim3A_3 {strides = array<i32>} : memref<352xf32, #tpu.memory_space<vmem>>, vector<16xf32>,
    %swap3A_72 = arith.constant 240 : index
    %swap3A_73 = tpu.vector_load %arg13[%swap3A_72] {strides = array<i32>} : memref<352xf32, #tpu.memory_space<vmem>>, vector<16xf32>,
    tpu.vector_store %arg13[%swap3A_72], %broadcast_in_dim3A_3 {strides = array<i32>} : memref<352xf32, #tpu.memory_space<vmem>>, vector<16xf32>,
    %swap3A_74 = arith.constant 256 : index
    %swap3A_75 = tpu.vector_load %arg12[%swap3A_74] {strides = array<i32>} : memref<352xf32, #tpu.memory_space<vmem>>, vector<16xf32>,
    tpu.vector_store %arg12[%swap3A_74], %broadcast_in_dim3A_3 {strides = array<i32>} : memref<352xf32, #tpu.memory_space<vmem>>, vector<16xf32>,
    %swap3A_76 = arith.constant 256 : index
    %swap3A_77 = tpu.vector_load %arg13[%swap3A_76] {strides = array<i32>} : memref<352xf32, #tpu.memory_space<vmem>>, vector<16xf32>,
    tpu.vector_store %arg13[%swap3A_76], %broadcast_in_dim3A_3 {strides = array<i32>} : memref<352xf32, #tpu.memory_space<vmem>>, vector<16xf32>,
    %swap3A_78 = arith.constant 272 : index
    %swap3A_79 = tpu.vector_load %arg12[%swap3A_78] {strides = array<i32>} : memref<352xf32, #tpu.memory_space<vmem>>, vector<16xf32>,
    tpu.vector_store %arg12[%swap3A_78], %broadcast_in_dim3A_3 {strides = array<i32>} : memref<352xf32, #tpu.memory_space<vmem>>, vector<16xf32>,
    %swap3A_80 = arith.constant 272 : index
    %swap3A_81 = tpu.vector_load %arg13[%swap3A_80] {strides = array<i32>} : memref<352xf32, #tpu.memory_space<vmem>>, vector<16xf32>,
    tpu.vector_store %arg13[%swap3A_80], %broadcast_in_dim3A_3 {strides = array<i32>} : memref<352xf32, #tpu.memory_space<vmem>>, vector<16xf32>,
    %swap3A_82 = arith.constant 288 : index
    %swap3A_83 = tpu.vector_load %arg12[%swap3A_82] {strides = array<i32>} : memref<352xf32, #tpu.memory_space<vmem>>, vector<16xf32>,
    tpu.vector_store %arg12[%swap3A_82], %broadcast_in_dim3A_3 {strides = array<i32>} : memref<352xf32, #tpu.memory_space<vmem>>, vector<16xf32>,
    %swap3A_84 = arith.constant 288 : index
    %swap3A_85 = tpu.vector_load %arg13[%swap3A_84] {strides = array<i32>} : memref<352xf32, #tpu.memory_space<vmem>>, vector<16xf32>,
    tpu.vector_store %arg13[%swap3A_84], %broadcast_in_dim3A_3 {strides = array<i32>} : memref<352xf32, #tpu.memory_space<vmem>>, vector<16xf32>,
    %swap3A_86 = arith.constant 304 : index
    %swap3A_87 = tpu.vector_load %arg12[%swap3A_86] {strides = array<i32>} : memref<352xf32, #tpu.memory_space<vmem>>, vector<16xf32>,
    tpu.vector_store %arg12[%swap3A_86], %broadcast_in_dim3A_3 {strides = array<i32>} : memref<352xf32, #tpu.memory_space<vmem>>, vector<16xf32>,
    %swap3A_88 = arith.constant 304 : index
    %swap3A_89 = tpu.vector_load %arg13[%swap3A_88] {strides = array<i32>} : memref<352xf32, #tpu.memory_space<vmem>>, vector<16xf32>,
    tpu.vector_store %arg13[%swap3A_88], %broadcast_in_dim3A_3 {strides = array<i32>} : memref<352xf32, #tpu.memory_space<vmem>>, vector<16xf32>,
    %swap3A_90 = arith.constant 320 : index
    %swap3A_91 = tpu.vector_load %arg12[%swap3A_90] {strides = array<i32>} : memref<352xf32, #tpu.memory_space<vmem>>, vector<16xf32>,
    tpu.vector_store %arg12[%swap3A_90], %broadcast_in_dim3A_3 {strides = array<i32>} : memref<352xf32, #tpu.memory_space<vmem>>, vector<16xf32>,
    %swap3A_92 = arith.constant 320 : index
    %swap3A_93 = tpu.vector_load %arg13[%swap3A_92] {strides = array<i32>} : memref<352xf32, #tpu.memory_space<vmem>>, vector<16xf32>,
    tpu.vector_store %arg13[%swap3A_92], %broadcast_in_dim3A_3 {strides = array<i32>} : memref<352xf32, #tpu.memory_space<vmem>>, vector<16xf32>,
    %swap3A_94 = arith.constant 336 : index
    %swap3A_95 = tpu.vector_load %arg12[%swap3A_94] {strides = array<i32>} : memref<352xf32, #tpu.memory_space<vmem>>, vector<16xf32>,
    tpu.vector_store %arg12[%swap3A_94], %broadcast_in_dim3A_3 {strides = array<i32>} : memref<352xf32, #tpu.memory_space<vmem>>, vector<16xf32>,
    %swap3A_96 = arith.constant 336 : index
    %swap3A_97 = tpu.vector_load %arg13[%swap3A_96] {strides = array<i32>} : memref<352xf32, #tpu.memory_space<vmem>>, vector<16xf32>,
    tpu.vector_store %arg13[%swap3A_96], %broadcast_in_dim3A_3 {strides = array<i32>} : memref<352xf32, #tpu.memory_space<vmem>>, vector<16xf32>,
    %swap3A_98 = arith.constant 0 : index
    %swap3A_99 = tpu.vector_load %arg14[%swap3A_98] {strides = array<i32>} : memref<128xf32, #tpu.memory_space<vmem>>, vector<16xf32>,
    tpu.vector_store %arg14[%swap3A_98], %broadcast_in_dim3A_3 {strides = array<i32>} : memref<128xf32, #tpu.memory_space<vmem>>, vector<16xf32>,
    %swap3A_100 = arith.constant 0 : index
    %swap3A_101 = tpu.vector_load %arg15[%swap3A_100] {strides = array<i32>} : memref<128xf32, #tpu.memory_space<vmem>>, vector<16xf32>,
    tpu.vector_store %arg15[%swap3A_100], %broadcast_in_dim3A_3 {strides = array<i32>} : memref<128xf32, #tpu.memory_space<vmem>>, vector<16xf32>,
    %swap3A_102 = arith.constant 16 : index
    %swap3A_103 = tpu.vector_load %arg14[%swap3A_102] {strides = array<i32>} : memref<128xf32, #tpu.memory_space<vmem>>, vector<16xf32>,
    tpu.vector_store %arg14[%swap3A_102], %broadcast_in_dim3A_3 {strides = array<i32>} : memref<128xf32, #tpu.memory_space<vmem>>, vector<16xf32>,
    %swap3A_104 = arith.constant 16 : index
    %swap3A_105 = tpu.vector_load %arg15[%swap3A_104] {strides = array<i32>} : memref<128xf32, #tpu.memory_space<vmem>>, vector<16xf32>,
    tpu.vector_store %arg15[%swap3A_104], %broadcast_in_dim3A_3 {strides = array<i32>} : memref<128xf32, #tpu.memory_space<vmem>>, vector<16xf32>,
    %swap3A_106 = arith.constant 32 : index
    %swap3A_107 = tpu.vector_load %arg14[%swap3A_106] {strides = array<i32>} : memref<128xf32, #tpu.memory_space<vmem>>, vector<16xf32>,
    tpu.vector_store %arg14[%swap3A_106], %broadcast_in_dim3A_3 {strides = array<i32>} : memref<128xf32, #tpu.memory_space<vmem>>, vector<16xf32>,
    %swap3A_108 = arith.constant 32 : index
    %swap3A_109 = tpu.vector_load %arg15[%swap3A_108] {strides = array<i32>} : memref<128xf32, #tpu.memory_space<vmem>>, vector<16xf32>,
    tpu.vector_store %arg15[%swap3A_108], %broadcast_in_dim3A_3 {strides = array<i32>} : memref<128xf32, #tpu.memory_space<vmem>>, vector<16xf32>,
    %swap3A_110 = arith.constant 48 : index
    %swap3A_111 = tpu.vector_load %arg14[%swap3A_110] {strides = array<i32>} : memref<128xf32, #tpu.memory_space<vmem>>, vector<16xf32>,
    tpu.vector_store %arg14[%swap3A_110], %broadcast_in_dim3A_3 {strides = array<i32>} : memref<128xf32, #tpu.memory_space<vmem>>, vector<16xf32>,
    %swap3A_112 = arith.constant 48 : index
    %swap3A_113 = tpu.vector_load %arg15[%swap3A_112] {strides = array<i32>} : memref<128xf32, #tpu.memory_space<vmem>>, vector<16xf32>,
    tpu.vector_store %arg15[%swap3A_112], %broadcast_in_dim3A_3 {strides = array<i32>} : memref<128xf32, #tpu.memory_space<vmem>>, vector<16xf32>,
    %swap3A_114 = arith.constant 64 : index
    %swap3A_115 = tpu.vector_load %arg14[%swap3A_114] {strides = array<i32>} : memref<128xf32, #tpu.memory_space<vmem>>, vector<16xf32>,
    tpu.vector_store %arg14[%swap3A_114], %broadcast_in_dim3A_3 {strides = array<i32>} : memref<128xf32, #tpu.memory_space<vmem>>, vector<16xf32>,
    %swap3A_116 = arith.constant 64 : index
    %swap3A_117 = tpu.vector_load %arg15[%swap3A_116] {strides = array<i32>} : memref<128xf32, #tpu.memory_space<vmem>>, vector<16xf32>,
    tpu.vector_store %arg15[%swap3A_116], %broadcast_in_dim3A_3 {strides = array<i32>} : memref<128xf32, #tpu.memory_space<vmem>>, vector<16xf32>,
    %swap3A_118 = arith.constant 80 : index
    %swap3A_119 = tpu.vector_load %arg14[%swap3A_118] {strides = array<i32>} : memref<128xf32, #tpu.memory_space<vmem>>, vector<16xf32>,
    tpu.vector_store %arg14[%swap3A_118], %broadcast_in_dim3A_3 {strides = array<i32>} : memref<128xf32, #tpu.memory_space<vmem>>, vector<16xf32>,
    %swap3A_120 = arith.constant 80 : index
    %swap3A_121 = tpu.vector_load %arg15[%swap3A_120] {strides = array<i32>} : memref<128xf32, #tpu.memory_space<vmem>>, vector<16xf32>,
    tpu.vector_store %arg15[%swap3A_120], %broadcast_in_dim3A_3 {strides = array<i32>} : memref<128xf32, #tpu.memory_space<vmem>>, vector<16xf32>,
    %swap3A_122 = arith.constant 96 : index
    %swap3A_123 = tpu.vector_load %arg14[%swap3A_122] {strides = array<i32>} : memref<128xf32, #tpu.memory_space<vmem>>, vector<16xf32>,
    tpu.vector_store %arg14[%swap3A_122], %broadcast_in_dim3A_3 {strides = array<i32>} : memref<128xf32, #tpu.memory_space<vmem>>, vector<16xf32>,
    %swap3A_124 = arith.constant 96 : index
    %swap3A_125 = tpu.vector_load %arg15[%swap3A_124] {strides = array<i32>} : memref<128xf32, #tpu.memory_space<vmem>>, vector<16xf32>,
    tpu.vector_store %arg15[%swap3A_124], %broadcast_in_dim3A_3 {strides = array<i32>} : memref<128xf32, #tpu.memory_space<vmem>>, vector<16xf32>,
    %swap3A_126 = arith.constant 112 : index
    %swap3A_127 = tpu.vector_load %arg14[%swap3A_126] {strides = array<i32>} : memref<128xf32, #tpu.memory_space<vmem>>, vector<16xf32>,
    tpu.vector_store %arg14[%swap3A_126], %broadcast_in_dim3A_3 {strides = array<i32>} : memref<128xf32, #tpu.memory_space<vmem>>, vector<16xf32>,
    %swap3A_128 = arith.constant 112 : index
    %swap3A_129 = tpu.vector_load %arg15[%swap3A_128] {strides = array<i32>} : memref<128xf32, #tpu.memory_space<vmem>>, vector<16xf32>,
    tpu.vector_store %arg15[%swap3A_128], %broadcast_in_dim3A_3 {strides = array<i32>} : memref<128xf32, #tpu.memory_space<vmem>>, vector<16xf32>,
    %add3A_130 = arith.constant 0 : i32
    %add3A_131 = arith.addi %mul3A_2, %add3A_130 : i32
    %dma_start3A = arith.constant 0 : i32
    %dma_start3A_132 = arith.constant 0 : i32
    %dma_start3A_133 = arith.constant 0 : i32
    %dma_start3A_134 = arith.constant 0 : i32
    %dma_start3A_135 = arith.constant 0 : i32
    %dma_start3A_136 = tpu.memref_slice %arg8[%dma_start3A_132, %dma_start3A_133, %dma_start3A_134, %dma_start3A_135] : memref<2x84x1x512xf32, #tpu.memory_space<vmem>> -> memref<1x21x1x512xf32, #tpu.memory_space<vmem>>
    %dma_start3A_137 = tpu.memref_squeeze %dma_start3A_136 : memref<1x21x1x512xf32, #tpu.memory_space<vmem>> -> memref<21x1x512xf32, #tpu.memory_space<vmem>>
    %dma_start3A_138 = arith.constant 0 : i32
    %dma_start3A_139 = arith.constant 0 : i32
    %dma_start3A_140 = tpu.memref_slice %arg2[%dma_start3A, %dma_start3A_138, %add3A_131, %dma_start3A_139] : memref<4x21x512x512xf32, #tpu.memory_space<hbm>> -> memref<1x21x1x512xf32, #tpu.memory_space<hbm>>
    %dma_start3A_141 = tpu.memref_squeeze %dma_start3A_140 : memref<1x21x1x512xf32, #tpu.memory_space<hbm>> -> memref<21x1x512xf32, #tpu.memory_space<hbm>>
    %dma_start3A_142 = arith.constant 0 : i32
    %dma_start3A_143 = arith.constant 0 : i32
    %dma_start3A_144 = arith.constant 0 : i32
    %dma_start3A_145 = tpu.memref_slice %arg8[%dma_start3A_132, %dma_start3A_142, %dma_start3A_143, %dma_start3A_144] : memref<2x84x1x512xf32, #tpu.memory_space<vmem>> -> memref<1x21x1x512xf32, #tpu.memory_space<vmem>>
    %dma_start3A_146 = tpu.memref_squeeze %dma_start3A_145 : memref<1x21x1x512xf32, #tpu.memory_space<vmem>> -> memref<21x1x512xf32, #tpu.memory_space<vmem>>
    %dma_start3A_147 = arith.constant 0 : i32
    %dma_start3A_148 = arith.constant 0 : i32
    %dma_start3A_149 = tpu.memref_slice %arg2[%dma_start3A, %dma_start3A_147, %add3A_131, %dma_start3A_148] : memref<4x21x512x512xf32, #tpu.memory_space<hbm>> -> memref<1x21x1x512xf32, #tpu.memory_space<hbm>>
    %dma_start3A_150 = tpu.memref_squeeze %dma_start3A_149 : memref<1x21x1x512xf32, #tpu.memory_space<hbm>> -> memref<21x1x512xf32, #tpu.memory_space<hbm>>
    tpu.enqueue_dma source(%dma_start3A_150 : memref<21x1x512xf32, #tpu.memory_space<hbm>>) target(%dma_start3A_146 : memref<21x1x512xf32, #tpu.memory_space<vmem>>) target_semaphore(%arg16 : memref<!tpu.dma_semaphore, #tpu.memory_space<semaphore_mem>>)
    %dma_start3A_151 = arith.constant 1 : i32
    %dma_start3A_152 = arith.constant 0 : i32
    %dma_start3A_153 = arith.constant 21 : i32
    %dma_start3A_154 = arith.constant 0 : i32
    %dma_start3A_155 = arith.constant 0 : i32
    %dma_start3A_156 = tpu.memref_slice %arg8[%dma_start3A_152, %dma_start3A_153, %dma_start3A_154, %dma_start3A_155] : memref<2x84x1x512xf32, #tpu.memory_space<vmem>> -> memref<1x21x1x512xf32, #tpu.memory_space<vmem>>
    %dma_start3A_157 = tpu.memref_squeeze %dma_start3A_156 : memref<1x21x1x512xf32, #tpu.memory_space<vmem>> -> memref<21x1x512xf32, #tpu.memory_space<vmem>>
    %dma_start3A_158 = arith.constant 0 : i32
    %dma_start3A_159 = arith.constant 0 : i32
    %dma_start3A_160 = tpu.memref_slice %arg2[%dma_start3A_151, %dma_start3A_158, %add3A_131, %dma_start3A_159] : memref<4x21x512x512xf32, #tpu.memory_space<hbm>> -> memref<1x21x1x512xf32, #tpu.memory_space<hbm>>
    %dma_start3A_161 = tpu.memref_squeeze %dma_start3A_160 : memref<1x21x1x512xf32, #tpu.memory_space<hbm>> -> memref<21x1x512xf32, #tpu.memory_space<hbm>>
    %dma_start3A_162 = arith.constant 21 : i32
    %dma_start3A_163 = arith.constant 0 : i32
    %dma_start3A_164 = arith.constant 0 : i32
    %dma_start3A_165 = tpu.memref_slice %arg8[%dma_start3A_152, %dma_start3A_162, %dma_start3A_163, %dma_start3A_164] : memref<2x84x1x512xf32, #tpu.memory_space<vmem>> -> memref<1x21x1x512xf32, #tpu.memory_space<vmem>>
    %dma_start3A_166 = tpu.memref_squeeze %dma_start3A_165 : memref<1x21x1x512xf32, #tpu.memory_space<vmem>> -> memref<21x1x512xf32, #tpu.memory_space<vmem>>
    %dma_start3A_167 = arith.constant 0 : i32
    %dma_start3A_168 = arith.constant 0 : i32
    %dma_start3A_169 = tpu.memref_slice %arg2[%dma_start3A_151, %dma_start3A_167, %add3A_131, %dma_start3A_168] : memref<4x21x512x512xf32, #tpu.memory_space<hbm>> -> memref<1x21x1x512xf32, #tpu.memory_space<hbm>>
    %dma_start3A_170 = tpu.memref_squeeze %dma_start3A_169 : memref<1x21x1x512xf32, #tpu.memory_space<hbm>> -> memref<21x1x512xf32, #tpu.memory_space<hbm>>
    tpu.enqueue_dma source(%dma_start3A_170 : memref<21x1x512xf32, #tpu.memory_space<hbm>>) target(%dma_start3A_166 : memref<21x1x512xf32, #tpu.memory_space<vmem>>) target_semaphore(%arg16 : memref<!tpu.dma_semaphore, #tpu.memory_space<semaphore_mem>>)
    %dma_start3A_171 = arith.constant 2 : i32
    %dma_start3A_172 = arith.constant 0 : i32
    %dma_start3A_173 = arith.constant 42 : i32
    %dma_start3A_174 = arith.constant 0 : i32
    %dma_start3A_175 = arith.constant 0 : i32
    %dma_start3A_176 = tpu.memref_slice %arg8[%dma_start3A_172, %dma_start3A_173, %dma_start3A_174, %dma_start3A_175] : memref<2x84x1x512xf32, #tpu.memory_space<vmem>> -> memref<1x21x1x512xf32, #tpu.memory_space<vmem>>
    %dma_start3A_177 = tpu.memref_squeeze %dma_start3A_176 : memref<1x21x1x512xf32, #tpu.memory_space<vmem>> -> memref<21x1x512xf32, #tpu.memory_space<vmem>>
    %dma_start3A_178 = arith.constant 0 : i32
    %dma_start3A_179 = arith.constant 0 : i32
    %dma_start3A_180 = tpu.memref_slice %arg2[%dma_start3A_171, %dma_start3A_178, %add3A_131, %dma_start3A_179] : memref<4x21x512x512xf32, #tpu.memory_space<hbm>> -> memref<1x21x1x512xf32, #tpu.memory_space<hbm>>
    %dma_start3A_181 = tpu.memref_squeeze %dma_start3A_180 : memref<1x21x1x512xf32, #tpu.memory_space<hbm>> -> memref<21x1x512xf32, #tpu.memory_space<hbm>>
    %dma_start3A_182 = arith.constant 42 : i32
    %dma_start3A_183 = arith.constant 0 : i32
    %dma_start3A_184 = arith.constant 0 : i32
    %dma_start3A_185 = tpu.memref_slice %arg8[%dma_start3A_172, %dma_start3A_182, %dma_start3A_183, %dma_start3A_184] : memref<2x84x1x512xf32, #tpu.memory_space<vmem>> -> memref<1x21x1x512xf32, #tpu.memory_space<vmem>>
    %dma_start3A_186 = tpu.memref_squeeze %dma_start3A_185 : memref<1x21x1x512xf32, #tpu.memory_space<vmem>> -> memref<21x1x512xf32, #tpu.memory_space<vmem>>
    %dma_start3A_187 = arith.constant 0 : i32
    %dma_start3A_188 = arith.constant 0 : i32
    %dma_start3A_189 = tpu.memref_slice %arg2[%dma_start3A_171, %dma_start3A_187, %add3A_131, %dma_start3A_188] : memref<4x21x512x512xf32, #tpu.memory_space<hbm>> -> memref<1x21x1x512xf32, #tpu.memory_space<hbm>>
    %dma_start3A_190 = tpu.memref_squeeze %dma_start3A_189 : memref<1x21x1x512xf32, #tpu.memory_space<hbm>> -> memref<21x1x512xf32, #tpu.memory_space<hbm>>
    tpu.enqueue_dma source(%dma_start3A_190 : memref<21x1x512xf32, #tpu.memory_space<hbm>>) target(%dma_start3A_186 : memref<21x1x512xf32, #tpu.memory_space<vmem>>) target_semaphore(%arg16 : memref<!tpu.dma_semaphore, #tpu.memory_space<semaphore_mem>>)
    %dma_start3A_191 = arith.constant 3 : i32
    %dma_start3A_192 = arith.constant 0 : i32
    %dma_start3A_193 = arith.constant 63 : i32
    %dma_start3A_194 = arith.constant 0 : i32
    %dma_start3A_195 = arith.constant 0 : i32
    %dma_start3A_196 = tpu.memref_slice %arg8[%dma_start3A_192, %dma_start3A_193, %dma_start3A_194, %dma_start3A_195] : memref<2x84x1x512xf32, #tpu.memory_space<vmem>> -> memref<1x21x1x512xf32, #tpu.memory_space<vmem>>
    %dma_start3A_197 = tpu.memref_squeeze %dma_start3A_196 : memref<1x21x1x512xf32, #tpu.memory_space<vmem>> -> memref<21x1x512xf32, #tpu.memory_space<vmem>>
    %dma_start3A_198 = arith.constant 0 : i32
    %dma_start3A_199 = arith.constant 0 : i32
    %dma_start3A_200 = tpu.memref_slice %arg2[%dma_start3A_191, %dma_start3A_198, %add3A_131, %dma_start3A_199] : memref<4x21x512x512xf32, #tpu.memory_space<hbm>> -> memref<1x21x1x512xf32, #tpu.memory_space<hbm>>
    %dma_start3A_201 = tpu.memref_squeeze %dma_start3A_200 : memref<1x21x1x512xf32, #tpu.memory_space<hbm>> -> memref<21x1x512xf32, #tpu.memory_space<hbm>>
    %dma_start3A_202 = arith.constant 63 : i32
    %dma_start3A_203 = arith.constant 0 : i32
    %dma_start3A_204 = arith.constant 0 : i32
    %dma_start3A_205 = tpu.memref_slice %arg8[%dma_start3A_192, %dma_start3A_202, %dma_start3A_203, %dma_start3A_204] : memref<2x84x1x512xf32, #tpu.memory_space<vmem>> -> memref<1x21x1x512xf32, #tpu.memory_space<vmem>>
    %dma_start3A_206 = tpu.memref_squeeze %dma_start3A_205 : memref<1x21x1x512xf32, #tpu.memory_space<vmem>> -> memref<21x1x512xf32, #tpu.memory_space<vmem>>
    %dma_start3A_207 = arith.constant 0 : i32
    %dma_start3A_208 = arith.constant 0 : i32
    %dma_start3A_209 = tpu.memref_slice %arg2[%dma_start3A_191, %dma_start3A_207, %add3A_131, %dma_start3A_208] : memref<4x21x512x512xf32, #tpu.memory_space<hbm>> -> memref<1x21x1x512xf32, #tpu.memory_space<hbm>>
    %dma_start3A_210 = tpu.memref_squeeze %dma_start3A_209 : memref<1x21x1x512xf32, #tpu.memory_space<hbm>> -> memref<21x1x512xf32, #tpu.memory_space<hbm>>
    tpu.enqueue_dma source(%dma_start3A_210 : memref<21x1x512xf32, #tpu.memory_space<hbm>>) target(%dma_start3A_206 : memref<21x1x512xf32, #tpu.memory_space<vmem>>) target_semaphore(%arg16 : memref<!tpu.dma_semaphore, #tpu.memory_space<semaphore_mem>>)
    %dma_start3A_211 = arith.constant 0 : i32
    %dma_start3A_212 = arith.constant 0 : i32
    %dma_start3A_213 = arith.constant 0 : i32
    %dma_start3A_214 = arith.constant 0 : i32
    %dma_start3A_215 = arith.constant 0 : i32
    %dma_start3A_216 = tpu.memref_slice %arg9[%dma_start3A_211, %dma_start3A_212, %dma_start3A_213, %dma_start3A_214, %dma_start3A_215] : memref<2x4x1x1x512xi32, #tpu.memory_space<vmem>> -> memref<1x4x1x1x512xi32, #tpu.memory_space<vmem>>
    %dma_start3A_217 = tpu.memref_squeeze %dma_start3A_216 : memref<1x4x1x1x512xi32, #tpu.memory_space<vmem>> -> memref<4x1x1x512xi32, #tpu.memory_space<vmem>>
    %dma_start3A_218 = arith.constant 0 : i32
    %dma_start3A_219 = arith.constant 0 : i32
    %dma_start3A_220 = arith.constant 0 : i32
    %dma_start3A_221 = tpu.memref_slice %arg3[%dma_start3A_218, %dma_start3A_219, %add3A_131, %dma_start3A_220] : memref<4x1x512x512xi32, #tpu.memory_space<hbm>> -> memref<4x1x1x512xi32, #tpu.memory_space<hbm>>
    %dma_start3A_222 = arith.constant 0 : i32
    %dma_start3A_223 = arith.constant 0 : i32
    %dma_start3A_224 = arith.constant 0 : i32
    %dma_start3A_225 = arith.constant 0 : i32
    %dma_start3A_226 = tpu.memref_slice %arg9[%dma_start3A_211, %dma_start3A_222, %dma_start3A_223, %dma_start3A_224, %dma_start3A_225] : memref<2x4x1x1x512xi32, #tpu.memory_space<vmem>> -> memref<1x4x1x1x512xi32, #tpu.memory_space<vmem>>
    %dma_start3A_227 = tpu.memref_squeeze %dma_start3A_226 : memref<1x4x1x1x512xi32, #tpu.memory_space<vmem>> -> memref<4x1x1x512xi32, #tpu.memory_space<vmem>>
    %dma_start3A_228 = arith.constant 0 : i32
    %dma_start3A_229 = arith.constant 0 : i32
    %dma_start3A_230 = arith.constant 0 : i32
    %dma_start3A_231 = tpu.memref_slice %arg3[%dma_start3A_228, %dma_start3A_229, %add3A_131, %dma_start3A_230] : memref<4x1x512x512xi32, #tpu.memory_space<hbm>> -> memref<4x1x1x512xi32, #tpu.memory_space<hbm>>
    tpu.enqueue_dma source(%dma_start3A_231 : memref<4x1x1x512xi32, #tpu.memory_space<hbm>>) target(%dma_start3A_227 : memref<4x1x1x512xi32, #tpu.memory_space<vmem>>) target_semaphore(%arg16 : memref<!tpu.dma_semaphore, #tpu.memory_space<semaphore_mem>>)
    tpu.enqueue_dma source(%arg4 : memref<256xf32, #tpu.memory_space<hbm>>) target(%arg10 : memref<256xf32, #tpu.memory_space<vmem>>) target_semaphore(%arg17 : memref<!tpu.dma_semaphore, #tpu.memory_space<semaphore_mem>>)
    tpu.enqueue_dma source(%arg5 : memref<256xf32, #tpu.memory_space<hbm>>) target(%arg11 : memref<256xf32, #tpu.memory_space<vmem>>) target_semaphore(%arg17 : memref<!tpu.dma_semaphore, #tpu.memory_space<semaphore_mem>>)
    tpu.wait_dma2 semaphore(%arg17 : memref<!tpu.dma_semaphore, #tpu.memory_space<semaphore_mem>>) src(%arg4 : memref<256xf32, #tpu.memory_space<hbm>>) dst(%arg10 : memref<256xf32, #tpu.memory_space<vmem>>)
    tpu.wait_dma2 semaphore(%arg17 : memref<!tpu.dma_semaphore, #tpu.memory_space<semaphore_mem>>) src(%arg5 : memref<256xf32, #tpu.memory_space<hbm>>) dst(%arg11 : memref<256xf32, #tpu.memory_space<vmem>>)
    %scan3A = arith.constant 0 : i32
    %scan3A_232 = arith.constant 0 : i32
    %scan3A_233 = arith.constant 8 : i32
    %scan3A_234 = arith.addi %scan3A_232, %scan3A_233 : i32
    %scan3A_235 = arith.constant 1 : i32
    scf.for %scan3A_459 = %scan3A_232 to %scan3A_234 step %scan3A_235  : i32 {
      %mul3A_460 = arith.constant 2 : i32
      %mul3A_461 = arith.muli %scan3A_459, %mul3A_460 : i32
      %add3A_462 = arith.constant 1 : i32
      %add3A_463 = arith.addi %mul3A_461, %add3A_462 : i32
      %add3A_464 = arith.addi %mul3A_2, %add3A_463 : i32
      %dma_start3A_465 = arith.constant 0 : i32
      %dma_start3A_466 = arith.constant 1 : i32
      %dma_start3A_467 = arith.constant 0 : i32
      %dma_start3A_468 = arith.constant 0 : i32
      %dma_start3A_469 = arith.constant 0 : i32
      %dma_start3A_470 = tpu.memref_slice %arg8[%dma_start3A_466, %dma_start3A_467, %dma_start3A_468, %dma_start3A_469] : memref<2x84x1x512xf32, #tpu.memory_space<vmem>> -> memref<1x21x1x512xf32, #tpu.memory_space<vmem>>
      %dma_start3A_471 = tpu.memref_squeeze %dma_start3A_470 : memref<1x21x1x512xf32, #tpu.memory_space<vmem>> -> memref<21x1x512xf32, #tpu.memory_space<vmem>>
      %dma_start3A_472 = arith.constant 0 : i32
      %dma_start3A_473 = arith.constant 0 : i32
      %dma_start3A_474 = tpu.memref_slice %arg2[%dma_start3A_465, %dma_start3A_472, %add3A_464, %dma_start3A_473] : memref<4x21x512x512xf32, #tpu.memory_space<hbm>> -> memref<1x21x1x512xf32, #tpu.memory_space<hbm>>
      %dma_start3A_475 = tpu.memref_squeeze %dma_start3A_474 : memref<1x21x1x512xf32, #tpu.memory_space<hbm>> -> memref<21x1x512xf32, #tpu.memory_space<hbm>>
      %dma_start3A_476 = arith.constant 0 : i32
      %dma_start3A_477 = arith.constant 0 : i32
      %dma_start3A_478 = arith.constant 0 : i32
      %dma_start3A_479 = tpu.memref_slice %arg8[%dma_start3A_466, %dma_start3A_476, %dma_start3A_477, %dma_start3A_478] : memref<2x84x1x512xf32, #tpu.memory_space<vmem>> -> memref<1x21x1x512xf32, #tpu.memory_space<vmem>>
      %dma_start3A_480 = tpu.memref_squeeze %dma_start3A_479 : memref<1x21x1x512xf32, #tpu.memory_space<vmem>> -> memref<21x1x512xf32, #tpu.memory_space<vmem>>
      %dma_start3A_481 = arith.constant 0 : i32
      %dma_start3A_482 = arith.constant 0 : i32
      %dma_start3A_483 = tpu.memref_slice %arg2[%dma_start3A_465, %dma_start3A_481, %add3A_464, %dma_start3A_482] : memref<4x21x512x512xf32, #tpu.memory_space<hbm>> -> memref<1x21x1x512xf32, #tpu.memory_space<hbm>>
      %dma_start3A_484 = tpu.memref_squeeze %dma_start3A_483 : memref<1x21x1x512xf32, #tpu.memory_space<hbm>> -> memref<21x1x512xf32, #tpu.memory_space<hbm>>
      tpu.enqueue_dma source(%dma_start3A_484 : memref<21x1x512xf32, #tpu.memory_space<hbm>>) target(%dma_start3A_480 : memref<21x1x512xf32, #tpu.memory_space<vmem>>) target_semaphore(%arg17 : memref<!tpu.dma_semaphore, #tpu.memory_space<semaphore_mem>>)
      %dma_start3A_485 = arith.constant 1 : i32
      %dma_start3A_486 = arith.constant 1 : i32
      %dma_start3A_487 = arith.constant 21 : i32
      %dma_start3A_488 = arith.constant 0 : i32
      %dma_start3A_489 = arith.constant 0 : i32
      %dma_start3A_490 = tpu.memref_slice %arg8[%dma_start3A_486, %dma_start3A_487, %dma_start3A_488, %dma_start3A_489] : memref<2x84x1x512xf32, #tpu.memory_space<vmem>> -> memref<1x21x1x512xf32, #tpu.memory_space<vmem>>
      %dma_start3A_491 = tpu.memref_squeeze %dma_start3A_490 : memref<1x21x1x512xf32, #tpu.memory_space<vmem>> -> memref<21x1x512xf32, #tpu.memory_space<vmem>>
      %dma_start3A_492 = arith.constant 0 : i32
      %dma_start3A_493 = arith.constant 0 : i32
      %dma_start3A_494 = tpu.memref_slice %arg2[%dma_start3A_485, %dma_start3A_492, %add3A_464, %dma_start3A_493] : memref<4x21x512x512xf32, #tpu.memory_space<hbm>> -> memref<1x21x1x512xf32, #tpu.memory_space<hbm>>
      %dma_start3A_495 = tpu.memref_squeeze %dma_start3A_494 : memref<1x21x1x512xf32, #tpu.memory_space<hbm>> -> memref<21x1x512xf32, #tpu.memory_space<hbm>>
      %dma_start3A_496 = arith.constant 21 : i32
      %dma_start3A_497 = arith.constant 0 : i32
      %dma_start3A_498 = arith.constant 0 : i32
      %dma_start3A_499 = tpu.memref_slice %arg8[%dma_start3A_486, %dma_start3A_496, %dma_start3A_497, %dma_start3A_498] : memref<2x84x1x512xf32, #tpu.memory_space<vmem>> -> memref<1x21x1x512xf32, #tpu.memory_space<vmem>>
      %dma_start3A_500 = tpu.memref_squeeze %dma_start3A_499 : memref<1x21x1x512xf32, #tpu.memory_space<vmem>> -> memref<21x1x512xf32, #tpu.memory_space<vmem>>
      %dma_start3A_501 = arith.constant 0 : i32
      %dma_start3A_502 = arith.constant 0 : i32
      %dma_start3A_503 = tpu.memref_slice %arg2[%dma_start3A_485, %dma_start3A_501, %add3A_464, %dma_start3A_502] : memref<4x21x512x512xf32, #tpu.memory_space<hbm>> -> memref<1x21x1x512xf32, #tpu.memory_space<hbm>>
      %dma_start3A_504 = tpu.memref_squeeze %dma_start3A_503 : memref<1x21x1x512xf32, #tpu.memory_space<hbm>> -> memref<21x1x512xf32, #tpu.memory_space<hbm>>
      tpu.enqueue_dma source(%dma_start3A_504 : memref<21x1x512xf32, #tpu.memory_space<hbm>>) target(%dma_start3A_500 : memref<21x1x512xf32, #tpu.memory_space<vmem>>) target_semaphore(%arg17 : memref<!tpu.dma_semaphore, #tpu.memory_space<semaphore_mem>>)
      %dma_start3A_505 = arith.constant 2 : i32
      %dma_start3A_506 = arith.constant 1 : i32
      %dma_start3A_507 = arith.constant 42 : i32
      %dma_start3A_508 = arith.constant 0 : i32
      %dma_start3A_509 = arith.constant 0 : i32
      %dma_start3A_510 = tpu.memref_slice %arg8[%dma_start3A_506, %dma_start3A_507, %dma_start3A_508, %dma_start3A_509] : memref<2x84x1x512xf32, #tpu.memory_space<vmem>> -> memref<1x21x1x512xf32, #tpu.memory_space<vmem>>
      %dma_start3A_511 = tpu.memref_squeeze %dma_start3A_510 : memref<1x21x1x512xf32, #tpu.memory_space<vmem>> -> memref<21x1x512xf32, #tpu.memory_space<vmem>>
      %dma_start3A_512 = arith.constant 0 : i32
      %dma_start3A_513 = arith.constant 0 : i32
      %dma_start3A_514 = tpu.memref_slice %arg2[%dma_start3A_505, %dma_start3A_512, %add3A_464, %dma_start3A_513] : memref<4x21x512x512xf32, #tpu.memory_space<hbm>> -> memref<1x21x1x512xf32, #tpu.memory_space<hbm>>
      %dma_start3A_515 = tpu.memref_squeeze %dma_start3A_514 : memref<1x21x1x512xf32, #tpu.memory_space<hbm>> -> memref<21x1x512xf32, #tpu.memory_space<hbm>>
      %dma_start3A_516 = arith.constant 42 : i32
      %dma_start3A_517 = arith.constant 0 : i32
      %dma_start3A_518 = arith.constant 0 : i32
      %dma_start3A_519 = tpu.memref_slice %arg8[%dma_start3A_506, %dma_start3A_516, %dma_start3A_517, %dma_start3A_518] : memref<2x84x1x512xf32, #tpu.memory_space<vmem>> -> memref<1x21x1x512xf32, #tpu.memory_space<vmem>>
      %dma_start3A_520 = tpu.memref_squeeze %dma_start3A_519 : memref<1x21x1x512xf32, #tpu.memory_space<vmem>> -> memref<21x1x512xf32, #tpu.memory_space<vmem>>
      %dma_start3A_521 = arith.constant 0 : i32
      %dma_start3A_522 = arith.constant 0 : i32
      %dma_start3A_523 = tpu.memref_slice %arg2[%dma_start3A_505, %dma_start3A_521, %add3A_464, %dma_start3A_522] : memref<4x21x512x512xf32, #tpu.memory_space<hbm>> -> memref<1x21x1x512xf32, #tpu.memory_space<hbm>>
      %dma_start3A_524 = tpu.memref_squeeze %dma_start3A_523 : memref<1x21x1x512xf32, #tpu.memory_space<hbm>> -> memref<21x1x512xf32, #tpu.memory_space<hbm>>
      tpu.enqueue_dma source(%dma_start3A_524 : memref<21x1x512xf32, #tpu.memory_space<hbm>>) target(%dma_start3A_520 : memref<21x1x512xf32, #tpu.memory_space<vmem>>) target_semaphore(%arg17 : memref<!tpu.dma_semaphore, #tpu.memory_space<semaphore_mem>>)
      %dma_start3A_525 = arith.constant 3 : i32
      %dma_start3A_526 = arith.constant 1 : i32
      %dma_start3A_527 = arith.constant 63 : i32
      %dma_start3A_528 = arith.constant 0 : i32
      %dma_start3A_529 = arith.constant 0 : i32
      %dma_start3A_530 = tpu.memref_slice %arg8[%dma_start3A_526, %dma_start3A_527, %dma_start3A_528, %dma_start3A_529] : memref<2x84x1x512xf32, #tpu.memory_space<vmem>> -> memref<1x21x1x512xf32, #tpu.memory_space<vmem>>
      %dma_start3A_531 = tpu.memref_squeeze %dma_start3A_530 : memref<1x21x1x512xf32, #tpu.memory_space<vmem>> -> memref<21x1x512xf32, #tpu.memory_space<vmem>>
      %dma_start3A_532 = arith.constant 0 : i32
      %dma_start3A_533 = arith.constant 0 : i32
      %dma_start3A_534 = tpu.memref_slice %arg2[%dma_start3A_525, %dma_start3A_532, %add3A_464, %dma_start3A_533] : memref<4x21x512x512xf32, #tpu.memory_space<hbm>> -> memref<1x21x1x512xf32, #tpu.memory_space<hbm>>
      %dma_start3A_535 = tpu.memref_squeeze %dma_start3A_534 : memref<1x21x1x512xf32, #tpu.memory_space<hbm>> -> memref<21x1x512xf32, #tpu.memory_space<hbm>>
      %dma_start3A_536 = arith.constant 63 : i32
      %dma_start3A_537 = arith.constant 0 : i32
      %dma_start3A_538 = arith.constant 0 : i32
      %dma_start3A_539 = tpu.memref_slice %arg8[%dma_start3A_526, %dma_start3A_536, %dma_start3A_537, %dma_start3A_538] : memref<2x84x1x512xf32, #tpu.memory_space<vmem>> -> memref<1x21x1x512xf32, #tpu.memory_space<vmem>>
      %dma_start3A_540 = tpu.memref_squeeze %dma_start3A_539 : memref<1x21x1x512xf32, #tpu.memory_space<vmem>> -> memref<21x1x512xf32, #tpu.memory_space<vmem>>
      %dma_start3A_541 = arith.constant 0 : i32
      %dma_start3A_542 = arith.constant 0 : i32
      %dma_start3A_543 = tpu.memref_slice %arg2[%dma_start3A_525, %dma_start3A_541, %add3A_464, %dma_start3A_542] : memref<4x21x512x512xf32, #tpu.memory_space<hbm>> -> memref<1x21x1x512xf32, #tpu.memory_space<hbm>>
      %dma_start3A_544 = tpu.memref_squeeze %dma_start3A_543 : memref<1x21x1x512xf32, #tpu.memory_space<hbm>> -> memref<21x1x512xf32, #tpu.memory_space<hbm>>
      tpu.enqueue_dma source(%dma_start3A_544 : memref<21x1x512xf32, #tpu.memory_space<hbm>>) target(%dma_start3A_540 : memref<21x1x512xf32, #tpu.memory_space<vmem>>) target_semaphore(%arg17 : memref<!tpu.dma_semaphore, #tpu.memory_space<semaphore_mem>>)
      %dma_start3A_545 = arith.constant 1 : i32
      %dma_start3A_546 = arith.constant 0 : i32
      %dma_start3A_547 = arith.constant 0 : i32
      %dma_start3A_548 = arith.constant 0 : i32
      %dma_start3A_549 = arith.constant 0 : i32
      %dma_start3A_550 = tpu.memref_slice %arg9[%dma_start3A_545, %dma_start3A_546, %dma_start3A_547, %dma_start3A_548, %dma_start3A_549] : memref<2x4x1x1x512xi32, #tpu.memory_space<vmem>> -> memref<1x4x1x1x512xi32, #tpu.memory_space<vmem>>
      %dma_start3A_551 = tpu.memref_squeeze %dma_start3A_550 : memref<1x4x1x1x512xi32, #tpu.memory_space<vmem>> -> memref<4x1x1x512xi32, #tpu.memory_space<vmem>>
      %dma_start3A_552 = arith.constant 0 : i32
      %dma_start3A_553 = arith.constant 0 : i32
      %dma_start3A_554 = arith.constant 0 : i32
      %dma_start3A_555 = tpu.memref_slice %arg3[%dma_start3A_552, %dma_start3A_553, %add3A_464, %dma_start3A_554] : memref<4x1x512x512xi32, #tpu.memory_space<hbm>> -> memref<4x1x1x512xi32, #tpu.memory_space<hbm>>
      %dma_start3A_556 = arith.constant 0 : i32
      %dma_start3A_557 = arith.constant 0 : i32
      %dma_start3A_558 = arith.constant 0 : i32
      %dma_start3A_559 = arith.constant 0 : i32
      %dma_start3A_560 = tpu.memref_slice %arg9[%dma_start3A_545, %dma_start3A_556, %dma_start3A_557, %dma_start3A_558, %dma_start3A_559] : memref<2x4x1x1x512xi32, #tpu.memory_space<vmem>> -> memref<1x4x1x1x512xi32, #tpu.memory_space<vmem>>
      %dma_start3A_561 = tpu.memref_squeeze %dma_start3A_560 : memref<1x4x1x1x512xi32, #tpu.memory_space<vmem>> -> memref<4x1x1x512xi32, #tpu.memory_space<vmem>>
      %dma_start3A_562 = arith.constant 0 : i32
      %dma_start3A_563 = arith.constant 0 : i32
      %dma_start3A_564 = arith.constant 0 : i32
      %dma_start3A_565 = tpu.memref_slice %arg3[%dma_start3A_562, %dma_start3A_563, %add3A_464, %dma_start3A_564] : memref<4x1x512x512xi32, #tpu.memory_space<hbm>> -> memref<4x1x1x512xi32, #tpu.memory_space<hbm>>
      tpu.enqueue_dma source(%dma_start3A_565 : memref<4x1x1x512xi32, #tpu.memory_space<hbm>>) target(%dma_start3A_561 : memref<4x1x1x512xi32, #tpu.memory_space<vmem>>) target_semaphore(%arg17 : memref<!tpu.dma_semaphore, #tpu.memory_space<semaphore_mem>>)
      %dma_wait3A_566 = arith.constant 0 : i32
      %dma_wait3A_567 = arith.constant 0 : i32
      %dma_wait3A_568 = arith.constant 0 : i32
      %dma_wait3A_569 = arith.constant 0 : i32
      %dma_wait3A_570 = arith.constant 0 : i32
      %dma_wait3A_571 = tpu.memref_slice %arg8[%dma_wait3A_567, %dma_wait3A_568, %dma_wait3A_569, %dma_wait3A_570] : memref<2x84x1x512xf32, #tpu.memory_space<vmem>> -> memref<1x21x1x512xf32, #tpu.memory_space<vmem>>
      %dma_wait3A_572 = tpu.memref_squeeze %dma_wait3A_571 : memref<1x21x1x512xf32, #tpu.memory_space<vmem>> -> memref<21x1x512xf32, #tpu.memory_space<vmem>>
      %dma_wait3A_573 = arith.constant 0 : i32
      %dma_wait3A_574 = arith.constant 0 : i32
      %dma_wait3A_575 = arith.constant 0 : i32
      %dma_wait3A_576 = tpu.memref_slice %arg2[%dma_wait3A_566, %dma_wait3A_573, %dma_wait3A_574, %dma_wait3A_575] : memref<4x21x512x512xf32, #tpu.memory_space<hbm>> -> memref<1x21x1x512xf32, #tpu.memory_space<hbm>>
      %dma_wait3A_577 = tpu.memref_squeeze %dma_wait3A_576 : memref<1x21x1x512xf32, #tpu.memory_space<hbm>> -> memref<21x1x512xf32, #tpu.memory_space<hbm>>
      %dma_wait3A_578 = arith.constant 0 : i32
      %dma_wait3A_579 = arith.constant 0 : i32
      %dma_wait3A_580 = arith.constant 0 : i32
      %dma_wait3A_581 = tpu.memref_slice %arg8[%dma_wait3A_567, %dma_wait3A_578, %dma_wait3A_579, %dma_wait3A_580] : memref<2x84x1x512xf32, #tpu.memory_space<vmem>> -> memref<1x21x1x512xf32, #tpu.memory_space<vmem>>
      %dma_wait3A_582 = tpu.memref_squeeze %dma_wait3A_581 : memref<1x21x1x512xf32, #tpu.memory_space<vmem>> -> memref<21x1x512xf32, #tpu.memory_space<vmem>>
      %dma_wait3A_583 = arith.constant 0 : i32
      %dma_wait3A_584 = arith.constant 0 : i32
      %dma_wait3A_585 = arith.constant 0 : i32
      %dma_wait3A_586 = tpu.memref_slice %arg2[%dma_wait3A_566, %dma_wait3A_583, %dma_wait3A_584, %dma_wait3A_585] : memref<4x21x512x512xf32, #tpu.memory_space<hbm>> -> memref<1x21x1x512xf32, #tpu.memory_space<hbm>>
      %dma_wait3A_587 = tpu.memref_squeeze %dma_wait3A_586 : memref<1x21x1x512xf32, #tpu.memory_space<hbm>> -> memref<21x1x512xf32, #tpu.memory_space<hbm>>
      tpu.wait_dma2 semaphore(%arg16 : memref<!tpu.dma_semaphore, #tpu.memory_space<semaphore_mem>>) src(%dma_wait3A_587 : memref<21x1x512xf32, #tpu.memory_space<hbm>>) dst(%dma_wait3A_582 : memref<21x1x512xf32, #tpu.memory_space<vmem>>)
      %dma_wait3A_588 = arith.constant 1 : i32
      %dma_wait3A_589 = arith.constant 0 : i32
      %dma_wait3A_590 = arith.constant 21 : i32
      %dma_wait3A_591 = arith.constant 0 : i32
      %dma_wait3A_592 = arith.constant 0 : i32
      %dma_wait3A_593 = tpu.memref_slice %arg8[%dma_wait3A_589, %dma_wait3A_590, %dma_wait3A_591, %dma_wait3A_592] : memref<2x84x1x512xf32, #tpu.memory_space<vmem>> -> memref<1x21x1x512xf32, #tpu.memory_space<vmem>>
      %dma_wait3A_594 = tpu.memref_squeeze %dma_wait3A_593 : memref<1x21x1x512xf32, #tpu.memory_space<vmem>> -> memref<21x1x512xf32, #tpu.memory_space<vmem>>
      %dma_wait3A_595 = arith.constant 0 : i32
      %dma_wait3A_596 = arith.constant 0 : i32
      %dma_wait3A_597 = arith.constant 0 : i32
      %dma_wait3A_598 = tpu.memref_slice %arg2[%dma_wait3A_588, %dma_wait3A_595, %dma_wait3A_596, %dma_wait3A_597] : memref<4x21x512x512xf32, #tpu.memory_space<hbm>> -> memref<1x21x1x512xf32, #tpu.memory_space<hbm>>
      %dma_wait3A_599 = tpu.memref_squeeze %dma_wait3A_598 : memref<1x21x1x512xf32, #tpu.memory_space<hbm>> -> memref<21x1x512xf32, #tpu.memory_space<hbm>>
      %dma_wait3A_600 = arith.constant 21 : i32
      %dma_wait3A_601 = arith.constant 0 : i32
      %dma_wait3A_602 = arith.constant 0 : i32
      %dma_wait3A_603 = tpu.memref_slice %arg8[%dma_wait3A_589, %dma_wait3A_600, %dma_wait3A_601, %dma_wait3A_602] : memref<2x84x1x512xf32, #tpu.memory_space<vmem>> -> memref<1x21x1x512xf32, #tpu.memory_space<vmem>>
      %dma_wait3A_604 = tpu.memref_squeeze %dma_wait3A_603 : memref<1x21x1x512xf32, #tpu.memory_space<vmem>> -> memref<21x1x512xf32, #tpu.memory_space<vmem>>
      %dma_wait3A_605 = arith.constant 0 : i32
      %dma_wait3A_606 = arith.constant 0 : i32
      %dma_wait3A_607 = arith.constant 0 : i32
      %dma_wait3A_608 = tpu.memref_slice %arg2[%dma_wait3A_588, %dma_wait3A_605, %dma_wait3A_606, %dma_wait3A_607] : memref<4x21x512x512xf32, #tpu.memory_space<hbm>> -> memref<1x21x1x512xf32, #tpu.memory_space<hbm>>
      %dma_wait3A_609 = tpu.memref_squeeze %dma_wait3A_608 : memref<1x21x1x512xf32, #tpu.memory_space<hbm>> -> memref<21x1x512xf32, #tpu.memory_space<hbm>>
      tpu.wait_dma2 semaphore(%arg16 : memref<!tpu.dma_semaphore, #tpu.memory_space<semaphore_mem>>) src(%dma_wait3A_609 : memref<21x1x512xf32, #tpu.memory_space<hbm>>) dst(%dma_wait3A_604 : memref<21x1x512xf32, #tpu.memory_space<vmem>>)
      %dma_wait3A_610 = arith.constant 2 : i32
      %dma_wait3A_611 = arith.constant 0 : i32
      %dma_wait3A_612 = arith.constant 42 : i32
      %dma_wait3A_613 = arith.constant 0 : i32
      %dma_wait3A_614 = arith.constant 0 : i32
      %dma_wait3A_615 = tpu.memref_slice %arg8[%dma_wait3A_611, %dma_wait3A_612, %dma_wait3A_613, %dma_wait3A_614] : memref<2x84x1x512xf32, #tpu.memory_space<vmem>> -> memref<1x21x1x512xf32, #tpu.memory_space<vmem>>
      %dma_wait3A_616 = tpu.memref_squeeze %dma_wait3A_615 : memref<1x21x1x512xf32, #tpu.memory_space<vmem>> -> memref<21x1x512xf32, #tpu.memory_space<vmem>>
      %dma_wait3A_617 = arith.constant 0 : i32
      %dma_wait3A_618 = arith.constant 0 : i32
      %dma_wait3A_619 = arith.constant 0 : i32
      %dma_wait3A_620 = tpu.memref_slice %arg2[%dma_wait3A_610, %dma_wait3A_617, %dma_wait3A_618, %dma_wait3A_619] : memref<4x21x512x512xf32, #tpu.memory_space<hbm>> -> memref<1x21x1x512xf32, #tpu.memory_space<hbm>>
      %dma_wait3A_621 = tpu.memref_squeeze %dma_wait3A_620 : memref<1x21x1x512xf32, #tpu.memory_space<hbm>> -> memref<21x1x512xf32, #tpu.memory_space<hbm>>
      %dma_wait3A_622 = arith.constant 42 : i32
      %dma_wait3A_623 = arith.constant 0 : i32
      %dma_wait3A_624 = arith.constant 0 : i32
      %dma_wait3A_625 = tpu.memref_slice %arg8[%dma_wait3A_611, %dma_wait3A_622, %dma_wait3A_623, %dma_wait3A_624] : memref<2x84x1x512xf32, #tpu.memory_space<vmem>> -> memref<1x21x1x512xf32, #tpu.memory_space<vmem>>
      %dma_wait3A_626 = tpu.memref_squeeze %dma_wait3A_625 : memref<1x21x1x512xf32, #tpu.memory_space<vmem>> -> memref<21x1x512xf32, #tpu.memory_space<vmem>>
      %dma_wait3A_627 = arith.constant 0 : i32
      %dma_wait3A_628 = arith.constant 0 : i32
      %dma_wait3A_629 = arith.constant 0 : i32
      %dma_wait3A_630 = tpu.memref_slice %arg2[%dma_wait3A_610, %dma_wait3A_627, %dma_wait3A_628, %dma_wait3A_629] : memref<4x21x512x512xf32, #tpu.memory_space<hbm>> -> memref<1x21x1x512xf32, #tpu.memory_space<hbm>>
      %dma_wait3A_631 = tpu.memref_squeeze %dma_wait3A_630 : memref<1x21x1x512xf32, #tpu.memory_space<hbm>> -> memref<21x1x512xf32, #tpu.memory_space<hbm>>
      tpu.wait_dma2 semaphore(%arg16 : memref<!tpu.dma_semaphore, #tpu.memory_space<semaphore_mem>>) src(%dma_wait3A_631 : memref<21x1x512xf32, #tpu.memory_space<hbm>>) dst(%dma_wait3A_626 : memref<21x1x512xf32, #tpu.memory_space<vmem>>)
      %dma_wait3A_632 = arith.constant 3 : i32
      %dma_wait3A_633 = arith.constant 0 : i32
      %dma_wait3A_634 = arith.constant 63 : i32
      %dma_wait3A_635 = arith.constant 0 : i32
      %dma_wait3A_636 = arith.constant 0 : i32
      %dma_wait3A_637 = tpu.memref_slice %arg8[%dma_wait3A_633, %dma_wait3A_634, %dma_wait3A_635, %dma_wait3A_636] : memref<2x84x1x512xf32, #tpu.memory_space<vmem>> -> memref<1x21x1x512xf32, #tpu.memory_space<vmem>>
      %dma_wait3A_638 = tpu.memref_squeeze %dma_wait3A_637 : memref<1x21x1x512xf32, #tpu.memory_space<vmem>> -> memref<21x1x512xf32, #tpu.memory_space<vmem>>
      %dma_wait3A_639 = arith.constant 0 : i32
      %dma_wait3A_640 = arith.constant 0 : i32
      %dma_wait3A_641 = arith.constant 0 : i32
      %dma_wait3A_642 = tpu.memref_slice %arg2[%dma_wait3A_632, %dma_wait3A_639, %dma_wait3A_640, %dma_wait3A_641] : memref<4x21x512x512xf32, #tpu.memory_space<hbm>> -> memref<1x21x1x512xf32, #tpu.memory_space<hbm>>
      %dma_wait3A_643 = tpu.memref_squeeze %dma_wait3A_642 : memref<1x21x1x512xf32, #tpu.memory_space<hbm>> -> memref<21x1x512xf32, #tpu.memory_space<hbm>>
      %dma_wait3A_644 = arith.constant 63 : i32
      %dma_wait3A_645 = arith.constant 0 : i32
      %dma_wait3A_646 = arith.constant 0 : i32
      %dma_wait3A_647 = tpu.memref_slice %arg8[%dma_wait3A_633, %dma_wait3A_644, %dma_wait3A_645, %dma_wait3A_646] : memref<2x84x1x512xf32, #tpu.memory_space<vmem>> -> memref<1x21x1x512xf32, #tpu.memory_space<vmem>>
      %dma_wait3A_648 = tpu.memref_squeeze %dma_wait3A_647 : memref<1x21x1x512xf32, #tpu.memory_space<vmem>> -> memref<21x1x512xf32, #tpu.memory_space<vmem>>
      %dma_wait3A_649 = arith.constant 0 : i32
      %dma_wait3A_650 = arith.constant 0 : i32
      %dma_wait3A_651 = arith.constant 0 : i32
      %dma_wait3A_652 = tpu.memref_slice %arg2[%dma_wait3A_632, %dma_wait3A_649, %dma_wait3A_650, %dma_wait3A_651] : memref<4x21x512x512xf32, #tpu.memory_space<hbm>> -> memref<1x21x1x512xf32, #tpu.memory_space<hbm>>
      %dma_wait3A_653 = tpu.memref_squeeze %dma_wait3A_652 : memref<1x21x1x512xf32, #tpu.memory_space<hbm>> -> memref<21x1x512xf32, #tpu.memory_space<hbm>>
      tpu.wait_dma2 semaphore(%arg16 : memref<!tpu.dma_semaphore, #tpu.memory_space<semaphore_mem>>) src(%dma_wait3A_653 : memref<21x1x512xf32, #tpu.memory_space<hbm>>) dst(%dma_wait3A_648 : memref<21x1x512xf32, #tpu.memory_space<vmem>>)
      %dma_wait3A_654 = arith.constant 0 : i32
      %dma_wait3A_655 = arith.constant 0 : i32
      %dma_wait3A_656 = arith.constant 0 : i32
      %dma_wait3A_657 = arith.constant 0 : i32
      %dma_wait3A_658 = arith.constant 0 : i32
      %dma_wait3A_659 = tpu.memref_slice %arg9[%dma_wait3A_654, %dma_wait3A_655, %dma_wait3A_656, %dma_wait3A_657, %dma_wait3A_658] : memref<2x4x1x1x512xi32, #tpu.memory_space<vmem>> -> memref<1x4x1x1x512xi32, #tpu.memory_space<vmem>>
      %dma_wait3A_660 = tpu.memref_squeeze %dma_wait3A_659 : memref<1x4x1x1x512xi32, #tpu.memory_space<vmem>> -> memref<4x1x1x512xi32, #tpu.memory_space<vmem>>
      %dma_wait3A_661 = arith.constant 0 : i32
      %dma_wait3A_662 = arith.constant 0 : i32
      %dma_wait3A_663 = arith.constant 0 : i32
      %dma_wait3A_664 = arith.constant 0 : i32
      %dma_wait3A_665 = tpu.memref_slice %arg3[%dma_wait3A_661, %dma_wait3A_662, %dma_wait3A_663, %dma_wait3A_664] : memref<4x1x512x512xi32, #tpu.memory_space<hbm>> -> memref<4x1x1x512xi32, #tpu.memory_space<hbm>>
      %dma_wait3A_666 = arith.constant 0 : i32
      %dma_wait3A_667 = arith.constant 0 : i32
      %dma_wait3A_668 = arith.constant 0 : i32
      %dma_wait3A_669 = arith.constant 0 : i32
      %dma_wait3A_670 = tpu.memref_slice %arg9[%dma_wait3A_654, %dma_wait3A_666, %dma_wait3A_667, %dma_wait3A_668, %dma_wait3A_669] : memref<2x4x1x1x512xi32, #tpu.memory_space<vmem>> -> memref<1x4x1x1x512xi32, #tpu.memory_space<vmem>>
      %dma_wait3A_671 = tpu.memref_squeeze %dma_wait3A_670 : memref<1x4x1x1x512xi32, #tpu.memory_space<vmem>> -> memref<4x1x1x512xi32, #tpu.memory_space<vmem>>
      %dma_wait3A_672 = arith.constant 0 : i32
      %dma_wait3A_673 = arith.constant 0 : i32
      %dma_wait3A_674 = arith.constant 0 : i32
      %dma_wait3A_675 = arith.constant 0 : i32
      %dma_wait3A_676 = tpu.memref_slice %arg3[%dma_wait3A_672, %dma_wait3A_673, %dma_wait3A_674, %dma_wait3A_675] : memref<4x1x512x512xi32, #tpu.memory_space<hbm>> -> memref<4x1x1x512xi32, #tpu.memory_space<hbm>>
      tpu.wait_dma2 semaphore(%arg16 : memref<!tpu.dma_semaphore, #tpu.memory_space<semaphore_mem>>) src(%dma_wait3A_676 : memref<4x1x1x512xi32, #tpu.memory_space<hbm>>) dst(%dma_wait3A_671 : memref<4x1x1x512xi32, #tpu.memory_space<vmem>>)
      %parallel_loop3A = arith.constant 0 : i32
      %parallel_loop3A_677 = arith.constant 512 : i32
      %parallel_loop3A_678 = arith.constant 32 : i32
      scf.for %parallel_loop3A_797 = %parallel_loop3A to %parallel_loop3A_677 step %parallel_loop3A_678  : i32 {
        %parallel_loop3A_798 = vector.broadcast %parallel_loop3A_797 : i32 to vector<16xi32>
        %parallel_loop3A_799 = arith.addi %parallel_loop3A_798, %iota3A : vector<16xi32>
        %parallel_loop3A_800 = arith.constant 0.000000e+00 : f32
        %parallel_loop3A_801 = vector.broadcast %parallel_loop3A_800 : f32 to vector<16xf32>
        %parallel_loop3A_802 = arith.constant 0 : i32
        %parallel_loop3A_803 = arith.constant 0 : i32
        %parallel_loop3A_804 = arith.constant 0 : i32
        %parallel_loop3A_805 = arith.constant 0 : i32
        %parallel_loop3A_806 = arith.index_cast %parallel_loop3A_802 : i32 to index
        %parallel_loop3A_807 = arith.index_cast %parallel_loop3A_803 : i32 to index
        %parallel_loop3A_808 = arith.index_cast %parallel_loop3A_804 : i32 to index
        %parallel_loop3A_809 = arith.index_cast %parallel_loop3A_805 : i32 to index
        %parallel_loop3A_810 = arith.index_cast %parallel_loop3A_797 : i32 to index
        %parallel_loop3A_811 = tpu.vector_load %arg9[%parallel_loop3A_806, %parallel_loop3A_807, %parallel_loop3A_808, %parallel_loop3A_809, %parallel_loop3A_810] {strides = array<i32>} : memref<2x4x1x1x512xi32, #tpu.memory_space<vmem>>, vector<16xi32>,
        %parallel_loop3A_812 = arith.constant 0 : i32
        %parallel_loop3A_813 = vector.broadcast %parallel_loop3A_812 : i32 to vector<16xi32>
        %parallel_loop3A_814 = arith.addi %parallel_loop3A_811, %parallel_loop3A_813 : vector<16xi32>
        %parallel_loop3A_815 = arith.constant 0 : i32
        %parallel_loop3A_816 = arith.constant 0 : i32
        %parallel_loop3A_817 = arith.constant 0 : i32
        %parallel_loop3A_818 = arith.constant 0 : i32
        %parallel_loop3A_819 = tpu.memref_slice %arg8[%parallel_loop3A_815, %parallel_loop3A_816, %parallel_loop3A_817, %parallel_loop3A_818] : memref<2x84x1x512xf32, #tpu.memory_space<vmem>> -> memref<1x84x1x512xf32, #tpu.memory_space<vmem>>
        %parallel_loop3A_820 = tpu.memref_squeeze %parallel_loop3A_819 : memref<1x84x1x512xf32, #tpu.memory_space<vmem>> -> memref<84x1x512xf32, #tpu.memory_space<vmem>>
        %parallel_loop3A_821 = tpu.vector_load_idx %parallel_loop3A_820[%parallel_loop3A_814, %broadcast_in_dim3A_5, %parallel_loop3A_799] : memref<84x1x512xf32, #tpu.memory_space<vmem>>[vector<16xi32>, vector<16xi32>, vector<16xi32>], vector<16xf32>,
        %parallel_loop3A_822 = arith.constant 9.99999974E-6 : f32
        %parallel_loop3A_823 = vector.broadcast %parallel_loop3A_822 : f32 to vector<16xf32>
        %parallel_loop3A_824 = arith.maximumf %parallel_loop3A_821, %parallel_loop3A_823 : vector<16xf32>
        %parallel_loop3A_825 = vector.bitcast %parallel_loop3A_824 : vector<16xf32> to vector<16xi32>
        %parallel_loop3A_826 = arith.constant 15 : i32
        %parallel_loop3A_827 = vector.broadcast %parallel_loop3A_826 : i32 to vector<16xi32>
        %parallel_loop3A_828 = arith.shrsi %parallel_loop3A_825, %parallel_loop3A_827 : vector<16xi32>
        %parallel_loop3A_829 = arith.constant 255 : i32
        %parallel_loop3A_830 = vector.broadcast %parallel_loop3A_829 : i32 to vector<16xi32>
        %parallel_loop3A_831 = arith.andi %parallel_loop3A_828, %parallel_loop3A_830 : vector<16xi32>
        %parallel_loop3A_832 = arith.constant 8388607 : i32
        %parallel_loop3A_833 = vector.broadcast %parallel_loop3A_832 : i32 to vector<16xi32>
        %parallel_loop3A_834 = arith.andi %parallel_loop3A_825, %parallel_loop3A_833 : vector<16xi32>
        %parallel_loop3A_835 = arith.constant 1065353216 : i32
        %parallel_loop3A_836 = vector.broadcast %parallel_loop3A_835 : i32 to vector<16xi32>
        %parallel_loop3A_837 = arith.ori %parallel_loop3A_834, %parallel_loop3A_836 : vector<16xi32>
        %parallel_loop3A_838 = vector.bitcast %parallel_loop3A_837 : vector<16xi32> to vector<16xf32>
        %parallel_loop3A_839 = tpu.vector_load_idx %arg10[%parallel_loop3A_831] : memref<256xf32, #tpu.memory_space<vmem>>[vector<16xi32>], vector<16xf32>,
        %parallel_loop3A_840 = tpu.vector_load_idx %arg11[%parallel_loop3A_831] : memref<256xf32, #tpu.memory_space<vmem>>[vector<16xi32>], vector<16xf32>,
        %parallel_loop3A_841 = arith.mulf %parallel_loop3A_840, %parallel_loop3A_838 : vector<16xf32>
        %parallel_loop3A_842 = arith.addf %parallel_loop3A_839, %parallel_loop3A_841 : vector<16xf32>
        %parallel_loop3A_843 = arith.constant 23 : i32
        %parallel_loop3A_844 = vector.broadcast %parallel_loop3A_843 : i32 to vector<16xi32>
        %parallel_loop3A_845 = arith.shrsi %parallel_loop3A_825, %parallel_loop3A_844 : vector<16xi32>
        %parallel_loop3A_846 = arith.sitofp %parallel_loop3A_845 : vector<16xi32> to vector<16xf32>
        %parallel_loop3A_847 = arith.constant 0.693147182 : f32
        %parallel_loop3A_848 = vector.broadcast %parallel_loop3A_847 : f32 to vector<16xf32>
        %parallel_loop3A_849 = arith.mulf %parallel_loop3A_846, %parallel_loop3A_848 : vector<16xf32>
        %parallel_loop3A_850 = arith.subf %parallel_loop3A_842, %parallel_loop3A_849 : vector<16xf32>
        %parallel_loop3A_851 = arith.constant 1.000000e+00 : f32
        %parallel_loop3A_852 = vector.broadcast %parallel_loop3A_851 : f32 to vector<16xf32>
        %parallel_loop3A_853 = arith.subf %parallel_loop3A_852, %parallel_loop3A_824 : vector<16xf32>
        %parallel_loop3A_854 = arith.mulf %parallel_loop3A_853, %parallel_loop3A_853 : vector<16xf32>
        %parallel_loop3A_855 = arith.mulf %parallel_loop3A_854, %parallel_loop3A_850 : vector<16xf32>
        %parallel_loop3A_856 = arith.addf %parallel_loop3A_801, %parallel_loop3A_855 : vector<16xf32>
        %parallel_loop3A_857 = arith.constant 0 : i32
        %parallel_loop3A_858 = arith.constant 1 : i32
        %parallel_loop3A_859 = arith.constant 0 : i32
        %parallel_loop3A_860 = arith.constant 0 : i32
        %parallel_loop3A_861 = arith.index_cast %parallel_loop3A_857 : i32 to index
        %parallel_loop3A_862 = arith.index_cast %parallel_loop3A_858 : i32 to index
        %parallel_loop3A_863 = arith.index_cast %parallel_loop3A_859 : i32 to index
        %parallel_loop3A_864 = arith.index_cast %parallel_loop3A_860 : i32 to index
        %parallel_loop3A_865 = arith.index_cast %parallel_loop3A_797 : i32 to index
        %parallel_loop3A_866 = tpu.vector_load %arg9[%parallel_loop3A_861, %parallel_loop3A_862, %parallel_loop3A_863, %parallel_loop3A_864, %parallel_loop3A_865] {strides = array<i32>} : memref<2x4x1x1x512xi32, #tpu.memory_space<vmem>>, vector<16xi32>,
        %parallel_loop3A_867 = arith.constant 21 : i32
        %parallel_loop3A_868 = vector.broadcast %parallel_loop3A_867 : i32 to vector<16xi32>
        %parallel_loop3A_869 = arith.addi %parallel_loop3A_866, %parallel_loop3A_868 : vector<16xi32>
        %parallel_loop3A_870 = arith.constant 0 : i32
        %parallel_loop3A_871 = arith.constant 0 : i32
        %parallel_loop3A_872 = arith.constant 0 : i32
        %parallel_loop3A_873 = arith.constant 0 : i32
        %parallel_loop3A_874 = tpu.memref_slice %arg8[%parallel_loop3A_870, %parallel_loop3A_871, %parallel_loop3A_872, %parallel_loop3A_873] : memref<2x84x1x512xf32, #tpu.memory_space<vmem>> -> memref<1x84x1x512xf32, #tpu.memory_space<vmem>>
        %parallel_loop3A_875 = tpu.memref_squeeze %parallel_loop3A_874 : memref<1x84x1x512xf32, #tpu.memory_space<vmem>> -> memref<84x1x512xf32, #tpu.memory_space<vmem>>
        %parallel_loop3A_876 = tpu.vector_load_idx %parallel_loop3A_875[%parallel_loop3A_869, %broadcast_in_dim3A_5, %parallel_loop3A_799] : memref<84x1x512xf32, #tpu.memory_space<vmem>>[vector<16xi32>, vector<16xi32>, vector<16xi32>], vector<16xf32>,
        %parallel_loop3A_877 = arith.constant 9.99999974E-6 : f32
        %parallel_loop3A_878 = vector.broadcast %parallel_loop3A_877 : f32 to vector<16xf32>
        %parallel_loop3A_879 = arith.maximumf %parallel_loop3A_876, %parallel_loop3A_878 : vector<16xf32>
        %parallel_loop3A_880 = vector.bitcast %parallel_loop3A_879 : vector<16xf32> to vector<16xi32>
        %parallel_loop3A_881 = arith.constant 15 : i32
        %parallel_loop3A_882 = vector.broadcast %parallel_loop3A_881 : i32 to vector<16xi32>
        %parallel_loop3A_883 = arith.shrsi %parallel_loop3A_880, %parallel_loop3A_882 : vector<16xi32>
        %parallel_loop3A_884 = arith.constant 255 : i32
        %parallel_loop3A_885 = vector.broadcast %parallel_loop3A_884 : i32 to vector<16xi32>
        %parallel_loop3A_886 = arith.andi %parallel_loop3A_883, %parallel_loop3A_885 : vector<16xi32>
        %parallel_loop3A_887 = arith.constant 8388607 : i32
        %parallel_loop3A_888 = vector.broadcast %parallel_loop3A_887 : i32 to vector<16xi32>
        %parallel_loop3A_889 = arith.andi %parallel_loop3A_880, %parallel_loop3A_888 : vector<16xi32>
        %parallel_loop3A_890 = arith.constant 1065353216 : i32
        %parallel_loop3A_891 = vector.broadcast %parallel_loop3A_890 : i32 to vector<16xi32>
        %parallel_loop3A_892 = arith.ori %parallel_loop3A_889, %parallel_loop3A_891 : vector<16xi32>
        %parallel_loop3A_893 = vector.bitcast %parallel_loop3A_892 : vector<16xi32> to vector<16xf32>
        %parallel_loop3A_894 = tpu.vector_load_idx %arg10[%parallel_loop3A_886] : memref<256xf32, #tpu.memory_space<vmem>>[vector<16xi32>], vector<16xf32>,
        %parallel_loop3A_895 = tpu.vector_load_idx %arg11[%parallel_loop3A_886] : memref<256xf32, #tpu.memory_space<vmem>>[vector<16xi32>], vector<16xf32>,
        %parallel_loop3A_896 = arith.mulf %parallel_loop3A_895, %parallel_loop3A_893 : vector<16xf32>
        %parallel_loop3A_897 = arith.addf %parallel_loop3A_894, %parallel_loop3A_896 : vector<16xf32>
        %parallel_loop3A_898 = arith.constant 23 : i32
        %parallel_loop3A_899 = vector.broadcast %parallel_loop3A_898 : i32 to vector<16xi32>
        %parallel_loop3A_900 = arith.shrsi %parallel_loop3A_880, %parallel_loop3A_899 : vector<16xi32>
        %parallel_loop3A_901 = arith.sitofp %parallel_loop3A_900 : vector<16xi32> to vector<16xf32>
        %parallel_loop3A_902 = arith.constant 0.693147182 : f32
        %parallel_loop3A_903 = vector.broadcast %parallel_loop3A_902 : f32 to vector<16xf32>
        %parallel_loop3A_904 = arith.mulf %parallel_loop3A_901, %parallel_loop3A_903 : vector<16xf32>
        %parallel_loop3A_905 = arith.subf %parallel_loop3A_897, %parallel_loop3A_904 : vector<16xf32>
        %parallel_loop3A_906 = arith.constant 1.000000e+00 : f32
        %parallel_loop3A_907 = vector.broadcast %parallel_loop3A_906 : f32 to vector<16xf32>
        %parallel_loop3A_908 = arith.subf %parallel_loop3A_907, %parallel_loop3A_879 : vector<16xf32>
        %parallel_loop3A_909 = arith.mulf %parallel_loop3A_908, %parallel_loop3A_908 : vector<16xf32>
        %parallel_loop3A_910 = arith.mulf %parallel_loop3A_909, %parallel_loop3A_905 : vector<16xf32>
        %parallel_loop3A_911 = arith.addf %parallel_loop3A_856, %parallel_loop3A_910 : vector<16xf32>
        %parallel_loop3A_912 = arith.constant 0 : i32
        %parallel_loop3A_913 = arith.constant 2 : i32
        %parallel_loop3A_914 = arith.constant 0 : i32
        %parallel_loop3A_915 = arith.constant 0 : i32
        %parallel_loop3A_916 = arith.index_cast %parallel_loop3A_912 : i32 to index
        %parallel_loop3A_917 = arith.index_cast %parallel_loop3A_913 : i32 to index
        %parallel_loop3A_918 = arith.index_cast %parallel_loop3A_914 : i32 to index
        %parallel_loop3A_919 = arith.index_cast %parallel_loop3A_915 : i32 to index
        %parallel_loop3A_920 = arith.index_cast %parallel_loop3A_797 : i32 to index
        %parallel_loop3A_921 = tpu.vector_load %arg9[%parallel_loop3A_916, %parallel_loop3A_917, %parallel_loop3A_918, %parallel_loop3A_919, %parallel_loop3A_920] {strides = array<i32>} : memref<2x4x1x1x512xi32, #tpu.memory_space<vmem>>, vector<16xi32>,
        %parallel_loop3A_922 = arith.constant 42 : i32
        %parallel_loop3A_923 = vector.broadcast %parallel_loop3A_922 : i32 to vector<16xi32>
        %parallel_loop3A_924 = arith.addi %parallel_loop3A_921, %parallel_loop3A_923 : vector<16xi32>
        %parallel_loop3A_925 = arith.constant 0 : i32
        %parallel_loop3A_926 = arith.constant 0 : i32
        %parallel_loop3A_927 = arith.constant 0 : i32
        %parallel_loop3A_928 = arith.constant 0 : i32
        %parallel_loop3A_929 = tpu.memref_slice %arg8[%parallel_loop3A_925, %parallel_loop3A_926, %parallel_loop3A_927, %parallel_loop3A_928] : memref<2x84x1x512xf32, #tpu.memory_space<vmem>> -> memref<1x84x1x512xf32, #tpu.memory_space<vmem>>
        %parallel_loop3A_930 = tpu.memref_squeeze %parallel_loop3A_929 : memref<1x84x1x512xf32, #tpu.memory_space<vmem>> -> memref<84x1x512xf32, #tpu.memory_space<vmem>>
        %parallel_loop3A_931 = tpu.vector_load_idx %parallel_loop3A_930[%parallel_loop3A_924, %broadcast_in_dim3A_5, %parallel_loop3A_799] : memref<84x1x512xf32, #tpu.memory_space<vmem>>[vector<16xi32>, vector<16xi32>, vector<16xi32>], vector<16xf32>,
        %parallel_loop3A_932 = arith.constant 9.99999974E-6 : f32
        %parallel_loop3A_933 = vector.broadcast %parallel_loop3A_932 : f32 to vector<16xf32>
        %parallel_loop3A_934 = arith.maximumf %parallel_loop3A_931, %parallel_loop3A_933 : vector<16xf32>
        %parallel_loop3A_935 = vector.bitcast %parallel_loop3A_934 : vector<16xf32> to vector<16xi32>
        %parallel_loop3A_936 = arith.constant 15 : i32
        %parallel_loop3A_937 = vector.broadcast %parallel_loop3A_936 : i32 to vector<16xi32>
        %parallel_loop3A_938 = arith.shrsi %parallel_loop3A_935, %parallel_loop3A_937 : vector<16xi32>
        %parallel_loop3A_939 = arith.constant 255 : i32
        %parallel_loop3A_940 = vector.broadcast %parallel_loop3A_939 : i32 to vector<16xi32>
        %parallel_loop3A_941 = arith.andi %parallel_loop3A_938, %parallel_loop3A_940 : vector<16xi32>
        %parallel_loop3A_942 = arith.constant 8388607 : i32
        %parallel_loop3A_943 = vector.broadcast %parallel_loop3A_942 : i32 to vector<16xi32>
        %parallel_loop3A_944 = arith.andi %parallel_loop3A_935, %parallel_loop3A_943 : vector<16xi32>
        %parallel_loop3A_945 = arith.constant 1065353216 : i32
        %parallel_loop3A_946 = vector.broadcast %parallel_loop3A_945 : i32 to vector<16xi32>
        %parallel_loop3A_947 = arith.ori %parallel_loop3A_944, %parallel_loop3A_946 : vector<16xi32>
        %parallel_loop3A_948 = vector.bitcast %parallel_loop3A_947 : vector<16xi32> to vector<16xf32>
        %parallel_loop3A_949 = tpu.vector_load_idx %arg10[%parallel_loop3A_941] : memref<256xf32, #tpu.memory_space<vmem>>[vector<16xi32>], vector<16xf32>,
        %parallel_loop3A_950 = tpu.vector_load_idx %arg11[%parallel_loop3A_941] : memref<256xf32, #tpu.memory_space<vmem>>[vector<16xi32>], vector<16xf32>,
        %parallel_loop3A_951 = arith.mulf %parallel_loop3A_950, %parallel_loop3A_948 : vector<16xf32>
        %parallel_loop3A_952 = arith.addf %parallel_loop3A_949, %parallel_loop3A_951 : vector<16xf32>
        %parallel_loop3A_953 = arith.constant 23 : i32
        %parallel_loop3A_954 = vector.broadcast %parallel_loop3A_953 : i32 to vector<16xi32>
        %parallel_loop3A_955 = arith.shrsi %parallel_loop3A_935, %parallel_loop3A_954 : vector<16xi32>
        %parallel_loop3A_956 = arith.sitofp %parallel_loop3A_955 : vector<16xi32> to vector<16xf32>
        %parallel_loop3A_957 = arith.constant 0.693147182 : f32
        %parallel_loop3A_958 = vector.broadcast %parallel_loop3A_957 : f32 to vector<16xf32>
        %parallel_loop3A_959 = arith.mulf %parallel_loop3A_956, %parallel_loop3A_958 : vector<16xf32>
        %parallel_loop3A_960 = arith.subf %parallel_loop3A_952, %parallel_loop3A_959 : vector<16xf32>
        %parallel_loop3A_961 = arith.constant 1.000000e+00 : f32
        %parallel_loop3A_962 = vector.broadcast %parallel_loop3A_961 : f32 to vector<16xf32>
        %parallel_loop3A_963 = arith.subf %parallel_loop3A_962, %parallel_loop3A_934 : vector<16xf32>
        %parallel_loop3A_964 = arith.mulf %parallel_loop3A_963, %parallel_loop3A_963 : vector<16xf32>
        %parallel_loop3A_965 = arith.mulf %parallel_loop3A_964, %parallel_loop3A_960 : vector<16xf32>
        %parallel_loop3A_966 = arith.addf %parallel_loop3A_911, %parallel_loop3A_965 : vector<16xf32>
        %parallel_loop3A_967 = arith.constant 0 : i32
        %parallel_loop3A_968 = arith.constant 3 : i32
        %parallel_loop3A_969 = arith.constant 0 : i32
        %parallel_loop3A_970 = arith.constant 0 : i32
        %parallel_loop3A_971 = arith.index_cast %parallel_loop3A_967 : i32 to index
        %parallel_loop3A_972 = arith.index_cast %parallel_loop3A_968 : i32 to index
        %parallel_loop3A_973 = arith.index_cast %parallel_loop3A_969 : i32 to index
        %parallel_loop3A_974 = arith.index_cast %parallel_loop3A_970 : i32 to index
        %parallel_loop3A_975 = arith.index_cast %parallel_loop3A_797 : i32 to index
        %parallel_loop3A_976 = tpu.vector_load %arg9[%parallel_loop3A_971, %parallel_loop3A_972, %parallel_loop3A_973, %parallel_loop3A_974, %parallel_loop3A_975] {strides = array<i32>} : memref<2x4x1x1x512xi32, #tpu.memory_space<vmem>>, vector<16xi32>,
        %parallel_loop3A_977 = arith.constant 63 : i32
        %parallel_loop3A_978 = vector.broadcast %parallel_loop3A_977 : i32 to vector<16xi32>
        %parallel_loop3A_979 = arith.addi %parallel_loop3A_976, %parallel_loop3A_978 : vector<16xi32>
        %parallel_loop3A_980 = arith.constant 0 : i32
        %parallel_loop3A_981 = arith.constant 0 : i32
        %parallel_loop3A_982 = arith.constant 0 : i32
        %parallel_loop3A_983 = arith.constant 0 : i32
        %parallel_loop3A_984 = tpu.memref_slice %arg8[%parallel_loop3A_980, %parallel_loop3A_981, %parallel_loop3A_982, %parallel_loop3A_983] : memref<2x84x1x512xf32, #tpu.memory_space<vmem>> -> memref<1x84x1x512xf32, #tpu.memory_space<vmem>>
        %parallel_loop3A_985 = tpu.memref_squeeze %parallel_loop3A_984 : memref<1x84x1x512xf32, #tpu.memory_space<vmem>> -> memref<84x1x512xf32, #tpu.memory_space<vmem>>
        %parallel_loop3A_986 = tpu.vector_load_idx %parallel_loop3A_985[%parallel_loop3A_979, %broadcast_in_dim3A_5, %parallel_loop3A_799] : memref<84x1x512xf32, #tpu.memory_space<vmem>>[vector<16xi32>, vector<16xi32>, vector<16xi32>], vector<16xf32>,
        %parallel_loop3A_987 = arith.constant 9.99999974E-6 : f32
        %parallel_loop3A_988 = vector.broadcast %parallel_loop3A_987 : f32 to vector<16xf32>
        %parallel_loop3A_989 = arith.maximumf %parallel_loop3A_986, %parallel_loop3A_988 : vector<16xf32>
        %parallel_loop3A_990 = vector.bitcast %parallel_loop3A_989 : vector<16xf32> to vector<16xi32>
        %parallel_loop3A_991 = arith.constant 15 : i32
        %parallel_loop3A_992 = vector.broadcast %parallel_loop3A_991 : i32 to vector<16xi32>
        %parallel_loop3A_993 = arith.shrsi %parallel_loop3A_990, %parallel_loop3A_992 : vector<16xi32>
        %parallel_loop3A_994 = arith.constant 255 : i32
        %parallel_loop3A_995 = vector.broadcast %parallel_loop3A_994 : i32 to vector<16xi32>
        %parallel_loop3A_996 = arith.andi %parallel_loop3A_993, %parallel_loop3A_995 : vector<16xi32>
        %parallel_loop3A_997 = arith.constant 8388607 : i32
        %parallel_loop3A_998 = vector.broadcast %parallel_loop3A_997 : i32 to vector<16xi32>
        %parallel_loop3A_999 = arith.andi %parallel_loop3A_990, %parallel_loop3A_998 : vector<16xi32>
        %parallel_loop3A_1000 = arith.constant 1065353216 : i32
        %parallel_loop3A_1001 = vector.broadcast %parallel_loop3A_1000 : i32 to vector<16xi32>
        %parallel_loop3A_1002 = arith.ori %parallel_loop3A_999, %parallel_loop3A_1001 : vector<16xi32>
        %parallel_loop3A_1003 = vector.bitcast %parallel_loop3A_1002 : vector<16xi32> to vector<16xf32>
        %parallel_loop3A_1004 = tpu.vector_load_idx %arg10[%parallel_loop3A_996] : memref<256xf32, #tpu.memory_space<vmem>>[vector<16xi32>], vector<16xf32>,
        %parallel_loop3A_1005 = tpu.vector_load_idx %arg11[%parallel_loop3A_996] : memref<256xf32, #tpu.memory_space<vmem>>[vector<16xi32>], vector<16xf32>,
        %parallel_loop3A_1006 = arith.mulf %parallel_loop3A_1005, %parallel_loop3A_1003 : vector<16xf32>
        %parallel_loop3A_1007 = arith.addf %parallel_loop3A_1004, %parallel_loop3A_1006 : vector<16xf32>
        %parallel_loop3A_1008 = arith.constant 23 : i32
        %parallel_loop3A_1009 = vector.broadcast %parallel_loop3A_1008 : i32 to vector<16xi32>
        %parallel_loop3A_1010 = arith.shrsi %parallel_loop3A_990, %parallel_loop3A_1009 : vector<16xi32>
        %parallel_loop3A_1011 = arith.sitofp %parallel_loop3A_1010 : vector<16xi32> to vector<16xf32>
        %parallel_loop3A_1012 = arith.constant 0.693147182 : f32
        %parallel_loop3A_1013 = vector.broadcast %parallel_loop3A_1012 : f32 to vector<16xf32>
        %parallel_loop3A_1014 = arith.mulf %parallel_loop3A_1011, %parallel_loop3A_1013 : vector<16xf32>
        %parallel_loop3A_1015 = arith.subf %parallel_loop3A_1007, %parallel_loop3A_1014 : vector<16xf32>
        %parallel_loop3A_1016 = arith.constant 1.000000e+00 : f32
        %parallel_loop3A_1017 = vector.broadcast %parallel_loop3A_1016 : f32 to vector<16xf32>
        %parallel_loop3A_1018 = arith.subf %parallel_loop3A_1017, %parallel_loop3A_989 : vector<16xf32>
        %parallel_loop3A_1019 = arith.mulf %parallel_loop3A_1018, %parallel_loop3A_1018 : vector<16xf32>
        %parallel_loop3A_1020 = arith.mulf %parallel_loop3A_1019, %parallel_loop3A_1015 : vector<16xf32>
        %parallel_loop3A_1021 = arith.addf %parallel_loop3A_966, %parallel_loop3A_1020 : vector<16xf32>
        %parallel_loop3A_1022 = arith.addi %mul3A_10, %parallel_loop3A_811 : vector<16xi32>
        tpu.vector_store_idx %arg12[%parallel_loop3A_1022], %parallel_loop3A_1021 {add = true} : memref<352xf32, #tpu.memory_space<vmem>>[vector<16xi32>], vector<16xf32>,
        tpu.vector_store_idx %arg13[%parallel_loop3A_1022], %broadcast_in_dim3A_7 {add = true} : memref<352xf32, #tpu.memory_space<vmem>>[vector<16xi32>], vector<16xf32>,
        %parallel_loop3A_1023 = arith.addi %mul3A_10, %parallel_loop3A_866 : vector<16xi32>
        tpu.vector_store_idx %arg12[%parallel_loop3A_1023], %parallel_loop3A_1021 {add = true} : memref<352xf32, #tpu.memory_space<vmem>>[vector<16xi32>], vector<16xf32>,
        tpu.vector_store_idx %arg13[%parallel_loop3A_1023], %broadcast_in_dim3A_7 {add = true} : memref<352xf32, #tpu.memory_space<vmem>>[vector<16xi32>], vector<16xf32>,
        %parallel_loop3A_1024 = arith.addi %mul3A_10, %parallel_loop3A_921 : vector<16xi32>
        tpu.vector_store_idx %arg12[%parallel_loop3A_1024], %parallel_loop3A_1021 {add = true} : memref<352xf32, #tpu.memory_space<vmem>>[vector<16xi32>], vector<16xf32>,
        tpu.vector_store_idx %arg13[%parallel_loop3A_1024], %broadcast_in_dim3A_7 {add = true} : memref<352xf32, #tpu.memory_space<vmem>>[vector<16xi32>], vector<16xf32>,
        %parallel_loop3A_1025 = arith.addi %mul3A_10, %parallel_loop3A_976 : vector<16xi32>
        tpu.vector_store_idx %arg12[%parallel_loop3A_1025], %parallel_loop3A_1021 {add = true} : memref<352xf32, #tpu.memory_space<vmem>>[vector<16xi32>], vector<16xf32>,
        tpu.vector_store_idx %arg13[%parallel_loop3A_1025], %broadcast_in_dim3A_7 {add = true} : memref<352xf32, #tpu.memory_space<vmem>>[vector<16xi32>], vector<16xf32>,
        %parallel_loop3A_1026 = arith.constant 16 : i32
        %parallel_loop3A_1027 = arith.addi %parallel_loop3A_797, %parallel_loop3A_1026 : i32
        %parallel_loop3A_1028 = vector.broadcast %parallel_loop3A_1027 : i32 to vector<16xi32>
        %parallel_loop3A_1029 = arith.addi %parallel_loop3A_1028, %iota3A : vector<16xi32>
        %parallel_loop3A_1030 = arith.constant 0.000000e+00 : f32
        %parallel_loop3A_1031 = vector.broadcast %parallel_loop3A_1030 : f32 to vector<16xf32>
        %parallel_loop3A_1032 = arith.constant 0 : i32
        %parallel_loop3A_1033 = arith.constant 0 : i32
        %parallel_loop3A_1034 = arith.constant 0 : i32
        %parallel_loop3A_1035 = arith.constant 0 : i32
        %parallel_loop3A_1036 = arith.index_cast %parallel_loop3A_1032 : i32 to index
        %parallel_loop3A_1037 = arith.index_cast %parallel_loop3A_1033 : i32 to index
        %parallel_loop3A_1038 = arith.index_cast %parallel_loop3A_1034 : i32 to index
        %parallel_loop3A_1039 = arith.index_cast %parallel_loop3A_1035 : i32 to index
        %parallel_loop3A_1040 = arith.index_cast %parallel_loop3A_1027 : i32 to index
        %parallel_loop3A_1041 = tpu.vector_load %arg9[%parallel_loop3A_1036, %parallel_loop3A_1037, %parallel_loop3A_1038, %parallel_loop3A_1039, %parallel_loop3A_1040] {strides = array<i32>} : memref<2x4x1x1x512xi32, #tpu.memory_space<vmem>>, vector<16xi32>,
        %parallel_loop3A_1042 = arith.constant 0 : i32
        %parallel_loop3A_1043 = vector.broadcast %parallel_loop3A_1042 : i32 to vector<16xi32>
        %parallel_loop3A_1044 = arith.addi %parallel_loop3A_1041, %parallel_loop3A_1043 : vector<16xi32>
        %parallel_loop3A_1045 = arith.constant 0 : i32
        %parallel_loop3A_1046 = arith.constant 0 : i32
        %parallel_loop3A_1047 = arith.constant 0 : i32
        %parallel_loop3A_1048 = arith.constant 0 : i32
        %parallel_loop3A_1049 = tpu.memref_slice %arg8[%parallel_loop3A_1045, %parallel_loop3A_1046, %parallel_loop3A_1047, %parallel_loop3A_1048] : memref<2x84x1x512xf32, #tpu.memory_space<vmem>> -> memref<1x84x1x512xf32, #tpu.memory_space<vmem>>
        %parallel_loop3A_1050 = tpu.memref_squeeze %parallel_loop3A_1049 : memref<1x84x1x512xf32, #tpu.memory_space<vmem>> -> memref<84x1x512xf32, #tpu.memory_space<vmem>>
        %parallel_loop3A_1051 = tpu.vector_load_idx %parallel_loop3A_1050[%parallel_loop3A_1044, %broadcast_in_dim3A_5, %parallel_loop3A_1029] : memref<84x1x512xf32, #tpu.memory_space<vmem>>[vector<16xi32>, vector<16xi32>, vector<16xi32>], vector<16xf32>,
        %parallel_loop3A_1052 = arith.constant 9.99999974E-6 : f32
        %parallel_loop3A_1053 = vector.broadcast %parallel_loop3A_1052 : f32 to vector<16xf32>
        %parallel_loop3A_1054 = arith.maximumf %parallel_loop3A_1051, %parallel_loop3A_1053 : vector<16xf32>
        %parallel_loop3A_1055 = vector.bitcast %parallel_loop3A_1054 : vector<16xf32> to vector<16xi32>
        %parallel_loop3A_1056 = arith.constant 15 : i32
        %parallel_loop3A_1057 = vector.broadcast %parallel_loop3A_1056 : i32 to vector<16xi32>
        %parallel_loop3A_1058 = arith.shrsi %parallel_loop3A_1055, %parallel_loop3A_1057 : vector<16xi32>
        %parallel_loop3A_1059 = arith.constant 255 : i32
        %parallel_loop3A_1060 = vector.broadcast %parallel_loop3A_1059 : i32 to vector<16xi32>
        %parallel_loop3A_1061 = arith.andi %parallel_loop3A_1058, %parallel_loop3A_1060 : vector<16xi32>
        %parallel_loop3A_1062 = arith.constant 8388607 : i32
        %parallel_loop3A_1063 = vector.broadcast %parallel_loop3A_1062 : i32 to vector<16xi32>
        %parallel_loop3A_1064 = arith.andi %parallel_loop3A_1055, %parallel_loop3A_1063 : vector<16xi32>
        %parallel_loop3A_1065 = arith.constant 1065353216 : i32
        %parallel_loop3A_1066 = vector.broadcast %parallel_loop3A_1065 : i32 to vector<16xi32>
        %parallel_loop3A_1067 = arith.ori %parallel_loop3A_1064, %parallel_loop3A_1066 : vector<16xi32>
        %parallel_loop3A_1068 = vector.bitcast %parallel_loop3A_1067 : vector<16xi32> to vector<16xf32>
        %parallel_loop3A_1069 = tpu.vector_load_idx %arg10[%parallel_loop3A_1061] : memref<256xf32, #tpu.memory_space<vmem>>[vector<16xi32>], vector<16xf32>,
        %parallel_loop3A_1070 = tpu.vector_load_idx %arg11[%parallel_loop3A_1061] : memref<256xf32, #tpu.memory_space<vmem>>[vector<16xi32>], vector<16xf32>,
        %parallel_loop3A_1071 = arith.mulf %parallel_loop3A_1070, %parallel_loop3A_1068 : vector<16xf32>
        %parallel_loop3A_1072 = arith.addf %parallel_loop3A_1069, %parallel_loop3A_1071 : vector<16xf32>
        %parallel_loop3A_1073 = arith.constant 23 : i32
        %parallel_loop3A_1074 = vector.broadcast %parallel_loop3A_1073 : i32 to vector<16xi32>
        %parallel_loop3A_1075 = arith.shrsi %parallel_loop3A_1055, %parallel_loop3A_1074 : vector<16xi32>
        %parallel_loop3A_1076 = arith.sitofp %parallel_loop3A_1075 : vector<16xi32> to vector<16xf32>
        %parallel_loop3A_1077 = arith.constant 0.693147182 : f32
        %parallel_loop3A_1078 = vector.broadcast %parallel_loop3A_1077 : f32 to vector<16xf32>
        %parallel_loop3A_1079 = arith.mulf %parallel_loop3A_1076, %parallel_loop3A_1078 : vector<16xf32>
        %parallel_loop3A_1080 = arith.subf %parallel_loop3A_1072, %parallel_loop3A_1079 : vector<16xf32>
        %parallel_loop3A_1081 = arith.constant 1.000000e+00 : f32
        %parallel_loop3A_1082 = vector.broadcast %parallel_loop3A_1081 : f32 to vector<16xf32>
        %parallel_loop3A_1083 = arith.subf %parallel_loop3A_1082, %parallel_loop3A_1054 : vector<16xf32>
        %parallel_loop3A_1084 = arith.mulf %parallel_loop3A_1083, %parallel_loop3A_1083 : vector<16xf32>
        %parallel_loop3A_1085 = arith.mulf %parallel_loop3A_1084, %parallel_loop3A_1080 : vector<16xf32>
        %parallel_loop3A_1086 = arith.addf %parallel_loop3A_1031, %parallel_loop3A_1085 : vector<16xf32>
        %parallel_loop3A_1087 = arith.constant 0 : i32
        %parallel_loop3A_1088 = arith.constant 1 : i32
        %parallel_loop3A_1089 = arith.constant 0 : i32
        %parallel_loop3A_1090 = arith.constant 0 : i32
        %parallel_loop3A_1091 = arith.index_cast %parallel_loop3A_1087 : i32 to index
        %parallel_loop3A_1092 = arith.index_cast %parallel_loop3A_1088 : i32 to index
        %parallel_loop3A_1093 = arith.index_cast %parallel_loop3A_1089 : i32 to index
        %parallel_loop3A_1094 = arith.index_cast %parallel_loop3A_1090 : i32 to index
        %parallel_loop3A_1095 = arith.index_cast %parallel_loop3A_1027 : i32 to index
        %parallel_loop3A_1096 = tpu.vector_load %arg9[%parallel_loop3A_1091, %parallel_loop3A_1092, %parallel_loop3A_1093, %parallel_loop3A_1094, %parallel_loop3A_1095] {strides = array<i32>} : memref<2x4x1x1x512xi32, #tpu.memory_space<vmem>>, vector<16xi32>,
        %parallel_loop3A_1097 = arith.constant 21 : i32
        %parallel_loop3A_1098 = vector.broadcast %parallel_loop3A_1097 : i32 to vector<16xi32>
        %parallel_loop3A_1099 = arith.addi %parallel_loop3A_1096, %parallel_loop3A_1098 : vector<16xi32>
        %parallel_loop3A_1100 = arith.constant 0 : i32
        %parallel_loop3A_1101 = arith.constant 0 : i32
        %parallel_loop3A_1102 = arith.constant 0 : i32
        %parallel_loop3A_1103 = arith.constant 0 : i32
        %parallel_loop3A_1104 = tpu.memref_slice %arg8[%parallel_loop3A_1100, %parallel_loop3A_1101, %parallel_loop3A_1102, %parallel_loop3A_1103] : memref<2x84x1x512xf32, #tpu.memory_space<vmem>> -> memref<1x84x1x512xf32, #tpu.memory_space<vmem>>
        %parallel_loop3A_1105 = tpu.memref_squeeze %parallel_loop3A_1104 : memref<1x84x1x512xf32, #tpu.memory_space<vmem>> -> memref<84x1x512xf32, #tpu.memory_space<vmem>>
        %parallel_loop3A_1106 = tpu.vector_load_idx %parallel_loop3A_1105[%parallel_loop3A_1099, %broadcast_in_dim3A_5, %parallel_loop3A_1029] : memref<84x1x512xf32, #tpu.memory_space<vmem>>[vector<16xi32>, vector<16xi32>, vector<16xi32>], vector<16xf32>,
        %parallel_loop3A_1107 = arith.constant 9.99999974E-6 : f32
        %parallel_loop3A_1108 = vector.broadcast %parallel_loop3A_1107 : f32 to vector<16xf32>
        %parallel_loop3A_1109 = arith.maximumf %parallel_loop3A_1106, %parallel_loop3A_1108 : vector<16xf32>
        %parallel_loop3A_1110 = vector.bitcast %parallel_loop3A_1109 : vector<16xf32> to vector<16xi32>
        %parallel_loop3A_1111 = arith.constant 15 : i32
        %parallel_loop3A_1112 = vector.broadcast %parallel_loop3A_1111 : i32 to vector<16xi32>
        %parallel_loop3A_1113 = arith.shrsi %parallel_loop3A_1110, %parallel_loop3A_1112 : vector<16xi32>
        %parallel_loop3A_1114 = arith.constant 255 : i32
        %parallel_loop3A_1115 = vector.broadcast %parallel_loop3A_1114 : i32 to vector<16xi32>
        %parallel_loop3A_1116 = arith.andi %parallel_loop3A_1113, %parallel_loop3A_1115 : vector<16xi32>
        %parallel_loop3A_1117 = arith.constant 8388607 : i32
        %parallel_loop3A_1118 = vector.broadcast %parallel_loop3A_1117 : i32 to vector<16xi32>
        %parallel_loop3A_1119 = arith.andi %parallel_loop3A_1110, %parallel_loop3A_1118 : vector<16xi32>
        %parallel_loop3A_1120 = arith.constant 1065353216 : i32
        %parallel_loop3A_1121 = vector.broadcast %parallel_loop3A_1120 : i32 to vector<16xi32>
        %parallel_loop3A_1122 = arith.ori %parallel_loop3A_1119, %parallel_loop3A_1121 : vector<16xi32>
        %parallel_loop3A_1123 = vector.bitcast %parallel_loop3A_1122 : vector<16xi32> to vector<16xf32>
        %parallel_loop3A_1124 = tpu.vector_load_idx %arg10[%parallel_loop3A_1116] : memref<256xf32, #tpu.memory_space<vmem>>[vector<16xi32>], vector<16xf32>,
        %parallel_loop3A_1125 = tpu.vector_load_idx %arg11[%parallel_loop3A_1116] : memref<256xf32, #tpu.memory_space<vmem>>[vector<16xi32>], vector<16xf32>,
        %parallel_loop3A_1126 = arith.mulf %parallel_loop3A_1125, %parallel_loop3A_1123 : vector<16xf32>
        %parallel_loop3A_1127 = arith.addf %parallel_loop3A_1124, %parallel_loop3A_1126 : vector<16xf32>
        %parallel_loop3A_1128 = arith.constant 23 : i32
        %parallel_loop3A_1129 = vector.broadcast %parallel_loop3A_1128 : i32 to vector<16xi32>
        %parallel_loop3A_1130 = arith.shrsi %parallel_loop3A_1110, %parallel_loop3A_1129 : vector<16xi32>
        %parallel_loop3A_1131 = arith.sitofp %parallel_loop3A_1130 : vector<16xi32> to vector<16xf32>
        %parallel_loop3A_1132 = arith.constant 0.693147182 : f32
        %parallel_loop3A_1133 = vector.broadcast %parallel_loop3A_1132 : f32 to vector<16xf32>
        %parallel_loop3A_1134 = arith.mulf %parallel_loop3A_1131, %parallel_loop3A_1133 : vector<16xf32>
        %parallel_loop3A_1135 = arith.subf %parallel_loop3A_1127, %parallel_loop3A_1134 : vector<16xf32>
        %parallel_loop3A_1136 = arith.constant 1.000000e+00 : f32
        %parallel_loop3A_1137 = vector.broadcast %parallel_loop3A_1136 : f32 to vector<16xf32>
        %parallel_loop3A_1138 = arith.subf %parallel_loop3A_1137, %parallel_loop3A_1109 : vector<16xf32>
        %parallel_loop3A_1139 = arith.mulf %parallel_loop3A_1138, %parallel_loop3A_1138 : vector<16xf32>
        %parallel_loop3A_1140 = arith.mulf %parallel_loop3A_1139, %parallel_loop3A_1135 : vector<16xf32>
        %parallel_loop3A_1141 = arith.addf %parallel_loop3A_1086, %parallel_loop3A_1140 : vector<16xf32>
        %parallel_loop3A_1142 = arith.constant 0 : i32
        %parallel_loop3A_1143 = arith.constant 2 : i32
        %parallel_loop3A_1144 = arith.constant 0 : i32
        %parallel_loop3A_1145 = arith.constant 0 : i32
        %parallel_loop3A_1146 = arith.index_cast %parallel_loop3A_1142 : i32 to index
        %parallel_loop3A_1147 = arith.index_cast %parallel_loop3A_1143 : i32 to index
        %parallel_loop3A_1148 = arith.index_cast %parallel_loop3A_1144 : i32 to index
        %parallel_loop3A_1149 = arith.index_cast %parallel_loop3A_1145 : i32 to index
        %parallel_loop3A_1150 = arith.index_cast %parallel_loop3A_1027 : i32 to index
        %parallel_loop3A_1151 = tpu.vector_load %arg9[%parallel_loop3A_1146, %parallel_loop3A_1147, %parallel_loop3A_1148, %parallel_loop3A_1149, %parallel_loop3A_1150] {strides = array<i32>} : memref<2x4x1x1x512xi32, #tpu.memory_space<vmem>>, vector<16xi32>,
        %parallel_loop3A_1152 = arith.constant 42 : i32
        %parallel_loop3A_1153 = vector.broadcast %parallel_loop3A_1152 : i32 to vector<16xi32>
        %parallel_loop3A_1154 = arith.addi %parallel_loop3A_1151, %parallel_loop3A_1153 : vector<16xi32>
        %parallel_loop3A_1155 = arith.constant 0 : i32
        %parallel_loop3A_1156 = arith.constant 0 : i32
        %parallel_loop3A_1157 = arith.constant 0 : i32
        %parallel_loop3A_1158 = arith.constant 0 : i32
        %parallel_loop3A_1159 = tpu.memref_slice %arg8[%parallel_loop3A_1155, %parallel_loop3A_1156, %parallel_loop3A_1157, %parallel_loop3A_1158] : memref<2x84x1x512xf32, #tpu.memory_space<vmem>> -> memref<1x84x1x512xf32, #tpu.memory_space<vmem>>
        %parallel_loop3A_1160 = tpu.memref_squeeze %parallel_loop3A_1159 : memref<1x84x1x512xf32, #tpu.memory_space<vmem>> -> memref<84x1x512xf32, #tpu.memory_space<vmem>>
        %parallel_loop3A_1161 = tpu.vector_load_idx %parallel_loop3A_1160[%parallel_loop3A_1154, %broadcast_in_dim3A_5, %parallel_loop3A_1029] : memref<84x1x512xf32, #tpu.memory_space<vmem>>[vector<16xi32>, vector<16xi32>, vector<16xi32>], vector<16xf32>,
        %parallel_loop3A_1162 = arith.constant 9.99999974E-6 : f32
        %parallel_loop3A_1163 = vector.broadcast %parallel_loop3A_1162 : f32 to vector<16xf32>
        %parallel_loop3A_1164 = arith.maximumf %parallel_loop3A_1161, %parallel_loop3A_1163 : vector<16xf32>
        %parallel_loop3A_1165 = vector.bitcast %parallel_loop3A_1164 : vector<16xf32> to vector<16xi32>
        %parallel_loop3A_1166 = arith.constant 15 : i32
        %parallel_loop3A_1167 = vector.broadcast %parallel_loop3A_1166 : i32 to vector<16xi32>
        %parallel_loop3A_1168 = arith.shrsi %parallel_loop3A_1165, %parallel_loop3A_1167 : vector<16xi32>
        %parallel_loop3A_1169 = arith.constant 255 : i32
        %parallel_loop3A_1170 = vector.broadcast %parallel_loop3A_1169 : i32 to vector<16xi32>
        %parallel_loop3A_1171 = arith.andi %parallel_loop3A_1168, %parallel_loop3A_1170 : vector<16xi32>
        %parallel_loop3A_1172 = arith.constant 8388607 : i32
        %parallel_loop3A_1173 = vector.broadcast %parallel_loop3A_1172 : i32 to vector<16xi32>
        %parallel_loop3A_1174 = arith.andi %parallel_loop3A_1165, %parallel_loop3A_1173 : vector<16xi32>
        %parallel_loop3A_1175 = arith.constant 1065353216 : i32
        %parallel_loop3A_1176 = vector.broadcast %parallel_loop3A_1175 : i32 to vector<16xi32>
        %parallel_loop3A_1177 = arith.ori %parallel_loop3A_1174, %parallel_loop3A_1176 : vector<16xi32>
        %parallel_loop3A_1178 = vector.bitcast %parallel_loop3A_1177 : vector<16xi32> to vector<16xf32>
        %parallel_loop3A_1179 = tpu.vector_load_idx %arg10[%parallel_loop3A_1171] : memref<256xf32, #tpu.memory_space<vmem>>[vector<16xi32>], vector<16xf32>,
        %parallel_loop3A_1180 = tpu.vector_load_idx %arg11[%parallel_loop3A_1171] : memref<256xf32, #tpu.memory_space<vmem>>[vector<16xi32>], vector<16xf32>,
        %parallel_loop3A_1181 = arith.mulf %parallel_loop3A_1180, %parallel_loop3A_1178 : vector<16xf32>
        %parallel_loop3A_1182 = arith.addf %parallel_loop3A_1179, %parallel_loop3A_1181 : vector<16xf32>
        %parallel_loop3A_1183 = arith.constant 23 : i32
        %parallel_loop3A_1184 = vector.broadcast %parallel_loop3A_1183 : i32 to vector<16xi32>
        %parallel_loop3A_1185 = arith.shrsi %parallel_loop3A_1165, %parallel_loop3A_1184 : vector<16xi32>
        %parallel_loop3A_1186 = arith.sitofp %parallel_loop3A_1185 : vector<16xi32> to vector<16xf32>
        %parallel_loop3A_1187 = arith.constant 0.693147182 : f32
        %parallel_loop3A_1188 = vector.broadcast %parallel_loop3A_1187 : f32 to vector<16xf32>
        %parallel_loop3A_1189 = arith.mulf %parallel_loop3A_1186, %parallel_loop3A_1188 : vector<16xf32>
        %parallel_loop3A_1190 = arith.subf %parallel_loop3A_1182, %parallel_loop3A_1189 : vector<16xf32>
        %parallel_loop3A_1191 = arith.constant 1.000000e+00 : f32
        %parallel_loop3A_1192 = vector.broadcast %parallel_loop3A_1191 : f32 to vector<16xf32>
        %parallel_loop3A_1193 = arith.subf %parallel_loop3A_1192, %parallel_loop3A_1164 : vector<16xf32>
        %parallel_loop3A_1194 = arith.mulf %parallel_loop3A_1193, %parallel_loop3A_1193 : vector<16xf32>
        %parallel_loop3A_1195 = arith.mulf %parallel_loop3A_1194, %parallel_loop3A_1190 : vector<16xf32>
        %parallel_loop3A_1196 = arith.addf %parallel_loop3A_1141, %parallel_loop3A_1195 : vector<16xf32>
        %parallel_loop3A_1197 = arith.constant 0 : i32
        %parallel_loop3A_1198 = arith.constant 3 : i32
        %parallel_loop3A_1199 = arith.constant 0 : i32
        %parallel_loop3A_1200 = arith.constant 0 : i32
        %parallel_loop3A_1201 = arith.index_cast %parallel_loop3A_1197 : i32 to index
        %parallel_loop3A_1202 = arith.index_cast %parallel_loop3A_1198 : i32 to index
        %parallel_loop3A_1203 = arith.index_cast %parallel_loop3A_1199 : i32 to index
        %parallel_loop3A_1204 = arith.index_cast %parallel_loop3A_1200 : i32 to index
        %parallel_loop3A_1205 = arith.index_cast %parallel_loop3A_1027 : i32 to index
        %parallel_loop3A_1206 = tpu.vector_load %arg9[%parallel_loop3A_1201, %parallel_loop3A_1202, %parallel_loop3A_1203, %parallel_loop3A_1204, %parallel_loop3A_1205] {strides = array<i32>} : memref<2x4x1x1x512xi32, #tpu.memory_space<vmem>>, vector<16xi32>,
        %parallel_loop3A_1207 = arith.constant 63 : i32
        %parallel_loop3A_1208 = vector.broadcast %parallel_loop3A_1207 : i32 to vector<16xi32>
        %parallel_loop3A_1209 = arith.addi %parallel_loop3A_1206, %parallel_loop3A_1208 : vector<16xi32>
        %parallel_loop3A_1210 = arith.constant 0 : i32
        %parallel_loop3A_1211 = arith.constant 0 : i32
        %parallel_loop3A_1212 = arith.constant 0 : i32
        %parallel_loop3A_1213 = arith.constant 0 : i32
        %parallel_loop3A_1214 = tpu.memref_slice %arg8[%parallel_loop3A_1210, %parallel_loop3A_1211, %parallel_loop3A_1212, %parallel_loop3A_1213] : memref<2x84x1x512xf32, #tpu.memory_space<vmem>> -> memref<1x84x1x512xf32, #tpu.memory_space<vmem>>
        %parallel_loop3A_1215 = tpu.memref_squeeze %parallel_loop3A_1214 : memref<1x84x1x512xf32, #tpu.memory_space<vmem>> -> memref<84x1x512xf32, #tpu.memory_space<vmem>>
        %parallel_loop3A_1216 = tpu.vector_load_idx %parallel_loop3A_1215[%parallel_loop3A_1209, %broadcast_in_dim3A_5, %parallel_loop3A_1029] : memref<84x1x512xf32, #tpu.memory_space<vmem>>[vector<16xi32>, vector<16xi32>, vector<16xi32>], vector<16xf32>,
        %parallel_loop3A_1217 = arith.constant 9.99999974E-6 : f32
        %parallel_loop3A_1218 = vector.broadcast %parallel_loop3A_1217 : f32 to vector<16xf32>
        %parallel_loop3A_1219 = arith.maximumf %parallel_loop3A_1216, %parallel_loop3A_1218 : vector<16xf32>
        %parallel_loop3A_1220 = vector.bitcast %parallel_loop3A_1219 : vector<16xf32> to vector<16xi32>
        %parallel_loop3A_1221 = arith.constant 15 : i32
        %parallel_loop3A_1222 = vector.broadcast %parallel_loop3A_1221 : i32 to vector<16xi32>
        %parallel_loop3A_1223 = arith.shrsi %parallel_loop3A_1220, %parallel_loop3A_1222 : vector<16xi32>
        %parallel_loop3A_1224 = arith.constant 255 : i32
        %parallel_loop3A_1225 = vector.broadcast %parallel_loop3A_1224 : i32 to vector<16xi32>
        %parallel_loop3A_1226 = arith.andi %parallel_loop3A_1223, %parallel_loop3A_1225 : vector<16xi32>
        %parallel_loop3A_1227 = arith.constant 8388607 : i32
        %parallel_loop3A_1228 = vector.broadcast %parallel_loop3A_1227 : i32 to vector<16xi32>
        %parallel_loop3A_1229 = arith.andi %parallel_loop3A_1220, %parallel_loop3A_1228 : vector<16xi32>
        %parallel_loop3A_1230 = arith.constant 1065353216 : i32
        %parallel_loop3A_1231 = vector.broadcast %parallel_loop3A_1230 : i32 to vector<16xi32>
        %parallel_loop3A_1232 = arith.ori %parallel_loop3A_1229, %parallel_loop3A_1231 : vector<16xi32>
        %parallel_loop3A_1233 = vector.bitcast %parallel_loop3A_1232 : vector<16xi32> to vector<16xf32>
        %parallel_loop3A_1234 = tpu.vector_load_idx %arg10[%parallel_loop3A_1226] : memref<256xf32, #tpu.memory_space<vmem>>[vector<16xi32>], vector<16xf32>,
        %parallel_loop3A_1235 = tpu.vector_load_idx %arg11[%parallel_loop3A_1226] : memref<256xf32, #tpu.memory_space<vmem>>[vector<16xi32>], vector<16xf32>,
        %parallel_loop3A_1236 = arith.mulf %parallel_loop3A_1235, %parallel_loop3A_1233 : vector<16xf32>
        %parallel_loop3A_1237 = arith.addf %parallel_loop3A_1234, %parallel_loop3A_1236 : vector<16xf32>
        %parallel_loop3A_1238 = arith.constant 23 : i32
        %parallel_loop3A_1239 = vector.broadcast %parallel_loop3A_1238 : i32 to vector<16xi32>
        %parallel_loop3A_1240 = arith.shrsi %parallel_loop3A_1220, %parallel_loop3A_1239 : vector<16xi32>
        %parallel_loop3A_1241 = arith.sitofp %parallel_loop3A_1240 : vector<16xi32> to vector<16xf32>
        %parallel_loop3A_1242 = arith.constant 0.693147182 : f32
        %parallel_loop3A_1243 = vector.broadcast %parallel_loop3A_1242 : f32 to vector<16xf32>
        %parallel_loop3A_1244 = arith.mulf %parallel_loop3A_1241, %parallel_loop3A_1243 : vector<16xf32>
        %parallel_loop3A_1245 = arith.subf %parallel_loop3A_1237, %parallel_loop3A_1244 : vector<16xf32>
        %parallel_loop3A_1246 = arith.constant 1.000000e+00 : f32
        %parallel_loop3A_1247 = vector.broadcast %parallel_loop3A_1246 : f32 to vector<16xf32>
        %parallel_loop3A_1248 = arith.subf %parallel_loop3A_1247, %parallel_loop3A_1219 : vector<16xf32>
        %parallel_loop3A_1249 = arith.mulf %parallel_loop3A_1248, %parallel_loop3A_1248 : vector<16xf32>
        %parallel_loop3A_1250 = arith.mulf %parallel_loop3A_1249, %parallel_loop3A_1245 : vector<16xf32>
        %parallel_loop3A_1251 = arith.addf %parallel_loop3A_1196, %parallel_loop3A_1250 : vector<16xf32>
        %parallel_loop3A_1252 = arith.addi %mul3A_10, %parallel_loop3A_1041 : vector<16xi32>
        tpu.vector_store_idx %arg12[%parallel_loop3A_1252], %parallel_loop3A_1251 {add = true} : memref<352xf32, #tpu.memory_space<vmem>>[vector<16xi32>], vector<16xf32>,
        tpu.vector_store_idx %arg13[%parallel_loop3A_1252], %broadcast_in_dim3A_7 {add = true} : memref<352xf32, #tpu.memory_space<vmem>>[vector<16xi32>], vector<16xf32>,
        %parallel_loop3A_1253 = arith.addi %mul3A_10, %parallel_loop3A_1096 : vector<16xi32>
        tpu.vector_store_idx %arg12[%parallel_loop3A_1253], %parallel_loop3A_1251 {add = true} : memref<352xf32, #tpu.memory_space<vmem>>[vector<16xi32>], vector<16xf32>,
        tpu.vector_store_idx %arg13[%parallel_loop3A_1253], %broadcast_in_dim3A_7 {add = true} : memref<352xf32, #tpu.memory_space<vmem>>[vector<16xi32>], vector<16xf32>,
        %parallel_loop3A_1254 = arith.addi %mul3A_10, %parallel_loop3A_1151 : vector<16xi32>
        tpu.vector_store_idx %arg12[%parallel_loop3A_1254], %parallel_loop3A_1251 {add = true} : memref<352xf32, #tpu.memory_space<vmem>>[vector<16xi32>], vector<16xf32>,
        tpu.vector_store_idx %arg13[%parallel_loop3A_1254], %broadcast_in_dim3A_7 {add = true} : memref<352xf32, #tpu.memory_space<vmem>>[vector<16xi32>], vector<16xf32>,
        %parallel_loop3A_1255 = arith.addi %mul3A_10, %parallel_loop3A_1206 : vector<16xi32>
        tpu.vector_store_idx %arg12[%parallel_loop3A_1255], %parallel_loop3A_1251 {add = true} : memref<352xf32, #tpu.memory_space<vmem>>[vector<16xi32>], vector<16xf32>,
        tpu.vector_store_idx %arg13[%parallel_loop3A_1255], %broadcast_in_dim3A_7 {add = true} : memref<352xf32, #tpu.memory_space<vmem>>[vector<16xi32>], vector<16xf32>,
      } {sc.loop_unroll_factor = 1 : i64, sc.parallel_access}
      %add3A_679 = arith.constant 2 : i32
      %add3A_680 = arith.addi %mul3A_461, %add3A_679 : i32
      %lt3A = arith.constant 16 : i32
      %lt3A_681 = arith.cmpi slt, %add3A_680, %lt3A : i32
      %convert_element_type3A = arith.extui %lt3A_681 : i1 to i32
      %cond3A = arith.constant 0 : i32
      %cond3A_682 = arith.cmpi ne, %convert_element_type3A, %cond3A : i32
      scf.if %cond3A_682 {
        %add3A_797 = arith.constant 2 : i32
        %add3A_798 = arith.addi %mul3A_461, %add3A_797 : i32
        %add3A_799 = arith.addi %mul3A_2, %add3A_798 : i32
        %dma_start3A_800 = arith.constant 0 : i32
        %dma_start3A_801 = arith.constant 0 : i32
        %dma_start3A_802 = arith.constant 0 : i32
        %dma_start3A_803 = arith.constant 0 : i32
        %dma_start3A_804 = arith.constant 0 : i32
        %dma_start3A_805 = tpu.memref_slice %arg8[%dma_start3A_801, %dma_start3A_802, %dma_start3A_803, %dma_start3A_804] : memref<2x84x1x512xf32, #tpu.memory_space<vmem>> -> memref<1x21x1x512xf32, #tpu.memory_space<vmem>>
        %dma_start3A_806 = tpu.memref_squeeze %dma_start3A_805 : memref<1x21x1x512xf32, #tpu.memory_space<vmem>> -> memref<21x1x512xf32, #tpu.memory_space<vmem>>
        %dma_start3A_807 = arith.constant 0 : i32
        %dma_start3A_808 = arith.constant 0 : i32
        %dma_start3A_809 = tpu.memref_slice %arg2[%dma_start3A_800, %dma_start3A_807, %add3A_799, %dma_start3A_808] : memref<4x21x512x512xf32, #tpu.memory_space<hbm>> -> memref<1x21x1x512xf32, #tpu.memory_space<hbm>>
        %dma_start3A_810 = tpu.memref_squeeze %dma_start3A_809 : memref<1x21x1x512xf32, #tpu.memory_space<hbm>> -> memref<21x1x512xf32, #tpu.memory_space<hbm>>
        %dma_start3A_811 = arith.constant 0 : i32
        %dma_start3A_812 = arith.constant 0 : i32
        %dma_start3A_813 = arith.constant 0 : i32
        %dma_start3A_814 = tpu.memref_slice %arg8[%dma_start3A_801, %dma_start3A_811, %dma_start3A_812, %dma_start3A_813] : memref<2x84x1x512xf32, #tpu.memory_space<vmem>> -> memref<1x21x1x512xf32, #tpu.memory_space<vmem>>
        %dma_start3A_815 = tpu.memref_squeeze %dma_start3A_814 : memref<1x21x1x512xf32, #tpu.memory_space<vmem>> -> memref<21x1x512xf32, #tpu.memory_space<vmem>>
        %dma_start3A_816 = arith.constant 0 : i32
        %dma_start3A_817 = arith.constant 0 : i32
        %dma_start3A_818 = tpu.memref_slice %arg2[%dma_start3A_800, %dma_start3A_816, %add3A_799, %dma_start3A_817] : memref<4x21x512x512xf32, #tpu.memory_space<hbm>> -> memref<1x21x1x512xf32, #tpu.memory_space<hbm>>
        %dma_start3A_819 = tpu.memref_squeeze %dma_start3A_818 : memref<1x21x1x512xf32, #tpu.memory_space<hbm>> -> memref<21x1x512xf32, #tpu.memory_space<hbm>>
        tpu.enqueue_dma source(%dma_start3A_819 : memref<21x1x512xf32, #tpu.memory_space<hbm>>) target(%dma_start3A_815 : memref<21x1x512xf32, #tpu.memory_space<vmem>>) target_semaphore(%arg16 : memref<!tpu.dma_semaphore, #tpu.memory_space<semaphore_mem>>)
        %dma_start3A_820 = arith.constant 1 : i32
        %dma_start3A_821 = arith.constant 0 : i32
        %dma_start3A_822 = arith.constant 21 : i32
        %dma_start3A_823 = arith.constant 0 : i32
        %dma_start3A_824 = arith.constant 0 : i32
        %dma_start3A_825 = tpu.memref_slice %arg8[%dma_start3A_821, %dma_start3A_822, %dma_start3A_823, %dma_start3A_824] : memref<2x84x1x512xf32, #tpu.memory_space<vmem>> -> memref<1x21x1x512xf32, #tpu.memory_space<vmem>>
        %dma_start3A_826 = tpu.memref_squeeze %dma_start3A_825 : memref<1x21x1x512xf32, #tpu.memory_space<vmem>> -> memref<21x1x512xf32, #tpu.memory_space<vmem>>
        %dma_start3A_827 = arith.constant 0 : i32
        %dma_start3A_828 = arith.constant 0 : i32
        %dma_start3A_829 = tpu.memref_slice %arg2[%dma_start3A_820, %dma_start3A_827, %add3A_799, %dma_start3A_828] : memref<4x21x512x512xf32, #tpu.memory_space<hbm>> -> memref<1x21x1x512xf32, #tpu.memory_space<hbm>>
        %dma_start3A_830 = tpu.memref_squeeze %dma_start3A_829 : memref<1x21x1x512xf32, #tpu.memory_space<hbm>> -> memref<21x1x512xf32, #tpu.memory_space<hbm>>
        %dma_start3A_831 = arith.constant 21 : i32
        %dma_start3A_832 = arith.constant 0 : i32
        %dma_start3A_833 = arith.constant 0 : i32
        %dma_start3A_834 = tpu.memref_slice %arg8[%dma_start3A_821, %dma_start3A_831, %dma_start3A_832, %dma_start3A_833] : memref<2x84x1x512xf32, #tpu.memory_space<vmem>> -> memref<1x21x1x512xf32, #tpu.memory_space<vmem>>
        %dma_start3A_835 = tpu.memref_squeeze %dma_start3A_834 : memref<1x21x1x512xf32, #tpu.memory_space<vmem>> -> memref<21x1x512xf32, #tpu.memory_space<vmem>>
        %dma_start3A_836 = arith.constant 0 : i32
        %dma_start3A_837 = arith.constant 0 : i32
        %dma_start3A_838 = tpu.memref_slice %arg2[%dma_start3A_820, %dma_start3A_836, %add3A_799, %dma_start3A_837] : memref<4x21x512x512xf32, #tpu.memory_space<hbm>> -> memref<1x21x1x512xf32, #tpu.memory_space<hbm>>
        %dma_start3A_839 = tpu.memref_squeeze %dma_start3A_838 : memref<1x21x1x512xf32, #tpu.memory_space<hbm>> -> memref<21x1x512xf32, #tpu.memory_space<hbm>>
        tpu.enqueue_dma source(%dma_start3A_839 : memref<21x1x512xf32, #tpu.memory_space<hbm>>) target(%dma_start3A_835 : memref<21x1x512xf32, #tpu.memory_space<vmem>>) target_semaphore(%arg16 : memref<!tpu.dma_semaphore, #tpu.memory_space<semaphore_mem>>)
        %dma_start3A_840 = arith.constant 2 : i32
        %dma_start3A_841 = arith.constant 0 : i32
        %dma_start3A_842 = arith.constant 42 : i32
        %dma_start3A_843 = arith.constant 0 : i32
        %dma_start3A_844 = arith.constant 0 : i32
        %dma_start3A_845 = tpu.memref_slice %arg8[%dma_start3A_841, %dma_start3A_842, %dma_start3A_843, %dma_start3A_844] : memref<2x84x1x512xf32, #tpu.memory_space<vmem>> -> memref<1x21x1x512xf32, #tpu.memory_space<vmem>>
        %dma_start3A_846 = tpu.memref_squeeze %dma_start3A_845 : memref<1x21x1x512xf32, #tpu.memory_space<vmem>> -> memref<21x1x512xf32, #tpu.memory_space<vmem>>
        %dma_start3A_847 = arith.constant 0 : i32
        %dma_start3A_848 = arith.constant 0 : i32
        %dma_start3A_849 = tpu.memref_slice %arg2[%dma_start3A_840, %dma_start3A_847, %add3A_799, %dma_start3A_848] : memref<4x21x512x512xf32, #tpu.memory_space<hbm>> -> memref<1x21x1x512xf32, #tpu.memory_space<hbm>>
        %dma_start3A_850 = tpu.memref_squeeze %dma_start3A_849 : memref<1x21x1x512xf32, #tpu.memory_space<hbm>> -> memref<21x1x512xf32, #tpu.memory_space<hbm>>
        %dma_start3A_851 = arith.constant 42 : i32
        %dma_start3A_852 = arith.constant 0 : i32
        %dma_start3A_853 = arith.constant 0 : i32
        %dma_start3A_854 = tpu.memref_slice %arg8[%dma_start3A_841, %dma_start3A_851, %dma_start3A_852, %dma_start3A_853] : memref<2x84x1x512xf32, #tpu.memory_space<vmem>> -> memref<1x21x1x512xf32, #tpu.memory_space<vmem>>
        %dma_start3A_855 = tpu.memref_squeeze %dma_start3A_854 : memref<1x21x1x512xf32, #tpu.memory_space<vmem>> -> memref<21x1x512xf32, #tpu.memory_space<vmem>>
        %dma_start3A_856 = arith.constant 0 : i32
        %dma_start3A_857 = arith.constant 0 : i32
        %dma_start3A_858 = tpu.memref_slice %arg2[%dma_start3A_840, %dma_start3A_856, %add3A_799, %dma_start3A_857] : memref<4x21x512x512xf32, #tpu.memory_space<hbm>> -> memref<1x21x1x512xf32, #tpu.memory_space<hbm>>
        %dma_start3A_859 = tpu.memref_squeeze %dma_start3A_858 : memref<1x21x1x512xf32, #tpu.memory_space<hbm>> -> memref<21x1x512xf32, #tpu.memory_space<hbm>>
        tpu.enqueue_dma source(%dma_start3A_859 : memref<21x1x512xf32, #tpu.memory_space<hbm>>) target(%dma_start3A_855 : memref<21x1x512xf32, #tpu.memory_space<vmem>>) target_semaphore(%arg16 : memref<!tpu.dma_semaphore, #tpu.memory_space<semaphore_mem>>)
        %dma_start3A_860 = arith.constant 3 : i32
        %dma_start3A_861 = arith.constant 0 : i32
        %dma_start3A_862 = arith.constant 63 : i32
        %dma_start3A_863 = arith.constant 0 : i32
        %dma_start3A_864 = arith.constant 0 : i32
        %dma_start3A_865 = tpu.memref_slice %arg8[%dma_start3A_861, %dma_start3A_862, %dma_start3A_863, %dma_start3A_864] : memref<2x84x1x512xf32, #tpu.memory_space<vmem>> -> memref<1x21x1x512xf32, #tpu.memory_space<vmem>>
        %dma_start3A_866 = tpu.memref_squeeze %dma_start3A_865 : memref<1x21x1x512xf32, #tpu.memory_space<vmem>> -> memref<21x1x512xf32, #tpu.memory_space<vmem>>
        %dma_start3A_867 = arith.constant 0 : i32
        %dma_start3A_868 = arith.constant 0 : i32
        %dma_start3A_869 = tpu.memref_slice %arg2[%dma_start3A_860, %dma_start3A_867, %add3A_799, %dma_start3A_868] : memref<4x21x512x512xf32, #tpu.memory_space<hbm>> -> memref<1x21x1x512xf32, #tpu.memory_space<hbm>>
        %dma_start3A_870 = tpu.memref_squeeze %dma_start3A_869 : memref<1x21x1x512xf32, #tpu.memory_space<hbm>> -> memref<21x1x512xf32, #tpu.memory_space<hbm>>
        %dma_start3A_871 = arith.constant 63 : i32
        %dma_start3A_872 = arith.constant 0 : i32
        %dma_start3A_873 = arith.constant 0 : i32
        %dma_start3A_874 = tpu.memref_slice %arg8[%dma_start3A_861, %dma_start3A_871, %dma_start3A_872, %dma_start3A_873] : memref<2x84x1x512xf32, #tpu.memory_space<vmem>> -> memref<1x21x1x512xf32, #tpu.memory_space<vmem>>
        %dma_start3A_875 = tpu.memref_squeeze %dma_start3A_874 : memref<1x21x1x512xf32, #tpu.memory_space<vmem>> -> memref<21x1x512xf32, #tpu.memory_space<vmem>>
        %dma_start3A_876 = arith.constant 0 : i32
        %dma_start3A_877 = arith.constant 0 : i32
        %dma_start3A_878 = tpu.memref_slice %arg2[%dma_start3A_860, %dma_start3A_876, %add3A_799, %dma_start3A_877] : memref<4x21x512x512xf32, #tpu.memory_space<hbm>> -> memref<1x21x1x512xf32, #tpu.memory_space<hbm>>
        %dma_start3A_879 = tpu.memref_squeeze %dma_start3A_878 : memref<1x21x1x512xf32, #tpu.memory_space<hbm>> -> memref<21x1x512xf32, #tpu.memory_space<hbm>>
        tpu.enqueue_dma source(%dma_start3A_879 : memref<21x1x512xf32, #tpu.memory_space<hbm>>) target(%dma_start3A_875 : memref<21x1x512xf32, #tpu.memory_space<vmem>>) target_semaphore(%arg16 : memref<!tpu.dma_semaphore, #tpu.memory_space<semaphore_mem>>)
        %dma_start3A_880 = arith.constant 0 : i32
        %dma_start3A_881 = arith.constant 0 : i32
        %dma_start3A_882 = arith.constant 0 : i32
        %dma_start3A_883 = arith.constant 0 : i32
        %dma_start3A_884 = arith.constant 0 : i32
        %dma_start3A_885 = tpu.memref_slice %arg9[%dma_start3A_880, %dma_start3A_881, %dma_start3A_882, %dma_start3A_883, %dma_start3A_884] : memref<2x4x1x1x512xi32, #tpu.memory_space<vmem>> -> memref<1x4x1x1x512xi32, #tpu.memory_space<vmem>>
        %dma_start3A_886 = tpu.memref_squeeze %dma_start3A_885 : memref<1x4x1x1x512xi32, #tpu.memory_space<vmem>> -> memref<4x1x1x512xi32, #tpu.memory_space<vmem>>
        %dma_start3A_887 = arith.constant 0 : i32
        %dma_start3A_888 = arith.constant 0 : i32
        %dma_start3A_889 = arith.constant 0 : i32
        %dma_start3A_890 = tpu.memref_slice %arg3[%dma_start3A_887, %dma_start3A_888, %add3A_799, %dma_start3A_889] : memref<4x1x512x512xi32, #tpu.memory_space<hbm>> -> memref<4x1x1x512xi32, #tpu.memory_space<hbm>>
        %dma_start3A_891 = arith.constant 0 : i32
        %dma_start3A_892 = arith.constant 0 : i32
        %dma_start3A_893 = arith.constant 0 : i32
        %dma_start3A_894 = arith.constant 0 : i32
        %dma_start3A_895 = tpu.memref_slice %arg9[%dma_start3A_880, %dma_start3A_891, %dma_start3A_892, %dma_start3A_893, %dma_start3A_894] : memref<2x4x1x1x512xi32, #tpu.memory_space<vmem>> -> memref<1x4x1x1x512xi32, #tpu.memory_space<vmem>>
        %dma_start3A_896 = tpu.memref_squeeze %dma_start3A_895 : memref<1x4x1x1x512xi32, #tpu.memory_space<vmem>> -> memref<4x1x1x512xi32, #tpu.memory_space<vmem>>
        %dma_start3A_897 = arith.constant 0 : i32
        %dma_start3A_898 = arith.constant 0 : i32
        %dma_start3A_899 = arith.constant 0 : i32
        %dma_start3A_900 = tpu.memref_slice %arg3[%dma_start3A_897, %dma_start3A_898, %add3A_799, %dma_start3A_899] : memref<4x1x512x512xi32, #tpu.memory_space<hbm>> -> memref<4x1x1x512xi32, #tpu.memory_space<hbm>>
        tpu.enqueue_dma source(%dma_start3A_900 : memref<4x1x1x512xi32, #tpu.memory_space<hbm>>) target(%dma_start3A_896 : memref<4x1x1x512xi32, #tpu.memory_space<vmem>>) target_semaphore(%arg16 : memref<!tpu.dma_semaphore, #tpu.memory_space<semaphore_mem>>)
      } else {
      }
      %dma_wait3A_683 = arith.constant 0 : i32
      %dma_wait3A_684 = arith.constant 1 : i32
      %dma_wait3A_685 = arith.constant 0 : i32
      %dma_wait3A_686 = arith.constant 0 : i32
      %dma_wait3A_687 = arith.constant 0 : i32
      %dma_wait3A_688 = tpu.memref_slice %arg8[%dma_wait3A_684, %dma_wait3A_685, %dma_wait3A_686, %dma_wait3A_687] : memref<2x84x1x512xf32, #tpu.memory_space<vmem>> -> memref<1x21x1x512xf32, #tpu.memory_space<vmem>>
      %dma_wait3A_689 = tpu.memref_squeeze %dma_wait3A_688 : memref<1x21x1x512xf32, #tpu.memory_space<vmem>> -> memref<21x1x512xf32, #tpu.memory_space<vmem>>
      %dma_wait3A_690 = arith.constant 0 : i32
      %dma_wait3A_691 = arith.constant 0 : i32
      %dma_wait3A_692 = arith.constant 0 : i32
      %dma_wait3A_693 = tpu.memref_slice %arg2[%dma_wait3A_683, %dma_wait3A_690, %dma_wait3A_691, %dma_wait3A_692] : memref<4x21x512x512xf32, #tpu.memory_space<hbm>> -> memref<1x21x1x512xf32, #tpu.memory_space<hbm>>
      %dma_wait3A_694 = tpu.memref_squeeze %dma_wait3A_693 : memref<1x21x1x512xf32, #tpu.memory_space<hbm>> -> memref<21x1x512xf32, #tpu.memory_space<hbm>>
      %dma_wait3A_695 = arith.constant 0 : i32
      %dma_wait3A_696 = arith.constant 0 : i32
      %dma_wait3A_697 = arith.constant 0 : i32
      %dma_wait3A_698 = tpu.memref_slice %arg8[%dma_wait3A_684, %dma_wait3A_695, %dma_wait3A_696, %dma_wait3A_697] : memref<2x84x1x512xf32, #tpu.memory_space<vmem>> -> memref<1x21x1x512xf32, #tpu.memory_space<vmem>>
      %dma_wait3A_699 = tpu.memref_squeeze %dma_wait3A_698 : memref<1x21x1x512xf32, #tpu.memory_space<vmem>> -> memref<21x1x512xf32, #tpu.memory_space<vmem>>
      %dma_wait3A_700 = arith.constant 0 : i32
      %dma_wait3A_701 = arith.constant 0 : i32
      %dma_wait3A_702 = arith.constant 0 : i32
      %dma_wait3A_703 = tpu.memref_slice %arg2[%dma_wait3A_683, %dma_wait3A_700, %dma_wait3A_701, %dma_wait3A_702] : memref<4x21x512x512xf32, #tpu.memory_space<hbm>> -> memref<1x21x1x512xf32, #tpu.memory_space<hbm>>
      %dma_wait3A_704 = tpu.memref_squeeze %dma_wait3A_703 : memref<1x21x1x512xf32, #tpu.memory_space<hbm>> -> memref<21x1x512xf32, #tpu.memory_space<hbm>>
      tpu.wait_dma2 semaphore(%arg17 : memref<!tpu.dma_semaphore, #tpu.memory_space<semaphore_mem>>) src(%dma_wait3A_704 : memref<21x1x512xf32, #tpu.memory_space<hbm>>) dst(%dma_wait3A_699 : memref<21x1x512xf32, #tpu.memory_space<vmem>>)
      %dma_wait3A_705 = arith.constant 1 : i32
      %dma_wait3A_706 = arith.constant 1 : i32
      %dma_wait3A_707 = arith.constant 21 : i32
      %dma_wait3A_708 = arith.constant 0 : i32
      %dma_wait3A_709 = arith.constant 0 : i32
      %dma_wait3A_710 = tpu.memref_slice %arg8[%dma_wait3A_706, %dma_wait3A_707, %dma_wait3A_708, %dma_wait3A_709] : memref<2x84x1x512xf32, #tpu.memory_space<vmem>> -> memref<1x21x1x512xf32, #tpu.memory_space<vmem>>
      %dma_wait3A_711 = tpu.memref_squeeze %dma_wait3A_710 : memref<1x21x1x512xf32, #tpu.memory_space<vmem>> -> memref<21x1x512xf32, #tpu.memory_space<vmem>>
      %dma_wait3A_712 = arith.constant 0 : i32
      %dma_wait3A_713 = arith.constant 0 : i32
      %dma_wait3A_714 = arith.constant 0 : i32
      %dma_wait3A_715 = tpu.memref_slice %arg2[%dma_wait3A_705, %dma_wait3A_712, %dma_wait3A_713, %dma_wait3A_714] : memref<4x21x512x512xf32, #tpu.memory_space<hbm>> -> memref<1x21x1x512xf32, #tpu.memory_space<hbm>>
      %dma_wait3A_716 = tpu.memref_squeeze %dma_wait3A_715 : memref<1x21x1x512xf32, #tpu.memory_space<hbm>> -> memref<21x1x512xf32, #tpu.memory_space<hbm>>
      %dma_wait3A_717 = arith.constant 21 : i32
      %dma_wait3A_718 = arith.constant 0 : i32
      %dma_wait3A_719 = arith.constant 0 : i32
      %dma_wait3A_720 = tpu.memref_slice %arg8[%dma_wait3A_706, %dma_wait3A_717, %dma_wait3A_718, %dma_wait3A_719] : memref<2x84x1x512xf32, #tpu.memory_space<vmem>> -> memref<1x21x1x512xf32, #tpu.memory_space<vmem>>
      %dma_wait3A_721 = tpu.memref_squeeze %dma_wait3A_720 : memref<1x21x1x512xf32, #tpu.memory_space<vmem>> -> memref<21x1x512xf32, #tpu.memory_space<vmem>>
      %dma_wait3A_722 = arith.constant 0 : i32
      %dma_wait3A_723 = arith.constant 0 : i32
      %dma_wait3A_724 = arith.constant 0 : i32
      %dma_wait3A_725 = tpu.memref_slice %arg2[%dma_wait3A_705, %dma_wait3A_722, %dma_wait3A_723, %dma_wait3A_724] : memref<4x21x512x512xf32, #tpu.memory_space<hbm>> -> memref<1x21x1x512xf32, #tpu.memory_space<hbm>>
      %dma_wait3A_726 = tpu.memref_squeeze %dma_wait3A_725 : memref<1x21x1x512xf32, #tpu.memory_space<hbm>> -> memref<21x1x512xf32, #tpu.memory_space<hbm>>
      tpu.wait_dma2 semaphore(%arg17 : memref<!tpu.dma_semaphore, #tpu.memory_space<semaphore_mem>>) src(%dma_wait3A_726 : memref<21x1x512xf32, #tpu.memory_space<hbm>>) dst(%dma_wait3A_721 : memref<21x1x512xf32, #tpu.memory_space<vmem>>)
      %dma_wait3A_727 = arith.constant 2 : i32
      %dma_wait3A_728 = arith.constant 1 : i32
      %dma_wait3A_729 = arith.constant 42 : i32
      %dma_wait3A_730 = arith.constant 0 : i32
      %dma_wait3A_731 = arith.constant 0 : i32
      %dma_wait3A_732 = tpu.memref_slice %arg8[%dma_wait3A_728, %dma_wait3A_729, %dma_wait3A_730, %dma_wait3A_731] : memref<2x84x1x512xf32, #tpu.memory_space<vmem>> -> memref<1x21x1x512xf32, #tpu.memory_space<vmem>>
      %dma_wait3A_733 = tpu.memref_squeeze %dma_wait3A_732 : memref<1x21x1x512xf32, #tpu.memory_space<vmem>> -> memref<21x1x512xf32, #tpu.memory_space<vmem>>
      %dma_wait3A_734 = arith.constant 0 : i32
      %dma_wait3A_735 = arith.constant 0 : i32
      %dma_wait3A_736 = arith.constant 0 : i32
      %dma_wait3A_737 = tpu.memref_slice %arg2[%dma_wait3A_727, %dma_wait3A_734, %dma_wait3A_735, %dma_wait3A_736] : memref<4x21x512x512xf32, #tpu.memory_space<hbm>> -> memref<1x21x1x512xf32, #tpu.memory_space<hbm>>
      %dma_wait3A_738 = tpu.memref_squeeze %dma_wait3A_737 : memref<1x21x1x512xf32, #tpu.memory_space<hbm>> -> memref<21x1x512xf32, #tpu.memory_space<hbm>>
      %dma_wait3A_739 = arith.constant 42 : i32
      %dma_wait3A_740 = arith.constant 0 : i32
      %dma_wait3A_741 = arith.constant 0 : i32
      %dma_wait3A_742 = tpu.memref_slice %arg8[%dma_wait3A_728, %dma_wait3A_739, %dma_wait3A_740, %dma_wait3A_741] : memref<2x84x1x512xf32, #tpu.memory_space<vmem>> -> memref<1x21x1x512xf32, #tpu.memory_space<vmem>>
      %dma_wait3A_743 = tpu.memref_squeeze %dma_wait3A_742 : memref<1x21x1x512xf32, #tpu.memory_space<vmem>> -> memref<21x1x512xf32, #tpu.memory_space<vmem>>
      %dma_wait3A_744 = arith.constant 0 : i32
      %dma_wait3A_745 = arith.constant 0 : i32
      %dma_wait3A_746 = arith.constant 0 : i32
      %dma_wait3A_747 = tpu.memref_slice %arg2[%dma_wait3A_727, %dma_wait3A_744, %dma_wait3A_745, %dma_wait3A_746] : memref<4x21x512x512xf32, #tpu.memory_space<hbm>> -> memref<1x21x1x512xf32, #tpu.memory_space<hbm>>
      %dma_wait3A_748 = tpu.memref_squeeze %dma_wait3A_747 : memref<1x21x1x512xf32, #tpu.memory_space<hbm>> -> memref<21x1x512xf32, #tpu.memory_space<hbm>>
      tpu.wait_dma2 semaphore(%arg17 : memref<!tpu.dma_semaphore, #tpu.memory_space<semaphore_mem>>) src(%dma_wait3A_748 : memref<21x1x512xf32, #tpu.memory_space<hbm>>) dst(%dma_wait3A_743 : memref<21x1x512xf32, #tpu.memory_space<vmem>>)
      %dma_wait3A_749 = arith.constant 3 : i32
      %dma_wait3A_750 = arith.constant 1 : i32
      %dma_wait3A_751 = arith.constant 63 : i32
      %dma_wait3A_752 = arith.constant 0 : i32
      %dma_wait3A_753 = arith.constant 0 : i32
      %dma_wait3A_754 = tpu.memref_slice %arg8[%dma_wait3A_750, %dma_wait3A_751, %dma_wait3A_752, %dma_wait3A_753] : memref<2x84x1x512xf32, #tpu.memory_space<vmem>> -> memref<1x21x1x512xf32, #tpu.memory_space<vmem>>
      %dma_wait3A_755 = tpu.memref_squeeze %dma_wait3A_754 : memref<1x21x1x512xf32, #tpu.memory_space<vmem>> -> memref<21x1x512xf32, #tpu.memory_space<vmem>>
      %dma_wait3A_756 = arith.constant 0 : i32
      %dma_wait3A_757 = arith.constant 0 : i32
      %dma_wait3A_758 = arith.constant 0 : i32
      %dma_wait3A_759 = tpu.memref_slice %arg2[%dma_wait3A_749, %dma_wait3A_756, %dma_wait3A_757, %dma_wait3A_758] : memref<4x21x512x512xf32, #tpu.memory_space<hbm>> -> memref<1x21x1x512xf32, #tpu.memory_space<hbm>>
      %dma_wait3A_760 = tpu.memref_squeeze %dma_wait3A_759 : memref<1x21x1x512xf32, #tpu.memory_space<hbm>> -> memref<21x1x512xf32, #tpu.memory_space<hbm>>
      %dma_wait3A_761 = arith.constant 63 : i32
      %dma_wait3A_762 = arith.constant 0 : i32
      %dma_wait3A_763 = arith.constant 0 : i32
      %dma_wait3A_764 = tpu.memref_slice %arg8[%dma_wait3A_750, %dma_wait3A_761, %dma_wait3A_762, %dma_wait3A_763] : memref<2x84x1x512xf32, #tpu.memory_space<vmem>> -> memref<1x21x1x512xf32, #tpu.memory_space<vmem>>
      %dma_wait3A_765 = tpu.memref_squeeze %dma_wait3A_764 : memref<1x21x1x512xf32, #tpu.memory_space<vmem>> -> memref<21x1x512xf32, #tpu.memory_space<vmem>>
      %dma_wait3A_766 = arith.constant 0 : i32
      %dma_wait3A_767 = arith.constant 0 : i32
      %dma_wait3A_768 = arith.constant 0 : i32
      %dma_wait3A_769 = tpu.memref_slice %arg2[%dma_wait3A_749, %dma_wait3A_766, %dma_wait3A_767, %dma_wait3A_768] : memref<4x21x512x512xf32, #tpu.memory_space<hbm>> -> memref<1x21x1x512xf32, #tpu.memory_space<hbm>>
      %dma_wait3A_770 = tpu.memref_squeeze %dma_wait3A_769 : memref<1x21x1x512xf32, #tpu.memory_space<hbm>> -> memref<21x1x512xf32, #tpu.memory_space<hbm>>
      tpu.wait_dma2 semaphore(%arg17 : memref<!tpu.dma_semaphore, #tpu.memory_space<semaphore_mem>>) src(%dma_wait3A_770 : memref<21x1x512xf32, #tpu.memory_space<hbm>>) dst(%dma_wait3A_765 : memref<21x1x512xf32, #tpu.memory_space<vmem>>)
      %dma_wait3A_771 = arith.constant 1 : i32
      %dma_wait3A_772 = arith.constant 0 : i32
      %dma_wait3A_773 = arith.constant 0 : i32
      %dma_wait3A_774 = arith.constant 0 : i32
      %dma_wait3A_775 = arith.constant 0 : i32
      %dma_wait3A_776 = tpu.memref_slice %arg9[%dma_wait3A_771, %dma_wait3A_772, %dma_wait3A_773, %dma_wait3A_774, %dma_wait3A_775] : memref<2x4x1x1x512xi32, #tpu.memory_space<vmem>> -> memref<1x4x1x1x512xi32, #tpu.memory_space<vmem>>
      %dma_wait3A_777 = tpu.memref_squeeze %dma_wait3A_776 : memref<1x4x1x1x512xi32, #tpu.memory_space<vmem>> -> memref<4x1x1x512xi32, #tpu.memory_space<vmem>>
      %dma_wait3A_778 = arith.constant 0 : i32
      %dma_wait3A_779 = arith.constant 0 : i32
      %dma_wait3A_780 = arith.constant 0 : i32
      %dma_wait3A_781 = arith.constant 0 : i32
      %dma_wait3A_782 = tpu.memref_slice %arg3[%dma_wait3A_778, %dma_wait3A_779, %dma_wait3A_780, %dma_wait3A_781] : memref<4x1x512x512xi32, #tpu.memory_space<hbm>> -> memref<4x1x1x512xi32, #tpu.memory_space<hbm>>
      %dma_wait3A_783 = arith.constant 0 : i32
      %dma_wait3A_784 = arith.constant 0 : i32
      %dma_wait3A_785 = arith.constant 0 : i32
      %dma_wait3A_786 = arith.constant 0 : i32
      %dma_wait3A_787 = tpu.memref_slice %arg9[%dma_wait3A_771, %dma_wait3A_783, %dma_wait3A_784, %dma_wait3A_785, %dma_wait3A_786] : memref<2x4x1x1x512xi32, #tpu.memory_space<vmem>> -> memref<1x4x1x1x512xi32, #tpu.memory_space<vmem>>
      %dma_wait3A_788 = tpu.memref_squeeze %dma_wait3A_787 : memref<1x4x1x1x512xi32, #tpu.memory_space<vmem>> -> memref<4x1x1x512xi32, #tpu.memory_space<vmem>>
      %dma_wait3A_789 = arith.constant 0 : i32
      %dma_wait3A_790 = arith.constant 0 : i32
      %dma_wait3A_791 = arith.constant 0 : i32
      %dma_wait3A_792 = arith.constant 0 : i32
      %dma_wait3A_793 = tpu.memref_slice %arg3[%dma_wait3A_789, %dma_wait3A_790, %dma_wait3A_791, %dma_wait3A_792] : memref<4x1x512x512xi32, #tpu.memory_space<hbm>> -> memref<4x1x1x512xi32, #tpu.memory_space<hbm>>
      tpu.wait_dma2 semaphore(%arg17 : memref<!tpu.dma_semaphore, #tpu.memory_space<semaphore_mem>>) src(%dma_wait3A_793 : memref<4x1x1x512xi32, #tpu.memory_space<hbm>>) dst(%dma_wait3A_788 : memref<4x1x1x512xi32, #tpu.memory_space<vmem>>)
      %parallel_loop3A_794 = arith.constant 0 : i32
      %parallel_loop3A_795 = arith.constant 512 : i32
      %parallel_loop3A_796 = arith.constant 32 : i32
      scf.for %parallel_loop3A_797 = %parallel_loop3A_794 to %parallel_loop3A_795 step %parallel_loop3A_796  : i32 {
        %parallel_loop3A_798 = vector.broadcast %parallel_loop3A_797 : i32 to vector<16xi32>
        %parallel_loop3A_799 = arith.addi %parallel_loop3A_798, %iota3A : vector<16xi32>
        %parallel_loop3A_800 = arith.constant 0.000000e+00 : f32
        %parallel_loop3A_801 = vector.broadcast %parallel_loop3A_800 : f32 to vector<16xf32>
        %parallel_loop3A_802 = arith.constant 1 : i32
        %parallel_loop3A_803 = arith.constant 0 : i32
        %parallel_loop3A_804 = arith.constant 0 : i32
        %parallel_loop3A_805 = arith.constant 0 : i32
        %parallel_loop3A_806 = arith.index_cast %parallel_loop3A_802 : i32 to index
        %parallel_loop3A_807 = arith.index_cast %parallel_loop3A_803 : i32 to index
        %parallel_loop3A_808 = arith.index_cast %parallel_loop3A_804 : i32 to index
        %parallel_loop3A_809 = arith.index_cast %parallel_loop3A_805 : i32 to index
        %parallel_loop3A_810 = arith.index_cast %parallel_loop3A_797 : i32 to index
        %parallel_loop3A_811 = tpu.vector_load %arg9[%parallel_loop3A_806, %parallel_loop3A_807, %parallel_loop3A_808, %parallel_loop3A_809, %parallel_loop3A_810] {strides = array<i32>} : memref<2x4x1x1x512xi32, #tpu.memory_space<vmem>>, vector<16xi32>,
        %parallel_loop3A_812 = arith.constant 0 : i32
        %parallel_loop3A_813 = vector.broadcast %parallel_loop3A_812 : i32 to vector<16xi32>
        %parallel_loop3A_814 = arith.addi %parallel_loop3A_811, %parallel_loop3A_813 : vector<16xi32>
        %parallel_loop3A_815 = arith.constant 1 : i32
        %parallel_loop3A_816 = arith.constant 0 : i32
        %parallel_loop3A_817 = arith.constant 0 : i32
        %parallel_loop3A_818 = arith.constant 0 : i32
        %parallel_loop3A_819 = tpu.memref_slice %arg8[%parallel_loop3A_815, %parallel_loop3A_816, %parallel_loop3A_817, %parallel_loop3A_818] : memref<2x84x1x512xf32, #tpu.memory_space<vmem>> -> memref<1x84x1x512xf32, #tpu.memory_space<vmem>>
        %parallel_loop3A_820 = tpu.memref_squeeze %parallel_loop3A_819 : memref<1x84x1x512xf32, #tpu.memory_space<vmem>> -> memref<84x1x512xf32, #tpu.memory_space<vmem>>
        %parallel_loop3A_821 = tpu.vector_load_idx %parallel_loop3A_820[%parallel_loop3A_814, %broadcast_in_dim3A_5, %parallel_loop3A_799] : memref<84x1x512xf32, #tpu.memory_space<vmem>>[vector<16xi32>, vector<16xi32>, vector<16xi32>], vector<16xf32>,
        %parallel_loop3A_822 = arith.constant 9.99999974E-6 : f32
        %parallel_loop3A_823 = vector.broadcast %parallel_loop3A_822 : f32 to vector<16xf32>
        %parallel_loop3A_824 = arith.maximumf %parallel_loop3A_821, %parallel_loop3A_823 : vector<16xf32>
        %parallel_loop3A_825 = vector.bitcast %parallel_loop3A_824 : vector<16xf32> to vector<16xi32>
        %parallel_loop3A_826 = arith.constant 15 : i32
        %parallel_loop3A_827 = vector.broadcast %parallel_loop3A_826 : i32 to vector<16xi32>
        %parallel_loop3A_828 = arith.shrsi %parallel_loop3A_825, %parallel_loop3A_827 : vector<16xi32>
        %parallel_loop3A_829 = arith.constant 255 : i32
        %parallel_loop3A_830 = vector.broadcast %parallel_loop3A_829 : i32 to vector<16xi32>
        %parallel_loop3A_831 = arith.andi %parallel_loop3A_828, %parallel_loop3A_830 : vector<16xi32>
        %parallel_loop3A_832 = arith.constant 8388607 : i32
        %parallel_loop3A_833 = vector.broadcast %parallel_loop3A_832 : i32 to vector<16xi32>
        %parallel_loop3A_834 = arith.andi %parallel_loop3A_825, %parallel_loop3A_833 : vector<16xi32>
        %parallel_loop3A_835 = arith.constant 1065353216 : i32
        %parallel_loop3A_836 = vector.broadcast %parallel_loop3A_835 : i32 to vector<16xi32>
        %parallel_loop3A_837 = arith.ori %parallel_loop3A_834, %parallel_loop3A_836 : vector<16xi32>
        %parallel_loop3A_838 = vector.bitcast %parallel_loop3A_837 : vector<16xi32> to vector<16xf32>
        %parallel_loop3A_839 = tpu.vector_load_idx %arg10[%parallel_loop3A_831] : memref<256xf32, #tpu.memory_space<vmem>>[vector<16xi32>], vector<16xf32>,
        %parallel_loop3A_840 = tpu.vector_load_idx %arg11[%parallel_loop3A_831] : memref<256xf32, #tpu.memory_space<vmem>>[vector<16xi32>], vector<16xf32>,
        %parallel_loop3A_841 = arith.mulf %parallel_loop3A_840, %parallel_loop3A_838 : vector<16xf32>
        %parallel_loop3A_842 = arith.addf %parallel_loop3A_839, %parallel_loop3A_841 : vector<16xf32>
        %parallel_loop3A_843 = arith.constant 23 : i32
        %parallel_loop3A_844 = vector.broadcast %parallel_loop3A_843 : i32 to vector<16xi32>
        %parallel_loop3A_845 = arith.shrsi %parallel_loop3A_825, %parallel_loop3A_844 : vector<16xi32>
        %parallel_loop3A_846 = arith.sitofp %parallel_loop3A_845 : vector<16xi32> to vector<16xf32>
        %parallel_loop3A_847 = arith.constant 0.693147182 : f32
        %parallel_loop3A_848 = vector.broadcast %parallel_loop3A_847 : f32 to vector<16xf32>
        %parallel_loop3A_849 = arith.mulf %parallel_loop3A_846, %parallel_loop3A_848 : vector<16xf32>
        %parallel_loop3A_850 = arith.subf %parallel_loop3A_842, %parallel_loop3A_849 : vector<16xf32>
        %parallel_loop3A_851 = arith.constant 1.000000e+00 : f32
        %parallel_loop3A_852 = vector.broadcast %parallel_loop3A_851 : f32 to vector<16xf32>
        %parallel_loop3A_853 = arith.subf %parallel_loop3A_852, %parallel_loop3A_824 : vector<16xf32>
        %parallel_loop3A_854 = arith.mulf %parallel_loop3A_853, %parallel_loop3A_853 : vector<16xf32>
        %parallel_loop3A_855 = arith.mulf %parallel_loop3A_854, %parallel_loop3A_850 : vector<16xf32>
        %parallel_loop3A_856 = arith.addf %parallel_loop3A_801, %parallel_loop3A_855 : vector<16xf32>
        %parallel_loop3A_857 = arith.constant 1 : i32
        %parallel_loop3A_858 = arith.constant 1 : i32
        %parallel_loop3A_859 = arith.constant 0 : i32
        %parallel_loop3A_860 = arith.constant 0 : i32
        %parallel_loop3A_861 = arith.index_cast %parallel_loop3A_857 : i32 to index
        %parallel_loop3A_862 = arith.index_cast %parallel_loop3A_858 : i32 to index
        %parallel_loop3A_863 = arith.index_cast %parallel_loop3A_859 : i32 to index
        %parallel_loop3A_864 = arith.index_cast %parallel_loop3A_860 : i32 to index
        %parallel_loop3A_865 = arith.index_cast %parallel_loop3A_797 : i32 to index
        %parallel_loop3A_866 = tpu.vector_load %arg9[%parallel_loop3A_861, %parallel_loop3A_862, %parallel_loop3A_863, %parallel_loop3A_864, %parallel_loop3A_865] {strides = array<i32>} : memref<2x4x1x1x512xi32, #tpu.memory_space<vmem>>, vector<16xi32>,
        %parallel_loop3A_867 = arith.constant 21 : i32
        %parallel_loop3A_868 = vector.broadcast %parallel_loop3A_867 : i32 to vector<16xi32>
        %parallel_loop3A_869 = arith.addi %parallel_loop3A_866, %parallel_loop3A_868 : vector<16xi32>
        %parallel_loop3A_870 = arith.constant 1 : i32
        %parallel_loop3A_871 = arith.constant 0 : i32
        %parallel_loop3A_872 = arith.constant 0 : i32
        %parallel_loop3A_873 = arith.constant 0 : i32
        %parallel_loop3A_874 = tpu.memref_slice %arg8[%parallel_loop3A_870, %parallel_loop3A_871, %parallel_loop3A_872, %parallel_loop3A_873] : memref<2x84x1x512xf32, #tpu.memory_space<vmem>> -> memref<1x84x1x512xf32, #tpu.memory_space<vmem>>
        %parallel_loop3A_875 = tpu.memref_squeeze %parallel_loop3A_874 : memref<1x84x1x512xf32, #tpu.memory_space<vmem>> -> memref<84x1x512xf32, #tpu.memory_space<vmem>>
        %parallel_loop3A_876 = tpu.vector_load_idx %parallel_loop3A_875[%parallel_loop3A_869, %broadcast_in_dim3A_5, %parallel_loop3A_799] : memref<84x1x512xf32, #tpu.memory_space<vmem>>[vector<16xi32>, vector<16xi32>, vector<16xi32>], vector<16xf32>,
        %parallel_loop3A_877 = arith.constant 9.99999974E-6 : f32
        %parallel_loop3A_878 = vector.broadcast %parallel_loop3A_877 : f32 to vector<16xf32>
        %parallel_loop3A_879 = arith.maximumf %parallel_loop3A_876, %parallel_loop3A_878 : vector<16xf32>
        %parallel_loop3A_880 = vector.bitcast %parallel_loop3A_879 : vector<16xf32> to vector<16xi32>
        %parallel_loop3A_881 = arith.constant 15 : i32
        %parallel_loop3A_882 = vector.broadcast %parallel_loop3A_881 : i32 to vector<16xi32>
        %parallel_loop3A_883 = arith.shrsi %parallel_loop3A_880, %parallel_loop3A_882 : vector<16xi32>
        %parallel_loop3A_884 = arith.constant 255 : i32
        %parallel_loop3A_885 = vector.broadcast %parallel_loop3A_884 : i32 to vector<16xi32>
        %parallel_loop3A_886 = arith.andi %parallel_loop3A_883, %parallel_loop3A_885 : vector<16xi32>
        %parallel_loop3A_887 = arith.constant 8388607 : i32
        %parallel_loop3A_888 = vector.broadcast %parallel_loop3A_887 : i32 to vector<16xi32>
        %parallel_loop3A_889 = arith.andi %parallel_loop3A_880, %parallel_loop3A_888 : vector<16xi32>
        %parallel_loop3A_890 = arith.constant 1065353216 : i32
        %parallel_loop3A_891 = vector.broadcast %parallel_loop3A_890 : i32 to vector<16xi32>
        %parallel_loop3A_892 = arith.ori %parallel_loop3A_889, %parallel_loop3A_891 : vector<16xi32>
        %parallel_loop3A_893 = vector.bitcast %parallel_loop3A_892 : vector<16xi32> to vector<16xf32>
        %parallel_loop3A_894 = tpu.vector_load_idx %arg10[%parallel_loop3A_886] : memref<256xf32, #tpu.memory_space<vmem>>[vector<16xi32>], vector<16xf32>,
        %parallel_loop3A_895 = tpu.vector_load_idx %arg11[%parallel_loop3A_886] : memref<256xf32, #tpu.memory_space<vmem>>[vector<16xi32>], vector<16xf32>,
        %parallel_loop3A_896 = arith.mulf %parallel_loop3A_895, %parallel_loop3A_893 : vector<16xf32>
        %parallel_loop3A_897 = arith.addf %parallel_loop3A_894, %parallel_loop3A_896 : vector<16xf32>
        %parallel_loop3A_898 = arith.constant 23 : i32
        %parallel_loop3A_899 = vector.broadcast %parallel_loop3A_898 : i32 to vector<16xi32>
        %parallel_loop3A_900 = arith.shrsi %parallel_loop3A_880, %parallel_loop3A_899 : vector<16xi32>
        %parallel_loop3A_901 = arith.sitofp %parallel_loop3A_900 : vector<16xi32> to vector<16xf32>
        %parallel_loop3A_902 = arith.constant 0.693147182 : f32
        %parallel_loop3A_903 = vector.broadcast %parallel_loop3A_902 : f32 to vector<16xf32>
        %parallel_loop3A_904 = arith.mulf %parallel_loop3A_901, %parallel_loop3A_903 : vector<16xf32>
        %parallel_loop3A_905 = arith.subf %parallel_loop3A_897, %parallel_loop3A_904 : vector<16xf32>
        %parallel_loop3A_906 = arith.constant 1.000000e+00 : f32
        %parallel_loop3A_907 = vector.broadcast %parallel_loop3A_906 : f32 to vector<16xf32>
        %parallel_loop3A_908 = arith.subf %parallel_loop3A_907, %parallel_loop3A_879 : vector<16xf32>
        %parallel_loop3A_909 = arith.mulf %parallel_loop3A_908, %parallel_loop3A_908 : vector<16xf32>
        %parallel_loop3A_910 = arith.mulf %parallel_loop3A_909, %parallel_loop3A_905 : vector<16xf32>
        %parallel_loop3A_911 = arith.addf %parallel_loop3A_856, %parallel_loop3A_910 : vector<16xf32>
        %parallel_loop3A_912 = arith.constant 1 : i32
        %parallel_loop3A_913 = arith.constant 2 : i32
        %parallel_loop3A_914 = arith.constant 0 : i32
        %parallel_loop3A_915 = arith.constant 0 : i32
        %parallel_loop3A_916 = arith.index_cast %parallel_loop3A_912 : i32 to index
        %parallel_loop3A_917 = arith.index_cast %parallel_loop3A_913 : i32 to index
        %parallel_loop3A_918 = arith.index_cast %parallel_loop3A_914 : i32 to index
        %parallel_loop3A_919 = arith.index_cast %parallel_loop3A_915 : i32 to index
        %parallel_loop3A_920 = arith.index_cast %parallel_loop3A_797 : i32 to index
        %parallel_loop3A_921 = tpu.vector_load %arg9[%parallel_loop3A_916, %parallel_loop3A_917, %parallel_loop3A_918, %parallel_loop3A_919, %parallel_loop3A_920] {strides = array<i32>} : memref<2x4x1x1x512xi32, #tpu.memory_space<vmem>>, vector<16xi32>,
        %parallel_loop3A_922 = arith.constant 42 : i32
        %parallel_loop3A_923 = vector.broadcast %parallel_loop3A_922 : i32 to vector<16xi32>
        %parallel_loop3A_924 = arith.addi %parallel_loop3A_921, %parallel_loop3A_923 : vector<16xi32>
        %parallel_loop3A_925 = arith.constant 1 : i32
        %parallel_loop3A_926 = arith.constant 0 : i32
        %parallel_loop3A_927 = arith.constant 0 : i32
        %parallel_loop3A_928 = arith.constant 0 : i32
        %parallel_loop3A_929 = tpu.memref_slice %arg8[%parallel_loop3A_925, %parallel_loop3A_926, %parallel_loop3A_927, %parallel_loop3A_928] : memref<2x84x1x512xf32, #tpu.memory_space<vmem>> -> memref<1x84x1x512xf32, #tpu.memory_space<vmem>>
        %parallel_loop3A_930 = tpu.memref_squeeze %parallel_loop3A_929 : memref<1x84x1x512xf32, #tpu.memory_space<vmem>> -> memref<84x1x512xf32, #tpu.memory_space<vmem>>
        %parallel_loop3A_931 = tpu.vector_load_idx %parallel_loop3A_930[%parallel_loop3A_924, %broadcast_in_dim3A_5, %parallel_loop3A_799] : memref<84x1x512xf32, #tpu.memory_space<vmem>>[vector<16xi32>, vector<16xi32>, vector<16xi32>], vector<16xf32>,
        %parallel_loop3A_932 = arith.constant 9.99999974E-6 : f32
        %parallel_loop3A_933 = vector.broadcast %parallel_loop3A_932 : f32 to vector<16xf32>
        %parallel_loop3A_934 = arith.maximumf %parallel_loop3A_931, %parallel_loop3A_933 : vector<16xf32>
        %parallel_loop3A_935 = vector.bitcast %parallel_loop3A_934 : vector<16xf32> to vector<16xi32>
        %parallel_loop3A_936 = arith.constant 15 : i32
        %parallel_loop3A_937 = vector.broadcast %parallel_loop3A_936 : i32 to vector<16xi32>
        %parallel_loop3A_938 = arith.shrsi %parallel_loop3A_935, %parallel_loop3A_937 : vector<16xi32>
        %parallel_loop3A_939 = arith.constant 255 : i32
        %parallel_loop3A_940 = vector.broadcast %parallel_loop3A_939 : i32 to vector<16xi32>
        %parallel_loop3A_941 = arith.andi %parallel_loop3A_938, %parallel_loop3A_940 : vector<16xi32>
        %parallel_loop3A_942 = arith.constant 8388607 : i32
        %parallel_loop3A_943 = vector.broadcast %parallel_loop3A_942 : i32 to vector<16xi32>
        %parallel_loop3A_944 = arith.andi %parallel_loop3A_935, %parallel_loop3A_943 : vector<16xi32>
        %parallel_loop3A_945 = arith.constant 1065353216 : i32
        %parallel_loop3A_946 = vector.broadcast %parallel_loop3A_945 : i32 to vector<16xi32>
        %parallel_loop3A_947 = arith.ori %parallel_loop3A_944, %parallel_loop3A_946 : vector<16xi32>
        %parallel_loop3A_948 = vector.bitcast %parallel_loop3A_947 : vector<16xi32> to vector<16xf32>
        %parallel_loop3A_949 = tpu.vector_load_idx %arg10[%parallel_loop3A_941] : memref<256xf32, #tpu.memory_space<vmem>>[vector<16xi32>], vector<16xf32>,
        %parallel_loop3A_950 = tpu.vector_load_idx %arg11[%parallel_loop3A_941] : memref<256xf32, #tpu.memory_space<vmem>>[vector<16xi32>], vector<16xf32>,
        %parallel_loop3A_951 = arith.mulf %parallel_loop3A_950, %parallel_loop3A_948 : vector<16xf32>
        %parallel_loop3A_952 = arith.addf %parallel_loop3A_949, %parallel_loop3A_951 : vector<16xf32>
        %parallel_loop3A_953 = arith.constant 23 : i32
        %parallel_loop3A_954 = vector.broadcast %parallel_loop3A_953 : i32 to vector<16xi32>
        %parallel_loop3A_955 = arith.shrsi %parallel_loop3A_935, %parallel_loop3A_954 : vector<16xi32>
        %parallel_loop3A_956 = arith.sitofp %parallel_loop3A_955 : vector<16xi32> to vector<16xf32>
        %parallel_loop3A_957 = arith.constant 0.693147182 : f32
        %parallel_loop3A_958 = vector.broadcast %parallel_loop3A_957 : f32 to vector<16xf32>
        %parallel_loop3A_959 = arith.mulf %parallel_loop3A_956, %parallel_loop3A_958 : vector<16xf32>
        %parallel_loop3A_960 = arith.subf %parallel_loop3A_952, %parallel_loop3A_959 : vector<16xf32>
        %parallel_loop3A_961 = arith.constant 1.000000e+00 : f32
        %parallel_loop3A_962 = vector.broadcast %parallel_loop3A_961 : f32 to vector<16xf32>
        %parallel_loop3A_963 = arith.subf %parallel_loop3A_962, %parallel_loop3A_934 : vector<16xf32>
        %parallel_loop3A_964 = arith.mulf %parallel_loop3A_963, %parallel_loop3A_963 : vector<16xf32>
        %parallel_loop3A_965 = arith.mulf %parallel_loop3A_964, %parallel_loop3A_960 : vector<16xf32>
        %parallel_loop3A_966 = arith.addf %parallel_loop3A_911, %parallel_loop3A_965 : vector<16xf32>
        %parallel_loop3A_967 = arith.constant 1 : i32
        %parallel_loop3A_968 = arith.constant 3 : i32
        %parallel_loop3A_969 = arith.constant 0 : i32
        %parallel_loop3A_970 = arith.constant 0 : i32
        %parallel_loop3A_971 = arith.index_cast %parallel_loop3A_967 : i32 to index
        %parallel_loop3A_972 = arith.index_cast %parallel_loop3A_968 : i32 to index
        %parallel_loop3A_973 = arith.index_cast %parallel_loop3A_969 : i32 to index
        %parallel_loop3A_974 = arith.index_cast %parallel_loop3A_970 : i32 to index
        %parallel_loop3A_975 = arith.index_cast %parallel_loop3A_797 : i32 to index
        %parallel_loop3A_976 = tpu.vector_load %arg9[%parallel_loop3A_971, %parallel_loop3A_972, %parallel_loop3A_973, %parallel_loop3A_974, %parallel_loop3A_975] {strides = array<i32>} : memref<2x4x1x1x512xi32, #tpu.memory_space<vmem>>, vector<16xi32>,
        %parallel_loop3A_977 = arith.constant 63 : i32
        %parallel_loop3A_978 = vector.broadcast %parallel_loop3A_977 : i32 to vector<16xi32>
        %parallel_loop3A_979 = arith.addi %parallel_loop3A_976, %parallel_loop3A_978 : vector<16xi32>
        %parallel_loop3A_980 = arith.constant 1 : i32
        %parallel_loop3A_981 = arith.constant 0 : i32
        %parallel_loop3A_982 = arith.constant 0 : i32
        %parallel_loop3A_983 = arith.constant 0 : i32
        %parallel_loop3A_984 = tpu.memref_slice %arg8[%parallel_loop3A_980, %parallel_loop3A_981, %parallel_loop3A_982, %parallel_loop3A_983] : memref<2x84x1x512xf32, #tpu.memory_space<vmem>> -> memref<1x84x1x512xf32, #tpu.memory_space<vmem>>
        %parallel_loop3A_985 = tpu.memref_squeeze %parallel_loop3A_984 : memref<1x84x1x512xf32, #tpu.memory_space<vmem>> -> memref<84x1x512xf32, #tpu.memory_space<vmem>>
        %parallel_loop3A_986 = tpu.vector_load_idx %parallel_loop3A_985[%parallel_loop3A_979, %broadcast_in_dim3A_5, %parallel_loop3A_799] : memref<84x1x512xf32, #tpu.memory_space<vmem>>[vector<16xi32>, vector<16xi32>, vector<16xi32>], vector<16xf32>,
        %parallel_loop3A_987 = arith.constant 9.99999974E-6 : f32
        %parallel_loop3A_988 = vector.broadcast %parallel_loop3A_987 : f32 to vector<16xf32>
        %parallel_loop3A_989 = arith.maximumf %parallel_loop3A_986, %parallel_loop3A_988 : vector<16xf32>
        %parallel_loop3A_990 = vector.bitcast %parallel_loop3A_989 : vector<16xf32> to vector<16xi32>
        %parallel_loop3A_991 = arith.constant 15 : i32
        %parallel_loop3A_992 = vector.broadcast %parallel_loop3A_991 : i32 to vector<16xi32>
        %parallel_loop3A_993 = arith.shrsi %parallel_loop3A_990, %parallel_loop3A_992 : vector<16xi32>
        %parallel_loop3A_994 = arith.constant 255 : i32
        %parallel_loop3A_995 = vector.broadcast %parallel_loop3A_994 : i32 to vector<16xi32>
        %parallel_loop3A_996 = arith.andi %parallel_loop3A_993, %parallel_loop3A_995 : vector<16xi32>
        %parallel_loop3A_997 = arith.constant 8388607 : i32
        %parallel_loop3A_998 = vector.broadcast %parallel_loop3A_997 : i32 to vector<16xi32>
        %parallel_loop3A_999 = arith.andi %parallel_loop3A_990, %parallel_loop3A_998 : vector<16xi32>
        %parallel_loop3A_1000 = arith.constant 1065353216 : i32
        %parallel_loop3A_1001 = vector.broadcast %parallel_loop3A_1000 : i32 to vector<16xi32>
        %parallel_loop3A_1002 = arith.ori %parallel_loop3A_999, %parallel_loop3A_1001 : vector<16xi32>
        %parallel_loop3A_1003 = vector.bitcast %parallel_loop3A_1002 : vector<16xi32> to vector<16xf32>
        %parallel_loop3A_1004 = tpu.vector_load_idx %arg10[%parallel_loop3A_996] : memref<256xf32, #tpu.memory_space<vmem>>[vector<16xi32>], vector<16xf32>,
        %parallel_loop3A_1005 = tpu.vector_load_idx %arg11[%parallel_loop3A_996] : memref<256xf32, #tpu.memory_space<vmem>>[vector<16xi32>], vector<16xf32>,
        %parallel_loop3A_1006 = arith.mulf %parallel_loop3A_1005, %parallel_loop3A_1003 : vector<16xf32>
        %parallel_loop3A_1007 = arith.addf %parallel_loop3A_1004, %parallel_loop3A_1006 : vector<16xf32>
        %parallel_loop3A_1008 = arith.constant 23 : i32
        %parallel_loop3A_1009 = vector.broadcast %parallel_loop3A_1008 : i32 to vector<16xi32>
        %parallel_loop3A_1010 = arith.shrsi %parallel_loop3A_990, %parallel_loop3A_1009 : vector<16xi32>
        %parallel_loop3A_1011 = arith.sitofp %parallel_loop3A_1010 : vector<16xi32> to vector<16xf32>
        %parallel_loop3A_1012 = arith.constant 0.693147182 : f32
        %parallel_loop3A_1013 = vector.broadcast %parallel_loop3A_1012 : f32 to vector<16xf32>
        %parallel_loop3A_1014 = arith.mulf %parallel_loop3A_1011, %parallel_loop3A_1013 : vector<16xf32>
        %parallel_loop3A_1015 = arith.subf %parallel_loop3A_1007, %parallel_loop3A_1014 : vector<16xf32>
        %parallel_loop3A_1016 = arith.constant 1.000000e+00 : f32
        %parallel_loop3A_1017 = vector.broadcast %parallel_loop3A_1016 : f32 to vector<16xf32>
        %parallel_loop3A_1018 = arith.subf %parallel_loop3A_1017, %parallel_loop3A_989 : vector<16xf32>
        %parallel_loop3A_1019 = arith.mulf %parallel_loop3A_1018, %parallel_loop3A_1018 : vector<16xf32>
        %parallel_loop3A_1020 = arith.mulf %parallel_loop3A_1019, %parallel_loop3A_1015 : vector<16xf32>
        %parallel_loop3A_1021 = arith.addf %parallel_loop3A_966, %parallel_loop3A_1020 : vector<16xf32>
        %parallel_loop3A_1022 = arith.addi %mul3A_10, %parallel_loop3A_811 : vector<16xi32>
        tpu.vector_store_idx %arg12[%parallel_loop3A_1022], %parallel_loop3A_1021 {add = true} : memref<352xf32, #tpu.memory_space<vmem>>[vector<16xi32>], vector<16xf32>,
        tpu.vector_store_idx %arg13[%parallel_loop3A_1022], %broadcast_in_dim3A_7 {add = true} : memref<352xf32, #tpu.memory_space<vmem>>[vector<16xi32>], vector<16xf32>,
        %parallel_loop3A_1023 = arith.addi %mul3A_10, %parallel_loop3A_866 : vector<16xi32>
        tpu.vector_store_idx %arg12[%parallel_loop3A_1023], %parallel_loop3A_1021 {add = true} : memref<352xf32, #tpu.memory_space<vmem>>[vector<16xi32>], vector<16xf32>,
        tpu.vector_store_idx %arg13[%parallel_loop3A_1023], %broadcast_in_dim3A_7 {add = true} : memref<352xf32, #tpu.memory_space<vmem>>[vector<16xi32>], vector<16xf32>,
        %parallel_loop3A_1024 = arith.addi %mul3A_10, %parallel_loop3A_921 : vector<16xi32>
        tpu.vector_store_idx %arg12[%parallel_loop3A_1024], %parallel_loop3A_1021 {add = true} : memref<352xf32, #tpu.memory_space<vmem>>[vector<16xi32>], vector<16xf32>,
        tpu.vector_store_idx %arg13[%parallel_loop3A_1024], %broadcast_in_dim3A_7 {add = true} : memref<352xf32, #tpu.memory_space<vmem>>[vector<16xi32>], vector<16xf32>,
        %parallel_loop3A_1025 = arith.addi %mul3A_10, %parallel_loop3A_976 : vector<16xi32>
        tpu.vector_store_idx %arg12[%parallel_loop3A_1025], %parallel_loop3A_1021 {add = true} : memref<352xf32, #tpu.memory_space<vmem>>[vector<16xi32>], vector<16xf32>,
        tpu.vector_store_idx %arg13[%parallel_loop3A_1025], %broadcast_in_dim3A_7 {add = true} : memref<352xf32, #tpu.memory_space<vmem>>[vector<16xi32>], vector<16xf32>,
        %parallel_loop3A_1026 = arith.constant 16 : i32
        %parallel_loop3A_1027 = arith.addi %parallel_loop3A_797, %parallel_loop3A_1026 : i32
        %parallel_loop3A_1028 = vector.broadcast %parallel_loop3A_1027 : i32 to vector<16xi32>
        %parallel_loop3A_1029 = arith.addi %parallel_loop3A_1028, %iota3A : vector<16xi32>
        %parallel_loop3A_1030 = arith.constant 0.000000e+00 : f32
        %parallel_loop3A_1031 = vector.broadcast %parallel_loop3A_1030 : f32 to vector<16xf32>
        %parallel_loop3A_1032 = arith.constant 1 : i32
        %parallel_loop3A_1033 = arith.constant 0 : i32
        %parallel_loop3A_1034 = arith.constant 0 : i32
        %parallel_loop3A_1035 = arith.constant 0 : i32
        %parallel_loop3A_1036 = arith.index_cast %parallel_loop3A_1032 : i32 to index
        %parallel_loop3A_1037 = arith.index_cast %parallel_loop3A_1033 : i32 to index
        %parallel_loop3A_1038 = arith.index_cast %parallel_loop3A_1034 : i32 to index
        %parallel_loop3A_1039 = arith.index_cast %parallel_loop3A_1035 : i32 to index
        %parallel_loop3A_1040 = arith.index_cast %parallel_loop3A_1027 : i32 to index
        %parallel_loop3A_1041 = tpu.vector_load %arg9[%parallel_loop3A_1036, %parallel_loop3A_1037, %parallel_loop3A_1038, %parallel_loop3A_1039, %parallel_loop3A_1040] {strides = array<i32>} : memref<2x4x1x1x512xi32, #tpu.memory_space<vmem>>, vector<16xi32>,
        %parallel_loop3A_1042 = arith.constant 0 : i32
        %parallel_loop3A_1043 = vector.broadcast %parallel_loop3A_1042 : i32 to vector<16xi32>
        %parallel_loop3A_1044 = arith.addi %parallel_loop3A_1041, %parallel_loop3A_1043 : vector<16xi32>
        %parallel_loop3A_1045 = arith.constant 1 : i32
        %parallel_loop3A_1046 = arith.constant 0 : i32
        %parallel_loop3A_1047 = arith.constant 0 : i32
        %parallel_loop3A_1048 = arith.constant 0 : i32
        %parallel_loop3A_1049 = tpu.memref_slice %arg8[%parallel_loop3A_1045, %parallel_loop3A_1046, %parallel_loop3A_1047, %parallel_loop3A_1048] : memref<2x84x1x512xf32, #tpu.memory_space<vmem>> -> memref<1x84x1x512xf32, #tpu.memory_space<vmem>>
        %parallel_loop3A_1050 = tpu.memref_squeeze %parallel_loop3A_1049 : memref<1x84x1x512xf32, #tpu.memory_space<vmem>> -> memref<84x1x512xf32, #tpu.memory_space<vmem>>
        %parallel_loop3A_1051 = tpu.vector_load_idx %parallel_loop3A_1050[%parallel_loop3A_1044, %broadcast_in_dim3A_5, %parallel_loop3A_1029] : memref<84x1x512xf32, #tpu.memory_space<vmem>>[vector<16xi32>, vector<16xi32>, vector<16xi32>], vector<16xf32>,
        %parallel_loop3A_1052 = arith.constant 9.99999974E-6 : f32
        %parallel_loop3A_1053 = vector.broadcast %parallel_loop3A_1052 : f32 to vector<16xf32>
        %parallel_loop3A_1054 = arith.maximumf %parallel_loop3A_1051, %parallel_loop3A_1053 : vector<16xf32>
        %parallel_loop3A_1055 = vector.bitcast %parallel_loop3A_1054 : vector<16xf32> to vector<16xi32>
        %parallel_loop3A_1056 = arith.constant 15 : i32
        %parallel_loop3A_1057 = vector.broadcast %parallel_loop3A_1056 : i32 to vector<16xi32>
        %parallel_loop3A_1058 = arith.shrsi %parallel_loop3A_1055, %parallel_loop3A_1057 : vector<16xi32>
        %parallel_loop3A_1059 = arith.constant 255 : i32
        %parallel_loop3A_1060 = vector.broadcast %parallel_loop3A_1059 : i32 to vector<16xi32>
        %parallel_loop3A_1061 = arith.andi %parallel_loop3A_1058, %parallel_loop3A_1060 : vector<16xi32>
        %parallel_loop3A_1062 = arith.constant 8388607 : i32
        %parallel_loop3A_1063 = vector.broadcast %parallel_loop3A_1062 : i32 to vector<16xi32>
        %parallel_loop3A_1064 = arith.andi %parallel_loop3A_1055, %parallel_loop3A_1063 : vector<16xi32>
        %parallel_loop3A_1065 = arith.constant 1065353216 : i32
        %parallel_loop3A_1066 = vector.broadcast %parallel_loop3A_1065 : i32 to vector<16xi32>
        %parallel_loop3A_1067 = arith.ori %parallel_loop3A_1064, %parallel_loop3A_1066 : vector<16xi32>
        %parallel_loop3A_1068 = vector.bitcast %parallel_loop3A_1067 : vector<16xi32> to vector<16xf32>
        %parallel_loop3A_1069 = tpu.vector_load_idx %arg10[%parallel_loop3A_1061] : memref<256xf32, #tpu.memory_space<vmem>>[vector<16xi32>], vector<16xf32>,
        %parallel_loop3A_1070 = tpu.vector_load_idx %arg11[%parallel_loop3A_1061] : memref<256xf32, #tpu.memory_space<vmem>>[vector<16xi32>], vector<16xf32>,
        %parallel_loop3A_1071 = arith.mulf %parallel_loop3A_1070, %parallel_loop3A_1068 : vector<16xf32>
        %parallel_loop3A_1072 = arith.addf %parallel_loop3A_1069, %parallel_loop3A_1071 : vector<16xf32>
        %parallel_loop3A_1073 = arith.constant 23 : i32
        %parallel_loop3A_1074 = vector.broadcast %parallel_loop3A_1073 : i32 to vector<16xi32>
        %parallel_loop3A_1075 = arith.shrsi %parallel_loop3A_1055, %parallel_loop3A_1074 : vector<16xi32>
        %parallel_loop3A_1076 = arith.sitofp %parallel_loop3A_1075 : vector<16xi32> to vector<16xf32>
        %parallel_loop3A_1077 = arith.constant 0.693147182 : f32
        %parallel_loop3A_1078 = vector.broadcast %parallel_loop3A_1077 : f32 to vector<16xf32>
        %parallel_loop3A_1079 = arith.mulf %parallel_loop3A_1076, %parallel_loop3A_1078 : vector<16xf32>
        %parallel_loop3A_1080 = arith.subf %parallel_loop3A_1072, %parallel_loop3A_1079 : vector<16xf32>
        %parallel_loop3A_1081 = arith.constant 1.000000e+00 : f32
        %parallel_loop3A_1082 = vector.broadcast %parallel_loop3A_1081 : f32 to vector<16xf32>
        %parallel_loop3A_1083 = arith.subf %parallel_loop3A_1082, %parallel_loop3A_1054 : vector<16xf32>
        %parallel_loop3A_1084 = arith.mulf %parallel_loop3A_1083, %parallel_loop3A_1083 : vector<16xf32>
        %parallel_loop3A_1085 = arith.mulf %parallel_loop3A_1084, %parallel_loop3A_1080 : vector<16xf32>
        %parallel_loop3A_1086 = arith.addf %parallel_loop3A_1031, %parallel_loop3A_1085 : vector<16xf32>
        %parallel_loop3A_1087 = arith.constant 1 : i32
        %parallel_loop3A_1088 = arith.constant 1 : i32
        %parallel_loop3A_1089 = arith.constant 0 : i32
        %parallel_loop3A_1090 = arith.constant 0 : i32
        %parallel_loop3A_1091 = arith.index_cast %parallel_loop3A_1087 : i32 to index
        %parallel_loop3A_1092 = arith.index_cast %parallel_loop3A_1088 : i32 to index
        %parallel_loop3A_1093 = arith.index_cast %parallel_loop3A_1089 : i32 to index
        %parallel_loop3A_1094 = arith.index_cast %parallel_loop3A_1090 : i32 to index
        %parallel_loop3A_1095 = arith.index_cast %parallel_loop3A_1027 : i32 to index
        %parallel_loop3A_1096 = tpu.vector_load %arg9[%parallel_loop3A_1091, %parallel_loop3A_1092, %parallel_loop3A_1093, %parallel_loop3A_1094, %parallel_loop3A_1095] {strides = array<i32>} : memref<2x4x1x1x512xi32, #tpu.memory_space<vmem>>, vector<16xi32>,
        %parallel_loop3A_1097 = arith.constant 21 : i32
        %parallel_loop3A_1098 = vector.broadcast %parallel_loop3A_1097 : i32 to vector<16xi32>
        %parallel_loop3A_1099 = arith.addi %parallel_loop3A_1096, %parallel_loop3A_1098 : vector<16xi32>
        %parallel_loop3A_1100 = arith.constant 1 : i32
        %parallel_loop3A_1101 = arith.constant 0 : i32
        %parallel_loop3A_1102 = arith.constant 0 : i32
        %parallel_loop3A_1103 = arith.constant 0 : i32
        %parallel_loop3A_1104 = tpu.memref_slice %arg8[%parallel_loop3A_1100, %parallel_loop3A_1101, %parallel_loop3A_1102, %parallel_loop3A_1103] : memref<2x84x1x512xf32, #tpu.memory_space<vmem>> -> memref<1x84x1x512xf32, #tpu.memory_space<vmem>>
        %parallel_loop3A_1105 = tpu.memref_squeeze %parallel_loop3A_1104 : memref<1x84x1x512xf32, #tpu.memory_space<vmem>> -> memref<84x1x512xf32, #tpu.memory_space<vmem>>
        %parallel_loop3A_1106 = tpu.vector_load_idx %parallel_loop3A_1105[%parallel_loop3A_1099, %broadcast_in_dim3A_5, %parallel_loop3A_1029] : memref<84x1x512xf32, #tpu.memory_space<vmem>>[vector<16xi32>, vector<16xi32>, vector<16xi32>], vector<16xf32>,
        %parallel_loop3A_1107 = arith.constant 9.99999974E-6 : f32
        %parallel_loop3A_1108 = vector.broadcast %parallel_loop3A_1107 : f32 to vector<16xf32>
        %parallel_loop3A_1109 = arith.maximumf %parallel_loop3A_1106, %parallel_loop3A_1108 : vector<16xf32>
        %parallel_loop3A_1110 = vector.bitcast %parallel_loop3A_1109 : vector<16xf32> to vector<16xi32>
        %parallel_loop3A_1111 = arith.constant 15 : i32
        %parallel_loop3A_1112 = vector.broadcast %parallel_loop3A_1111 : i32 to vector<16xi32>
        %parallel_loop3A_1113 = arith.shrsi %parallel_loop3A_1110, %parallel_loop3A_1112 : vector<16xi32>
        %parallel_loop3A_1114 = arith.constant 255 : i32
        %parallel_loop3A_1115 = vector.broadcast %parallel_loop3A_1114 : i32 to vector<16xi32>
        %parallel_loop3A_1116 = arith.andi %parallel_loop3A_1113, %parallel_loop3A_1115 : vector<16xi32>
        %parallel_loop3A_1117 = arith.constant 8388607 : i32
        %parallel_loop3A_1118 = vector.broadcast %parallel_loop3A_1117 : i32 to vector<16xi32>
        %parallel_loop3A_1119 = arith.andi %parallel_loop3A_1110, %parallel_loop3A_1118 : vector<16xi32>
        %parallel_loop3A_1120 = arith.constant 1065353216 : i32
        %parallel_loop3A_1121 = vector.broadcast %parallel_loop3A_1120 : i32 to vector<16xi32>
        %parallel_loop3A_1122 = arith.ori %parallel_loop3A_1119, %parallel_loop3A_1121 : vector<16xi32>
        %parallel_loop3A_1123 = vector.bitcast %parallel_loop3A_1122 : vector<16xi32> to vector<16xf32>
        %parallel_loop3A_1124 = tpu.vector_load_idx %arg10[%parallel_loop3A_1116] : memref<256xf32, #tpu.memory_space<vmem>>[vector<16xi32>], vector<16xf32>,
        %parallel_loop3A_1125 = tpu.vector_load_idx %arg11[%parallel_loop3A_1116] : memref<256xf32, #tpu.memory_space<vmem>>[vector<16xi32>], vector<16xf32>,
        %parallel_loop3A_1126 = arith.mulf %parallel_loop3A_1125, %parallel_loop3A_1123 : vector<16xf32>
        %parallel_loop3A_1127 = arith.addf %parallel_loop3A_1124, %parallel_loop3A_1126 : vector<16xf32>
        %parallel_loop3A_1128 = arith.constant 23 : i32
        %parallel_loop3A_1129 = vector.broadcast %parallel_loop3A_1128 : i32 to vector<16xi32>
        %parallel_loop3A_1130 = arith.shrsi %parallel_loop3A_1110, %parallel_loop3A_1129 : vector<16xi32>
        %parallel_loop3A_1131 = arith.sitofp %parallel_loop3A_1130 : vector<16xi32> to vector<16xf32>
        %parallel_loop3A_1132 = arith.constant 0.693147182 : f32
        %parallel_loop3A_1133 = vector.broadcast %parallel_loop3A_1132 : f32 to vector<16xf32>
        %parallel_loop3A_1134 = arith.mulf %parallel_loop3A_1131, %parallel_loop3A_1133 : vector<16xf32>
        %parallel_loop3A_1135 = arith.subf %parallel_loop3A_1127, %parallel_loop3A_1134 : vector<16xf32>
        %parallel_loop3A_1136 = arith.constant 1.000000e+00 : f32
        %parallel_loop3A_1137 = vector.broadcast %parallel_loop3A_1136 : f32 to vector<16xf32>
        %parallel_loop3A_1138 = arith.subf %parallel_loop3A_1137, %parallel_loop3A_1109 : vector<16xf32>
        %parallel_loop3A_1139 = arith.mulf %parallel_loop3A_1138, %parallel_loop3A_1138 : vector<16xf32>
        %parallel_loop3A_1140 = arith.mulf %parallel_loop3A_1139, %parallel_loop3A_1135 : vector<16xf32>
        %parallel_loop3A_1141 = arith.addf %parallel_loop3A_1086, %parallel_loop3A_1140 : vector<16xf32>
        %parallel_loop3A_1142 = arith.constant 1 : i32
        %parallel_loop3A_1143 = arith.constant 2 : i32
        %parallel_loop3A_1144 = arith.constant 0 : i32
        %parallel_loop3A_1145 = arith.constant 0 : i32
        %parallel_loop3A_1146 = arith.index_cast %parallel_loop3A_1142 : i32 to index
        %parallel_loop3A_1147 = arith.index_cast %parallel_loop3A_1143 : i32 to index
        %parallel_loop3A_1148 = arith.index_cast %parallel_loop3A_1144 : i32 to index
        %parallel_loop3A_1149 = arith.index_cast %parallel_loop3A_1145 : i32 to index
        %parallel_loop3A_1150 = arith.index_cast %parallel_loop3A_1027 : i32 to index
        %parallel_loop3A_1151 = tpu.vector_load %arg9[%parallel_loop3A_1146, %parallel_loop3A_1147, %parallel_loop3A_1148, %parallel_loop3A_1149, %parallel_loop3A_1150] {strides = array<i32>} : memref<2x4x1x1x512xi32, #tpu.memory_space<vmem>>, vector<16xi32>,
        %parallel_loop3A_1152 = arith.constant 42 : i32
        %parallel_loop3A_1153 = vector.broadcast %parallel_loop3A_1152 : i32 to vector<16xi32>
        %parallel_loop3A_1154 = arith.addi %parallel_loop3A_1151, %parallel_loop3A_1153 : vector<16xi32>
        %parallel_loop3A_1155 = arith.constant 1 : i32
        %parallel_loop3A_1156 = arith.constant 0 : i32
        %parallel_loop3A_1157 = arith.constant 0 : i32
        %parallel_loop3A_1158 = arith.constant 0 : i32
        %parallel_loop3A_1159 = tpu.memref_slice %arg8[%parallel_loop3A_1155, %parallel_loop3A_1156, %parallel_loop3A_1157, %parallel_loop3A_1158] : memref<2x84x1x512xf32, #tpu.memory_space<vmem>> -> memref<1x84x1x512xf32, #tpu.memory_space<vmem>>
        %parallel_loop3A_1160 = tpu.memref_squeeze %parallel_loop3A_1159 : memref<1x84x1x512xf32, #tpu.memory_space<vmem>> -> memref<84x1x512xf32, #tpu.memory_space<vmem>>
        %parallel_loop3A_1161 = tpu.vector_load_idx %parallel_loop3A_1160[%parallel_loop3A_1154, %broadcast_in_dim3A_5, %parallel_loop3A_1029] : memref<84x1x512xf32, #tpu.memory_space<vmem>>[vector<16xi32>, vector<16xi32>, vector<16xi32>], vector<16xf32>,
        %parallel_loop3A_1162 = arith.constant 9.99999974E-6 : f32
        %parallel_loop3A_1163 = vector.broadcast %parallel_loop3A_1162 : f32 to vector<16xf32>
        %parallel_loop3A_1164 = arith.maximumf %parallel_loop3A_1161, %parallel_loop3A_1163 : vector<16xf32>
        %parallel_loop3A_1165 = vector.bitcast %parallel_loop3A_1164 : vector<16xf32> to vector<16xi32>
        %parallel_loop3A_1166 = arith.constant 15 : i32
        %parallel_loop3A_1167 = vector.broadcast %parallel_loop3A_1166 : i32 to vector<16xi32>
        %parallel_loop3A_1168 = arith.shrsi %parallel_loop3A_1165, %parallel_loop3A_1167 : vector<16xi32>
        %parallel_loop3A_1169 = arith.constant 255 : i32
        %parallel_loop3A_1170 = vector.broadcast %parallel_loop3A_1169 : i32 to vector<16xi32>
        %parallel_loop3A_1171 = arith.andi %parallel_loop3A_1168, %parallel_loop3A_1170 : vector<16xi32>
        %parallel_loop3A_1172 = arith.constant 8388607 : i32
        %parallel_loop3A_1173 = vector.broadcast %parallel_loop3A_1172 : i32 to vector<16xi32>
        %parallel_loop3A_1174 = arith.andi %parallel_loop3A_1165, %parallel_loop3A_1173 : vector<16xi32>
        %parallel_loop3A_1175 = arith.constant 1065353216 : i32
        %parallel_loop3A_1176 = vector.broadcast %parallel_loop3A_1175 : i32 to vector<16xi32>
        %parallel_loop3A_1177 = arith.ori %parallel_loop3A_1174, %parallel_loop3A_1176 : vector<16xi32>
        %parallel_loop3A_1178 = vector.bitcast %parallel_loop3A_1177 : vector<16xi32> to vector<16xf32>
        %parallel_loop3A_1179 = tpu.vector_load_idx %arg10[%parallel_loop3A_1171] : memref<256xf32, #tpu.memory_space<vmem>>[vector<16xi32>], vector<16xf32>,
        %parallel_loop3A_1180 = tpu.vector_load_idx %arg11[%parallel_loop3A_1171] : memref<256xf32, #tpu.memory_space<vmem>>[vector<16xi32>], vector<16xf32>,
        %parallel_loop3A_1181 = arith.mulf %parallel_loop3A_1180, %parallel_loop3A_1178 : vector<16xf32>
        %parallel_loop3A_1182 = arith.addf %parallel_loop3A_1179, %parallel_loop3A_1181 : vector<16xf32>
        %parallel_loop3A_1183 = arith.constant 23 : i32
        %parallel_loop3A_1184 = vector.broadcast %parallel_loop3A_1183 : i32 to vector<16xi32>
        %parallel_loop3A_1185 = arith.shrsi %parallel_loop3A_1165, %parallel_loop3A_1184 : vector<16xi32>
        %parallel_loop3A_1186 = arith.sitofp %parallel_loop3A_1185 : vector<16xi32> to vector<16xf32>
        %parallel_loop3A_1187 = arith.constant 0.693147182 : f32
        %parallel_loop3A_1188 = vector.broadcast %parallel_loop3A_1187 : f32 to vector<16xf32>
        %parallel_loop3A_1189 = arith.mulf %parallel_loop3A_1186, %parallel_loop3A_1188 : vector<16xf32>
        %parallel_loop3A_1190 = arith.subf %parallel_loop3A_1182, %parallel_loop3A_1189 : vector<16xf32>
        %parallel_loop3A_1191 = arith.constant 1.000000e+00 : f32
        %parallel_loop3A_1192 = vector.broadcast %parallel_loop3A_1191 : f32 to vector<16xf32>
        %parallel_loop3A_1193 = arith.subf %parallel_loop3A_1192, %parallel_loop3A_1164 : vector<16xf32>
        %parallel_loop3A_1194 = arith.mulf %parallel_loop3A_1193, %parallel_loop3A_1193 : vector<16xf32>
        %parallel_loop3A_1195 = arith.mulf %parallel_loop3A_1194, %parallel_loop3A_1190 : vector<16xf32>
        %parallel_loop3A_1196 = arith.addf %parallel_loop3A_1141, %parallel_loop3A_1195 : vector<16xf32>
        %parallel_loop3A_1197 = arith.constant 1 : i32
        %parallel_loop3A_1198 = arith.constant 3 : i32
        %parallel_loop3A_1199 = arith.constant 0 : i32
        %parallel_loop3A_1200 = arith.constant 0 : i32
        %parallel_loop3A_1201 = arith.index_cast %parallel_loop3A_1197 : i32 to index
        %parallel_loop3A_1202 = arith.index_cast %parallel_loop3A_1198 : i32 to index
        %parallel_loop3A_1203 = arith.index_cast %parallel_loop3A_1199 : i32 to index
        %parallel_loop3A_1204 = arith.index_cast %parallel_loop3A_1200 : i32 to index
        %parallel_loop3A_1205 = arith.index_cast %parallel_loop3A_1027 : i32 to index
        %parallel_loop3A_1206 = tpu.vector_load %arg9[%parallel_loop3A_1201, %parallel_loop3A_1202, %parallel_loop3A_1203, %parallel_loop3A_1204, %parallel_loop3A_1205] {strides = array<i32>} : memref<2x4x1x1x512xi32, #tpu.memory_space<vmem>>, vector<16xi32>,
        %parallel_loop3A_1207 = arith.constant 63 : i32
        %parallel_loop3A_1208 = vector.broadcast %parallel_loop3A_1207 : i32 to vector<16xi32>
        %parallel_loop3A_1209 = arith.addi %parallel_loop3A_1206, %parallel_loop3A_1208 : vector<16xi32>
        %parallel_loop3A_1210 = arith.constant 1 : i32
        %parallel_loop3A_1211 = arith.constant 0 : i32
        %parallel_loop3A_1212 = arith.constant 0 : i32
        %parallel_loop3A_1213 = arith.constant 0 : i32
        %parallel_loop3A_1214 = tpu.memref_slice %arg8[%parallel_loop3A_1210, %parallel_loop3A_1211, %parallel_loop3A_1212, %parallel_loop3A_1213] : memref<2x84x1x512xf32, #tpu.memory_space<vmem>> -> memref<1x84x1x512xf32, #tpu.memory_space<vmem>>
        %parallel_loop3A_1215 = tpu.memref_squeeze %parallel_loop3A_1214 : memref<1x84x1x512xf32, #tpu.memory_space<vmem>> -> memref<84x1x512xf32, #tpu.memory_space<vmem>>
        %parallel_loop3A_1216 = tpu.vector_load_idx %parallel_loop3A_1215[%parallel_loop3A_1209, %broadcast_in_dim3A_5, %parallel_loop3A_1029] : memref<84x1x512xf32, #tpu.memory_space<vmem>>[vector<16xi32>, vector<16xi32>, vector<16xi32>], vector<16xf32>,
        %parallel_loop3A_1217 = arith.constant 9.99999974E-6 : f32
        %parallel_loop3A_1218 = vector.broadcast %parallel_loop3A_1217 : f32 to vector<16xf32>
        %parallel_loop3A_1219 = arith.maximumf %parallel_loop3A_1216, %parallel_loop3A_1218 : vector<16xf32>
        %parallel_loop3A_1220 = vector.bitcast %parallel_loop3A_1219 : vector<16xf32> to vector<16xi32>
        %parallel_loop3A_1221 = arith.constant 15 : i32
        %parallel_loop3A_1222 = vector.broadcast %parallel_loop3A_1221 : i32 to vector<16xi32>
        %parallel_loop3A_1223 = arith.shrsi %parallel_loop3A_1220, %parallel_loop3A_1222 : vector<16xi32>
        %parallel_loop3A_1224 = arith.constant 255 : i32
        %parallel_loop3A_1225 = vector.broadcast %parallel_loop3A_1224 : i32 to vector<16xi32>
        %parallel_loop3A_1226 = arith.andi %parallel_loop3A_1223, %parallel_loop3A_1225 : vector<16xi32>
        %parallel_loop3A_1227 = arith.constant 8388607 : i32
        %parallel_loop3A_1228 = vector.broadcast %parallel_loop3A_1227 : i32 to vector<16xi32>
        %parallel_loop3A_1229 = arith.andi %parallel_loop3A_1220, %parallel_loop3A_1228 : vector<16xi32>
        %parallel_loop3A_1230 = arith.constant 1065353216 : i32
        %parallel_loop3A_1231 = vector.broadcast %parallel_loop3A_1230 : i32 to vector<16xi32>
        %parallel_loop3A_1232 = arith.ori %parallel_loop3A_1229, %parallel_loop3A_1231 : vector<16xi32>
        %parallel_loop3A_1233 = vector.bitcast %parallel_loop3A_1232 : vector<16xi32> to vector<16xf32>
        %parallel_loop3A_1234 = tpu.vector_load_idx %arg10[%parallel_loop3A_1226] : memref<256xf32, #tpu.memory_space<vmem>>[vector<16xi32>], vector<16xf32>,
        %parallel_loop3A_1235 = tpu.vector_load_idx %arg11[%parallel_loop3A_1226] : memref<256xf32, #tpu.memory_space<vmem>>[vector<16xi32>], vector<16xf32>,
        %parallel_loop3A_1236 = arith.mulf %parallel_loop3A_1235, %parallel_loop3A_1233 : vector<16xf32>
        %parallel_loop3A_1237 = arith.addf %parallel_loop3A_1234, %parallel_loop3A_1236 : vector<16xf32>
        %parallel_loop3A_1238 = arith.constant 23 : i32
        %parallel_loop3A_1239 = vector.broadcast %parallel_loop3A_1238 : i32 to vector<16xi32>
        %parallel_loop3A_1240 = arith.shrsi %parallel_loop3A_1220, %parallel_loop3A_1239 : vector<16xi32>
        %parallel_loop3A_1241 = arith.sitofp %parallel_loop3A_1240 : vector<16xi32> to vector<16xf32>
        %parallel_loop3A_1242 = arith.constant 0.693147182 : f32
        %parallel_loop3A_1243 = vector.broadcast %parallel_loop3A_1242 : f32 to vector<16xf32>
        %parallel_loop3A_1244 = arith.mulf %parallel_loop3A_1241, %parallel_loop3A_1243 : vector<16xf32>
        %parallel_loop3A_1245 = arith.subf %parallel_loop3A_1237, %parallel_loop3A_1244 : vector<16xf32>
        %parallel_loop3A_1246 = arith.constant 1.000000e+00 : f32
        %parallel_loop3A_1247 = vector.broadcast %parallel_loop3A_1246 : f32 to vector<16xf32>
        %parallel_loop3A_1248 = arith.subf %parallel_loop3A_1247, %parallel_loop3A_1219 : vector<16xf32>
        %parallel_loop3A_1249 = arith.mulf %parallel_loop3A_1248, %parallel_loop3A_1248 : vector<16xf32>
        %parallel_loop3A_1250 = arith.mulf %parallel_loop3A_1249, %parallel_loop3A_1245 : vector<16xf32>
        %parallel_loop3A_1251 = arith.addf %parallel_loop3A_1196, %parallel_loop3A_1250 : vector<16xf32>
        %parallel_loop3A_1252 = arith.addi %mul3A_10, %parallel_loop3A_1041 : vector<16xi32>
        tpu.vector_store_idx %arg12[%parallel_loop3A_1252], %parallel_loop3A_1251 {add = true} : memref<352xf32, #tpu.memory_space<vmem>>[vector<16xi32>], vector<16xf32>,
        tpu.vector_store_idx %arg13[%parallel_loop3A_1252], %broadcast_in_dim3A_7 {add = true} : memref<352xf32, #tpu.memory_space<vmem>>[vector<16xi32>], vector<16xf32>,
        %parallel_loop3A_1253 = arith.addi %mul3A_10, %parallel_loop3A_1096 : vector<16xi32>
        tpu.vector_store_idx %arg12[%parallel_loop3A_1253], %parallel_loop3A_1251 {add = true} : memref<352xf32, #tpu.memory_space<vmem>>[vector<16xi32>], vector<16xf32>,
        tpu.vector_store_idx %arg13[%parallel_loop3A_1253], %broadcast_in_dim3A_7 {add = true} : memref<352xf32, #tpu.memory_space<vmem>>[vector<16xi32>], vector<16xf32>,
        %parallel_loop3A_1254 = arith.addi %mul3A_10, %parallel_loop3A_1151 : vector<16xi32>
        tpu.vector_store_idx %arg12[%parallel_loop3A_1254], %parallel_loop3A_1251 {add = true} : memref<352xf32, #tpu.memory_space<vmem>>[vector<16xi32>], vector<16xf32>,
        tpu.vector_store_idx %arg13[%parallel_loop3A_1254], %broadcast_in_dim3A_7 {add = true} : memref<352xf32, #tpu.memory_space<vmem>>[vector<16xi32>], vector<16xf32>,
        %parallel_loop3A_1255 = arith.addi %mul3A_10, %parallel_loop3A_1206 : vector<16xi32>
        tpu.vector_store_idx %arg12[%parallel_loop3A_1255], %parallel_loop3A_1251 {add = true} : memref<352xf32, #tpu.memory_space<vmem>>[vector<16xi32>], vector<16xf32>,
        tpu.vector_store_idx %arg13[%parallel_loop3A_1255], %broadcast_in_dim3A_7 {add = true} : memref<352xf32, #tpu.memory_space<vmem>>[vector<16xi32>], vector<16xf32>,
      } {sc.loop_unroll_factor = 1 : i64, sc.parallel_access}
    }
    %scan3A_236 = arith.constant 8 : i32
    %get3A = arith.constant 0 : index
    %get3A_237 = tpu.vector_load %arg12[%get3A] {strides = array<i32>} : memref<352xf32, #tpu.memory_space<vmem>>, vector<16xf32>,
    %add3A_238 = arith.addf %broadcast_in_dim3A_3, %get3A_237 : vector<16xf32>
    %get3A_239 = arith.constant 5 : index
    %get3A_240 = tpu.vector_load %arg12[%get3A_239] {strides = array<i32>} : memref<352xf32, #tpu.memory_space<vmem>>, vector<16xf32>,
    %add3A_241 = arith.addf %broadcast_in_dim3A_3, %get3A_240 : vector<16xf32>
    %get3A_242 = arith.constant 0 : index
    %get3A_243 = tpu.vector_load %arg13[%get3A_242] {strides = array<i32>} : memref<352xf32, #tpu.memory_space<vmem>>, vector<16xf32>,
    %add3A_244 = arith.addf %broadcast_in_dim3A_3, %get3A_243 : vector<16xf32>
    %get3A_245 = arith.constant 5 : index
    %get3A_246 = tpu.vector_load %arg13[%get3A_245] {strides = array<i32>} : memref<352xf32, #tpu.memory_space<vmem>>, vector<16xf32>,
    %add3A_247 = arith.addf %broadcast_in_dim3A_3, %get3A_246 : vector<16xf32>
    %get3A_248 = arith.constant 21 : index
    %get3A_249 = tpu.vector_load %arg12[%get3A_248] {strides = array<i32>} : memref<352xf32, #tpu.memory_space<vmem>>, vector<16xf32>,
    %add3A_250 = arith.addf %add3A_238, %get3A_249 : vector<16xf32>
    %get3A_251 = arith.constant 26 : index
    %get3A_252 = tpu.vector_load %arg12[%get3A_251] {strides = array<i32>} : memref<352xf32, #tpu.memory_space<vmem>>, vector<16xf32>,
    %add3A_253 = arith.addf %add3A_241, %get3A_252 : vector<16xf32>
    %get3A_254 = arith.constant 21 : index
    %get3A_255 = tpu.vector_load %arg13[%get3A_254] {strides = array<i32>} : memref<352xf32, #tpu.memory_space<vmem>>, vector<16xf32>,
    %add3A_256 = arith.addf %add3A_244, %get3A_255 : vector<16xf32>
    %get3A_257 = arith.constant 26 : index
    %get3A_258 = tpu.vector_load %arg13[%get3A_257] {strides = array<i32>} : memref<352xf32, #tpu.memory_space<vmem>>, vector<16xf32>,
    %add3A_259 = arith.addf %add3A_247, %get3A_258 : vector<16xf32>
    %get3A_260 = arith.constant 42 : index
    %get3A_261 = tpu.vector_load %arg12[%get3A_260] {strides = array<i32>} : memref<352xf32, #tpu.memory_space<vmem>>, vector<16xf32>,
    %add3A_262 = arith.addf %add3A_250, %get3A_261 : vector<16xf32>
    %get3A_263 = arith.constant 47 : index
    %get3A_264 = tpu.vector_load %arg12[%get3A_263] {strides = array<i32>} : memref<352xf32, #tpu.memory_space<vmem>>, vector<16xf32>,
    %add3A_265 = arith.addf %add3A_253, %get3A_264 : vector<16xf32>
    %get3A_266 = arith.constant 42 : index
    %get3A_267 = tpu.vector_load %arg13[%get3A_266] {strides = array<i32>} : memref<352xf32, #tpu.memory_space<vmem>>, vector<16xf32>,
    %add3A_268 = arith.addf %add3A_256, %get3A_267 : vector<16xf32>
    %get3A_269 = arith.constant 47 : index
    %get3A_270 = tpu.vector_load %arg13[%get3A_269] {strides = array<i32>} : memref<352xf32, #tpu.memory_space<vmem>>, vector<16xf32>,
    %add3A_271 = arith.addf %add3A_259, %get3A_270 : vector<16xf32>
    %get3A_272 = arith.constant 63 : index
    %get3A_273 = tpu.vector_load %arg12[%get3A_272] {strides = array<i32>} : memref<352xf32, #tpu.memory_space<vmem>>, vector<16xf32>,
    %add3A_274 = arith.addf %add3A_262, %get3A_273 : vector<16xf32>
    %get3A_275 = arith.constant 68 : index
    %get3A_276 = tpu.vector_load %arg12[%get3A_275] {strides = array<i32>} : memref<352xf32, #tpu.memory_space<vmem>>, vector<16xf32>,
    %add3A_277 = arith.addf %add3A_265, %get3A_276 : vector<16xf32>
    %get3A_278 = arith.constant 63 : index
    %get3A_279 = tpu.vector_load %arg13[%get3A_278] {strides = array<i32>} : memref<352xf32, #tpu.memory_space<vmem>>, vector<16xf32>,
    %add3A_280 = arith.addf %add3A_268, %get3A_279 : vector<16xf32>
    %get3A_281 = arith.constant 68 : index
    %get3A_282 = tpu.vector_load %arg13[%get3A_281] {strides = array<i32>} : memref<352xf32, #tpu.memory_space<vmem>>, vector<16xf32>,
    %add3A_283 = arith.addf %add3A_271, %get3A_282 : vector<16xf32>
    %get3A_284 = arith.constant 84 : index
    %get3A_285 = tpu.vector_load %arg12[%get3A_284] {strides = array<i32>} : memref<352xf32, #tpu.memory_space<vmem>>, vector<16xf32>,
    %add3A_286 = arith.addf %add3A_274, %get3A_285 : vector<16xf32>
    %get3A_287 = arith.constant 89 : index
    %get3A_288 = tpu.vector_load %arg12[%get3A_287] {strides = array<i32>} : memref<352xf32, #tpu.memory_space<vmem>>, vector<16xf32>,
    %add3A_289 = arith.addf %add3A_277, %get3A_288 : vector<16xf32>
    %get3A_290 = arith.constant 84 : index
    %get3A_291 = tpu.vector_load %arg13[%get3A_290] {strides = array<i32>} : memref<352xf32, #tpu.memory_space<vmem>>, vector<16xf32>,
    %add3A_292 = arith.addf %add3A_280, %get3A_291 : vector<16xf32>
    %get3A_293 = arith.constant 89 : index
    %get3A_294 = tpu.vector_load %arg13[%get3A_293] {strides = array<i32>} : memref<352xf32, #tpu.memory_space<vmem>>, vector<16xf32>,
    %add3A_295 = arith.addf %add3A_283, %get3A_294 : vector<16xf32>
    %get3A_296 = arith.constant 105 : index
    %get3A_297 = tpu.vector_load %arg12[%get3A_296] {strides = array<i32>} : memref<352xf32, #tpu.memory_space<vmem>>, vector<16xf32>,
    %add3A_298 = arith.addf %add3A_286, %get3A_297 : vector<16xf32>
    %get3A_299 = arith.constant 110 : index
    %get3A_300 = tpu.vector_load %arg12[%get3A_299] {strides = array<i32>} : memref<352xf32, #tpu.memory_space<vmem>>, vector<16xf32>,
    %add3A_301 = arith.addf %add3A_289, %get3A_300 : vector<16xf32>
    %get3A_302 = arith.constant 105 : index
    %get3A_303 = tpu.vector_load %arg13[%get3A_302] {strides = array<i32>} : memref<352xf32, #tpu.memory_space<vmem>>, vector<16xf32>,
    %add3A_304 = arith.addf %add3A_292, %get3A_303 : vector<16xf32>
    %get3A_305 = arith.constant 110 : index
    %get3A_306 = tpu.vector_load %arg13[%get3A_305] {strides = array<i32>} : memref<352xf32, #tpu.memory_space<vmem>>, vector<16xf32>,
    %add3A_307 = arith.addf %add3A_295, %get3A_306 : vector<16xf32>
    %get3A_308 = arith.constant 126 : index
    %get3A_309 = tpu.vector_load %arg12[%get3A_308] {strides = array<i32>} : memref<352xf32, #tpu.memory_space<vmem>>, vector<16xf32>,
    %add3A_310 = arith.addf %add3A_298, %get3A_309 : vector<16xf32>
    %get3A_311 = arith.constant 131 : index
    %get3A_312 = tpu.vector_load %arg12[%get3A_311] {strides = array<i32>} : memref<352xf32, #tpu.memory_space<vmem>>, vector<16xf32>,
    %add3A_313 = arith.addf %add3A_301, %get3A_312 : vector<16xf32>
    %get3A_314 = arith.constant 126 : index
    %get3A_315 = tpu.vector_load %arg13[%get3A_314] {strides = array<i32>} : memref<352xf32, #tpu.memory_space<vmem>>, vector<16xf32>,
    %add3A_316 = arith.addf %add3A_304, %get3A_315 : vector<16xf32>
    %get3A_317 = arith.constant 131 : index
    %get3A_318 = tpu.vector_load %arg13[%get3A_317] {strides = array<i32>} : memref<352xf32, #tpu.memory_space<vmem>>, vector<16xf32>,
    %add3A_319 = arith.addf %add3A_307, %get3A_318 : vector<16xf32>
    %get3A_320 = arith.constant 147 : index
    %get3A_321 = tpu.vector_load %arg12[%get3A_320] {strides = array<i32>} : memref<352xf32, #tpu.memory_space<vmem>>, vector<16xf32>,
    %add3A_322 = arith.addf %add3A_310, %get3A_321 : vector<16xf32>
    %get3A_323 = arith.constant 152 : index
    %get3A_324 = tpu.vector_load %arg12[%get3A_323] {strides = array<i32>} : memref<352xf32, #tpu.memory_space<vmem>>, vector<16xf32>,
    %add3A_325 = arith.addf %add3A_313, %get3A_324 : vector<16xf32>
    %get3A_326 = arith.constant 147 : index
    %get3A_327 = tpu.vector_load %arg13[%get3A_326] {strides = array<i32>} : memref<352xf32, #tpu.memory_space<vmem>>, vector<16xf32>,
    %add3A_328 = arith.addf %add3A_316, %get3A_327 : vector<16xf32>
    %get3A_329 = arith.constant 152 : index
    %get3A_330 = tpu.vector_load %arg13[%get3A_329] {strides = array<i32>} : memref<352xf32, #tpu.memory_space<vmem>>, vector<16xf32>,
    %add3A_331 = arith.addf %add3A_319, %get3A_330 : vector<16xf32>
    %get3A_332 = arith.constant 168 : index
    %get3A_333 = tpu.vector_load %arg12[%get3A_332] {strides = array<i32>} : memref<352xf32, #tpu.memory_space<vmem>>, vector<16xf32>,
    %add3A_334 = arith.addf %add3A_322, %get3A_333 : vector<16xf32>
    %get3A_335 = arith.constant 173 : index
    %get3A_336 = tpu.vector_load %arg12[%get3A_335] {strides = array<i32>} : memref<352xf32, #tpu.memory_space<vmem>>, vector<16xf32>,
    %add3A_337 = arith.addf %add3A_325, %get3A_336 : vector<16xf32>
    %get3A_338 = arith.constant 168 : index
    %get3A_339 = tpu.vector_load %arg13[%get3A_338] {strides = array<i32>} : memref<352xf32, #tpu.memory_space<vmem>>, vector<16xf32>,
    %add3A_340 = arith.addf %add3A_328, %get3A_339 : vector<16xf32>
    %get3A_341 = arith.constant 173 : index
    %get3A_342 = tpu.vector_load %arg13[%get3A_341] {strides = array<i32>} : memref<352xf32, #tpu.memory_space<vmem>>, vector<16xf32>,
    %add3A_343 = arith.addf %add3A_331, %get3A_342 : vector<16xf32>
    %get3A_344 = arith.constant 189 : index
    %get3A_345 = tpu.vector_load %arg12[%get3A_344] {strides = array<i32>} : memref<352xf32, #tpu.memory_space<vmem>>, vector<16xf32>,
    %add3A_346 = arith.addf %add3A_334, %get3A_345 : vector<16xf32>
    %get3A_347 = arith.constant 194 : index
    %get3A_348 = tpu.vector_load %arg12[%get3A_347] {strides = array<i32>} : memref<352xf32, #tpu.memory_space<vmem>>, vector<16xf32>,
    %add3A_349 = arith.addf %add3A_337, %get3A_348 : vector<16xf32>
    %get3A_350 = arith.constant 189 : index
    %get3A_351 = tpu.vector_load %arg13[%get3A_350] {strides = array<i32>} : memref<352xf32, #tpu.memory_space<vmem>>, vector<16xf32>,
    %add3A_352 = arith.addf %add3A_340, %get3A_351 : vector<16xf32>
    %get3A_353 = arith.constant 194 : index
    %get3A_354 = tpu.vector_load %arg13[%get3A_353] {strides = array<i32>} : memref<352xf32, #tpu.memory_space<vmem>>, vector<16xf32>,
    %add3A_355 = arith.addf %add3A_343, %get3A_354 : vector<16xf32>
    %get3A_356 = arith.constant 210 : index
    %get3A_357 = tpu.vector_load %arg12[%get3A_356] {strides = array<i32>} : memref<352xf32, #tpu.memory_space<vmem>>, vector<16xf32>,
    %add3A_358 = arith.addf %add3A_346, %get3A_357 : vector<16xf32>
    %get3A_359 = arith.constant 215 : index
    %get3A_360 = tpu.vector_load %arg12[%get3A_359] {strides = array<i32>} : memref<352xf32, #tpu.memory_space<vmem>>, vector<16xf32>,
    %add3A_361 = arith.addf %add3A_349, %get3A_360 : vector<16xf32>
    %get3A_362 = arith.constant 210 : index
    %get3A_363 = tpu.vector_load %arg13[%get3A_362] {strides = array<i32>} : memref<352xf32, #tpu.memory_space<vmem>>, vector<16xf32>,
    %add3A_364 = arith.addf %add3A_352, %get3A_363 : vector<16xf32>
    %get3A_365 = arith.constant 215 : index
    %get3A_366 = tpu.vector_load %arg13[%get3A_365] {strides = array<i32>} : memref<352xf32, #tpu.memory_space<vmem>>, vector<16xf32>,
    %add3A_367 = arith.addf %add3A_355, %get3A_366 : vector<16xf32>
    %get3A_368 = arith.constant 231 : index
    %get3A_369 = tpu.vector_load %arg12[%get3A_368] {strides = array<i32>} : memref<352xf32, #tpu.memory_space<vmem>>, vector<16xf32>,
    %add3A_370 = arith.addf %add3A_358, %get3A_369 : vector<16xf32>
    %get3A_371 = arith.constant 236 : index
    %get3A_372 = tpu.vector_load %arg12[%get3A_371] {strides = array<i32>} : memref<352xf32, #tpu.memory_space<vmem>>, vector<16xf32>,
    %add3A_373 = arith.addf %add3A_361, %get3A_372 : vector<16xf32>
    %get3A_374 = arith.constant 231 : index
    %get3A_375 = tpu.vector_load %arg13[%get3A_374] {strides = array<i32>} : memref<352xf32, #tpu.memory_space<vmem>>, vector<16xf32>,
    %add3A_376 = arith.addf %add3A_364, %get3A_375 : vector<16xf32>
    %get3A_377 = arith.constant 236 : index
    %get3A_378 = tpu.vector_load %arg13[%get3A_377] {strides = array<i32>} : memref<352xf32, #tpu.memory_space<vmem>>, vector<16xf32>,
    %add3A_379 = arith.addf %add3A_367, %get3A_378 : vector<16xf32>
    %get3A_380 = arith.constant 252 : index
    %get3A_381 = tpu.vector_load %arg12[%get3A_380] {strides = array<i32>} : memref<352xf32, #tpu.memory_space<vmem>>, vector<16xf32>,
    %add3A_382 = arith.addf %add3A_370, %get3A_381 : vector<16xf32>
    %get3A_383 = arith.constant 257 : index
    %get3A_384 = tpu.vector_load %arg12[%get3A_383] {strides = array<i32>} : memref<352xf32, #tpu.memory_space<vmem>>, vector<16xf32>,
    %add3A_385 = arith.addf %add3A_373, %get3A_384 : vector<16xf32>
    %get3A_386 = arith.constant 252 : index
    %get3A_387 = tpu.vector_load %arg13[%get3A_386] {strides = array<i32>} : memref<352xf32, #tpu.memory_space<vmem>>, vector<16xf32>,
    %add3A_388 = arith.addf %add3A_376, %get3A_387 : vector<16xf32>
    %get3A_389 = arith.constant 257 : index
    %get3A_390 = tpu.vector_load %arg13[%get3A_389] {strides = array<i32>} : memref<352xf32, #tpu.memory_space<vmem>>, vector<16xf32>,
    %add3A_391 = arith.addf %add3A_379, %get3A_390 : vector<16xf32>
    %get3A_392 = arith.constant 273 : index
    %get3A_393 = tpu.vector_load %arg12[%get3A_392] {strides = array<i32>} : memref<352xf32, #tpu.memory_space<vmem>>, vector<16xf32>,
    %add3A_394 = arith.addf %add3A_382, %get3A_393 : vector<16xf32>
    %get3A_395 = arith.constant 278 : index
    %get3A_396 = tpu.vector_load %arg12[%get3A_395] {strides = array<i32>} : memref<352xf32, #tpu.memory_space<vmem>>, vector<16xf32>,
    %add3A_397 = arith.addf %add3A_385, %get3A_396 : vector<16xf32>
    %get3A_398 = arith.constant 273 : index
    %get3A_399 = tpu.vector_load %arg13[%get3A_398] {strides = array<i32>} : memref<352xf32, #tpu.memory_space<vmem>>, vector<16xf32>,
    %add3A_400 = arith.addf %add3A_388, %get3A_399 : vector<16xf32>
    %get3A_401 = arith.constant 278 : index
    %get3A_402 = tpu.vector_load %arg13[%get3A_401] {strides = array<i32>} : memref<352xf32, #tpu.memory_space<vmem>>, vector<16xf32>,
    %add3A_403 = arith.addf %add3A_391, %get3A_402 : vector<16xf32>
    %get3A_404 = arith.constant 294 : index
    %get3A_405 = tpu.vector_load %arg12[%get3A_404] {strides = array<i32>} : memref<352xf32, #tpu.memory_space<vmem>>, vector<16xf32>,
    %add3A_406 = arith.addf %add3A_394, %get3A_405 : vector<16xf32>
    %get3A_407 = arith.constant 299 : index
    %get3A_408 = tpu.vector_load %arg12[%get3A_407] {strides = array<i32>} : memref<352xf32, #tpu.memory_space<vmem>>, vector<16xf32>,
    %add3A_409 = arith.addf %add3A_397, %get3A_408 : vector<16xf32>
    %get3A_410 = arith.constant 294 : index
    %get3A_411 = tpu.vector_load %arg13[%get3A_410] {strides = array<i32>} : memref<352xf32, #tpu.memory_space<vmem>>, vector<16xf32>,
    %add3A_412 = arith.addf %add3A_400, %get3A_411 : vector<16xf32>
    %get3A_413 = arith.constant 299 : index
    %get3A_414 = tpu.vector_load %arg13[%get3A_413] {strides = array<i32>} : memref<352xf32, #tpu.memory_space<vmem>>, vector<16xf32>,
    %add3A_415 = arith.addf %add3A_403, %get3A_414 : vector<16xf32>
    %get3A_416 = arith.constant 315 : index
    %get3A_417 = tpu.vector_load %arg12[%get3A_416] {strides = array<i32>} : memref<352xf32, #tpu.memory_space<vmem>>, vector<16xf32>,
    %add3A_418 = arith.addf %add3A_406, %get3A_417 : vector<16xf32>
    %get3A_419 = arith.constant 320 : index
    %get3A_420 = tpu.vector_load %arg12[%get3A_419] {strides = array<i32>} : memref<352xf32, #tpu.memory_space<vmem>>, vector<16xf32>,
    %add3A_421 = arith.addf %add3A_409, %get3A_420 : vector<16xf32>
    %get3A_422 = arith.constant 315 : index
    %get3A_423 = tpu.vector_load %arg13[%get3A_422] {strides = array<i32>} : memref<352xf32, #tpu.memory_space<vmem>>, vector<16xf32>,
    %add3A_424 = arith.addf %add3A_412, %get3A_423 : vector<16xf32>
    %get3A_425 = arith.constant 320 : index
    %get3A_426 = tpu.vector_load %arg13[%get3A_425] {strides = array<i32>} : memref<352xf32, #tpu.memory_space<vmem>>, vector<16xf32>,
    %add3A_427 = arith.addf %add3A_415, %get3A_426 : vector<16xf32>
    %swap3A_428 = arith.constant 5 : index
    %swap3A_429 = tpu.vector_load %arg14[%swap3A_428] {strides = array<i32>} : memref<128xf32, #tpu.memory_space<vmem>>, vector<16xf32>,
    tpu.vector_store %arg14[%swap3A_428], %add3A_421 {strides = array<i32>} : memref<128xf32, #tpu.memory_space<vmem>>, vector<16xf32>,
    %swap3A_430 = arith.constant 0 : index
    %swap3A_431 = tpu.vector_load %arg14[%swap3A_430] {strides = array<i32>} : memref<128xf32, #tpu.memory_space<vmem>>, vector<16xf32>,
    tpu.vector_store %arg14[%swap3A_430], %add3A_418 {strides = array<i32>} : memref<128xf32, #tpu.memory_space<vmem>>, vector<16xf32>,
    %swap3A_432 = arith.constant 5 : index
    %swap3A_433 = tpu.vector_load %arg15[%swap3A_432] {strides = array<i32>} : memref<128xf32, #tpu.memory_space<vmem>>, vector<16xf32>,
    tpu.vector_store %arg15[%swap3A_432], %add3A_427 {strides = array<i32>} : memref<128xf32, #tpu.memory_space<vmem>>, vector<16xf32>,
    %swap3A_434 = arith.constant 0 : index
    %swap3A_435 = tpu.vector_load %arg15[%swap3A_434] {strides = array<i32>} : memref<128xf32, #tpu.memory_space<vmem>>, vector<16xf32>,
    tpu.vector_store %arg15[%swap3A_434], %add3A_424 {strides = array<i32>} : memref<128xf32, #tpu.memory_space<vmem>>, vector<16xf32>,
    %dma_start3A_436 = arith.constant 0 : i32
    %dma_start3A_437 = tpu.memref_slice %arg6[%add3A, %dma_start3A_436] : memref<32x128xf32, #tpu.memory_space<hbm>> -> memref<1x128xf32, #tpu.memory_space<hbm>>
    %dma_start3A_438 = tpu.memref_squeeze %dma_start3A_437 : memref<1x128xf32, #tpu.memory_space<hbm>> -> memref<128xf32, #tpu.memory_space<hbm>>
    %dma_start3A_439 = arith.constant 0 : i32
    %dma_start3A_440 = tpu.memref_slice %arg6[%add3A, %dma_start3A_439] : memref<32x128xf32, #tpu.memory_space<hbm>> -> memref<1x128xf32, #tpu.memory_space<hbm>>
    %dma_start3A_441 = tpu.memref_squeeze %dma_start3A_440 : memref<1x128xf32, #tpu.memory_space<hbm>> -> memref<128xf32, #tpu.memory_space<hbm>>
    tpu.enqueue_dma source(%arg14 : memref<128xf32, #tpu.memory_space<vmem>>) target(%dma_start3A_441 : memref<128xf32, #tpu.memory_space<hbm>>) target_semaphore(%arg16 : memref<!tpu.dma_semaphore, #tpu.memory_space<semaphore_mem>>)
    %dma_start3A_442 = arith.constant 0 : i32
    %dma_start3A_443 = tpu.memref_slice %arg7[%add3A, %dma_start3A_442] : memref<32x128xf32, #tpu.memory_space<hbm>> -> memref<1x128xf32, #tpu.memory_space<hbm>>
    %dma_start3A_444 = tpu.memref_squeeze %dma_start3A_443 : memref<1x128xf32, #tpu.memory_space<hbm>> -> memref<128xf32, #tpu.memory_space<hbm>>
    %dma_start3A_445 = arith.constant 0 : i32
    %dma_start3A_446 = tpu.memref_slice %arg7[%add3A, %dma_start3A_445] : memref<32x128xf32, #tpu.memory_space<hbm>> -> memref<1x128xf32, #tpu.memory_space<hbm>>
    %dma_start3A_447 = tpu.memref_squeeze %dma_start3A_446 : memref<1x128xf32, #tpu.memory_space<hbm>> -> memref<128xf32, #tpu.memory_space<hbm>>
    tpu.enqueue_dma source(%arg15 : memref<128xf32, #tpu.memory_space<vmem>>) target(%dma_start3A_447 : memref<128xf32, #tpu.memory_space<hbm>>) target_semaphore(%arg17 : memref<!tpu.dma_semaphore, #tpu.memory_space<semaphore_mem>>)
    %dma_wait3A = arith.constant 0 : i32
    %dma_wait3A_448 = tpu.memref_slice %arg6[%add3A, %dma_wait3A] : memref<32x128xf32, #tpu.memory_space<hbm>> -> memref<1x128xf32, #tpu.memory_space<hbm>>
    %dma_wait3A_449 = tpu.memref_squeeze %dma_wait3A_448 : memref<1x128xf32, #tpu.memory_space<hbm>> -> memref<128xf32, #tpu.memory_space<hbm>>
    %dma_wait3A_450 = arith.constant 0 : i32
    %dma_wait3A_451 = tpu.memref_slice %arg6[%add3A, %dma_wait3A_450] : memref<32x128xf32, #tpu.memory_space<hbm>> -> memref<1x128xf32, #tpu.memory_space<hbm>>
    %dma_wait3A_452 = tpu.memref_squeeze %dma_wait3A_451 : memref<1x128xf32, #tpu.memory_space<hbm>> -> memref<128xf32, #tpu.memory_space<hbm>>
    tpu.wait_dma2 semaphore(%arg16 : memref<!tpu.dma_semaphore, #tpu.memory_space<semaphore_mem>>) src(%arg14 : memref<128xf32, #tpu.memory_space<vmem>>) dst(%dma_wait3A_452 : memref<128xf32, #tpu.memory_space<hbm>>)
    %dma_wait3A_453 = arith.constant 0 : i32
    %dma_wait3A_454 = tpu.memref_slice %arg7[%add3A, %dma_wait3A_453] : memref<32x128xf32, #tpu.memory_space<hbm>> -> memref<1x128xf32, #tpu.memory_space<hbm>>
    %dma_wait3A_455 = tpu.memref_squeeze %dma_wait3A_454 : memref<1x128xf32, #tpu.memory_space<hbm>> -> memref<128xf32, #tpu.memory_space<hbm>>
    %dma_wait3A_456 = arith.constant 0 : i32
    %dma_wait3A_457 = tpu.memref_slice %arg7[%add3A, %dma_wait3A_456] : memref<32x128xf32, #tpu.memory_space<hbm>> -> memref<1x128xf32, #tpu.memory_space<hbm>>
    %dma_wait3A_458 = tpu.memref_squeeze %dma_wait3A_457 : memref<1x128xf32, #tpu.memory_space<hbm>> -> memref<128xf32, #tpu.memory_space<hbm>>
    tpu.wait_dma2 semaphore(%arg17 : memref<!tpu.dma_semaphore, #tpu.memory_space<semaphore_mem>>) src(%arg15 : memref<128xf32, #tpu.memory_space<vmem>>) dst(%dma_wait3A_458 : memref<128xf32, #tpu.memory_space<hbm>>)
    return
  }
}

module attributes {stable_mosaic.version = 14 : i64} {
  func.func @_combine_body(%arg0: memref<32x128xf32, #tpu.memory_space<vmem>>, %arg1: memref<32x128xf32, #tpu.memory_space<vmem>>, %arg2: memref<1x1xf32, #tpu.memory_space<vmem>>) attributes {dimension_semantics = [], scalar_prefetch = 0 : i64, scratch_operands = 0 : i64, tpu.core_type = #tpu.core_type<tc>} {
    %get3A = arith.constant 0 : index
    %get3A_0 = arith.constant 0 : index
    %get3A_1 = vector.load %arg0[%get3A, %get3A_0] : memref<32x128xf32, #tpu.memory_space<vmem>>, vector<32x128xf32>
    %reduce_sum3A = arith.constant dense<0.000000e+00> : vector<128xf32>
    %reduce_sum3A_2 = vector.multi_reduction <add>, %get3A_1, %reduce_sum3A [0] : vector<32x128xf32> to vector<128xf32>
    %get3A_3 = arith.constant 0 : index
    %get3A_4 = arith.constant 0 : index
    %get3A_5 = vector.load %arg1[%get3A_3, %get3A_4] : memref<32x128xf32, #tpu.memory_space<vmem>>, vector<32x128xf32>
    %reduce_sum3A_6 = arith.constant dense<0.000000e+00> : vector<128xf32>
    %reduce_sum3A_7 = vector.multi_reduction <add>, %get3A_5, %reduce_sum3A_6 [0] : vector<32x128xf32> to vector<128xf32>
    %mul3A = arith.constant 9.53674316E-7 : f32
    %mul3A_8 = vector.broadcast %mul3A : f32 to vector<128xf32>
    %mul3A_9 = arith.mulf %reduce_sum3A_7, %mul3A_8 : vector<128xf32>
    %add3A = arith.constant 1.100000e+00 : f32
    %add3A_10 = vector.broadcast %add3A : f32 to vector<128xf32>
    %add3A_11 = arith.addf %add3A_10, %mul3A_9 : vector<128xf32>
    %log3A = math.log %add3A_11 : vector<128xf32>
    %div3A = arith.constant 1.000000e+00 : f32
    %div3A_12 = vector.broadcast %div3A : f32 to vector<128xf32>
    %div3A_13 = arith.divf %div3A_12, %log3A : vector<128xf32>
    %mul3A_14 = arith.mulf %div3A_13, %reduce_sum3A_2 : vector<128xf32>
    %reduce_sum3A_15 = vector.shape_cast %mul3A_14 : vector<128xf32> to vector<1x128xf32>
    %reduce_sum3A_16 = arith.constant dense<0.000000e+00> : vector<1xf32>
    %reduce_sum3A_17 = vector.multi_reduction <add>, %reduce_sum3A_15, %reduce_sum3A_16 [1] : vector<1x128xf32> to vector<1xf32>
    %reduce_sum3A_18 = vector.shape_cast %reduce_sum3A_17 : vector<1xf32> to vector<1x1xf32>
    %reduce_sum3A_19 = vector.extract %reduce_sum3A_18[0, 0] : f32 from vector<1x1xf32>
    %reshape3A = vector.broadcast %reduce_sum3A_19 : f32 to vector<1x1xf32>
    %swap3A = arith.constant 0 : index
    %swap3A_20 = arith.constant 0 : index
    %swap3A_21 = vector.load %arg2[%swap3A, %swap3A_20] : memref<1x1xf32, #tpu.memory_space<vmem>>, vector<1x1xf32>
    tpu.vector_store %arg2[%swap3A, %swap3A_20], %reshape3A {strides = array<i32>} : memref<1x1xf32, #tpu.memory_space<vmem>>, vector<1x1xf32>,
    return
  }
}

</mosaic_0001>

<sc_bundles>
// kernel: kernel.4.cloned.1.call-start
scs
__scs_entry_jumppad:
0x0: {  	(pc) =	sbr.rel $0x88, $3  }
0x1: {  	(tag) =	ssettag $0x0;
	lr =	simm.s32 $0x1  }
0x2: {  	[smem:$0x3F9F] =	sst lr;
	_ =	strace $0xD0000000  }
0x3: {  	_ = 	snop  }
0x4: {  	_ = 	snop  }
0x5: {  	_ = 	snop  }
0x6: {  	_ = 	snop  }
0x7: {  	_ = 	snop  }
__scs_overlays_trampoline_lowered:
0x8: {  	[smem:$0x3FAE] =	sst s0  }
0x9: {  	[smem:$0x3FAF] =	sst s1  }
0xa: {  	[smem:$0x3FB0] =	sst s2  }
0xb: {  	[smem:$0x3FB1] =	sst s3  }
0xc: {  	[smem:$0x3FB2] =	sst s4  }
0xd: {  	[smem:$0x3FB3] =	sst s5  }
0xe: {  	[smem:$0x3FB4] =	sst s6  }
0xf: {  	[smem:$0x3FB5] =	sst s7  }
0x10: {  	[smem:$0x3FB6] =	sst s8  }
0x11: {  	[smem:$0x3FB7] =	sst s9;
	s0 =	simm.s32 @!p0 $0x0  }
0x12: {  	s1 =	sld [smem:$0x3F9D];
	s0 =	simm.s32 @p0 $0x1  }
0x13: {  	[smem:$0x3FB8] =	sst s0;
	s0 =	simm.s32 @!p1 $0x0  }
0x14: {  	s2 =	sld [smem:$0x3F9C];
	s0 =	simm.s32 @p1 $0x1  }
0x15: {  	[smem:$0x3FB9] =	sst s0;
	s0 =	simm.s32 @!p2 $0x0  }
0x16: {  	s3 =	sld [smem:$0x3FDB];
	s0 =	simm.s32 @p2 $0x1  }
0x17: {  	s4 =	simm.s32 $0x1BF5;
	[smem:$0x3FBB] =	sst s0  }
0x18: {  	s0 =	sld [smem:$0x3F9E];
	_ =	swait.ge [sflag:s4], $0x0  }
0x19: {  	s7 =	sld [smem:$0x3F9F]  }
0x1a: {  	s8 =	sadd.s32 $0xFFFFE003, lr  }
0x1b: {  	s9 =	sadd.s32 $0xFFFFFEF7, lr;
	s5 =	simm.s32 $0xFFFFFFFF;
	p2 =	slt.u32 s8, $0xFFFFF086  }
0x1c: {  	p1 =	slt.u32 s9, $0xF7A;
	s5 =	simm.s32 @!p2 $0x0  }
0x1d: {  	s5 =	simm.s32 @p1 $0x1;
	p0 =	seq.s32 s7, s2  }
0x1e: {  	s7 =	smul.u32 @!p0 $0xF7A, s2;
	p2 =	seq.s32 @!p0 s5, $0x0  }
0x1f: {  	s9 =	smul.u32 $0xF7A, s1;
	s8 =	simm.s32 @!p0 $0x1BF5;
	p2 =	por !p2, p0  }
0x20: {  	[sflag:s8] =	ssyncset.s32 @!p0 $0xFFFFF086;
	s6 =	sadd.s32 @!p0 s3, s7;
	s7 =	simm.s32 @!p0 $0x108  }
0x21: {  	s3 =	sadd.s32 s3, s9;
	s6 =	sadd.s32 @!p0 $0x88, s6;
	s7 =	simm.s32 @p2 $0x1082  }
0x22: {  	[simem:s7], [sflag:s8] =	dma.local @!p0 [hbm:s6], $0xF7A  }
0x23: {  	s9 =	sor.u32 $0xD0000000, s2;
	s6 =	simm.s32 $0x108;
	_ =	swait.ge @!p0 [sflag:s8], $0x0  }
0x24: {  	s3 =	sadd.s32 $0x88, s3;
	s6 =	simm.s32 @!p1 $0x1082;
	[sflag:s4] =	ssyncset.s32 $0xFFFFF086  }
0x25: {  	[simem:s6], [sflag:s4] =	dma.local [hbm:s3], $0xF7A  }
0x26: {  	[smem:$0x3F9F] =	sst s1;
	(tag) =	ssettag s2;
	_ =	strace s9  }
0x27: {  	s1 =	sld [smem:$0x3FAF]  }
0x28: {  	s2 =	sld [smem:$0x3FB0]  }
0x29: {  	s4 =	sld [smem:$0x3FB2]  }
0x2a: {  	p0 =	seq.s32 s5, $0x0;
	s5 =	sld [smem:$0x3FB3]  }
0x2b: {  	s6 =	sld [smem:$0x3FB4]  }
0x2c: {  	s7 =	sld [smem:$0x3FB5]  }
0x2d: {  	s3 =	simm.s32 $0x108;
	s8 =	sld [smem:$0x3FB6]  }
0x2e: {  	s3 =	simm.s32 @!p0 $0x1082;
	s9 =	sld [smem:$0x3FB7]  }
0x2f: {  	lr =	sadd.s32 s0, s3;
	s0 =	sld [smem:$0x3FAE]  }
0x30: {  	s3 =	sld [smem:$0x3FB1]  }
0x31: {  	[smem:$0x3FBA] =	sst s10  }
0x32: {  	s10 =	sld [smem:$0x3FB8];
	_ =	sdelay $0x3  }
0x33: {  	p0 =	seq.s32 s10, $0x1;
	s10 =	sld [smem:$0x3FBA];
	_ =	sdelay $0x3  }
0x34: {  	[smem:$0x3FBA] =	sst s10  }
0x35: {  	s10 =	sld [smem:$0x3FB9];
	_ =	sdelay $0x3  }
0x36: {  	p1 =	seq.s32 s10, $0x1;
	s10 =	sld [smem:$0x3FBA];
	_ =	sdelay $0x3  }
0x37: {  	[smem:$0x3FBA] =	sst s10  }
0x38: {  	s10 =	sld [smem:$0x3FBB]  }
0x39: {  	_ = 	snop;
	(pc) =	sbr.ind lr, $3  }
0x3a: {  	_ = 	snop  }
0x3b: {  	_ = 	snop  }
0x3c: {  	p2 =	seq.s32 s10, $0x1;
	s10 =	sld [smem:$0x3FBA]  }
0x3d: {  	_ =	shalt  }
0x3e: {  	_ =	shalt  }
0x3f: {  	_ =	shalt  }
0x40: {  	_ =	shalt  }
0x41: {  	_ =	shalt  }
0x42: {  	_ =	shalt  }
0x43: {  	_ =	shalt  }
0x44: {  	_ =	shalt  }
0x45: {  	_ =	shalt  }
0x46: {  	_ =	shalt  }
0x47: {  	_ =	shalt  }
0x48: {  	_ =	shalt  }
0x49: {  	_ =	shalt  }
0x4a: {  	_ =	shalt  }
0x4b: {  	_ =	shalt  }
0x4c: {  	_ =	shalt  }
0x4d: {  	_ =	shalt  }
0x4e: {  	_ =	shalt  }
0x4f: {  	_ =	shalt  }
0x50: {  	_ =	shalt  }
0x51: {  	_ =	shalt  }
0x52: {  	_ =	shalt  }
0x53: {  	_ =	shalt  }
0x54: {  	_ =	shalt  }
0x55: {  	_ =	shalt  }
0x56: {  	_ =	shalt  }
0x57: {  	_ =	shalt  }
0x58: {  	_ =	shalt  }
0x59: {  	_ =	shalt  }
0x5a: {  	_ =	shalt  }
0x5b: {  	_ =	shalt  }
0x5c: {  	_ =	shalt  }
0x5d: {  	_ =	shalt  }
0x5e: {  	_ =	shalt  }
0x5f: {  	_ =	shalt  }
0x60: {  	_ =	shalt  }
0x61: {  	_ =	shalt  }
0x62: {  	_ =	shalt  }
0x63: {  	_ =	shalt  }
0x64: {  	_ =	shalt  }
0x65: {  	_ =	shalt  }
0x66: {  	_ =	shalt  }
0x67: {  	_ =	shalt  }
0x68: {  	_ =	shalt  }
0x69: {  	_ =	shalt  }
0x6a: {  	_ =	shalt  }
0x6b: {  	_ =	shalt  }
0x6c: {  	_ =	shalt  }
0x6d: {  	_ =	shalt  }
0x6e: {  	_ =	shalt  }
0x6f: {  	_ =	shalt  }
0x70: {  	_ =	shalt  }
0x71: {  	_ =	shalt  }
0x72: {  	_ =	shalt  }
0x73: {  	_ =	shalt  }
0x74: {  	_ =	shalt  }
0x75: {  	_ =	shalt  }
0x76: {  	_ =	shalt  }
0x77: {  	_ =	shalt  }
0x78: {  	_ =	shalt  }
0x79: {  	_ =	shalt  }
0x7a: {  	_ =	shalt  }
0x7b: {  	_ =	shalt  }
0x7c: {  	_ =	shalt  }
0x7d: {  	_ =	shalt  }
0x7e: {  	_ =	shalt  }
0x7f: {  	_ =	shalt  }
0x80: {  	_ =	shalt  }
0x81: {  	_ =	shalt  }
0x82: {  	_ =	shalt  }
0x83: {  	_ =	shalt  }
0x84: {  	_ =	shalt  }
0x85: {  	_ =	shalt  }
0x86: {  	_ =	shalt  }
0x87: {  	_ =	shalt  }
.Lfunc_end0:
.L_simem_size_0:
called_computation_lowered:
.L_overlay_start_0:
0x88: {  	s2 =	sld [smem:$0x3FD9]  }
0x89: {  	s3 =	sld [smem:$0x3FFE];
	_ =	sdelay $0x1  }
0x8a: {  	s1 =	srdreg.scid  }
0x8b: {  	s0 =	sand.u32 $0x1, s1  }
0x8c: {  	s17 =	sshll.u32 s0, $0xA;
	s2 =	sadd.s32 s3, s2  }
0x8d: {  	s2 =	sadd.s32 s2, s17  }
0x8e: {  	[smem:$0x3FC6] =	sst s2  }
0x8f: {  	_ = 	snop  }
0x90: {  	s2 =	sld [smem:$0x3FC9]  }
0x91: {  	s18 =	sld [smem:$0x3FC8];
	(tm) =	ssettm $0x1  }
0x92: {  	s4 =	sld [smem:$0x3FFB];
	_ =	sdelay $0x3  }
0x93: {  	_ =	strace s4  }
0x94: {  	s4 =	sld [smem:$0x3FFC];
	_ =	sdelay $0x3  }
0x95: {  	_ =	strace s4  }
0x96: {  	s4 =	sld [smem:$0x3FFD];
	_ =	sdelay $0x3  }
0x97: {  	_ =	strace s4  }
0x98: {  	_ =	strace $0x8FFFFFFF  }
0x99: {  	s19 =	sld [smem:$0x3FDB];
	_ =	sdelay $0x1  }
0x9a: {  	s5 =	simm.s32 $_scs_section_size  }
0x9b: {  	s6 =	simm.s32 $_size__tile_overlayer_lowered;
	s7 =	simm.s32 $_tile_overlayer_lowered  }
0x9c: {  	s22 =	simm.s32 $0x1BFF;
	s21 =	sshll.u32 s7, $0x1;
	s4 =	sadd.s32 s5, s19  }
0x9d: {  	s8 =	simm.s32 $0x0;
	s20 =	sshll.u32 s6, $0x1;
	s6 =	sadd.s32 s21, s4  }
0x9e: {  	[timem:s8], [sflag:s22] =	dma.local [hbm:s6], s20  }
0x9f: {  	_ =	swait.ge [sflag:s22], s20  }
0xa0: {  	s5 =	ssub.s32 $0x0, s20;
	[sflag:s22] =	ssyncset.done $0x0  }
0xa1: {  	[sflag:s22] =	ssyncadd.s32 s5;
	_ =	sdelay $0x1  }
0xa2: {  	s23 =	simm.s32 $0x1B8B  }
0xa3: {  	_ =	swait.ge [sflag:s23], $0x1  }
0xa4: {  	[sflag:s23] =	ssyncset.done $0x0  }
0xa5: {  	s25 =	simm.s32 $0x1B8E;
	s24 =	sld [smem:$0x3FFE];
	[sflag:s23] =	ssyncadd.s32 $0xFFFFFFFF  }
0xa6: {  	s26 =	simm.s32 $execute0_lowered;
	[smem:$0x3FD2] =	sst s25  }
0xa7: {  	s6 =	sshll.u32 s26, $0x1;
	_ =	strace $0x80000046;
	[dreg:$0x1] =	wrdreg $0xFFFFFFFF  }
0xa8: {  	s28 =	simm.s32 $_size_execute0_lowered;
	s4 =	sadd.s32 s4, s6;
	[dreg:$0x0] =	wrdreg $0x0  }
0xa9: {  	s6 =	sshll.u32 s28, $0x1;
	[dreg:$0x2] =	wrdreg s4  }
0xaa: {  	[dreg:$0x3] =	wrdreg s6  }
0xab: {  	[dreg:$0x4] =	wrdreg $0xC0  }
0xac: {  	_ =	task [dreg:s8], $0x5FFFF  }
0xad: {  	[dreg:$0x1] =	wrdreg $0xFFFFFFFF  }
0xae: {  	[dreg:$0x0] =	wrdreg $0x60  }
0xaf: {  	[dreg:$0x2] =	wrdreg s2  }
0xb0: {  	[dreg:$0x3] =	wrdreg s18  }
0xb1: {  	[dreg:$0x4] =	wrdreg s24  }
0xb2: {  	[dreg:$0x5] =	wrdreg $0x9  }
0xb3: {  	_ =	task.clear_ibuf [dreg:s8], $0x6FFFF;
	_ =	strace $0x90000046  }
0xb4: {  	s29 =	simm.s32 $0x9;
	_ =	strace $0x80000048  }
0xb5: {  	_ =	swait.ge [sflag:s29], $0x1  }
0xb6: {  	[sflag:s29] =	ssyncadd.s32 $0xFFFFFFFF  }
0xb7: {  	_ =	strace $0x90000048  }
0xb8: {  	_ =	sfence  }
0xb9: {  	s30 =	sld [smem:$0x0];
	_ =	sdelay $0x2  }
0xba: {  	s31 =	sshll.u32 s1, $0xD;
	s1 =	sshrl.u32 s1, $0x2  }
0xbb: {  	s3 =	sand.u32 $0x4000, s31;
	s1 =	sadd.s32 s1, s30  }
0xbc: {  	s0 =	sor.u32 s3, s0;
	s1 =	sshll.u32 s1, $0x11  }
0xbd: {  	s0 =	sor.u32 s1, s0  }
0xbe: {  	s0 =	sadd.s32 $0x8F2B, s0  }
0xbf: {  	[sflag:s0] =	ssyncadd.remote.s32 $0x1  }
0xc0: {  	_ =	sfence.sel $0xFFFF  }
0xc1: {  	[dreg:$0x0] =	wrdreg $0xFFFFFFFF;
	(pc) =	sbr.abs _section_cstart, $3  }
0xc2: {  	[dreg:$0x1] =	wrdreg $0xFFFFFFFF  }
0xc3: {  	_ =	task.clear_ibuf [dreg:s8], $0x2FFFF;
	_ =	strace $0x9FFFFFFF  }
0xc4: {  	(tm) =	ssettm $0x7FFFFFFF  }
0xc5: {  	_ =	shalt  }
tec
execute0_lowered:
.L_overlay_start_1:
0x0: {  	(tag) =	ssettag $0x1  }
0x1: {  	s1 =	rddreg [dreg:$0x0]  }
0x2: {  	s2 =	rddreg [dreg:$0x1]  }
0x3: {  	s0 =	rddreg [dreg:$0x2];
	s4 =	simm.s32 $0x0  }
0x4: {  	s3 =	srdreg.scid;
	s5 =	stileid.u32;
	s16 =	simm.s32 $0x80  }
0x5: {  	s17 =	simm.s32 $0x400;
	s30 =	simm.s32 $0x1;
	[smem:$0x7FF] =	sst s4  }
0x6: {  	s6 =	sadd.s32 $0xE00, s0;
	s3 =	sand.u32 $0x1, s3;
	s5 =	sshll.u32 s5, $0x1  }
0x7: {  	s22 =	sadd.s32 $0xC00, s0;
	_ =	strace $0x80000047;
	[dreg:$0x4] =	wrdreg s6  }
0x8: {  	s31 =	simm.s32 $0x16200;
	[dreg:$0x5] =	wrdreg s22;
	s5 =	sor.u32 s3, s5  }
0x9: {  	s3 =	ssub.s32 $0x2, s3;
	s7 =	sshll.u32 s5, $0x4;
	s5 =	sshll.u32 s5, $0xA  }
0xa: {  	s22 =	simm.s32 $0x16000;
	[dreg:$0x6] =	wrdreg s7;
	s24 =	sadd.s32 s1, s5  }
0xb: {  	s23 =	sshrl.u32 s3, $0x1;
	s2 =	sadd.s32 s2, s5;
	[dreg:$0x7] =	wrdreg s24  }
0xc: {  	s0 =	sadd.s32 s7, s0;
	s25 =	sadd.s32 $0xA8000, s24;
	[dreg:$0xb] =	wrdreg s2  }
0xd: {  	s3 =	ssub.s32 s3, s23;
	s26 =	sadd.s32 $0x150000, s24;
	[dreg:$0x8] =	wrdreg s25  }
.Ltmp0:
0xe: {  	s6 =	sadd.s32 $0x1F8000, s24;
	[dreg:$0x9] =	wrdreg s26;
	(pc) =	sbr.rel .LBB2_1-.Ltmp0, $4  }
0xf: {  	s23 =	simm.s32 $0x16100;
	s28 =	sadd.s32 $0x1000, s0;
	[dreg:$0xa] =	wrdreg s6  }
0x10: {  	s5 =	simm.s32 $0x0;
	s0 =	sadd.s32 $0x1200, s0;
	[dreg:$0xc] =	wrdreg s28  }
0x11: {  	v0 =	vlaneseq.u32;
	s29 =	smax.u32 s3, $0x1;
	s24 =	simm.s32 $0x2;
	[dreg:$0xd] =	wrdreg s0  }
0x12: {  	v1 =	vimm.f32 $0.0e+00;
	v2 =	vimm.f32 $1.000000000e+00;
	v3 =	vmul.u32 $0x15, v0;
	s3 =	simm.s32 $0xA800;
	[dreg:$0xe] =	wrdreg s29;
	s0 =	simm.s32 $0x16380  }
.LBB2_45:
0x13: {  	v4 =	vld [tilespmem:$0x16200]  }
0x14: {  	v5 =	vld [tilespmem:$0x16205]  }
0x15: {  	v6 =	vld [tilespmem:$0x16380]  }
0x16: {  	v7 =	vld [tilespmem:$0x16385]  }
0x17: {  	v8 =	vld [tilespmem:$0x16215]  }
0x18: {  	v9 =	vld [tilespmem:$0x1621A]  }
0x19: {  	v10 =	vld [tilespmem:$0x16395]  }
0x1a: {  	v11 =	vld [tilespmem:$0x1639A]  }
0x1b: {  	v12 =	vld [tilespmem:$0x1622A]  }
0x1c: {  	v13 =	vld [tilespmem:$0x1622F]  }
0x1d: {  	v14 =	vld [tilespmem:$0x163AA]  }
0x1e: {  	v15 =	vld [tilespmem:$0x163AF]  }
0x1f: {  	v16 =	vld [tilespmem:$0x1623F]  }
0x20: {  	v17 =	vld [tilespmem:$0x16244]  }
0x21: {  	v18 =	vld [tilespmem:$0x163BF]  }
0x22: {  	v19 =	vld [tilespmem:$0x163C4]  }
0x23: {  	v20 =	vld [tilespmem:$0x16254]  }
0x24: {  	v21 =	vld [tilespmem:$0x16259]  }
0x25: {  	v22 =	vld [tilespmem:$0x163D4]  }
0x26: {  	v23 =	vld [tilespmem:$0x163D9]  }
0x27: {  	v24 =	vld [tilespmem:$0x16269]  }
0x28: {  	v25 =	vld [tilespmem:$0x1626E]  }
0x29: {  	v26 =	vld [tilespmem:$0x163E9]  }
0x2a: {  	v27 =	vld [tilespmem:$0x163EE]  }
0x2b: {  	v28 =	vld [tilespmem:$0x1627E]  }
0x2c: {  	v29 =	vld [tilespmem:$0x16283]  }
0x2d: {  	v30 =	vld [tilespmem:$0x163FE]  }
0x2e: {  	v31 =	vld [tilespmem:$0x16403]  }
0x2f: {  	v32 =	vld [tilespmem:$0x16293]  }
0x30: {  	v33 =	vld [tilespmem:$0x16298]  }
0x31: {  	v34 =	vld [tilespmem:$0x16413]  }
0x32: {  	v35 =	vld [tilespmem:$0x16418]  }
0x33: {  	v36 =	vld [tilespmem:$0x162A8]  }
0x34: {  	v37 =	vld [tilespmem:$0x162AD]  }
0x35: {  	v38 =	vld [tilespmem:$0x16428]  }
0x36: {  	v39 =	vld [tilespmem:$0x1642D];
	v5 =	vadd.f32 $0.0e+00, v5  }
0x37: {  	v40 =	vld [tilespmem:$0x162BD];
	v7 =	vadd.f32 $0.0e+00, v7  }
0x38: {  	v60 =	vld [tilespmem:$0x162C2];
	v4 =	vadd.f32 $0.0e+00, v4;
	v5 =	vadd.f32 v9, v5  }
0x39: {  	v61 =	vld [tilespmem:$0x1643D];
	v6 =	vadd.f32 $0.0e+00, v6;
	v7 =	vadd.f32 v11, v7  }
0x3a: {  	v62 =	vld [tilespmem:$0x16442];
	v4 =	vadd.f32 v8, v4;
	v5 =	vadd.f32 v13, v5  }
0x3b: {  	v63 =	vld [tilespmem:$0x162D2];
	v6 =	vadd.f32 v10, v6;
	v7 =	vadd.f32 v15, v7  }
0x3c: {  	v41 =	vld [tilespmem:$0x162D7];
	v4 =	vadd.f32 v12, v4;
	v5 =	vadd.f32 v17, v5  }
0x3d: {  	v42 =	vld [tilespmem:$0x16452];
	v6 =	vadd.f32 v14, v6;
	v7 =	vadd.f32 v19, v7  }
0x3e: {  	v43 =	vld [tilespmem:$0x16457];
	v4 =	vadd.f32 v16, v4;
	v5 =	vadd.f32 v21, v5  }
0x3f: {  	v44 =	vld [tilespmem:$0x162E7];
	v6 =	vadd.f32 v18, v6;
	v7 =	vadd.f32 v23, v7  }
0x40: {  	v45 =	vld [tilespmem:$0x162EC];
	v4 =	vadd.f32 v20, v4;
	v5 =	vadd.f32 v25, v5  }
0x41: {  	v46 =	vld [tilespmem:$0x16467];
	v6 =	vadd.f32 v22, v6;
	v7 =	vadd.f32 v27, v7  }
0x42: {  	v47 =	vld [tilespmem:$0x1646C];
	v4 =	vadd.f32 v24, v4;
	v5 =	vadd.f32 v29, v5  }
0x43: {  	v48 =	vld [tilespmem:$0x162FC];
	v6 =	vadd.f32 v26, v6;
	v7 =	vadd.f32 v31, v7  }
0x44: {  	v49 =	vld [tilespmem:$0x16301];
	v4 =	vadd.f32 v28, v4;
	v5 =	vadd.f32 v33, v5  }
0x45: {  	v50 =	vld [tilespmem:$0x1647C];
	v6 =	vadd.f32 v30, v6;
	v7 =	vadd.f32 v35, v7  }
0x46: {  	v51 =	vld [tilespmem:$0x16481];
	v4 =	vadd.f32 v32, v4;
	v5 =	vadd.f32 v37, v5  }
0x47: {  	v52 =	vld [tilespmem:$0x16311];
	v6 =	vadd.f32 v34, v6;
	v7 =	vadd.f32 v39, v7  }
0x48: {  	v53 =	vld [tilespmem:$0x16316];
	v4 =	vadd.f32 v36, v4;
	v5 =	vadd.f32 v60, v5  }
0x49: {  	v54 =	vld [tilespmem:$0x16491];
	v6 =	vadd.f32 v38, v6;
	v7 =	vadd.f32 v62, v7  }
0x4a: {  	v55 =	vld [tilespmem:$0x16496];
	v4 =	vadd.f32 v40, v4;
	v5 =	vadd.f32 v41, v5  }
0x4b: {  	v56 =	vld [tilespmem:$0x16326];
	v6 =	vadd.f32 v61, v6;
	v7 =	vadd.f32 v43, v7  }
0x4c: {  	v57 =	vld [tilespmem:$0x1632B];
	v4 =	vadd.f32 v63, v4;
	v5 =	vadd.f32 v45, v5  }
0x4d: {  	v58 =	vld [tilespmem:$0x164A6];
	v6 =	vadd.f32 v42, v6;
	v7 =	vadd.f32 v47, v7  }
0x4e: {  	v59 =	vld [tilespmem:$0x164AB];
	v4 =	vadd.f32 v44, v4;
	v5 =	vadd.f32 v49, v5  }
0x4f: {  	v60 =	vld [tilespmem:$0x16340];
	v6 =	vadd.f32 v46, v6;
	v7 =	vadd.f32 v51, v7  }
0x50: {  	v62 =	vld [tilespmem:$0x164C0];
	v4 =	vadd.f32 v48, v4;
	v5 =	vadd.f32 v53, v5  }
0x51: {  	v61 =	vld [tilespmem:$0x1633B];
	v6 =	vadd.f32 v50, v6;
	v7 =	vadd.f32 v55, v7  }
0x52: {  	v63 =	vld [tilespmem:$0x164BB];
	v4 =	vadd.f32 v52, v4;
	v5 =	vadd.f32 v57, v5  }
0x53: {  	v6 =	vadd.f32 v54, v6;
	v7 =	vadd.f32 v59, v7  }
0x54: {  	v4 =	vadd.f32 v56, v4;
	v5 =	vadd.f32 v60, v5  }
0x55: {  	v6 =	vadd.f32 v58, v6;
	v7 =	vadd.f32 v62, v7  }
0x56: {  	v4 =	vadd.f32 v61, v4;
	[tilespmem:$0x16505] =	vst v5  }
0x57: {  	v5 =	vadd.f32 v63, v6;
	[tilespmem:$0x16585] =	vst v7  }
0x58: {  	[tilespmem:$0x16500] =	vst v4  }
0x59: {  	s2 =	rddreg [dreg:$0xc];
	s5 =	simm.s32 $0x16500;
	[tilespmem:$0x16580] =	vst v5  }
0x5a: {  	[hbm4b:s2+s4] =	stream.linear.scatter [tilespmem:s5], [sflag:$0x1], $0x80, $0x38;
	[tilespmem:$0x16600] =	vst v63  }
0x5b: {  	s25 =	rddreg [dreg:$0xd];
	s26 =	simm.s32 $0x16580  }
0x5c: {  	[hbm4b:s25+s4] =	stream.linear.scatter [tilespmem:s26], [sflag:$0x2], $0x80, $0x38;
	[tilespmem:$0x16600] =	vst v63  }
0x5d: {  	_ =	swait.ge [sflag:s30], $0x80  }
0x5e: {  	[sflag:s30] =	ssyncset.done $0x0  }
0x5f: {  	[sflag:s30] =	ssyncadd.s32 $0xFFFFFF80  }
0x60: {  	_ =	swait.ge [sflag:s24], $0x80  }
0x61: {  	s28 =	rddreg [dreg:$0xf]  }
0x62: {  	s29 =	rddreg [dreg:$0xe];
	s5 =	sadd.s32 $0x1, s28  }
0x63: {  	p0 =	sne.s32 s5, s29  }
.Ltmp1:
0x64: {  	_ = 	snop;
	(pc) =	sbr.rel @!p0 .LBB2_46-.Ltmp1, $3  }
0x65: {  	_ =	sdelay $0x1  }
0x66: {  	[sflag:s24] =	ssyncset.done $0x0  }
0x67: {  	[sflag:s24] =	ssyncadd.s32 $0xFFFFFF80  }
.LBB2_1:
0x68: {  	[tilespmem:$0x16200] =	vst v1  }
0x69: {  	[tilespmem:$0x16380] =	vst v1  }
0x6a: {  	[tilespmem:$0x16210] =	vst v1  }
0x6b: {  	[tilespmem:$0x16390] =	vst v1  }
0x6c: {  	[tilespmem:$0x16220] =	vst v1  }
0x6d: {  	[tilespmem:$0x163A0] =	vst v1  }
0x6e: {  	[tilespmem:$0x16230] =	vst v1  }
0x6f: {  	[tilespmem:$0x163B0] =	vst v1  }
0x70: {  	[tilespmem:$0x16240] =	vst v1  }
0x71: {  	[tilespmem:$0x163C0] =	vst v1  }
0x72: {  	[tilespmem:$0x16250] =	vst v1  }
0x73: {  	[tilespmem:$0x163D0] =	vst v1  }
0x74: {  	[tilespmem:$0x16260] =	vst v1  }
0x75: {  	[tilespmem:$0x163E0] =	vst v1  }
0x76: {  	[tilespmem:$0x16270] =	vst v1  }
0x77: {  	[tilespmem:$0x163F0] =	vst v1  }
0x78: {  	[tilespmem:$0x16280] =	vst v1  }
0x79: {  	[tilespmem:$0x16400] =	vst v1  }
0x7a: {  	[tilespmem:$0x16290] =	vst v1  }
0x7b: {  	[tilespmem:$0x16410] =	vst v1  }
0x7c: {  	[tilespmem:$0x162A0] =	vst v1  }
0x7d: {  	[tilespmem:$0x16420] =	vst v1  }
0x7e: {  	[tilespmem:$0x162B0] =	vst v1  }
0x7f: {  	[tilespmem:$0x16430] =	vst v1  }
0x80: {  	[tilespmem:$0x162C0] =	vst v1  }
0x81: {  	[tilespmem:$0x16440] =	vst v1  }
0x82: {  	[tilespmem:$0x162D0] =	vst v1  }
0x83: {  	[tilespmem:$0x16450] =	vst v1  }
0x84: {  	[tilespmem:$0x162E0] =	vst v1  }
0x85: {  	[tilespmem:$0x16460] =	vst v1  }
0x86: {  	[tilespmem:$0x162F0] =	vst v1  }
0x87: {  	[tilespmem:$0x16470] =	vst v1  }
0x88: {  	[tilespmem:$0x16300] =	vst v1  }
0x89: {  	[tilespmem:$0x16480] =	vst v1  }
0x8a: {  	[tilespmem:$0x16310] =	vst v1  }
0x8b: {  	[tilespmem:$0x16490] =	vst v1  }
0x8c: {  	[tilespmem:$0x16320] =	vst v1  }
0x8d: {  	[tilespmem:$0x164A0] =	vst v1  }
0x8e: {  	[tilespmem:$0x16330] =	vst v1  }
0x8f: {  	[tilespmem:$0x164B0] =	vst v1  }
0x90: {  	[tilespmem:$0x16340] =	vst v1  }
0x91: {  	[tilespmem:$0x164C0] =	vst v1  }
0x92: {  	[tilespmem:$0x16350] =	vst v1  }
0x93: {  	[tilespmem:$0x164D0] =	vst v1  }
0x94: {  	[tilespmem:$0x16500] =	vst v1  }
0x95: {  	[tilespmem:$0x16580] =	vst v1  }
0x96: {  	[tilespmem:$0x16510] =	vst v1  }
0x97: {  	[tilespmem:$0x16590] =	vst v1  }
0x98: {  	[tilespmem:$0x16520] =	vst v1  }
0x99: {  	[tilespmem:$0x165A0] =	vst v1  }
0x9a: {  	[tilespmem:$0x16530] =	vst v1  }
0x9b: {  	[tilespmem:$0x165B0] =	vst v1  }
0x9c: {  	[tilespmem:$0x16540] =	vst v1  }
0x9d: {  	[tilespmem:$0x165C0] =	vst v1  }
0x9e: {  	[tilespmem:$0x16550] =	vst v1  }
0x9f: {  	[tilespmem:$0x165D0] =	vst v1  }
0xa0: {  	[tilespmem:$0x16560] =	vst v1  }
0xa1: {  	[dreg:$0xf] =	wrdreg s5;
	[tilespmem:$0x165E0] =	vst v1  }
0xa2: {  	[tilespmem:$0x16570] =	vst v1;
	s8 =	rddreg [dreg:$0x7]  }
0xa3: {  	[tilespmem:$0x165F0] =	vst v1;
	s5 =	simm.s32 $0x800;
	s9 =	simm.s32 $0x0;
	s6 =	sadd.s32 $0x8000, s8  }
.LBB2_2:
0xa4: {  	[tilespmem:s9], [sflag:$0x1] =	stream.strided.gather [hbm4b:s8+s16], $0x200, s17, s16, $0x38;
	[tilespmem:$0x16600] =	vst v63  }
0xa5: {  	s9 =	smov.u32 s5;
	s8 =	smov.u32 s6;
	p0 =	sne.s32 s5, $0xA000  }
.Ltmp2:
0xa6: {  	s5 =	sadd.s32 $0x800, s5;
	(pc) =	sbr.rel @p0 .LBB2_2-.Ltmp2, $2  }
0xa7: {  	_ =	sdelay $0x2  }
0xa8: {  	s6 =	sadd.s32 $0x8000, s6;
	s9 =	sshra.s32 s9, $0x2  }
0xa9: {  	[tilespmem:s9], [sflag:$0x1] =	stream.strided.gather [hbm4b:s8+s16], $0x200, s17, s16, $0x38;
	[tilespmem:$0x16600] =	vst v63  }
0xaa: {  	s5 =	simm.s32 $0x2A00;
	s6 =	rddreg [dreg:$0x8]  }
0xab: {  	[tilespmem:s5], [sflag:$0x1] =	stream.strided.gather [hbm4b:s6+s16], $0x200, s17, s16, $0x38;
	[tilespmem:$0x16600] =	vst v63  }
0xac: {  	s5 =	simm.s32 $0x800  }
.LBB2_4:
0xad: {  	p0 =	sne.s32 s5, $0xA000  }
.Ltmp3:
0xae: {  	_ = 	snop;
	(pc) =	sbr.rel @p0 .LBB2_4-.Ltmp3, $4  }
0xaf: {  	_ = 	snop  }
0xb0: {  	s8 =	sshra.s32 s5, $0x2;
	s5 =	sadd.s32 $0x800, s5  }
0xb1: {  	s6 =	sadd.s32 $0x8000, s6;
	s8 =	sadd.s32 $0x2A00, s8  }
0xb2: {  	[tilespmem:s8], [sflag:$0x1] =	stream.strided.gather [hbm4b:s6+s16], $0x200, s17, s16, $0x38;
	[tilespmem:$0x16600] =	vst v63  }
0xb3: {  	s5 =	simm.s32 $0x5400;
	s6 =	rddreg [dreg:$0x9]  }
0xb4: {  	[tilespmem:s5], [sflag:$0x1] =	stream.strided.gather [hbm4b:s6+s16], $0x200, s17, s16, $0x38;
	[tilespmem:$0x16600] =	vst v63  }
0xb5: {  	s5 =	simm.s32 $0x800  }
.LBB2_6:
0xb6: {  	p0 =	sne.s32 s5, $0xA000  }
.Ltmp4:
0xb7: {  	_ = 	snop;
	(pc) =	sbr.rel @p0 .LBB2_6-.Ltmp4, $4  }
0xb8: {  	_ = 	snop  }
0xb9: {  	s8 =	sshra.s32 s5, $0x2;
	s5 =	sadd.s32 $0x800, s5  }
0xba: {  	s6 =	sadd.s32 $0x8000, s6;
	s8 =	sadd.s32 $0x5400, s8  }
0xbb: {  	[tilespmem:s8], [sflag:$0x1] =	stream.strided.gather [hbm4b:s6+s16], $0x200, s17, s16, $0x38;
	[tilespmem:$0x16600] =	vst v63  }
0xbc: {  	s5 =	simm.s32 $0x7E00;
	s6 =	rddreg [dreg:$0xa]  }
0xbd: {  	[tilespmem:s5], [sflag:$0x1] =	stream.strided.gather [hbm4b:s6+s16], $0x200, s17, s16, $0x38;
	[tilespmem:$0x16600] =	vst v63  }
0xbe: {  	s5 =	simm.s32 $0x800  }
.LBB2_8:
0xbf: {  	p0 =	sne.s32 s5, $0xA000  }
.Ltmp5:
0xc0: {  	_ = 	snop;
	(pc) =	sbr.rel @p0 .LBB2_8-.Ltmp5, $4  }
0xc1: {  	_ = 	snop  }
0xc2: {  	s8 =	sshra.s32 s5, $0x2;
	s5 =	sadd.s32 $0x800, s5  }
0xc3: {  	s6 =	sadd.s32 $0x8000, s6;
	s8 =	sadd.s32 $0x7E00, s8  }
0xc4: {  	[tilespmem:s8], [sflag:$0x1] =	stream.strided.gather [hbm4b:s6+s16], $0x200, s17, s16, $0x38;
	[tilespmem:$0x16600] =	vst v63  }
0xc5: {  	s2 =	rddreg [dreg:$0xb];
	s5 =	simm.s32 $0x15000  }
0xc6: {  	[tilespmem:s5], [sflag:$0x1] =	stream.strided.gather [hbm4b:s2+s16], $0x200, s17, s16, $0x38;
	[tilespmem:$0x16600] =	vst v63  }
0xc7: {  	s6 =	simm.s32 $0x15200;
	s19 =	sadd.s32 $0x8000, s2  }
0xc8: {  	[tilespmem:s6], [sflag:$0x1] =	stream.strided.gather [hbm4b:s19+s16], $0x200, s17, s16, $0x38;
	[tilespmem:$0x16600] =	vst v63  }
0xc9: {  	s21 =	simm.s32 $0x15400;
	s20 =	sadd.s32 $0x10000, s2  }
0xca: {  	[tilespmem:s21], [sflag:$0x1] =	stream.strided.gather [hbm4b:s20+s16], $0x200, s17, s16, $0x38;
	[tilespmem:$0x16600] =	vst v63  }
0xcb: {  	s26 =	simm.s32 $0x15600;
	s25 =	sadd.s32 $0x18000, s2  }
0xcc: {  	[tilespmem:s26], [sflag:$0x1] =	stream.strided.gather [hbm4b:s25+s16], $0x200, s17, s16, $0x38;
	[tilespmem:$0x16600] =	vst v63  }
0xcd: {  	s28 =	rddreg [dreg:$0x4];
	s6 =	simm.s32 $0x0  }
0xce: {  	[tilespmem:s22], [sflag:$0x2] =	stream.linear.gather [hbm4b:s28+s6], $0x100, $0x38;
	[tilespmem:$0x16600] =	vst v63  }
0xcf: {  	s29 =	rddreg [dreg:$0x5]  }
0xd0: {  	[tilespmem:s23], [sflag:$0x2] =	stream.linear.gather [hbm4b:s29+s6], $0x100, $0x38;
	[tilespmem:$0x16600] =	vst v63  }
0xd1: {  	_ =	swait.ge [sflag:s24], $0x100  }
0xd2: {  	[sflag:s24] =	ssyncset.done $0x0  }
0xd3: {  	[sflag:s24] =	ssyncadd.s32 $0xFFFFFF00  }
0xd4: {  	_ =	swait.ge [sflag:s24], $0x100  }
0xd5: {  	[sflag:s24] =	ssyncset.done $0x0  }
0xd6: {  	[sflag:s24] =	ssyncadd.s32 $0xFFFFFF00  }
.LBB2_10:
0xd7: {  	s13 =	sshll.u32 s6, $0x1;
	s2 =	rddreg [dreg:$0x6]  }
0xd8: {  	s8 =	sshll.u32 s6, $0x8;
	s5 =	sadd.s32 s2, s13  }
0xd9: {  	s9 =	sand.u32 $0x300, s8;
	s5 =	sshll.u32 s5, $0x9  }
0xda: {  	s9 =	sor.u32 $0x80, s9;
	s8 =	sand.u32 $0x7FFFF000, s5  }
0xdb: {  	s5 =	sor.u32 s9, s8  }
0xdc: {  	s5 =	sshrl.u32 s5, $0x3  }
0xdd: {  	s11 =	simm.s32 $0xA800;
	s10 =	sadd.s32 s1, s5  }
0xde: {  	[tilespmem:s11], [sflag:$0x2] =	stream.strided.gather [hbm4b:s10+s16], $0x200, s17, s16, $0x38;
	[tilespmem:$0x16600] =	vst v63  }
0xdf: {  	s11 =	simm.s32 $0x800  }
.LBB2_11:
0xe0: {  	p0 =	sne.s32 s11, $0xA000  }
.Ltmp6:
0xe1: {  	_ = 	snop;
	(pc) =	sbr.rel @p0 .LBB2_11-.Ltmp6, $4  }
0xe2: {  	_ = 	snop  }
0xe3: {  	s12 =	sshra.s32 s11, $0x2;
	s11 =	sadd.s32 $0x800, s11  }
0xe4: {  	s10 =	sadd.s32 $0x8000, s10;
	s12 =	sadd.s32 $0xA800, s12  }
0xe5: {  	[tilespmem:s12], [sflag:$0x2] =	stream.strided.gather [hbm4b:s10+s16], $0x200, s17, s16, $0x38;
	[tilespmem:$0x16600] =	vst v63  }
0xe6: {  	s8 =	sadd.s32 s9, s8  }
0xe7: {  	s9 =	sadd.s32 $0x540000, s8  }
0xe8: {  	s9 =	sshrl.u32 s9, $0x3  }
0xe9: {  	s10 =	simm.s32 $0xD200;
	s9 =	sadd.s32 s1, s9  }
0xea: {  	[tilespmem:s10], [sflag:$0x2] =	stream.strided.gather [hbm4b:s9+s16], $0x200, s17, s16, $0x38;
	[tilespmem:$0x16600] =	vst v63  }
0xeb: {  	s10 =	simm.s32 $0x800  }
.LBB2_13:
0xec: {  	p0 =	sne.s32 s10, $0xA000  }
.Ltmp7:
0xed: {  	_ = 	snop;
	(pc) =	sbr.rel @p0 .LBB2_13-.Ltmp7, $4  }
0xee: {  	_ = 	snop  }
0xef: {  	s11 =	sshra.s32 s10, $0x2;
	s10 =	sadd.s32 $0x800, s10  }
0xf0: {  	s9 =	sadd.s32 $0x8000, s9;
	s11 =	sadd.s32 $0xD200, s11  }
0xf1: {  	[tilespmem:s11], [sflag:$0x2] =	stream.strided.gather [hbm4b:s9+s16], $0x200, s17, s16, $0x38;
	[tilespmem:$0x16600] =	vst v63  }
0xf2: {  	s9 =	sadd.s32 $0xA80000, s8  }
0xf3: {  	s9 =	sshrl.u32 s9, $0x3  }
0xf4: {  	s10 =	simm.s32 $0xFC00;
	s9 =	sadd.s32 s1, s9  }
0xf5: {  	[tilespmem:s10], [sflag:$0x2] =	stream.strided.gather [hbm4b:s9+s16], $0x200, s17, s16, $0x38;
	[tilespmem:$0x16600] =	vst v63  }
0xf6: {  	s10 =	simm.s32 $0x800  }
.LBB2_15:
0xf7: {  	p0 =	sne.s32 s10, $0xA000  }
.Ltmp8:
0xf8: {  	_ = 	snop;
	(pc) =	sbr.rel @p0 .LBB2_15-.Ltmp8, $4  }
0xf9: {  	_ = 	snop  }
0xfa: {  	s11 =	sshra.s32 s10, $0x2;
	s10 =	sadd.s32 $0x800, s10  }
0xfb: {  	s9 =	sadd.s32 $0x8000, s9;
	s11 =	sadd.s32 $0xFC00, s11  }
0xfc: {  	[tilespmem:s11], [sflag:$0x2] =	stream.strided.gather [hbm4b:s9+s16], $0x200, s17, s16, $0x38;
	[tilespmem:$0x16600] =	vst v63  }
0xfd: {  	s8 =	sadd.s32 $0xFC0000, s8  }
0xfe: {  	s8 =	sshrl.u32 s8, $0x3  }
0xff: {  	s9 =	simm.s32 $0x12600;
	s8 =	sadd.s32 s1, s8  }
0x100: {  	[tilespmem:s9], [sflag:$0x2] =	stream.strided.gather [hbm4b:s8+s16], $0x200, s17, s16, $0x38;
	[tilespmem:$0x16600] =	vst v63  }
0x101: {  	s9 =	simm.s32 $0x800  }
.LBB2_17:
0x102: {  	p0 =	sne.s32 s9, $0xA000  }
.Ltmp9:
0x103: {  	_ = 	snop;
	(pc) =	sbr.rel @p0 .LBB2_17-.Ltmp9, $4  }
0x104: {  	_ = 	snop  }
0x105: {  	s10 =	sshra.s32 s9, $0x2;
	s9 =	sadd.s32 $0x800, s9  }
0x106: {  	s8 =	sadd.s32 $0x8000, s8;
	s10 =	sadd.s32 $0x12600, s10  }
0x107: {  	[tilespmem:s10], [sflag:$0x2] =	stream.strided.gather [hbm4b:s8+s16], $0x200, s17, s16, $0x38;
	[tilespmem:$0x16600] =	vst v63  }
0x108: {  	s1 =	rddreg [dreg:$0x1]  }
0x109: {  	s10 =	simm.s32 $0x15800;
	s5 =	sadd.s32 s1, s5  }
0x10a: {  	[tilespmem:s10], [sflag:$0x2] =	stream.strided.gather [hbm4b:s5+s16], $0x200, s17, s16, $0x38;
	[tilespmem:$0x16600] =	vst v63  }
0x10b: {  	s11 =	simm.s32 $0x15A00;
	s8 =	sadd.s32 $0x8000, s5  }
0x10c: {  	[tilespmem:s11], [sflag:$0x2] =	stream.strided.gather [hbm4b:s8+s16], $0x200, s17, s16, $0x38;
	[tilespmem:$0x16600] =	vst v63  }
0x10d: {  	s14 =	simm.s32 $0x15C00;
	s12 =	sadd.s32 $0x10000, s5  }
0x10e: {  	[tilespmem:s14], [sflag:$0x2] =	stream.strided.gather [hbm4b:s12+s16], $0x200, s17, s16, $0x38;
	[tilespmem:$0x16600] =	vst v63  }
0x10f: {  	s15 =	simm.s32 $0x15E00;
	s5 =	sadd.s32 $0x18000, s5  }
0x110: {  	[tilespmem:s15], [sflag:$0x2] =	stream.strided.gather [hbm4b:s5+s16], $0x200, s17, s16, $0x38;
	[tilespmem:$0x16600] =	vst v63  }
0x111: {  	_ =	swait.ge [sflag:s30], $0x2A00  }
0x112: {  	[sflag:s30] =	ssyncset.done $0x0  }
0x113: {  	[sflag:s30] =	ssyncadd.s32 $0xFFFFD600  }
0x114: {  	_ =	swait.ge [sflag:s30], $0x2A00  }
0x115: {  	[sflag:s30] =	ssyncset.done $0x0  }
0x116: {  	[sflag:s30] =	ssyncadd.s32 $0xFFFFD600  }
0x117: {  	_ =	swait.ge [sflag:s30], $0x2A00  }
0x118: {  	[sflag:s30] =	ssyncset.done $0x0  }
0x119: {  	[sflag:s30] =	ssyncadd.s32 $0xFFFFD600  }
0x11a: {  	_ =	swait.ge [sflag:s30], $0x2A00  }
0x11b: {  	[sflag:s30] =	ssyncset.done $0x0  }
0x11c: {  	[sflag:s30] =	ssyncadd.s32 $0xFFFFD600  }
0x11d: {  	s18 =	simm.s32 $0x0;
	_ =	swait.ge [sflag:s30], $0x800  }
0x11e: {  	s25 =	simm.s32 $0x15010;
	s26 =	sand.u32 $0x180, s18;
	[sflag:s30] =	ssyncset.done $0x0  }
0x11f: {  	s9 =	sand.u32 $0x60, s18;
	s19 =	sor.u32 $0x15600, s26;
	[sflag:s30] =	ssyncadd.s32 $0xFFFFF800  }
0x120: {  	s20 =	sor.u32 $0x15400, s26;
	s10 =	sor.u32 s9, s19;
	v12 =	vld [tilespmem:s25+$0xFFFFFFF0]  }
0x121: {  	s21 =	sor.u32 $0x15200, s26;
	s29 =	sor.u32 s9, s20;
	v23 =	vld [tilespmem:s10+$0x0]  }
0x122: {  	s9 =	sor.u32 s9, s21;
	v14 =	vld [tilespmem:s29+$0x0]  }
0x123: {  	v15 =	vld [tilespmem:s9+$0x0]  }
0x124: {  	v4 =	vmov s18  }
0x125: {  	p2 =	por $0x1, $0x1;
	v5 =	vor.u32 s18, v0;
	v4 =	vand.u32 $0x180, v4;
	v6 =	vshll.u32 v12, $0x9  }
.Ltmp10:
0x126: {  	v5 =	vand.u32 $0x6F, v5;
	v6 =	vor.u32 v4, v6;
	(pc) =	sbr.rel @!p2 .LBB2_19-.Ltmp10, $4  }
0x127: {  	v7 =	vor.u32 v5, v6;
	v6 =	vshll.u32 v23, $0x9  }
0x128: {  	v8 =	vshll.u32 v14, $0x9;
	v9 =	vshll.u32 v15, $0x9;
	v6 =	vor.u32 v4, v6  }
0x129: {  	s28 =	simm.s32 $0x10;
	v8 =	vor.u32 v4, v8;
	v4 =	vor.u32 v4, v9;
	v6 =	vor.u32 v5, v6  }
0x12a: {  	p0 =	por $0x0, $0x0;
	p1 =	por $0x0, $0x0;
	s5 =	simm.s32 $0x15030;
	v19 =	vor.u32 v5, v8;
	v18 =	vor.u32 v5, v4;
	v13 =	vadd.s32 $0x7E00, v6  }
0x12b: {  	_ = 	snop  }
0x12c: {  	v5 =	vadd.s32 $0x2A00, v18;
	_ =	sdelay $0x1  }
0x12d: {  	s9 =	simm.s32 $0x20;
	v21 =	vld [tilespmem:s5+$0xFFFFFFF0];
	v6 =	vadd.s32 $0x5400, v19  }
0x12e: {  	v9 =	vld.idx.msk [tilespmem:v7+s4+$0x0], $0xffff;
	s10 =	sand.u32 $0x180, s9  }
0x12f: {  	v13 =	vld.idx.msk [tilespmem:v13+s4+$0x0], $0xffff;
	s11 =	sand.u32 $0x60, s9;
	s8 =	sor.u32 $0x15600, s10  }
0x130: {  	s12 =	sor.u32 s11, s8;
	v5 =	vld.idx.msk [tilespmem:v5+s4+$0x0], $0xffff  }
0x131: {  	v7 =	vmov s9;
	v4 =	vld [tilespmem:s12+$0x0];
	s12 =	sor.u32 $0x15400, s10  }
0x132: {  	v8 =	vor.u32 s9, v0;
	s18 =	sor.u32 $0x15200, s10;
	v10 =	vand.u32 $0x180, v7;
	s29 =	sor.u32 s11, s12;
	v11 =	vld.idx.msk [tilespmem:v6+s4+$0x0], $0xffff  }
0x133: {  	v16 =	vand.u32 $0x6F, v8;
	v8 =	vadd.s32 v3, v12;
	s11 =	sor.u32 s11, s18;
	v7 =	vshll.u32 v21, $0x9;
	v20 =	vld [tilespmem:s29+$0x0]  }
0x134: {  	v9 =	vmax.f32 v9, $9.999999740e-06;
	v13 =	vmax.f32 v13, $9.999999740e-06;
	v22 =	vld [tilespmem:s11+$0x0];
	v6 =	vor.u32 v10, v7  }
0x135: {  	v7 =	vor.u32 v16, v6;
	v12 =	vmax.f32 v5, $9.999999740e-06;
	v5 =	vshrl.u32 v9, $0xF  }
0x136: {  	v6 =	vadd.s32 v3, v15;
	v19 =	vshll.u32 v4, $0x9;
	v18 =	vand.u32 $0xFF, v5  }
0x137: {  	v11 =	vmax.f32 v11, $9.999999740e-06;
	v19 =	vor.u32 v10, v19;
	v17 =	vshrl.u32 v12, $0xF  }
0x138: {  	v15 =	vshll.u32 v20, $0x9;
	v5 =	vadd.s32 v3, v14;
	v14 =	vand.u32 $0xFF, v17  }
0x139: {  	v24 =	vshrl.u32 v11, $0xF;
	v17 =	vshll.u32 v22, $0x9;
	v15 =	vor.u32 v10, v15  }
0x13a: {  	v24 =	vand.u32 $0xFF, v24;
	v10 =	vor.u32 v10, v17;
	v17 =	vshrl.u32 v13, $0xF  }
0x13b: {  	v27 =	vsub.f32 $1.000000000e+00, v13;
	v28 =	vshra.s32 v13, $0x17;
	v17 =	vand.u32 $0xFF, v17;
	v26 =	vld.idx.msk [tilespmem:v18+s23+$0x0], $0xffff  }
0x13c: {  	v33 =	vand.u32 $0x7FFFFF, v9;
	v34 =	vsub.f32 $1.000000000e+00, v9;
	v28 =	vcvt.s32.f32 v28;
	v18 =	vld.idx.msk [tilespmem:v18+s22+$0x0], $0xffff  }
0x13d: {  	v33 =	vor.u32 $0x3F800000, v33;
	v9 =	vshra.s32 v9, $0x17;
	v25 =	vor.u32 v16, v19;
	v30 =	vld.idx.msk [tilespmem:v14+s22+$0x0], $0xffff  }
0x13e: {  	v19 =	vsub.f32 $1.000000000e+00, v11;
	v29 =	vsub.f32 $1.000000000e+00, v12;
	v31 =	vshra.s32 v11, $0x17;
	v14 =	vld.idx.msk [tilespmem:v14+s23+$0x0], $0xffff  }
0x13f: {  	v32 =	vand.u32 $0x7FFFFF, v12;
	v12 =	vshra.s32 v12, $0x17;
	v9 =	vcvt.s32.f32 v9;
	v35 =	vld.idx.msk [tilespmem:v24+s23+$0x0], $0xffff  }
0x140: {  	v11 =	vand.u32 $0x7FFFFF, v11;
	v31 =	vcvt.s32.f32 v31;
	v12 =	vcvt.s32.f32 v12;
	v63 =	vld.idx.msk [tilespmem:v17+s23+$0x0], $0xffff  }
0x141: {  	v32 =	vor.u32 $0x3F800000, v32;
	v11 =	vor.u32 $0x3F800000, v11;
	v24 =	vld.idx.msk [tilespmem:v24+s22+$0x0], $0xffff;
	v26 =	vmul.f32 v33, v26  }
0x142: {  	v13 =	vand.u32 $0x7FFFFF, v13;
	v29 =	vmul.f32 v29, v29;
	v9 =	vmul.f32 $6.931471820e-01, v9;
	v17 =	vld.idx.msk [tilespmem:v17+s22+$0x0], $0xffff  }
0x143: {  	v12 =	vmul.f32 $6.931471820e-01, v12;
	v14 =	vmul.f32 v32, v14;
	v18 =	vadd.f32 v26, v18  }
0x144: {  	v13 =	vor.u32 $0x3F800000, v13;
	v11 =	vmul.f32 v11, v35;
	v26 =	vmul.f32 v34, v34  }
0x145: {  	v14 =	vadd.f32 v14, v30;
	v13 =	vmul.f32 v13, v63;
	v9 =	vsub.f32 v18, v9  }
0x146: {  	p2 =	por $0x1, $0x1;
	v11 =	vadd.f32 v11, v24;
	v24 =	vmul.f32 $6.931471820e-01, v31;
	v18 =	vmul.f32 $6.931471820e-01, v28  }
.Ltmp11:
0x147: {  	v12 =	vsub.f32 v14, v12;
	v13 =	vadd.f32 v13, v17;
	v9 =	vmul.f32 v9, v26;
	(pc) =	sbr.rel @!p2 .LBB2_21-.Ltmp11, $4  }
0x148: {  	v14 =	vmul.f32 v27, v27;
	v17 =	vmul.f32 v19, v19;
	v11 =	vsub.f32 v11, v24  }
0x149: {  	v12 =	vmul.f32 v12, v29;
	v24 =	vsub.f32 v13, v18;
	v9 =	vadd.f32 $0.0e+00, v9  }
0x14a: {  	v19 =	vor.u32 v16, v15;
	v18 =	vor.u32 v16, v10;
	v13 =	vadd.s32 $0x7E00, v25  }
0x14b: {  	s26 =	simm.s32 $0x30;
	p0 =	por $0x1, $0x1;
	s10 =	simm.s32 $0x15050;
	v27 =	vmul.f32 v11, v17;
	v30 =	vmul.f32 v24, v14;
	v32 =	vadd.f32 v12, v9  }
0x14c: {  	_ =	sdelay $0x1  }
0x14d: {  	s11 =	simm.s32 $0x40  }
0x14e: {  	v14 =	vld [tilespmem:s10+$0xFFFFFFF0];
	s9 =	sand.u32 $0x180, s11  }
0x14f: {  	v9 =	vadd.s32 $0x5400, v19;
	v11 =	vld.idx.msk [tilespmem:v13+s4+$0x0], $0xffff;
	s29 =	sand.u32 $0x60, s11;
	s14 =	sor.u32 $0x15600, s9  }
0x150: {  	v12 =	vld.idx.msk [tilespmem:v7+s4+$0x0], $0xffff;
	s15 =	sor.u32 $0x15400, s9;
	s2 =	sor.u32 s29, s14  }
0x151: {  	v10 =	vadd.f32 v27, v32;
	s9 =	sor.u32 $0x15200, s9;
	s7 =	sor.u32 s29, s15;
	v15 =	vld [tilespmem:s2+$0x0]  }
0x152: {  	v13 =	vadd.s32 $0x2A00, v18;
	s1 =	sor.u32 s29, s9;
	v16 =	vld [tilespmem:s7+$0x0]  }
0x153: {  	v23 =	vadd.s32 v3, v23;
	v19 =	vor.u32 s28, v0;
	v10 =	vadd.f32 v30, v10;
	v17 =	vld [tilespmem:s1+$0x0]  }
0x154: {  	v25 =	vmov s28;
	v7 =	vmov s11;
	v54 =	vand.u32 $0x7F, v19;
	v9 =	vld.idx.msk [tilespmem:v9+s4+$0x0], $0xffff  }
0x155: {  	v55 =	vand.u32 $0x180, v25;
	v18 =	vand.u32 $0x180, v7;
	[tilespmem:v8+s31+$0x0] =	vst.idx.add.f32.msk $0xffff, v10;
	v7 =	vshll.u32 v14, $0x9  }
0x156: {  	v11 =	vmax.f32 v11, $9.999999740e-06;
	v28 =	vmax.f32 v12, $9.999999740e-06;
	[tilespmem:v8+s0+$0x0] =	vst.idx.add.f32.msk $0xffff, v2;
	v8 =	vor.u32 s11, v0  }
0x157: {  	v25 =	vld.idx.msk [tilespmem:v13+s4+$0x0], $0xffff;
	v27 =	vsub.f32 $1.000000000e+00, v11;
	v12 =	vshra.s32 v11, $0x17;
	v57 =	vand.u32 $0x7FFFFF, v11  }
0x158: {  	v35 =	vsub.f32 $1.000000000e+00, v28;
	v37 =	vshra.s32 v28, $0x17;
	[tilespmem:v6+s31+$0x0] =	vst.idx.add.f32.msk $0xffff, v10;
	v24 =	vand.u32 $0x6F, v8  }
0x159: {  	v8 =	vadd.s32 v3, v21;
	v36 =	vcvt.s32.f32 v12;
	[tilespmem:v6+s0+$0x0] =	vst.idx.add.f32.msk $0xffff, v2;
	v6 =	vor.u32 v18, v7  }
0x15a: {  	v32 =	vor.u32 $0x3F800000, v57;
	v43 =	vmul.f32 v27, v27;
	[tilespmem:v5+s31+$0x0] =	vst.idx.add.f32.msk $0xffff, v10;
	v7 =	vor.u32 v24, v6  }
0x15b: {  	v13 =	vshll.u32 v16, $0x9;
	v19 =	vshll.u32 v15, $0x9;
	[tilespmem:v5+s0+$0x0] =	vst.idx.add.f32.msk $0xffff, v2;
	v5 =	vadd.s32 v3, v20  }
0x15c: {  	v20 =	vshll.u32 v17, $0x9;
	v13 =	vor.u32 v18, v13;
	v19 =	vor.u32 v18, v19  }
0x15d: {  	v25 =	vmax.f32 v25, $9.999999740e-06;
	v18 =	vor.u32 v18, v20;
	v20 =	vor.u32 v24, v19  }
0x15e: {  	v19 =	vor.u32 v24, v13;
	[tilespmem:v23+s31+$0x0] =	vst.idx.add.f32.msk $0xffff, v10;
	v10 =	vshrl.u32 v28, $0xF;
	v13 =	vadd.s32 $0x7E00, v20  }
0x15f: {  	s11 =	sand.u32 $0x70, s28;
	v20 =	vmax.f32 v9, $9.999999740e-06;
	v9 =	vshrl.u32 v25, $0xF;
	[tilespmem:v23+s0+$0x0] =	vst.idx.add.f32.msk $0xffff, v2;
	v30 =	vand.u32 $0xFF, v10  }
0x160: {  	s28 =	sor.u32 s11, s21;
	v18 =	vor.u32 v24, v18;
	v24 =	vshrl.u32 v11, $0xF;
	v56 =	vand.u32 $0xFF, v9;
	v9 =	vld [tilespmem:s25+$0x0]  }
0x161: {  	s29 =	sor.u32 s11, s20;
	v6 =	vadd.s32 v3, v22;
	v62 =	vmul.f32 $6.931471820e-01, v36;
	v24 =	vand.u32 $0xFF, v24;
	v10 =	vld [tilespmem:s28+$0x0]  }
0x162: {  	s2 =	sor.u32 s11, s19;
	v29 =	vsub.f32 $1.000000000e+00, v25;
	v33 =	vand.u32 $0x7FFFFF, v25;
	v26 =	vsub.f32 $1.000000000e+00, v20;
	v11 =	vld [tilespmem:s29+$0x0]  }
0x163: {  	v31 =	vshra.s32 v20, $0x17;
	v34 =	vand.u32 $0x7FFFFF, v20;
	v20 =	vshrl.u32 v20, $0xF;
	v12 =	vld [tilespmem:s2+$0x0]  }
0x164: {  	v28 =	vand.u32 $0x7FFFFF, v28;
	v25 =	vshra.s32 v25, $0x17;
	v20 =	vand.u32 $0xFF, v20;
	v42 =	vld.idx.msk [tilespmem:v30+s23+$0x0], $0xffff  }
0x165: {  	v33 =	vor.u32 $0x3F800000, v33;
	v28 =	vor.u32 $0x3F800000, v28;
	v30 =	vld.idx.msk [tilespmem:v30+s22+$0x0], $0xffff;
	v39 =	vshll.u32 v9, $0x9  }
0x166: {  	v25 =	vcvt.s32.f32 v25;
	v38 =	vld.idx.msk [tilespmem:v24+s22+$0x0], $0xffff;
	v41 =	vshll.u32 v10, $0x9;
	v39 =	vor.u32 v55, v39  }
0x167: {  	v29 =	vmul.f32 v29, v29;
	v23 =	vld.idx.msk [tilespmem:v56+s23+$0x0], $0xffff;
	v41 =	vor.u32 v55, v41;
	v39 =	vor.u32 v54, v39  }
0x168: {  	v40 =	vld.idx.msk [tilespmem:v56+s22+$0x0], $0xffff;
	v58 =	vshll.u32 v11, $0x9;
	v44 =	vshll.u32 v12, $0x9;
	v27 =	vor.u32 v54, v41  }
0x169: {  	v45 =	vld.idx.msk [tilespmem:v20+s23+$0x0], $0xffff;
	v22 =	vor.u32 v55, v44;
	v41 =	vor.u32 v55, v58;
	v27 =	vadd.s32 $0x2A00, v27  }
0x16a: {  	v46 =	vmul.f32 v26, v26;
	v24 =	vld.idx.msk [tilespmem:v24+s23+$0x0], $0xffff;
	v21 =	vor.u32 v54, v22;
	v26 =	vor.u32 v54, v41  }
0x16b: {  	v20 =	vld.idx.msk [tilespmem:v20+s22+$0x0], $0xffff;
	v26 =	vadd.s32 $0x5400, v26;
	v59 =	vmul.f32 v28, v42;
	v28 =	vcvt.s32.f32 v37  }
0x16c: {  	v31 =	vcvt.s32.f32 v31;
	v21 =	vadd.s32 $0x7E00, v21;
	v23 =	vmul.f32 v33, v23;
	v60 =	vld.idx.msk [tilespmem:v39+s4+$0x0], $0xffff  }
0x16d: {  	v61 =	vor.u32 $0x3F800000, v34;
	v22 =	vadd.f32 v59, v30;
	v28 =	vmul.f32 $6.931471820e-01, v28  }
0x16e: {  	v25 =	vmul.f32 $6.931471820e-01, v25;
	v33 =	vmul.f32 v61, v45;
	v23 =	vadd.f32 v23, v40;
	v27 =	vld.idx.msk [tilespmem:v27+s4+$0x0], $0xffff  }
0x16f: {  	v24 =	vmul.f32 v32, v24;
	v30 =	vmul.f32 v35, v35;
	v22 =	vsub.f32 v22, v28  }
0x170: {  	v20 =	vadd.f32 v33, v20;
	v63 =	vld.idx.msk [tilespmem:v26+s4+$0x0], $0xffff;
	v23 =	vsub.f32 v23, v25;
	v25 =	vmul.f32 $6.931471820e-01, v31  }
0x171: {  	p2 =	por $0x1, $0x1;
	v24 =	vadd.f32 v24, v38;
	v21 =	vld.idx.msk [tilespmem:v21+s4+$0x0], $0xffff;
	v22 =	vmul.f32 v22, v30;
	v26 =	vmax.f32 v60, $9.999999740e-06  }
.Ltmp12:
0x172: {  	v23 =	vmul.f32 v23, v29;
	v20 =	vsub.f32 v20, v25;
	v25 =	vshrl.u32 v26, $0xF;
	(pc) =	sbr.rel @!p2 .LBB2_23-.Ltmp12, $4  }
0x173: {  	v22 =	vadd.f32 $0.0e+00, v22;
	v28 =	vand.u32 $0xFF, v25;
	v25 =	vmax.f32 v27, $9.999999740e-06  }
0x174: {  	v27 =	vmul.f32 v20, v46;
	v20 =	vsub.f32 v24, v62;
	v24 =	vshrl.u32 v25, $0xF  }
0x175: {  	p1 =	por $0x1, $0x1;
	v32 =	vadd.f32 v23, v22;
	v31 =	vand.u32 $0xFF, v24;
	v24 =	vmax.f32 v63, $9.999999740e-06  }
0x176: {  	s11 =	simm.s32 $0x50;
	s19 =	simm.s32 $0x15070;
	s20 =	simm.s32 $0x50;
	v29 =	vmax.f32 v21, $9.999999740e-06;
	v30 =	vmul.f32 v20, v43;
	v33 =	vshrl.u32 v24, $0xF  }
.LBB2_24:
0x177: {  	v20 =	vld [tilespmem:s19+$0xFFFFFFF0];
	v21 =	vadd.f32 v27, v32;
	v22 =	vand.u32 $0xFF, v33;
	v23 =	vshrl.u32 v29, $0xF  }
0x178: {  	v18 =	vadd.s32 $0x2A00, v18;
	v19 =	vadd.s32 $0x5400, v19;
	v27 =	vld.idx.msk [tilespmem:v28+s23+$0x0], $0xffff;
	v23 =	vand.u32 $0xFF, v23  }
0x179: {  	v32 =	vsub.f32 $1.000000000e+00, v26;
	v21 =	vadd.f32 v30, v21;
	v28 =	vld.idx.msk [tilespmem:v28+s22+$0x0], $0xffff;
	v30 =	vshra.s32 v26, $0x17  }
0x17a: {  	v34 =	vshra.s32 v29, $0x17;
	v35 =	vsub.f32 $1.000000000e+00, v29;
	v26 =	vand.u32 $0x7FFFFF, v26;
	v33 =	vld.idx.msk [tilespmem:v31+s23+$0x0], $0xffff  }
0x17b: {  	s20 =	sadd.s32 $0x20, s20;
	v36 =	vsub.f32 $1.000000000e+00, v25;
	v37 =	vshra.s32 v24, $0x17;
	v29 =	vand.u32 $0x7FFFFF, v29;
	v31 =	vld.idx.msk [tilespmem:v31+s22+$0x0], $0xffff  }
0x17c: {  	v38 =	vshra.s32 v25, $0x17;
	v39 =	vand.u32 $0x7FFFFF, v24;
	s29 =	sadd.s32 $0xFFFFFFF0, s20;
	v30 =	vcvt.s32.f32 v30;
	v40 =	vld.idx.msk [tilespmem:v22+s23+$0x0], $0xffff  }
0x17d: {  	v25 =	vand.u32 $0x7FFFFF, v25;
	v34 =	vcvt.s32.f32 v34;
	s2 =	sand.u32 $0x180, s29;
	p2 =	slt.u32 s29, $0x1E0;
	v26 =	vor.u32 $0x3F800000, v26;
	v41 =	vld.idx.msk [tilespmem:v23+s23+$0x0], $0xffff  }
0x17e: {  	v29 =	vor.u32 $0x3F800000, v29;
	s7 =	sand.u32 $0x60, s29;
	s21 =	sor.u32 $0x15600, s2;
	v26 =	vmul.f32 v26, v27;
	v27 =	vmul.f32 v32, v32;
	v22 =	vld.idx.msk [tilespmem:v22+s22+$0x0], $0xffff  }
0x17f: {  	v25 =	vor.u32 $0x3F800000, v25;
	v37 =	vcvt.s32.f32 v37;
	s25 =	sor.u32 $0x15400, s2;
	s1 =	sor.u32 s7, s21;
	v32 =	vcvt.s32.f32 v38;
	v23 =	vld.idx.msk [tilespmem:v23+s22+$0x0], $0xffff  }
0x180: {  	s28 =	sor.u32 $0x15200, s2;
	s2 =	sor.u32 s7, s25;
	v26 =	vadd.f32 v26, v28;
	v28 =	vmul.f32 $6.931471820e-01, v30;
	v25 =	vmul.f32 v25, v33;
	v38 =	vld [tilespmem:s1+$0x0]  }
0x181: {  	v32 =	vmul.f32 $6.931471820e-01, v32;
	v33 =	vmul.f32 v36, v36;
	v36 =	vor.u32 $0x3F800000, v39;
	s1 =	sor.u32 s7, s28;
	v30 =	vld [tilespmem:s2+$0x0]  }
0x182: {  	v26 =	vsub.f32 v26, v28;
	v25 =	vadd.f32 v25, v31;
	v28 =	vmul.f32 v36, v40;
	v39 =	vld [tilespmem:s1+$0x0]  }
0x183: {  	v24 =	vsub.f32 $1.000000000e+00, v24;
	v31 =	vmul.f32 $6.931471820e-01, v37;
	v29 =	vmul.f32 v29, v41;
	v13 =	vld.idx.msk [tilespmem:v13+s4+$0x0], $0xffff  }
0x184: {  	v25 =	vsub.f32 v25, v32;
	v22 =	vadd.f32 v28, v22;
	v36 =	vld.idx.msk [tilespmem:v7+s4+$0x0], $0xffff;
	v7 =	vmul.f32 v26, v27  }
0x185: {  	v23 =	vadd.f32 v29, v23;
	v26 =	vld.idx.msk [tilespmem:v19+s4+$0x0], $0xffff;
	v19 =	vmul.f32 v24, v24;
	v24 =	vmul.f32 $6.931471820e-01, v34  }
0x186: {  	v25 =	vmul.f32 v25, v33;
	v22 =	vsub.f32 v22, v31;
	[tilespmem:v8+s31+$0x0] =	vst.idx.add.f32.msk $0xffff, v21;
	v7 =	vadd.f32 $0.0e+00, v7  }
0x187: {  	v27 =	vadd.s32 v3, v4;
	v4 =	vmov v15;
	[tilespmem:v8+s0+$0x0] =	vst.idx.add.f32.msk $0xffff, v2;
	v8 =	vmul.f32 v35, v35  }
0x188: {  	v28 =	vld.idx.msk [tilespmem:v18+s4+$0x0], $0xffff;
	v7 =	vadd.f32 v25, v7;
	v18 =	vmul.f32 v22, v19;
	v19 =	vsub.f32 v23, v24  }
0x189: {  	v9 =	vadd.s32 v3, v9;
	v15 =	vmov v38;
	v22 =	vor.u32 s26, v0;
	[tilespmem:v6+s31+$0x0] =	vst.idx.add.f32.msk $0xffff, v21  }
0x18a: {  	v23 =	vmov s26;
	[tilespmem:v6+s0+$0x0] =	vst.idx.add.f32.msk $0xffff, v2;
	v6 =	vadd.f32 v18, v7;
	v7 =	vmul.f32 v19, v8  }
0x18b: {  	v10 =	vadd.s32 v3, v10;
	v8 =	vmov s29;
	v18 =	vor.u32 s29, v0;
	[tilespmem:v5+s31+$0x0] =	vst.idx.add.f32.msk $0xffff, v21  }
0x18c: {  	v19 =	vand.u32 $0x180, v8;
	v8 =	vshll.u32 v20, $0x9;
	[tilespmem:v5+s0+$0x0] =	vst.idx.add.f32.msk $0xffff, v2;
	v24 =	vadd.f32 v7, v6  }
0x18d: {  	v11 =	vadd.s32 v3, v11;
	v25 =	vand.u32 $0x6F, v18;
	v5 =	vor.u32 v19, v8;
	[tilespmem:v27+s31+$0x0] =	vst.idx.add.f32.msk $0xffff, v21  }
0x18e: {  	v8 =	vadd.s32 v3, v14;
	v7 =	vor.u32 v25, v5;
	v21 =	vand.u32 $0x7F, v22;
	[tilespmem:v9+s31+$0x0] =	vst.idx.add.f32.msk $0xffff, v24  }
0x18f: {  	v6 =	vadd.s32 v3, v17;
	v22 =	vand.u32 $0x180, v23;
	[tilespmem:v9+s0+$0x0] =	vst.idx.add.f32.msk $0xffff, v2;
	v9 =	vadd.s32 v3, v12  }
0x190: {  	v17 =	vshll.u32 v15, $0x9;
	v14 =	vmovc v20;
	v5 =	vadd.s32 v3, v16;
	v12 =	vshll.u32 v30, $0x9;
	[tilespmem:v10+s31+$0x0] =	vst.idx.add.f32.msk $0xffff, v24  }
0x191: {  	v16 =	vshll.u32 v39, $0x9;
	v17 =	vor.u32 v19, v17;
	v12 =	vor.u32 v19, v12;
	[tilespmem:v10+s0+$0x0] =	vst.idx.add.f32.msk $0xffff, v2  }
0x192: {  	v20 =	vmax.f32 v13, $9.999999740e-06;
	v29 =	vor.u32 v25, v17;
	v10 =	vor.u32 v19, v16;
	[tilespmem:v11+s31+$0x0] =	vst.idx.add.f32.msk $0xffff, v24  }
0x193: {  	v19 =	vor.u32 v25, v12;
	v18 =	vor.u32 v25, v10;
	v10 =	vshrl.u32 v20, $0xF;
	[tilespmem:v11+s0+$0x0] =	vst.idx.add.f32.msk $0xffff, v2  }
0x194: {  	v13 =	vadd.s32 $0x7E00, v29;
	v17 =	vmovc v39;
	v16 =	vmovc v30;
	v11 =	vmax.f32 v26, $9.999999740e-06;
	v23 =	vand.u32 $0xFF, v10;
	[tilespmem:v9+s31+$0x0] =	vst.idx.add.f32.msk $0xffff, v24  }
0x195: {  	v12 =	vmax.f32 v28, $9.999999740e-06;
	v25 =	vsub.f32 $1.000000000e+00, v20;
	v24 =	vsub.f32 $1.000000000e+00, v11;
	[tilespmem:v9+s0+$0x0] =	vst.idx.add.f32.msk $0xffff, v2  }
0x196: {  	s1 =	sand.u32 $0x70, s26;
	s26 =	smov.u32 s11;
	s11 =	smov.u32 s20;
	v28 =	vshra.s32 v20, $0x17;
	v26 =	vmax.f32 v36, $9.999999740e-06;
	v9 =	vshrl.u32 v12, $0xF;
	[tilespmem:v27+s0+$0x0] =	vst.idx.add.f32.msk $0xffff, v2  }
0x197: {  	s2 =	sor.u32 s1, s18;
	s18 =	smov.u32 s9;
	s9 =	smov.u32 s28;
	v29 =	vsub.f32 $1.000000000e+00, v12;
	v10 =	vshrl.u32 v26, $0xF;
	v27 =	vand.u32 $0xFF, v9;
	v9 =	vld [tilespmem:s5+$0x0]  }
0x198: {  	v20 =	vand.u32 $0x7FFFFF, v20;
	v31 =	vshra.s32 v11, $0x17;
	v30 =	vand.u32 $0xFF, v10;
	s5 =	smov.u32 s10;
	s10 =	smov.u32 s19;
	v10 =	vld [tilespmem:s2+$0x0]  }
0x199: {  	v32 =	vand.u32 $0x7FFFFF, v12;
	v33 =	vshra.s32 v12, $0x17;
	v34 =	vand.u32 $0x7FFFFF, v11;
	s2 =	sor.u32 s1, s12;
	s12 =	smov.u32 s15;
	s15 =	smov.u32 s25;
	v35 =	vld.idx.msk [tilespmem:v23+s22+$0x0], $0xffff  }
0x19a: {  	v28 =	vcvt.s32.f32 v28;
	v36 =	vsub.f32 $1.000000000e+00, v26;
	v12 =	vshrl.u32 v11, $0xF;
	s1 =	sor.u32 s1, s8;
	s8 =	smov.u32 s14;
	s14 =	smov.u32 s21;
	v11 =	vld [tilespmem:s2+$0x0]  }
0x19b: {  	v20 =	vor.u32 $0x3F800000, v20;
	v37 =	vshra.s32 v26, $0x17;
	v38 =	vand.u32 $0xFF, v12;
	v12 =	vld [tilespmem:s1+$0x0]  }
0x19c: {  	v26 =	vand.u32 $0x7FFFFF, v26;
	v31 =	vcvt.s32.f32 v31;
	v39 =	vld.idx.msk [tilespmem:v27+s22+$0x0], $0xffff;
	v40 =	vshll.u32 v9, $0x9  }
0x19d: {  	v33 =	vcvt.s32.f32 v33;
	v41 =	vld.idx.msk [tilespmem:v30+s23+$0x0], $0xffff;
	v40 =	vor.u32 v22, v40;
	v42 =	vshll.u32 v10, $0x9  }
0x19e: {  	v32 =	vor.u32 $0x3F800000, v32;
	v27 =	vld.idx.msk [tilespmem:v27+s23+$0x0], $0xffff;
	v40 =	vor.u32 v21, v40;
	v42 =	vor.u32 v22, v42  }
0x19f: {  	v43 =	vmul.f32 v25, v25;
	v30 =	vld.idx.msk [tilespmem:v30+s22+$0x0], $0xffff;
	v25 =	vor.u32 v21, v42;
	v42 =	vshll.u32 v11, $0x9  }
0x1a0: {  	v44 =	vld.idx.msk [tilespmem:v38+s23+$0x0], $0xffff;
	v25 =	vadd.s32 $0x2A00, v25;
	v42 =	vor.u32 v22, v42;
	v45 =	vshll.u32 v12, $0x9  }
0x1a1: {  	v24 =	vmul.f32 v24, v24;
	v23 =	vld.idx.msk [tilespmem:v23+s23+$0x0], $0xffff;
	v42 =	vor.u32 v21, v42;
	v22 =	vor.u32 v22, v45  }
0x1a2: {  	v26 =	vor.u32 $0x3F800000, v26;
	v38 =	vld.idx.msk [tilespmem:v38+s22+$0x0], $0xffff;
	v42 =	vadd.s32 $0x5400, v42;
	v21 =	vor.u32 v21, v22  }
0x1a3: {  	v22 =	vmul.f32 v26, v41;
	v26 =	vcvt.s32.f32 v37;
	v37 =	vld.idx.msk [tilespmem:v40+s4+$0x0], $0xffff;
	v21 =	vadd.s32 $0x7E00, v21  }
0x1a4: {  	v29 =	vmul.f32 v29, v29;
	v27 =	vmul.f32 v32, v27;
	v32 =	vor.u32 $0x3F800000, v34  }
0x1a5: {  	v22 =	vadd.f32 v22, v30;
	v26 =	vmul.f32 $6.931471820e-01, v26;
	v30 =	vmul.f32 v36, v36;
	v25 =	vld.idx.msk [tilespmem:v25+s4+$0x0], $0xffff  }
0x1a6: {  	v33 =	vmul.f32 $6.931471820e-01, v33;
	v27 =	vadd.f32 v27, v39;
	v32 =	vmul.f32 v32, v44  }
0x1a7: {  	v22 =	vsub.f32 v22, v26;
	v20 =	vmul.f32 v20, v23;
	v23 =	vmul.f32 $6.931471820e-01, v28;
	v34 =	vld.idx.msk [tilespmem:v42+s4+$0x0], $0xffff  }
0x1a8: {  	v31 =	vmul.f32 $6.931471820e-01, v31;
	v27 =	vsub.f32 v27, v33;
	v28 =	vadd.f32 v32, v38;
	v21 =	vld.idx.msk [tilespmem:v21+s4+$0x0], $0xffff  }
0x1a9: {  	v22 =	vmul.f32 v22, v30;
	v20 =	vadd.f32 v20, v35;
	v26 =	vmax.f32 v37, $9.999999740e-06  }
.Ltmp13:
0x1aa: {  	v29 =	vmul.f32 v27, v29;
	v27 =	vsub.f32 v28, v31;
	v28 =	vshrl.u32 v26, $0xF;
	(pc) =	sbr.rel @p2 .LBB2_24-.Ltmp13, $4  }
0x1ab: {  	v22 =	vadd.f32 $0.0e+00, v22;
	v28 =	vand.u32 $0xFF, v28;
	v25 =	vmax.f32 v25, $9.999999740e-06  }
0x1ac: {  	v20 =	vsub.f32 v20, v23;
	v27 =	vmul.f32 v27, v24;
	v23 =	vshrl.u32 v25, $0xF  }
0x1ad: {  	v32 =	vadd.f32 v29, v22;
	v31 =	vand.u32 $0xFF, v23;
	v24 =	vmax.f32 v34, $9.999999740e-06  }
0x1ae: {  	s19 =	sadd.s32 $0x20, s19;
	v30 =	vmul.f32 v20, v43;
	v33 =	vshrl.u32 v24, $0xF;
	v29 =	vmax.f32 v21, $9.999999740e-06  }
0x1af: {  	s28 =	smov.u32 s26  }
0x1b0: {  	s25 =	smov.u32 s5;
	s21 =	smov.u32 s18;
	s20 =	smov.u32 s12  }
0x1b1: {  	s19 =	smov.u32 s8;
	s26 =	smov.u32 s11;
	s18 =	smov.u32 s9  }
0x1b2: {  	v23 =	vmovc v4;
	v4 =	vmovc v15;
	v21 =	vmov v14;
	v22 =	vmov v17;
	v20 =	vmov v16;
	s5 =	smov.u32 s10;
	s12 =	smov.u32 s15;
	s8 =	smov.u32 s14  }
.LBB2_26:
0x1b3: {  	_ =	sdelay $0x2  }
0x1b4: {  	v14 =	vadd.f32 @p0 v27, v32  }
0x1b5: {  	v15 =	vand.u32 @p1 $0xFF, v33;
	v16 =	vshrl.u32 @p1 v29, $0xF;
	v44 =	vadd.s32 $0x5400, v19;
	v19 =	vld.idx.msk @p1 [tilespmem:v28+s23+$0x0], $0xffff  }
0x1b6: {  	v17 =	vadd.s32 $0x2A00, v18;
	v27 =	vld.idx.msk @p1 [tilespmem:v28+s22+$0x0], $0xffff;
	v28 =	vshra.s32 @p1 v26, $0x17;
	v33 =	vshra.s32 @p1 v29, $0x17  }
0x1b7: {  	v34 =	vsub.f32 @p1 $1.000000000e+00, v29;
	v35 =	vsub.f32 @p1 $1.000000000e+00, v25;
	v36 =	vshra.s32 @p1 v24, $0x17  }
0x1b8: {  	v32 =	vld.idx.msk @p1 [tilespmem:v31+s23+$0x0], $0xffff;
	v29 =	vand.u32 @p1 $0x7FFFFF, v29;
	v37 =	vshra.s32 @p1 v25, $0x17;
	v38 =	vand.u32 @p1 $0x7FFFFF, v24  }
0x1b9: {  	v25 =	vand.u32 @p1 $0x7FFFFF, v25;
	v13 =	vld.idx.msk [tilespmem:v13+s4+$0x0], $0xffff;
	v24 =	vsub.f32 @p1 $1.000000000e+00, v24;
	v23 =	vadd.s32 @p0 v3, v23  }
0x1ba: {  	v7 =	vld.idx.msk [tilespmem:v7+s4+$0x0], $0xffff;
	v14 =	vadd.f32 @p0 v30, v14;
	v30 =	vsub.f32 @p1 $1.000000000e+00, v26;
	v26 =	vand.u32 @p1 $0x7FFFFF, v26  }
0x1bb: {  	v28 =	vcvt.s32.f32 @p1 v28;
	v36 =	vcvt.s32.f32 @p1 v36;
	v26 =	vor.u32 @p1 $0x3F800000, v26  }
0x1bc: {  	v31 =	vld.idx.msk @p1 [tilespmem:v31+s22+$0x0], $0xffff;
	v16 =	vand.u32 @p1 $0xFF, v16;
	v24 =	vmul.f32 @p1 v24, v24;
	v19 =	vmul.f32 @p1 v26, v19  }
0x1bd: {  	v25 =	vor.u32 @p1 $0x3F800000, v25;
	[tilespmem:v8+s31+$0x0] =	vst.idx.add.f32.msk @p0 $0xffff, v14;
	v26 =	vmul.f32 @p1 v30, v30;
	v30 =	vcvt.s32.f32 @p1 v37  }
0x1be: {  	v39 =	vld.idx.msk @p1 [tilespmem:v15+s23+$0x0], $0xffff;
	v25 =	vmul.f32 @p1 v25, v32;
	v32 =	vor.u32 @p1 $0x3F800000, v38;
	v45 =	vmax.f32 v13, $9.999999740e-06  }
0x1bf: {  	v18 =	vld.idx.msk [tilespmem:v44+s4+$0x0], $0xffff;
	v7 =	vmax.f32 v7, $9.999999740e-06;
	v46 =	vshrl.u32 v45, $0xF;
	v49 =	vsub.f32 $1.000000000e+00, v45  }
0x1c0: {  	v17 =	vld.idx.msk [tilespmem:v17+s4+$0x0], $0xffff;
	v51 =	vshra.s32 v45, $0x17;
	v52 =	vshrl.u32 v7, $0xF;
	v57 =	vsub.f32 $1.000000000e+00, v7  }
0x1c1: {  	v40 =	vld.idx.msk @p1 [tilespmem:v16+s23+$0x0], $0xffff;
	v58 =	vshra.s32 v7, $0x17;
	v7 =	vand.u32 $0x7FFFFF, v7;
	v19 =	vadd.f32 @p1 v19, v27  }
0x1c2: {  	v15 =	vld.idx.msk @p1 [tilespmem:v15+s22+$0x0], $0xffff;
	v27 =	vmul.f32 @p1 $6.931471820e-01, v28;
	v28 =	vor.u32 @p1 $0x3F800000, v29;
	v29 =	vmul.f32 @p1 $6.931471820e-01, v30  }
0x1c3: {  	[tilespmem:v8+s0+$0x0] =	vst.idx.add.f32.msk @p0 $0xffff, v2;
	v30 =	vmul.f32 @p1 v35, v35;
	v25 =	vadd.f32 @p1 v25, v31;
	v31 =	vcvt.s32.f32 @p1 v33  }
0x1c4: {  	v16 =	vld.idx.msk @p1 [tilespmem:v16+s22+$0x0], $0xffff;
	v7 =	vor.u32 $0x3F800000, v7;
	v41 =	vmul.f32 v57, v57;
	v19 =	vsub.f32 @p1 v19, v27  }
0x1c5: {  	[tilespmem:v6+s31+$0x0] =	vst.idx.add.f32.msk @p0 $0xffff, v14;
	v25 =	vsub.f32 @p1 v25, v29;
	v27 =	vmul.f32 @p1 v32, v39;
	v47 =	vmax.f32 v18, $9.999999740e-06  }
0x1c6: {  	[tilespmem:v6+s0+$0x0] =	vst.idx.add.f32.msk @p0 $0xffff, v2;
	v17 =	vmax.f32 v17, $9.999999740e-06;
	v28 =	vmul.f32 @p1 v28, v40;
	v19 =	vmul.f32 @p1 v19, v26  }
0x1c7: {  	[tilespmem:v5+s31+$0x0] =	vst.idx.add.f32.msk @p0 $0xffff, v14;
	v26 =	vmul.f32 @p1 $6.931471820e-01, v36;
	v48 =	vsub.f32 $1.000000000e+00, v47;
	v50 =	vshrl.u32 v17, $0xF  }
0x1c8: {  	[tilespmem:v5+s0+$0x0] =	vst.idx.add.f32.msk @p0 $0xffff, v2;
	v53 =	vsub.f32 $1.000000000e+00, v17;
	v54 =	vshra.s32 v47, $0x17;
	v55 =	vand.u32 $0x7FFFFF, v17  }
0x1c9: {  	[tilespmem:v23+s31+$0x0] =	vst.idx.add.f32.msk @p0 $0xffff, v14;
	v17 =	vshra.s32 v17, $0x17;
	v56 =	vand.u32 $0x7FFFFF, v47;
	v15 =	vadd.f32 @p1 v27, v15  }
0x1ca: {  	[tilespmem:v23+s0+$0x0] =	vst.idx.add.f32.msk @p0 $0xffff, v2;
	v36 =	vcvt.s32.f32 v58;
	v8 =	vadd.f32 @p1 $0.0e+00, v19;
	v19 =	vmul.f32 @p1 v25, v30  }
0x1cb: {  	v18 =	vld @p0 [tilespmem:s25+$0x0];
	v16 =	vadd.f32 @p1 v28, v16;
	v25 =	vmul.f32 @p1 $6.931471820e-01, v31;
	v15 =	vsub.f32 @p1 v15, v26  }
0x1cc: {  	s1 =	sand.u32 @p0 $0x70, s28;
	v27 =	vand.u32 $0xFF, v52;
	v17 =	vcvt.s32.f32 v17;
	v32 =	vor.u32 $0x3F800000, v55  }
0x1cd: {  	s2 =	sor.u32 @p0 s1, s21;
	v6 =	vmul.f32 @p1 v15, v24;
	v15 =	vsub.f32 @p1 v16, v25;
	v25 =	vand.u32 $0xFF, v50  }
0x1ce: {  	v26 =	vmul.f32 @p1 v34, v34;
	v8 =	vadd.f32 @p1 v19, v8;
	v16 =	vor.u32 @p0 s28, v0;
	v24 =	vld @p0 [tilespmem:s2+$0x0];
	s2 =	sor.u32 @p0 s1, s20  }
0x1cf: {  	v19 =	vmov @p0 s28;
	s1 =	sor.u32 @p0 s1, s19;
	v13 =	vand.u32 @p0 $0x7F, v16;
	v28 =	vld @p0 [tilespmem:s2+$0x0];
	v16 =	vshrl.u32 v47, $0xF  }
0x1d0: {  	v14 =	vand.u32 @p0 $0x180, v19;
	v30 =	vld @p0 [tilespmem:s1+$0x0];
	v35 =	vshll.u32 @p0 v18, $0x9;
	v16 =	vand.u32 $0xFF, v16  }
0x1d1: {  	v59 =	vld.idx.msk [tilespmem:v27+s23+$0x0], $0xffff;
	v5 =	vadd.f32 @p1 v6, v8;
	v6 =	vmul.f32 @p1 v15, v26;
	v15 =	vand.u32 $0xFF, v46  }
0x1d2: {  	v63 =	vor.u32 $0x3F800000, v56;
	v31 =	vcvt.s32.f32 v54;
	v35 =	vor.u32 @p0 v14, v35;
	v60 =	vld.idx.msk [tilespmem:v25+s22+$0x0], $0xffff  }
0x1d3: {  	v29 =	vmul.f32 v53, v53;
	v36 =	vmul.f32 $6.931471820e-01, v36;
	v35 =	vor.u32 @p0 v13, v35;
	v25 =	vld.idx.msk [tilespmem:v25+s23+$0x0], $0xffff  }
0x1d4: {  	v17 =	vmul.f32 $6.931471820e-01, v17;
	v42 =	vmul.f32 $6.931471820e-01, v31;
	v27 =	vld.idx.msk [tilespmem:v27+s22+$0x0], $0xffff;
	v38 =	vshll.u32 @p0 v24, $0x9  }
0x1d5: {  	v8 =	vand.u32 $0x7FFFFF, v45;
	v26 =	vcvt.s32.f32 v51;
	v38 =	vor.u32 @p0 v14, v38;
	v61 =	vld.idx.msk [tilespmem:v16+s23+$0x0], $0xffff  }
0x1d6: {  	v19 =	vmul.f32 v48, v48;
	v8 =	vor.u32 $0x3F800000, v8;
	v38 =	vor.u32 @p0 v13, v38;
	v62 =	vld.idx.msk [tilespmem:v15+s23+$0x0], $0xffff  }
0x1d7: {  	v26 =	vmul.f32 $6.931471820e-01, v26;
	v7 =	vmul.f32 v7, v59;
	v16 =	vld.idx.msk [tilespmem:v16+s22+$0x0], $0xffff;
	v38 =	vadd.s32 @p0 $0x2A00, v38  }
0x1d8: {  	v39 =	vshll.u32 @p0 v28, $0x9;
	v40 =	vshll.u32 @p0 v30, $0x9;
	v35 =	vld.idx.msk @p0 [tilespmem:v35+s4+$0x0], $0xffff;
	v25 =	vmul.f32 v32, v25  }
0x1d9: {  	v39 =	vor.u32 @p0 v14, v39;
	v14 =	vor.u32 @p0 v14, v40;
	v15 =	vld.idx.msk [tilespmem:v15+s22+$0x0], $0xffff;
	v7 =	vadd.f32 v7, v27  }
0x1da: {  	v39 =	vor.u32 @p0 v13, v39;
	v13 =	vor.u32 @p0 v13, v14;
	v25 =	vadd.f32 v25, v60  }
0x1db: {  	v39 =	vadd.s32 @p0 $0x5400, v39;
	v7 =	vsub.f32 v7, v36;
	v14 =	vmul.f32 v63, v61  }
0x1dc: {  	v13 =	vadd.s32 @p0 $0x7E00, v13;
	v8 =	vmul.f32 v8, v62;
	v33 =	vld.idx.msk @p0 [tilespmem:v38+s4+$0x0], $0xffff;
	v17 =	vsub.f32 v25, v17  }
0x1dd: {  	v7 =	vmul.f32 v7, v41;
	v14 =	vadd.f32 v14, v16;
	v25 =	vmax.f32 @p0 v35, $9.999999740e-06  }
0x1de: {  	v8 =	vadd.f32 v8, v15;
	v43 =	vmul.f32 v17, v29;
	v17 =	vshrl.u32 @p0 v25, $0xF  }
0x1df: {  	v7 =	vadd.f32 $0.0e+00, v7;
	v14 =	vsub.f32 v14, v42;
	v16 =	vand.u32 @p0 $0xFF, v17  }
0x1e0: {  	v23 =	vmul.f32 v49, v49;
	v8 =	vsub.f32 v8, v26;
	v16 =	vpsel p0, v16, v0  }
0x1e1: {  	v17 =	vmax.f32 @p0 v33, $9.999999740e-06;
	v14 =	vmul.f32 v14, v19;
	v7 =	vadd.f32 v43, v7  }
0x1e2: {  	v44 =	vadd.s32 v3, v21;
	v29 =	vshrl.u32 @p0 v17, $0xF  }
0x1e3: {  	v27 =	vld.idx.msk @p0 [tilespmem:v39+s4+$0x0], $0xffff;
	v8 =	vmul.f32 v8, v23;
	v19 =	vand.u32 @p0 $0xFF, v29;
	v7 =	vadd.f32 v14, v7  }
0x1e4: {  	v29 =	vld.idx.msk @p0 [tilespmem:v13+s4+$0x0], $0xffff;
	v15 =	vpsel p0, v19, v0  }
0x1e5: {  	v11 =	vadd.s32 @p1 v3, v11;
	v45 =	vadd.s32 v3, v22;
	v7 =	vadd.f32 v8, v7;
	v21 =	vld.idx.msk @p0 [tilespmem:v16+s23+$0x0], $0xffff  }
0x1e6: {  	v47 =	vadd.s32 v3, v4;
	v18 =	vpsel p0, v18, v0;
	v46 =	vadd.s32 v3, v20;
	v16 =	vld.idx.msk @p0 [tilespmem:v16+s22+$0x0], $0xffff  }
0x1e7: {  	v49 =	vor.u32 s26, v0;
	v18 =	vadd.s32 @p0 v3, v18;
	v5 =	vadd.f32 @p1 v6, v5;
	[tilespmem:v44+s31+$0x0] =	vst.idx.add.f32.msk $0xffff, v7  }
0x1e8: {  	v48 =	vmov s26;
	v6 =	vadd.s32 @p1 v3, v12;
	v4 =	vpsel p0, v30, v0;
	[tilespmem:v44+s0+$0x0] =	vst.idx.add.f32.msk $0xffff, v2  }
0x1e9: {  	v23 =	vpsel p0, v25, v0;
	v25 =	vpsel p0, v28, v0;
	v33 =	vand.u32 $0x7F, v49;
	v22 =	vld.idx.msk @p0 [tilespmem:v15+s23+$0x0], $0xffff  }
0x1ea: {  	v17 =	vpsel p0, v17, v0;
	v13 =	vadd.s32 @p1 v3, v10;
	v14 =	vmax.f32 @p0 v27, $9.999999740e-06;
	[tilespmem:v45+s31+$0x0] =	vst.idx.add.f32.msk $0xffff, v7  }
0x1eb: {  	v10 =	vshra.s32 @p0 v23, $0x17;
	v27 =	vsub.f32 @p0 $1.000000000e+00, v23;
	v23 =	vand.u32 @p0 $0x7FFFFF, v23;
	[tilespmem:v45+s0+$0x0] =	vst.idx.add.f32.msk $0xffff, v2  }
0x1ec: {  	v19 =	vadd.s32 @p1 v3, v9;
	v12 =	vshrl.u32 @p0 v14, $0xF;
	v14 =	vpsel p0, v14, v0;
	[tilespmem:v46+s31+$0x0] =	vst.idx.add.f32.msk $0xffff, v7  }
0x1ed: {  	v10 =	vcvt.s32.f32 @p0 v10;
	v9 =	vshra.s32 @p0 v17, $0x17;
	v23 =	vor.u32 @p0 $0x3F800000, v23;
	[tilespmem:v46+s0+$0x0] =	vst.idx.add.f32.msk $0xffff, v2  }
0x1ee: {  	v12 =	vpsel p0, v12, v0;
	v30 =	vshra.s32 @p0 v14, $0x17;
	v20 =	vmax.f32 @p0 v29, $9.999999740e-06;
	[tilespmem:v47+s31+$0x0] =	vst.idx.add.f32.msk $0xffff, v7  }
0x1ef: {  	s25 =	sand.u32 $0x70, s26;
	v31 =	vand.u32 @p0 $0x7FFFFF, v14;
	v14 =	vsub.f32 @p0 $1.000000000e+00, v14;
	v20 =	vpsel p0, v20, v0;
	[tilespmem:v47+s0+$0x0] =	vst.idx.add.f32.msk $0xffff, v2  }
0x1f0: {  	s28 =	sor.u32 s25, s18;
	v12 =	vand.u32 @p0 $0xFF, v12;
	v30 =	vcvt.s32.f32 @p0 v30;
	v8 =	vshra.s32 @p0 v20, $0x17;
	v7 =	vld [tilespmem:s5+$0x0]  }
0x1f1: {  	v29 =	vsub.f32 @p0 $1.000000000e+00, v17;
	v17 =	vand.u32 @p0 $0x7FFFFF, v17;
	v32 =	vcvt.s32.f32 @p0 v8;
	v8 =	vld [tilespmem:s28+$0x0]  }
0x1f2: {  	s29 =	sor.u32 s25, s12;
	v31 =	vor.u32 @p0 $0x3F800000, v31;
	v17 =	vor.u32 @p0 $0x3F800000, v17;
	v21 =	vmul.f32 @p0 v23, v21  }
0x1f3: {  	s1 =	sor.u32 s25, s8;
	v26 =	vshrl.u32 @p0 v20, $0xF;
	v23 =	vmul.f32 @p0 v27, v27;
	v27 =	vcvt.s32.f32 @p0 v9;
	v9 =	vld [tilespmem:s29+$0x0]  }
0x1f4: {  	v26 =	vand.u32 @p0 $0xFF, v26;
	v16 =	vadd.f32 @p0 v21, v16;
	v21 =	vmul.f32 @p0 $6.931471820e-01, v10;
	v10 =	vld [tilespmem:s1+$0x0]  }
0x1f5: {  	v17 =	vmul.f32 @p0 v17, v22;
	v22 =	vand.u32 $0x180, v48;
	v50 =	vshll.u32 v7, $0x9  }
0x1f6: {  	v15 =	vld.idx.msk @p0 [tilespmem:v15+s22+$0x0], $0xffff;
	v28 =	vsub.f32 @p0 $1.000000000e+00, v20;
	v51 =	vshll.u32 v8, $0x9;
	v34 =	vor.u32 v22, v50  }
0x1f7: {  	v20 =	vand.u32 @p0 $0x7FFFFF, v20;
	v36 =	vld.idx.msk @p0 [tilespmem:v12+s23+$0x0], $0xffff;
	v35 =	vor.u32 v22, v51;
	v34 =	vor.u32 v33, v34  }
0x1f8: {  	v12 =	vld.idx.msk @p0 [tilespmem:v12+s22+$0x0], $0xffff;
	v27 =	vmul.f32 @p0 $6.931471820e-01, v27;
	v52 =	vshll.u32 v9, $0x9;
	v35 =	vor.u32 v33, v35  }
0x1f9: {  	v37 =	vld.idx.msk @p0 [tilespmem:v26+s23+$0x0], $0xffff;
	v53 =	vshll.u32 v10, $0x9;
	v38 =	vor.u32 v22, v52;
	v35 =	vadd.s32 $0x2A00, v35  }
0x1fa: {  	v16 =	vsub.f32 @p0 v16, v21;
	v22 =	vor.u32 v22, v53;
	v54 =	vor.u32 v33, v38  }
0x1fb: {  	v26 =	vld.idx.msk @p0 [tilespmem:v26+s22+$0x0], $0xffff;
	v15 =	vadd.f32 @p0 v17, v15;
	v56 =	vor.u32 v33, v22;
	v55 =	vadd.s32 $0x5400, v54  }
0x1fc: {  	v22 =	vmul.f32 @p0 v29, v29;
	v29 =	vmul.f32 @p0 v31, v36;
	v21 =	vadd.s32 $0x7E00, v56;
	v57 =	vld.idx.msk [tilespmem:v34+s4+$0x0], $0xffff  }
0x1fd: {  	v20 =	vor.u32 @p0 $0x3F800000, v20;
	v16 =	vmul.f32 @p0 v16, v23;
	v23 =	vmul.f32 @p0 $6.931471820e-01, v30  }
0x1fe: {  	v15 =	vsub.f32 @p0 v15, v27;
	v20 =	vmul.f32 @p0 v20, v37;
	v12 =	vadd.f32 @p0 v29, v12;
	v58 =	vld.idx.msk [tilespmem:v35+s4+$0x0], $0xffff  }
0x1ff: {  	v24 =	vpsel p0, v24, v0;
	v14 =	vmul.f32 @p0 v14, v14;
	[tilespmem:v19+s31+$0x0] =	vst.idx.add.f32.msk @p1 $0xffff, v5;
	v16 =	vadd.f32 @p0 $0.0e+00, v16  }
0x200: {  	v20 =	vadd.f32 @p0 v20, v26;
	v15 =	vmul.f32 @p0 v15, v22;
	v12 =	vsub.f32 @p0 v12, v23;
	v17 =	vld.idx.msk [tilespmem:v55+s4+$0x0], $0xffff  }
0x201: {  	v22 =	vmul.f32 @p0 $6.931471820e-01, v32;
	v23 =	vmul.f32 @p0 v28, v28;
	v59 =	vld.idx.msk [tilespmem:v21+s4+$0x0], $0xffff;
	v60 =	vmax.f32 v57, $9.999999740e-06  }
0x202: {  	[tilespmem:v19+s0+$0x0] =	vst.idx.add.f32.msk @p1 $0xffff, v2;
	v15 =	vadd.f32 @p0 v15, v16;
	v12 =	vmul.f32 @p0 v12, v14;
	v61 =	vshrl.u32 v60, $0xF  }
0x203: {  	[tilespmem:v13+s31+$0x0] =	vst.idx.add.f32.msk @p1 $0xffff, v5;
	v14 =	vsub.f32 @p0 v20, v22;
	v63 =	vmax.f32 v58, $9.999999740e-06;
	v62 =	vand.u32 $0xFF, v61  }
0x204: {  	[tilespmem:v13+s0+$0x0] =	vst.idx.add.f32.msk @p1 $0xffff, v2;
	v13 =	vadd.s32 @p0 v3, v24;
	v12 =	vadd.f32 @p0 v12, v15;
	v35 =	vshrl.u32 v63, $0xF  }
0x205: {  	[tilespmem:v11+s31+$0x0] =	vst.idx.add.f32.msk @p1 $0xffff, v5;
	v14 =	vmul.f32 @p0 v14, v23;
	v17 =	vmax.f32 v17, $9.999999740e-06;
	v15 =	vand.u32 $0xFF, v35  }
0x206: {  	[tilespmem:v11+s0+$0x0] =	vst.idx.add.f32.msk @p1 $0xffff, v2;
	v11 =	vadd.s32 @p0 v3, v25;
	v16 =	vmax.f32 v59, $9.999999740e-06;
	v36 =	vshrl.u32 v17, $0xF  }
0x207: {  	v12 =	vadd.f32 @p0 v14, v12;
	v37 =	vshrl.u32 v16, $0xF;
	v14 =	vand.u32 $0xFF, v36  }
0x208: {  	v39 =	vshra.s32 v60, $0x17;
	v40 =	vsub.f32 $1.000000000e+00, v60;
	v22 =	vand.u32 $0xFF, v37;
	v38 =	vld.idx.msk [tilespmem:v62+s23+$0x0], $0xffff  }
0x209: {  	v21 =	vand.u32 $0x7FFFFF, v60;
	v41 =	vshra.s32 v16, $0x17;
	v42 =	vsub.f32 $1.000000000e+00, v16;
	v19 =	vld.idx.msk [tilespmem:v62+s22+$0x0], $0xffff  }
0x20a: {  	v44 =	vsub.f32 $1.000000000e+00, v63;
	v45 =	vshra.s32 v17, $0x17;
	v16 =	vand.u32 $0x7FFFFF, v16;
	v43 =	vld.idx.msk [tilespmem:v15+s23+$0x0], $0xffff  }
0x20b: {  	v24 =	vcvt.s32.f32 v39;
	v46 =	vshra.s32 v63, $0x17;
	v47 =	vand.u32 $0x7FFFFF, v17;
	v15 =	vld.idx.msk [tilespmem:v15+s22+$0x0], $0xffff  }
0x20c: {  	v21 =	vor.u32 $0x3F800000, v21;
	v20 =	vand.u32 $0x7FFFFF, v63;
	v26 =	vcvt.s32.f32 v41;
	v48 =	vld.idx.msk [tilespmem:v14+s23+$0x0], $0xffff  }
0x20d: {  	v50 =	vmul.f32 v40, v40;
	v16 =	vor.u32 $0x3F800000, v16;
	v49 =	vld.idx.msk [tilespmem:v22+s23+$0x0], $0xffff;
	v21 =	vmul.f32 v21, v38  }
0x20e: {  	v20 =	vor.u32 $0x3F800000, v20;
	v51 =	vcvt.s32.f32 v46;
	v30 =	vcvt.s32.f32 v45;
	v14 =	vld.idx.msk [tilespmem:v14+s22+$0x0], $0xffff  }
0x20f: {  	v52 =	vmul.f32 $6.931471820e-01, v24;
	v22 =	vld.idx.msk [tilespmem:v22+s22+$0x0], $0xffff;
	v20 =	vmul.f32 v20, v43;
	v19 =	vadd.f32 v21, v19  }
0x210: {  	[tilespmem:v6+s31+$0x0] =	vst.idx.add.f32.msk @p1 $0xffff, v5;
	v54 =	vor.u32 $0x3F800000, v47;
	v53 =	vmul.f32 v44, v44;
	v5 =	vmul.f32 $6.931471820e-01, v51  }
0x211: {  	v55 =	vmul.f32 v54, v48;
	v15 =	vadd.f32 v20, v15;
	v19 =	vsub.f32 v19, v52  }
0x212: {  	[tilespmem:v6+s0+$0x0] =	vst.idx.add.f32.msk @p1 $0xffff, v2;
	v17 =	vsub.f32 $1.000000000e+00, v17;
	v56 =	vmul.f32 $6.931471820e-01, v30;
	v16 =	vmul.f32 v16, v49  }
0x213: {  	v14 =	vadd.f32 v55, v14;
	v5 =	vsub.f32 v15, v5;
	v19 =	vmul.f32 v19, v50  }
0x214: {  	[tilespmem:v18+s31+$0x0] =	vst.idx.add.f32.msk @p0 $0xffff, v12;
	v57 =	vmul.f32 v17, v17;
	v58 =	vmul.f32 $6.931471820e-01, v26;
	v16 =	vadd.f32 v16, v22  }
0x215: {  	[tilespmem:v18+s0+$0x0] =	vst.idx.add.f32.msk @p0 $0xffff, v2;
	v6 =	vsub.f32 v14, v56;
	v5 =	vmul.f32 v5, v53;
	v59 =	vadd.f32 $0.0e+00, v19  }
0x216: {  	v4 =	vadd.s32 @p0 v3, v4;
	[tilespmem:v13+s31+$0x0] =	vst.idx.add.f32.msk @p0 $0xffff, v12;
	v60 =	vmul.f32 v42, v42  }
0x217: {  	v61 =	vsub.f32 v16, v58;
	v6 =	vmul.f32 v6, v57;
	v5 =	vadd.f32 v5, v59  }
0x218: {  	v7 =	vadd.s32 v3, v7;
	[tilespmem:v13+s0+$0x0] =	vst.idx.add.f32.msk @p0 $0xffff, v2  }
0x219: {  	[tilespmem:v11+s31+$0x0] =	vst.idx.add.f32.msk @p0 $0xffff, v12;
	v62 =	vmul.f32 v61, v60;
	v5 =	vadd.f32 v6, v5  }
0x21a: {  	v8 =	vadd.s32 v3, v8;
	[tilespmem:v11+s0+$0x0] =	vst.idx.add.f32.msk @p0 $0xffff, v2  }
0x21b: {  	[tilespmem:v4+s31+$0x0] =	vst.idx.add.f32.msk @p0 $0xffff, v12;
	v5 =	vadd.f32 v62, v5  }
0x21c: {  	[tilespmem:v4+s0+$0x0] =	vst.idx.add.f32.msk @p0 $0xffff, v2;
	v4 =	vadd.s32 v3, v9  }
0x21d: {  	[tilespmem:v7+s31+$0x0] =	vst.idx.add.f32.msk $0xffff, v5  }
0x21e: {  	v63 =	vadd.s32 v3, v10;
	[tilespmem:v7+s0+$0x0] =	vst.idx.add.f32.msk $0xffff, v2  }
0x21f: {  	p0 =	seq.s32 s6, $0x7;
	[tilespmem:v8+s31+$0x0] =	vst.idx.add.f32.msk $0xffff, v5  }
.Ltmp14:
0x220: {  	[tilespmem:v8+s0+$0x0] =	vst.idx.add.f32.msk $0xffff, v2;
	(pc) =	sbr.rel @p0 .LBB2_36-.Ltmp14, $4  }
0x221: {  	[tilespmem:v4+s31+$0x0] =	vst.idx.add.f32.msk $0xffff, v5  }
0x222: {  	[tilespmem:v4+s0+$0x0] =	vst.idx.add.f32.msk $0xffff, v2  }
0x223: {  	[tilespmem:v63+s31+$0x0] =	vst.idx.add.f32.msk $0xffff, v5  }
0x224: {  	[tilespmem:v63+s0+$0x0] =	vst.idx.add.f32.msk $0xffff, v2  }
0x225: {  	s1 =	sadd.s32 $0x2, s13;
	s2 =	rddreg [dreg:$0x6]  }
0x226: {  	s2 =	sadd.s32 s2, s1  }
0x227: {  	s1 =	sshll.u32 s1, $0x7;
	s2 =	sshll.u32 s2, $0x9  }
0x228: {  	s9 =	sand.u32 $0x300, s1;
	s8 =	sand.u32 $0x7FFFF000, s2  }
0x229: {  	s1 =	sor.u32 s9, s8  }
0x22a: {  	s2 =	rddreg [dreg:$0x0];
	s5 =	sshrl.u32 s1, $0x3  }
0x22b: {  	s10 =	sadd.s32 s2, s5  }
0x22c: {  	s11 =	simm.s32 $0x800;
	s13 =	simm.s32 $0x0;
	s12 =	sadd.s32 $0x8000, s10  }
.LBB2_28:
0x22d: {  	[tilespmem:s13], [sflag:$0x1] =	stream.strided.gather [hbm4b:s10+s16], $0x200, s17, s16, $0x38;
	[tilespmem:$0x16600] =	vst v63  }
0x22e: {  	s1 =	smov.u32 s11;
	s10 =	smov.u32 s12;
	p0 =	sne.s32 s11, $0xA000  }
.Ltmp15:
0x22f: {  	s11 =	sadd.s32 $0x800, s11;
	(pc) =	sbr.rel @p0 .LBB2_28-.Ltmp15, $2  }
0x230: {  	_ =	sdelay $0x2  }
0x231: {  	s12 =	sadd.s32 $0x8000, s12;
	s13 =	sshra.s32 s1, $0x2  }
0x232: {  	[tilespmem:s13], [sflag:$0x1] =	stream.strided.gather [hbm4b:s10+s16], $0x200, s17, s16, $0x38;
	[tilespmem:$0x16600] =	vst v63  }
0x233: {  	s8 =	sadd.s32 s9, s8  }
0x234: {  	s1 =	sadd.s32 $0x540000, s8  }
0x235: {  	s1 =	sshrl.u32 s1, $0x3  }
0x236: {  	s29 =	simm.s32 $0x2A00;
	s10 =	simm.s32 $0x800;
	s9 =	sadd.s32 s2, s1  }
0x237: {  	[tilespmem:s29], [sflag:$0x1] =	stream.strided.gather [hbm4b:s9+s16], $0x200, s17, s16, $0x38;
	[tilespmem:$0x16600] =	vst v63  }
.LBB2_30:
0x238: {  	p0 =	sne.s32 s10, $0xA000  }
.Ltmp16:
0x239: {  	_ = 	snop;
	(pc) =	sbr.rel @p0 .LBB2_30-.Ltmp16, $4  }
0x23a: {  	_ = 	snop  }
0x23b: {  	s1 =	sshra.s32 s10, $0x2;
	s10 =	sadd.s32 $0x800, s10  }
0x23c: {  	s9 =	sadd.s32 $0x8000, s9;
	s1 =	sadd.s32 $0x2A00, s1  }
0x23d: {  	[tilespmem:s1], [sflag:$0x1] =	stream.strided.gather [hbm4b:s9+s16], $0x200, s17, s16, $0x38;
	[tilespmem:$0x16600] =	vst v63  }
0x23e: {  	s1 =	sadd.s32 $0xA80000, s8  }
0x23f: {  	s1 =	sshrl.u32 s1, $0x3  }
0x240: {  	s29 =	simm.s32 $0x5400;
	s10 =	simm.s32 $0x800;
	s9 =	sadd.s32 s2, s1  }
0x241: {  	[tilespmem:s29], [sflag:$0x1] =	stream.strided.gather [hbm4b:s9+s16], $0x200, s17, s16, $0x38;
	[tilespmem:$0x16600] =	vst v63  }
.LBB2_32:
0x242: {  	p0 =	sne.s32 s10, $0xA000  }
.Ltmp17:
0x243: {  	_ = 	snop;
	(pc) =	sbr.rel @p0 .LBB2_32-.Ltmp17, $4  }
0x244: {  	_ = 	snop  }
0x245: {  	s1 =	sshra.s32 s10, $0x2;
	s10 =	sadd.s32 $0x800, s10  }
0x246: {  	s9 =	sadd.s32 $0x8000, s9;
	s1 =	sadd.s32 $0x5400, s1  }
0x247: {  	[tilespmem:s1], [sflag:$0x1] =	stream.strided.gather [hbm4b:s9+s16], $0x200, s17, s16, $0x38;
	[tilespmem:$0x16600] =	vst v63  }
0x248: {  	s1 =	sadd.s32 $0xFC0000, s8  }
0x249: {  	s1 =	sshrl.u32 s1, $0x3  }
0x24a: {  	s29 =	simm.s32 $0x7E00;
	s9 =	simm.s32 $0x800;
	s8 =	sadd.s32 s2, s1  }
0x24b: {  	[tilespmem:s29], [sflag:$0x1] =	stream.strided.gather [hbm4b:s8+s16], $0x200, s17, s16, $0x38;
	[tilespmem:$0x16600] =	vst v63  }
.LBB2_34:
0x24c: {  	p0 =	sne.s32 s9, $0xA000  }
.Ltmp18:
0x24d: {  	_ = 	snop;
	(pc) =	sbr.rel @p0 .LBB2_34-.Ltmp18, $4  }
0x24e: {  	_ = 	snop  }
0x24f: {  	s1 =	sshra.s32 s9, $0x2;
	s9 =	sadd.s32 $0x800, s9  }
0x250: {  	s8 =	sadd.s32 $0x8000, s8;
	s1 =	sadd.s32 $0x7E00, s1  }
0x251: {  	[tilespmem:s1], [sflag:$0x1] =	stream.strided.gather [hbm4b:s8+s16], $0x200, s17, s16, $0x38;
	[tilespmem:$0x16600] =	vst v63  }
0x252: {  	s1 =	rddreg [dreg:$0x1]  }
0x253: {  	s2 =	simm.s32 $0x15000;
	s1 =	sadd.s32 s1, s5  }
0x254: {  	[tilespmem:s2], [sflag:$0x1] =	stream.strided.gather [hbm4b:s1+s16], $0x200, s17, s16, $0x38;
	[tilespmem:$0x16600] =	vst v63  }
0x255: {  	s25 =	simm.s32 $0x15200;
	s21 =	sadd.s32 $0x8000, s1  }
0x256: {  	[tilespmem:s25], [sflag:$0x1] =	stream.strided.gather [hbm4b:s21+s16], $0x200, s17, s16, $0x38;
	[tilespmem:$0x16600] =	vst v63  }
0x257: {  	s28 =	simm.s32 $0x15400;
	s26 =	sadd.s32 $0x10000, s1  }
0x258: {  	[tilespmem:s28], [sflag:$0x1] =	stream.strided.gather [hbm4b:s26+s16], $0x200, s17, s16, $0x38;
	[tilespmem:$0x16600] =	vst v63  }
0x259: {  	s29 =	simm.s32 $0x15600;
	s1 =	sadd.s32 $0x18000, s1  }
0x25a: {  	[tilespmem:s29], [sflag:$0x1] =	stream.strided.gather [hbm4b:s1+s16], $0x200, s17, s16, $0x38;
	[tilespmem:$0x16600] =	vst v63  }
.LBB2_36:
0x25b: {  	_ =	swait.ge [sflag:s24], $0x2A00  }
0x25c: {  	[sflag:s24] =	ssyncset.done $0x0  }
0x25d: {  	[sflag:s24] =	ssyncadd.s32 $0xFFFFD600  }
0x25e: {  	_ =	swait.ge [sflag:s24], $0x2A00  }
0x25f: {  	[sflag:s24] =	ssyncset.done $0x0  }
0x260: {  	[sflag:s24] =	ssyncadd.s32 $0xFFFFD600  }
0x261: {  	_ =	swait.ge [sflag:s24], $0x2A00  }
0x262: {  	[sflag:s24] =	ssyncset.done $0x0  }
0x263: {  	[sflag:s24] =	ssyncadd.s32 $0xFFFFD600  }
0x264: {  	_ =	swait.ge [sflag:s24], $0x2A00  }
0x265: {  	[sflag:s24] =	ssyncset.done $0x0  }
0x266: {  	s1 =	simm.s32 $0x0;
	[sflag:s24] =	ssyncadd.s32 $0xFFFFD600  }
0x267: {  	s2 =	sand.u32 $0x180, s1;
	_ =	swait.ge [sflag:s24], $0x800  }
0x268: {  	s5 =	sand.u32 $0x60, s1;
	s19 =	sor.u32 $0x15E00, s2;
	[sflag:s24] =	ssyncset.done $0x0  }
0x269: {  	s20 =	sor.u32 $0x15C00, s2;
	s7 =	sor.u32 s5, s19;
	[sflag:s24] =	ssyncadd.s32 $0xFFFFF800  }
0x26a: {  	s21 =	sor.u32 $0x15A00, s2;
	s28 =	sor.u32 s5, s20;
	v23 =	vld [tilespmem:s7+$0x0]  }
0x26b: {  	s25 =	sor.u32 $0x15800, s2;
	s29 =	sor.u32 s5, s21;
	v12 =	vld [tilespmem:s28+$0x0]  }
0x26c: {  	s5 =	sor.u32 s5, s25;
	v15 =	vld [tilespmem:s29+$0x0]  }
0x26d: {  	v11 =	vld [tilespmem:s5+$0x0];
	_ =	sdelay $0x2  }
0x26e: {  	p2 =	por $0x1, $0x1;
	v4 =	vmov s1;
	v5 =	vor.u32 s1, v0  }
.Ltmp19:
0x26f: {  	v4 =	vand.u32 $0x180, v4;
	v5 =	vand.u32 $0x6F, v5;
	v6 =	vshll.u32 v23, $0x9;
	(pc) =	sbr.rel @!p2 .LBB2_37-.Ltmp19, $4  }
0x270: {  	v7 =	vshll.u32 v12, $0x9;
	v8 =	vshll.u32 v15, $0x9;
	v9 =	vshll.u32 v11, $0x9  }
0x271: {  	v7 =	vor.u32 v4, v7;
	v6 =	vor.u32 v4, v6;
	v9 =	vor.u32 v4, v9  }
0x272: {  	s26 =	simm.s32 $0x10;
	v4 =	vor.u32 v4, v8;
	v14 =	vor.u32 v5, v7;
	v6 =	vor.u32 v5, v6  }
0x273: {  	s13 =	simm.s32 $0x30;
	p0 =	por $0x0, $0x0;
	p1 =	por $0x0, $0x0;
	v9 =	vor.u32 v5, v9;
	v16 =	vor.u32 v5, v4;
	v13 =	vadd.s32 $0x7E00, v6  }
0x274: {  	_ = 	snop  }
0x275: {  	s1 =	simm.s32 $0x20  }
0x276: {  	s2 =	sand.u32 $0x180, s1  }
0x277: {  	s5 =	sand.u32 $0x60, s1;
	s14 =	sor.u32 $0x15E00, s2  }
0x278: {  	v5 =	vadd.s32 $0x2A00, v16;
	v9 =	vld.idx.msk [tilespmem:v9+s3+$0x0], $0xffff;
	s15 =	sor.u32 $0x15C00, s2;
	s7 =	sor.u32 s5, s14  }
0x279: {  	s9 =	sor.u32 $0x15A00, s2;
	s28 =	sor.u32 s5, s15;
	v4 =	vld [tilespmem:s7+$0x0]  }
0x27a: {  	v8 =	vadd.s32 $0x5400, v14;
	s10 =	sor.u32 $0x15800, s2;
	s29 =	sor.u32 s5, s9;
	v20 =	vld [tilespmem:s28+$0x0]  }
0x27b: {  	s5 =	sor.u32 s5, s10;
	v21 =	vld [tilespmem:s29+$0x0]  }
0x27c: {  	v6 =	vmov s1;
	v22 =	vld [tilespmem:s5+$0x0]  }
0x27d: {  	v7 =	vadd.s32 v3, v11;
	v14 =	vor.u32 s1, v0;
	v16 =	vand.u32 $0x180, v6;
	v10 =	vld.idx.msk [tilespmem:v5+s3+$0x0], $0xffff  }
0x27e: {  	v6 =	vadd.s32 v3, v15;
	v19 =	vand.u32 $0x6F, v14;
	v18 =	vmax.f32 v9, $9.999999740e-06  }
0x27f: {  	v5 =	vadd.s32 v3, v12;
	v8 =	vld.idx.msk [tilespmem:v8+s3+$0x0], $0xffff;
	v14 =	vshrl.u32 v18, $0xF;
	v25 =	vand.u32 $0x7FFFFF, v18  }
0x280: {  	v13 =	vld.idx.msk [tilespmem:v13+s3+$0x0], $0xffff;
	v25 =	vor.u32 $0x3F800000, v25;
	v11 =	vshll.u32 v4, $0x9;
	v15 =	vshll.u32 v20, $0x9  }
0x281: {  	v12 =	vshll.u32 v21, $0x9;
	v17 =	vshll.u32 v22, $0x9;
	v15 =	vor.u32 v16, v15  }
0x282: {  	v9 =	vor.u32 v16, v17;
	v17 =	vand.u32 $0xFF, v14;
	v10 =	vmax.f32 v10, $9.999999740e-06  }
0x283: {  	v11 =	vor.u32 v16, v11;
	v14 =	vor.u32 v19, v15;
	v15 =	vshrl.u32 v10, $0xF  }
0x284: {  	v12 =	vor.u32 v16, v12;
	v8 =	vmax.f32 v8, $9.999999740e-06;
	v15 =	vand.u32 $0xFF, v15  }
0x285: {  	v16 =	vor.u32 v19, v12;
	v12 =	vmax.f32 v13, $9.999999740e-06;
	v13 =	vshrl.u32 v8, $0xF  }
0x286: {  	v11 =	vor.u32 v19, v11;
	v24 =	vshrl.u32 v12, $0xF;
	v13 =	vand.u32 $0xFF, v13  }
0x287: {  	v9 =	vor.u32 v19, v9;
	v19 =	vsub.f32 $1.000000000e+00, v18;
	v26 =	vand.u32 $0xFF, v24;
	v27 =	vld.idx.msk [tilespmem:v17+s22+$0x0], $0xffff  }
0x288: {  	v18 =	vshra.s32 v18, $0x17;
	v28 =	vsub.f32 $1.000000000e+00, v8;
	v30 =	vsub.f32 $1.000000000e+00, v10;
	v17 =	vld.idx.msk [tilespmem:v17+s23+$0x0], $0xffff  }
0x289: {  	v31 =	vshra.s32 v8, $0x17;
	v33 =	vshra.s32 v10, $0x17;
	v8 =	vand.u32 $0x7FFFFF, v8;
	v32 =	vld.idx.msk [tilespmem:v15+s23+$0x0], $0xffff  }
0x28a: {  	v10 =	vand.u32 $0x7FFFFF, v10;
	v29 =	vshra.s32 v12, $0x17;
	v18 =	vcvt.s32.f32 v18;
	v15 =	vld.idx.msk [tilespmem:v15+s22+$0x0], $0xffff  }
0x28b: {  	v31 =	vcvt.s32.f32 v31;
	v33 =	vcvt.s32.f32 v33;
	v10 =	vor.u32 $0x3F800000, v10;
	v34 =	vld.idx.msk [tilespmem:v13+s23+$0x0], $0xffff  }
0x28c: {  	v8 =	vor.u32 $0x3F800000, v8;
	v24 =	vsub.f32 $1.000000000e+00, v12;
	v29 =	vcvt.s32.f32 v29;
	v35 =	vld.idx.msk [tilespmem:v26+s23+$0x0], $0xffff  }
0x28d: {  	v12 =	vand.u32 $0x7FFFFF, v12;
	v19 =	vmul.f32 v19, v19;
	v13 =	vld.idx.msk [tilespmem:v13+s22+$0x0], $0xffff;
	v17 =	vmul.f32 v25, v17  }
0x28e: {  	v12 =	vor.u32 $0x3F800000, v12;
	v18 =	vmul.f32 $6.931471820e-01, v18;
	v36 =	vld.idx.msk [tilespmem:v26+s22+$0x0], $0xffff;
	v10 =	vmul.f32 v10, v32  }
0x28f: {  	p2 =	por $0x1, $0x1;
	v24 =	vmul.f32 v24, v24;
	v26 =	vmul.f32 $6.931471820e-01, v29;
	v17 =	vadd.f32 v17, v27  }
.Ltmp20:
0x290: {  	v8 =	vmul.f32 v8, v34;
	v10 =	vadd.f32 v10, v15;
	v15 =	vmul.f32 $6.931471820e-01, v33;
	(pc) =	sbr.rel @!p2 .LBB2_39-.Ltmp20, $4  }
0x291: {  	v27 =	vmul.f32 v30, v30;
	v12 =	vmul.f32 v12, v35;
	v17 =	vsub.f32 v17, v18  }
0x292: {  	v8 =	vadd.f32 v8, v13;
	v10 =	vsub.f32 v10, v15;
	v15 =	vmul.f32 $6.931471820e-01, v31  }
0x293: {  	v25 =	vmul.f32 v28, v28;
	v13 =	vadd.s32 $0x7E00, v11;
	v28 =	vadd.f32 v12, v36  }
0x294: {  	s11 =	simm.s32 $0x50;
	p0 =	por $0x1, $0x1;
	v32 =	vmul.f32 v17, v19;
	v30 =	vmul.f32 v10, v27;
	v34 =	vsub.f32 v8, v15  }
0x295: {  	_ = 	snop  }
0x296: {  	s1 =	simm.s32 $0x40  }
0x297: {  	v8 =	vadd.f32 $0.0e+00, v32;
	s2 =	sand.u32 $0x180, s1  }
0x298: {  	s7 =	sand.u32 $0x60, s1;
	s8 =	sor.u32 $0x15E00, s2  }
0x299: {  	v11 =	vsub.f32 v28, v26;
	v9 =	vld.idx.msk [tilespmem:v9+s3+$0x0], $0xffff;
	v10 =	vmul.f32 v34, v25;
	v8 =	vadd.f32 v30, v8;
	s12 =	sor.u32 s7, s8  }
0x29a: {  	v17 =	vld [tilespmem:s12+$0x0];
	s12 =	sor.u32 $0x15A00, s2  }
0x29b: {  	v54 =	vld.idx.msk [tilespmem:v13+s3+$0x0], $0xffff;
	s5 =	sor.u32 $0x15C00, s2;
	v11 =	vmul.f32 v11, v24;
	s18 =	sor.u32 $0x15800, s2;
	v8 =	vadd.f32 v10, v8;
	s29 =	sor.u32 s7, s12  }
0x29c: {  	s28 =	sor.u32 s7, s5;
	s7 =	sor.u32 s7, s18;
	v10 =	vadd.s32 $0x2A00, v16;
	v18 =	vld [tilespmem:s29+$0x0]  }
0x29d: {  	v19 =	vld [tilespmem:s7+$0x0];
	v8 =	vadd.f32 v11, v8  }
0x29e: {  	v12 =	vadd.s32 v3, v23;
	v15 =	vld [tilespmem:s28+$0x0];
	v16 =	vor.u32 s1, v0;
	v55 =	vmax.f32 v9, $9.999999740e-06  }
0x29f: {  	v16 =	vand.u32 $0x6F, v16;
	v26 =	vand.u32 $0x7FFFFF, v55;
	v11 =	vadd.s32 $0x5400, v14;
	[tilespmem:v7+s31+$0x0] =	vst.idx.add.f32.msk $0xffff, v8  }
0x2a0: {  	v14 =	vmov s1;
	v26 =	vor.u32 $0x3F800000, v26;
	[tilespmem:v7+s0+$0x0] =	vst.idx.add.f32.msk $0xffff, v2;
	v7 =	vor.u32 s26, v0  }
0x2a1: {  	v14 =	vand.u32 $0x180, v14;
	v53 =	vshll.u32 v17, $0x9;
	v10 =	vld.idx.msk [tilespmem:v10+s3+$0x0], $0xffff;
	v24 =	vand.u32 $0x7F, v7  }
0x2a2: {  	[tilespmem:v6+s31+$0x0] =	vst.idx.add.f32.msk $0xffff, v8;
	v7 =	vadd.s32 v3, v22;
	v13 =	vshll.u32 v18, $0x9;
	v25 =	vshll.u32 v19, $0x9  }
0x2a3: {  	v22 =	vor.u32 v14, v53;
	[tilespmem:v6+s0+$0x0] =	vst.idx.add.f32.msk $0xffff, v2;
	v6 =	vmov s26;
	v25 =	vor.u32 v14, v25  }
0x2a4: {  	v11 =	vld.idx.msk [tilespmem:v11+s3+$0x0], $0xffff;
	v13 =	vor.u32 v14, v13;
	v52 =	vand.u32 $0x180, v6;
	v6 =	vadd.s32 v3, v21  }
0x2a5: {  	[tilespmem:v5+s31+$0x0] =	vst.idx.add.f32.msk $0xffff, v8;
	v9 =	vor.u32 v16, v25;
	v25 =	vshrl.u32 v55, $0xF;
	v21 =	vmax.f32 v54, $9.999999740e-06  }
0x2a6: {  	[tilespmem:v5+s0+$0x0] =	vst.idx.add.f32.msk $0xffff, v2;
	v5 =	vadd.s32 v3, v20;
	v20 =	vshll.u32 v15, $0x9;
	v28 =	vsub.f32 $1.000000000e+00, v21  }
0x2a7: {  	v30 =	vshra.s32 v21, $0x17;
	v20 =	vor.u32 v14, v20;
	v27 =	vmax.f32 v10, $9.999999740e-06  }
0x2a8: {  	[tilespmem:v12+s31+$0x0] =	vst.idx.add.f32.msk $0xffff, v8;
	v10 =	vshrl.u32 v21, $0xF;
	v21 =	vand.u32 $0x7FFFFF, v21;
	v30 =	vcvt.s32.f32 v30  }
0x2a9: {  	s7 =	sand.u32 $0x70, s26;
	v14 =	vor.u32 v16, v20;
	v20 =	vor.u32 v16, v22;
	v16 =	vor.u32 v16, v13  }
0x2aa: {  	s26 =	sor.u32 s7, s25;
	v22 =	vshra.s32 v55, $0x17;
	[tilespmem:v12+s0+$0x0] =	vst.idx.add.f32.msk $0xffff, v2;
	v12 =	vshrl.u32 v27, $0xF;
	v56 =	vand.u32 $0xFF, v10  }
0x2ab: {  	s28 =	sor.u32 s7, s21;
	v13 =	vadd.s32 $0x7E00, v20;
	v20 =	vand.u32 $0xFF, v25;
	v11 =	vmax.f32 v11, $9.999999740e-06;
	v8 =	vld [tilespmem:s26+$0x0]  }
0x2ac: {  	s29 =	sor.u32 s7, s20;
	v31 =	vsub.f32 $1.000000000e+00, v27;
	v10 =	vld [tilespmem:s28+$0x0];
	v33 =	vand.u32 $0xFF, v12;
	v29 =	vsub.f32 $1.000000000e+00, v11  }
0x2ad: {  	s1 =	sor.u32 s7, s19;
	v57 =	vshra.s32 v11, $0x17;
	v12 =	vshrl.u32 v11, $0xF;
	v36 =	vand.u32 $0x7FFFFF, v11;
	v11 =	vld [tilespmem:s29+$0x0]  }
0x2ae: {  	v35 =	vshra.s32 v27, $0x17;
	v27 =	vand.u32 $0x7FFFFF, v27;
	v37 =	vand.u32 $0xFF, v12;
	v12 =	vld [tilespmem:s1+$0x0]  }
0x2af: {  	v21 =	vor.u32 $0x3F800000, v21;
	v25 =	vsub.f32 $1.000000000e+00, v55;
	v22 =	vcvt.s32.f32 v22;
	v41 =	vld.idx.msk [tilespmem:v56+s22+$0x0], $0xffff  }
0x2b0: {  	v35 =	vcvt.s32.f32 v35;
	v27 =	vor.u32 $0x3F800000, v27;
	v38 =	vld.idx.msk [tilespmem:v20+s22+$0x0], $0xffff;
	v39 =	vshll.u32 v8, $0x9  }
0x2b1: {  	v61 =	vmul.f32 v31, v31;
	v20 =	vld.idx.msk [tilespmem:v20+s23+$0x0], $0xffff;
	v40 =	vshll.u32 v10, $0x9;
	v39 =	vor.u32 v52, v39  }
0x2b2: {  	v42 =	vmul.f32 v25, v25;
	v59 =	vld.idx.msk [tilespmem:v33+s23+$0x0], $0xffff;
	v58 =	vor.u32 v52, v40;
	v25 =	vor.u32 v24, v39  }
0x2b3: {  	v34 =	vcvt.s32.f32 v57;
	v33 =	vld.idx.msk [tilespmem:v33+s22+$0x0], $0xffff;
	v43 =	vshll.u32 v11, $0x9;
	v39 =	vor.u32 v24, v58  }
0x2b4: {  	v43 =	vor.u32 v52, v43;
	v44 =	vshll.u32 v12, $0x9;
	v45 =	vld.idx.msk [tilespmem:v37+s23+$0x0], $0xffff;
	v39 =	vadd.s32 $0x2A00, v39  }
0x2b5: {  	v22 =	vmul.f32 $6.931471820e-01, v22;
	v32 =	vld.idx.msk [tilespmem:v56+s23+$0x0], $0xffff;
	v43 =	vor.u32 v24, v43;
	v23 =	vor.u32 v52, v44  }
0x2b6: {  	v37 =	vld.idx.msk [tilespmem:v37+s22+$0x0], $0xffff;
	v43 =	vadd.s32 $0x5400, v43;
	v23 =	vor.u32 v24, v23;
	v20 =	vmul.f32 v26, v20  }
0x2b7: {  	v31 =	vmul.f32 $6.931471820e-01, v35;
	v23 =	vadd.s32 $0x7E00, v23;
	v26 =	vmul.f32 v27, v59;
	v60 =	vld.idx.msk [tilespmem:v25+s3+$0x0], $0xffff  }
0x2b8: {  	p2 =	por $0x1, $0x1;
	v24 =	vmul.f32 v28, v28;
	v27 =	vor.u32 $0x3F800000, v36;
	v20 =	vadd.f32 v20, v38  }
.Ltmp21:
0x2b9: {  	v25 =	vmul.f32 v29, v29;
	v28 =	vadd.f32 v26, v33;
	v27 =	vmul.f32 v27, v45;
	v29 =	vld.idx.msk [tilespmem:v39+s3+$0x0], $0xffff;
	(pc) =	sbr.rel @!p2 .LBB2_41-.Ltmp21, $4  }
0x2ba: {  	v34 =	vmul.f32 $6.931471820e-01, v34;
	v21 =	vmul.f32 v21, v32;
	v20 =	vsub.f32 v20, v22  }
0x2bb: {  	v26 =	vmul.f32 $6.931471820e-01, v30;
	v62 =	vsub.f32 v28, v31;
	v63 =	vadd.f32 v27, v37;
	v31 =	vld.idx.msk [tilespmem:v43+s3+$0x0], $0xffff  }
0x2bc: {  	v28 =	vadd.f32 v21, v41;
	v33 =	vld.idx.msk [tilespmem:v23+s3+$0x0], $0xffff;
	v32 =	vmul.f32 v20, v42;
	v27 =	vmax.f32 v60, $9.999999740e-06  }
0x2bd: {  	p1 =	por $0x1, $0x1;
	s19 =	simm.s32 $0x70;
	v30 =	vmul.f32 v62, v61;
	v34 =	vsub.f32 v63, v34;
	v35 =	vshrl.u32 v27, $0xF  }
.LBB2_42:
0x2be: {  	s26 =	sadd.s32 $0xFFFFFFF0, s19;
	v20 =	vadd.f32 $0.0e+00, v32;
	v21 =	vand.u32 $0xFF, v35;
	v22 =	vmax.f32 v29, $9.999999740e-06  }
0x2bf: {  	s28 =	sand.u32 $0x180, s26;
	p2 =	slt.u32 s26, $0x1E0;
	v23 =	vmul.f32 v34, v25;
	v25 =	vsub.f32 v28, v26;
	v26 =	vshrl.u32 v22, $0xF  }
0x2c0: {  	s29 =	sand.u32 $0x60, s26;
	v28 =	vmax.f32 v31, $9.999999740e-06;
	s20 =	sor.u32 $0x15E00, s28;
	v20 =	vadd.f32 v30, v20;
	v26 =	vand.u32 $0xFF, v26  }
0x2c1: {  	v29 =	vmax.f32 v33, $9.999999740e-06;
	s1 =	sor.u32 s29, s20;
	v24 =	vmul.f32 v25, v24;
	v25 =	vshrl.u32 v28, $0xF  }
0x2c2: {  	v30 =	vld [tilespmem:s1+$0x0];
	v20 =	vadd.f32 v23, v20;
	v23 =	vand.u32 $0xFF, v25;
	v25 =	vshrl.u32 v29, $0xF  }
0x2c3: {  	v16 =	vadd.s32 $0x2A00, v16;
	v14 =	vadd.s32 $0x5400, v14;
	v31 =	vld.idx.msk [tilespmem:v21+s23+$0x0], $0xffff;
	v25 =	vand.u32 $0xFF, v25  }
0x2c4: {  	v32 =	vsub.f32 $1.000000000e+00, v27;
	v24 =	vadd.f32 v24, v20;
	v20 =	vld.idx.msk [tilespmem:v21+s22+$0x0], $0xffff;
	v21 =	vshra.s32 v27, $0x17  }
0x2c5: {  	v34 =	vshra.s32 v29, $0x17;
	v35 =	vsub.f32 $1.000000000e+00, v29;
	v27 =	vand.u32 $0x7FFFFF, v27;
	v33 =	vld.idx.msk [tilespmem:v26+s23+$0x0], $0xffff  }
0x2c6: {  	v36 =	vsub.f32 $1.000000000e+00, v22;
	v37 =	vshra.s32 v28, $0x17;
	v29 =	vand.u32 $0x7FFFFF, v29;
	v26 =	vld.idx.msk [tilespmem:v26+s22+$0x0], $0xffff  }
0x2c7: {  	v38 =	vshra.s32 v22, $0x17;
	v39 =	vand.u32 $0x7FFFFF, v28;
	v21 =	vcvt.s32.f32 v21;
	v40 =	vld.idx.msk [tilespmem:v23+s23+$0x0], $0xffff  }
0x2c8: {  	v22 =	vand.u32 $0x7FFFFF, v22;
	v34 =	vcvt.s32.f32 v34;
	v27 =	vor.u32 $0x3F800000, v27;
	v41 =	vld.idx.msk [tilespmem:v25+s23+$0x0], $0xffff  }
0x2c9: {  	s21 =	sor.u32 $0x15C00, s28;
	v29 =	vor.u32 $0x3F800000, v29;
	v27 =	vmul.f32 v27, v31;
	v31 =	vmul.f32 v32, v32;
	v23 =	vld.idx.msk [tilespmem:v23+s22+$0x0], $0xffff  }
0x2ca: {  	s25 =	sor.u32 $0x15A00, s28;
	v22 =	vor.u32 $0x3F800000, v22;
	v37 =	vcvt.s32.f32 v37;
	s1 =	sor.u32 s29, s21;
	v32 =	vcvt.s32.f32 v38;
	v25 =	vld.idx.msk [tilespmem:v25+s22+$0x0], $0xffff  }
0x2cb: {  	s28 =	sor.u32 $0x15800, s28;
	s2 =	sor.u32 s29, s25;
	v21 =	vmul.f32 $6.931471820e-01, v21;
	v20 =	vadd.f32 v27, v20;
	v22 =	vmul.f32 v22, v33;
	v38 =	vld [tilespmem:s1+$0x0]  }
0x2cc: {  	v32 =	vmul.f32 $6.931471820e-01, v32;
	v33 =	vmul.f32 v36, v36;
	v36 =	vor.u32 $0x3F800000, v39;
	s1 =	sor.u32 s29, s28;
	v27 =	vld [tilespmem:s2+$0x0]  }
0x2cd: {  	v20 =	vsub.f32 v20, v21;
	v21 =	vadd.f32 v22, v26;
	v22 =	vmul.f32 v36, v40;
	v39 =	vld [tilespmem:s1+$0x0]  }
0x2ce: {  	v28 =	vsub.f32 $1.000000000e+00, v28;
	v26 =	vmul.f32 $6.931471820e-01, v37;
	v29 =	vmul.f32 v29, v41;
	v9 =	vld.idx.msk [tilespmem:v9+s3+$0x0], $0xffff  }
0x2cf: {  	v36 =	vld.idx.msk [tilespmem:v13+s3+$0x0], $0xffff;
	v13 =	vmul.f32 v20, v31;
	v20 =	vsub.f32 v21, v32;
	v21 =	vadd.f32 v22, v23  }
0x2d0: {  	v23 =	vadd.f32 v29, v25;
	v25 =	vmul.f32 $6.931471820e-01, v34;
	v22 =	vld.idx.msk [tilespmem:v14+s3+$0x0], $0xffff;
	v14 =	vmul.f32 v28, v28  }
0x2d1: {  	[tilespmem:v7+s31+$0x0] =	vst.idx.add.f32.msk $0xffff, v24;
	v13 =	vadd.f32 $0.0e+00, v13;
	v20 =	vmul.f32 v20, v33;
	v21 =	vsub.f32 v21, v26  }
0x2d2: {  	v26 =	vadd.s32 v3, v4;
	v4 =	vmov v17;
	[tilespmem:v7+s0+$0x0] =	vst.idx.add.f32.msk $0xffff, v2;
	v7 =	vmul.f32 v35, v35  }
0x2d3: {  	v28 =	vld.idx.msk [tilespmem:v16+s3+$0x0], $0xffff;
	v13 =	vadd.f32 v20, v13;
	v14 =	vmul.f32 v21, v14;
	v16 =	vsub.f32 v23, v25  }
0x2d4: {  	v8 =	vadd.s32 v3, v8;
	v17 =	vmov v30;
	v20 =	vor.u32 s13, v0;
	[tilespmem:v6+s31+$0x0] =	vst.idx.add.f32.msk $0xffff, v24  }
0x2d5: {  	[tilespmem:v6+s0+$0x0] =	vst.idx.add.f32.msk $0xffff, v2;
	v6 =	vmov s13;
	v13 =	vadd.f32 v14, v13;
	v7 =	vmul.f32 v16, v7  }
0x2d6: {  	v10 =	vadd.s32 v3, v10;
	v14 =	vmov s26;
	v16 =	vor.u32 s26, v0;
	[tilespmem:v5+s31+$0x0] =	vst.idx.add.f32.msk $0xffff, v24  }
0x2d7: {  	v20 =	vand.u32 $0x7F, v20;
	v21 =	vand.u32 $0x180, v6;
	[tilespmem:v5+s0+$0x0] =	vst.idx.add.f32.msk $0xffff, v2;
	v23 =	vadd.f32 v7, v13  }
0x2d8: {  	v11 =	vadd.s32 v3, v11;
	v13 =	vand.u32 $0x180, v14;
	v7 =	vadd.s32 v3, v19;
	[tilespmem:v26+s31+$0x0] =	vst.idx.add.f32.msk $0xffff, v24  }
0x2d9: {  	v6 =	vadd.s32 v3, v18;
	v14 =	vshll.u32 v17, $0x9;
	v5 =	vadd.s32 v3, v15;
	[tilespmem:v8+s31+$0x0] =	vst.idx.add.f32.msk $0xffff, v23  }
0x2da: {  	v18 =	vshll.u32 v27, $0x9;
	v19 =	vshll.u32 v38, $0x9;
	v15 =	vmovc v38;
	[tilespmem:v8+s0+$0x0] =	vst.idx.add.f32.msk $0xffff, v2;
	v8 =	vadd.s32 v3, v12  }
0x2db: {  	v19 =	vor.u32 v13, v19;
	v24 =	vor.u32 v13, v14;
	v12 =	vshll.u32 v39, $0x9;
	[tilespmem:v10+s31+$0x0] =	vst.idx.add.f32.msk $0xffff, v23  }
0x2dc: {  	v16 =	vand.u32 $0x6F, v16;
	v12 =	vor.u32 v13, v12;
	v13 =	vor.u32 v13, v18;
	[tilespmem:v10+s0+$0x0] =	vst.idx.add.f32.msk $0xffff, v2  }
0x2dd: {  	v14 =	vor.u32 v16, v19;
	v10 =	vor.u32 v16, v24;
	v24 =	vmax.f32 v9, $9.999999740e-06;
	[tilespmem:v11+s31+$0x0] =	vst.idx.add.f32.msk $0xffff, v23  }
0x2de: {  	v9 =	vor.u32 v16, v12;
	v16 =	vor.u32 v16, v13;
	v12 =	vshrl.u32 v24, $0xF;
	[tilespmem:v11+s0+$0x0] =	vst.idx.add.f32.msk $0xffff, v2  }
0x2df: {  	v18 =	vmovc v27;
	v19 =	vmovc v39;
	v13 =	vadd.s32 $0x7E00, v10;
	v29 =	vsub.f32 $1.000000000e+00, v24;
	v25 =	vand.u32 $0xFF, v12;
	[tilespmem:v8+s31+$0x0] =	vst.idx.add.f32.msk $0xffff, v23  }
0x2e0: {  	s1 =	sand.u32 $0x70, s13;
	s13 =	smov.u32 s11;
	s11 =	smov.u32 s19;
	v12 =	vshra.s32 v24, $0x17;
	v11 =	vmax.f32 v36, $9.999999740e-06;
	v23 =	vand.u32 $0x7FFFFF, v24;
	[tilespmem:v8+s0+$0x0] =	vst.idx.add.f32.msk $0xffff, v2  }
0x2e1: {  	s2 =	sor.u32 s1, s10;
	s10 =	smov.u32 s18;
	s18 =	smov.u32 s28;
	v22 =	vmax.f32 v22, $9.999999740e-06;
	v24 =	vmax.f32 v28, $9.999999740e-06;
	v27 =	vsub.f32 $1.000000000e+00, v11;
	[tilespmem:v26+s0+$0x0] =	vst.idx.add.f32.msk $0xffff, v2  }
0x2e2: {  	v10 =	vshrl.u32 v11, $0xF;
	v28 =	vshra.s32 v11, $0x17;
	v26 =	vsub.f32 $1.000000000e+00, v22;
	v8 =	vld [tilespmem:s2+$0x0];
	s2 =	sor.u32 s1, s9;
	s9 =	smov.u32 s12;
	s12 =	smov.u32 s25  }
0x2e3: {  	v30 =	vshrl.u32 v24, $0xF;
	v31 =	vsub.f32 $1.000000000e+00, v24;
	v32 =	vand.u32 $0xFF, v10;
	v10 =	vld [tilespmem:s2+$0x0]  }
0x2e4: {  	v34 =	vshra.s32 v22, $0x17;
	v35 =	vand.u32 $0x7FFFFF, v11;
	v30 =	vand.u32 $0xFF, v30;
	s2 =	sor.u32 s1, s15;
	s15 =	smov.u32 s5;
	s5 =	smov.u32 s21;
	v33 =	vld.idx.msk [tilespmem:v25+s22+$0x0], $0xffff  }
0x2e5: {  	v37 =	vshrl.u32 v22, $0xF;
	v36 =	vshra.s32 v24, $0x17;
	v22 =	vand.u32 $0x7FFFFF, v22;
	s1 =	sor.u32 s1, s14;
	s14 =	smov.u32 s8;
	s8 =	smov.u32 s20;
	v11 =	vld [tilespmem:s2+$0x0]  }
0x2e6: {  	v37 =	vand.u32 $0xFF, v37;
	v38 =	vcvt.s32.f32 v12;
	v24 =	vand.u32 $0x7FFFFF, v24;
	v12 =	vld [tilespmem:s1+$0x0]  }
0x2e7: {  	v23 =	vor.u32 $0x3F800000, v23;
	v28 =	vcvt.s32.f32 v28;
	v25 =	vld.idx.msk [tilespmem:v25+s23+$0x0], $0xffff;
	v39 =	vshll.u32 v8, $0x9  }
0x2e8: {  	v35 =	vor.u32 $0x3F800000, v35;
	v40 =	vld.idx.msk [tilespmem:v32+s22+$0x0], $0xffff;
	v39 =	vor.u32 v21, v39;
	v41 =	vshll.u32 v10, $0x9  }
0x2e9: {  	v42 =	vmul.f32 v29, v29;
	v29 =	vld.idx.msk [tilespmem:v30+s23+$0x0], $0xffff;
	v39 =	vor.u32 v20, v39;
	v41 =	vor.u32 v21, v41  }
0x2ea: {  	v34 =	vcvt.s32.f32 v34;
	v30 =	vld.idx.msk [tilespmem:v30+s22+$0x0], $0xffff;
	v41 =	vor.u32 v20, v41;
	v43 =	vshll.u32 v11, $0x9  }
0x2eb: {  	v44 =	vld.idx.msk [tilespmem:v37+s23+$0x0], $0xffff;
	v41 =	vadd.s32 $0x2A00, v41;
	v43 =	vor.u32 v21, v43;
	v45 =	vshll.u32 v12, $0x9  }
0x2ec: {  	v36 =	vcvt.s32.f32 v36;
	v32 =	vld.idx.msk [tilespmem:v32+s23+$0x0], $0xffff;
	v43 =	vor.u32 v20, v43;
	v21 =	vor.u32 v21, v45  }
0x2ed: {  	v45 =	vor.u32 $0x3F800000, v24;
	v37 =	vld.idx.msk [tilespmem:v37+s22+$0x0], $0xffff;
	v43 =	vadd.s32 $0x5400, v43;
	v20 =	vor.u32 v20, v21  }
0x2ee: {  	v24 =	vmul.f32 v27, v27;
	v21 =	vmul.f32 v23, v25;
	v23 =	vld.idx.msk [tilespmem:v39+s3+$0x0], $0xffff;
	v20 =	vadd.s32 $0x7E00, v20  }
0x2ef: {  	v22 =	vor.u32 $0x3F800000, v22;
	v25 =	vmul.f32 v26, v26;
	v27 =	vmul.f32 v45, v29  }
0x2f0: {  	v26 =	vmul.f32 $6.931471820e-01, v38;
	v38 =	vmul.f32 v31, v31;
	v21 =	vadd.f32 v21, v33;
	v29 =	vld.idx.msk [tilespmem:v41+s3+$0x0], $0xffff  }
.Ltmp22:
0x2f1: {  	v27 =	vadd.f32 v27, v30;
	v30 =	vmul.f32 $6.931471820e-01, v36;
	v22 =	vmul.f32 v22, v44;
	(pc) =	sbr.rel @p2 .LBB2_42-.Ltmp22, $4  }
0x2f2: {  	v21 =	vsub.f32 v21, v26;
	v35 =	vmul.f32 v35, v32;
	v26 =	vmul.f32 $6.931471820e-01, v28;
	v31 =	vld.idx.msk [tilespmem:v43+s3+$0x0], $0xffff  }
0x2f3: {  	v34 =	vmul.f32 $6.931471820e-01, v34;
	v30 =	vsub.f32 v27, v30;
	v22 =	vadd.f32 v22, v37;
	v33 =	vld.idx.msk [tilespmem:v20+s3+$0x0], $0xffff  }
0x2f4: {  	v32 =	vmul.f32 v21, v42;
	v28 =	vadd.f32 v35, v40;
	v27 =	vmax.f32 v23, $9.999999740e-06  }
0x2f5: {  	s19 =	sadd.s32 $0x20, s19;
	v30 =	vmul.f32 v30, v38;
	v34 =	vsub.f32 v22, v34;
	v35 =	vshrl.u32 v27, $0xF  }
0x2f6: {  	s26 =	smov.u32 s13  }
0x2f7: {  	s25 =	smov.u32 s10;
	s21 =	smov.u32 s9;
	s20 =	smov.u32 s15  }
0x2f8: {  	s19 =	smov.u32 s14;
	s13 =	smov.u32 s11;
	s10 =	smov.u32 s18  }
0x2f9: {  	v23 =	vmovc v4;
	v4 =	vmovc v17;
	v22 =	vmov v19;
	v21 =	vmov v18;
	v20 =	vmov v15;
	s9 =	smov.u32 s12;
	s15 =	smov.u32 s5;
	s14 =	smov.u32 s8  }
.LBB2_44:
0x2fa: {  	v15 =	vand.u32 @p1 $0xFF, v35;
	v17 =	vmax.f32 @p1 v29, $9.999999740e-06  }
0x2fb: {  	v19 =	vmax.f32 @p1 v31, $9.999999740e-06;
	v29 =	vadd.f32 @p0 $0.0e+00, v32;
	v32 =	vmax.f32 @p1 v33, $9.999999740e-06  }
0x2fc: {  	v25 =	vmul.f32 @p0 v34, v25;
	v26 =	vsub.f32 @p0 v28, v26;
	v16 =	vadd.s32 $0x2A00, v16  }
0x2fd: {  	v14 =	vadd.s32 $0x5400, v14;
	v18 =	vshrl.u32 @p1 v17, $0xF;
	v31 =	vshrl.u32 @p1 v19, $0xF  }
0x2fe: {  	v33 =	vshrl.u32 @p1 v32, $0xF;
	v34 =	vshra.s32 @p1 v32, $0x17;
	v36 =	vsub.f32 @p1 $1.000000000e+00, v32  }
0x2ff: {  	v9 =	vld.idx.msk [tilespmem:v9+s3+$0x0], $0xffff;
	v37 =	vsub.f32 @p1 $1.000000000e+00, v17;
	v38 =	vshra.s32 @p1 v19, $0x17;
	v32 =	vand.u32 @p1 $0x7FFFFF, v32  }
0x300: {  	v13 =	vld.idx.msk [tilespmem:v13+s3+$0x0], $0xffff;
	v39 =	vshra.s32 @p1 v17, $0x17;
	v40 =	vand.u32 @p1 $0x7FFFFF, v19;
	v17 =	vand.u32 @p1 $0x7FFFFF, v17  }
0x301: {  	v19 =	vsub.f32 @p1 $1.000000000e+00, v19;
	v18 =	vand.u32 @p1 $0xFF, v18;
	v28 =	vadd.f32 @p0 v30, v29  }
0x302: {  	v31 =	vand.u32 @p1 $0xFF, v31;
	v30 =	vand.u32 @p1 $0xFF, v33;
	v24 =	vmul.f32 @p0 v26, v24;
	v29 =	vld.idx.msk @p1 [tilespmem:v15+s23+$0x0], $0xffff  }
0x303: {  	v33 =	vsub.f32 @p1 $1.000000000e+00, v27;
	v32 =	vor.u32 @p1 $0x3F800000, v32;
	v25 =	vadd.f32 @p0 v25, v28;
	v15 =	vld.idx.msk @p1 [tilespmem:v15+s22+$0x0], $0xffff  }
0x304: {  	v17 =	vor.u32 @p1 $0x3F800000, v17;
	v38 =	vcvt.s32.f32 @p1 v38;
	v19 =	vmul.f32 @p1 v19, v19;
	v14 =	vld.idx.msk [tilespmem:v14+s3+$0x0], $0xffff  }
0x305: {  	v16 =	vld.idx.msk [tilespmem:v16+s3+$0x0], $0xffff;
	v9 =	vmax.f32 v9, $9.999999740e-06;
	v13 =	vmax.f32 v13, $9.999999740e-06;
	v24 =	vadd.f32 @p0 v24, v25  }
0x306: {  	v25 =	vshra.s32 @p1 v27, $0x17;
	v27 =	vand.u32 @p1 $0x7FFFFF, v27;
	v49 =	vshrl.u32 v9, $0xF;
	v26 =	vld.idx.msk @p1 [tilespmem:v18+s23+$0x0], $0xffff  }
0x307: {  	v50 =	vsub.f32 $1.000000000e+00, v9;
	v51 =	vand.u32 $0x7FFFFF, v9;
	v18 =	vld.idx.msk @p1 [tilespmem:v18+s22+$0x0], $0xffff;
	v25 =	vcvt.s32.f32 @p1 v25  }
0x308: {  	v9 =	vshra.s32 v9, $0x17;
	v53 =	vsub.f32 $1.000000000e+00, v13;
	v28 =	vld.idx.msk @p1 [tilespmem:v31+s23+$0x0], $0xffff;
	v27 =	vor.u32 @p1 $0x3F800000, v27  }
0x309: {  	v55 =	vshrl.u32 v13, $0xF;
	v35 =	vld.idx.msk @p1 [tilespmem:v30+s23+$0x0], $0xffff;
	v25 =	vmul.f32 @p1 $6.931471820e-01, v25;
	v27 =	vmul.f32 @p1 v27, v29  }
0x30a: {  	v56 =	vshra.s32 v13, $0x17;
	v31 =	vld.idx.msk @p1 [tilespmem:v31+s22+$0x0], $0xffff;
	v29 =	vmul.f32 @p1 v33, v33;
	v33 =	vcvt.s32.f32 @p1 v39  }
0x30b: {  	[tilespmem:v7+s31+$0x0] =	vst.idx.add.f32.msk @p0 $0xffff, v24;
	v16 =	vmax.f32 v16, $9.999999740e-06;
	v15 =	vadd.f32 @p1 v27, v15;
	v17 =	vmul.f32 @p1 v17, v26  }
0x30c: {  	[tilespmem:v7+s0+$0x0] =	vst.idx.add.f32.msk @p0 $0xffff, v2;
	v52 =	vshrl.u32 v16, $0xF;
	v26 =	vmul.f32 @p1 $6.931471820e-01, v33;
	v33 =	vor.u32 @p1 $0x3F800000, v40  }
0x30d: {  	v30 =	vld.idx.msk @p1 [tilespmem:v30+s22+$0x0], $0xffff;
	v7 =	vsub.f32 @p1 v15, v25;
	v15 =	vadd.f32 @p1 v17, v18;
	v17 =	vadd.s32 @p0 v3, v23  }
0x30e: {  	v13 =	vand.u32 $0x7FFFFF, v13;
	[tilespmem:v6+s31+$0x0] =	vst.idx.add.f32.msk @p0 $0xffff, v24;
	v18 =	vmul.f32 @p1 v33, v28;
	v28 =	vand.u32 $0xFF, v52  }
0x30f: {  	v9 =	vcvt.s32.f32 v9;
	v13 =	vor.u32 $0x3F800000, v13;
	v14 =	vmax.f32 v14, $9.999999740e-06;
	[tilespmem:v6+s0+$0x0] =	vst.idx.add.f32.msk @p0 $0xffff, v2  }
0x310: {  	v6 =	vmul.f32 @p1 $6.931471820e-01, v38;
	v54 =	vsub.f32 $1.000000000e+00, v14;
	v27 =	vmul.f32 @p1 v37, v37;
	[tilespmem:v5+s31+$0x0] =	vst.idx.add.f32.msk @p0 $0xffff, v24  }
0x311: {  	v57 =	vshrl.u32 v14, $0xF;
	[tilespmem:v5+s0+$0x0] =	vst.idx.add.f32.msk @p0 $0xffff, v2;
	v7 =	vmul.f32 @p1 v7, v29;
	v15 =	vsub.f32 @p1 v15, v26  }
0x312: {  	v25 =	vcvt.s32.f32 @p1 v34;
	v34 =	vand.u32 $0xFF, v57;
	v18 =	vadd.f32 @p1 v18, v31;
	[tilespmem:v17+s31+$0x0] =	vst.idx.add.f32.msk @p0 $0xffff, v24  }
0x313: {  	s1 =	sand.u32 @p0 $0x70, s26;
	v23 =	vmul.f32 @p1 v32, v35;
	v7 =	vadd.f32 @p1 $0.0e+00, v7;
	v15 =	vmul.f32 @p1 v15, v27;
	v60 =	vld.idx.msk [tilespmem:v28+s23+$0x0], $0xffff  }
0x314: {  	s2 =	sor.u32 @p0 s1, s25;
	v58 =	vsub.f32 $1.000000000e+00, v16;
	v32 =	vand.u32 $0xFF, v55;
	v6 =	vsub.f32 @p1 v18, v6;
	[tilespmem:v17+s0+$0x0] =	vst.idx.add.f32.msk @p0 $0xffff, v2  }
0x315: {  	v9 =	vmul.f32 $6.931471820e-01, v9;
	v23 =	vadd.f32 @p1 v23, v30;
	v7 =	vadd.f32 @p1 v15, v7;
	v15 =	vld @p0 [tilespmem:s2+$0x0]  }
0x316: {  	v5 =	vmul.f32 @p1 $6.931471820e-01, v25;
	v28 =	vld.idx.msk [tilespmem:v28+s22+$0x0], $0xffff;
	v6 =	vmul.f32 @p1 v6, v19;
	v19 =	vand.u32 $0xFF, v49  }
0x317: {  	v61 =	vshra.s32 v14, $0x17;
	v62 =	vand.u32 $0x7FFFFF, v16;
	v16 =	vshra.s32 v16, $0x17;
	v63 =	vld.idx.msk [tilespmem:v34+s23+$0x0], $0xffff;
	s2 =	sor.u32 @p0 s1, s21  }
0x318: {  	v14 =	vand.u32 $0x7FFFFF, v14;
	v37 =	vor.u32 $0x3F800000, v62;
	v5 =	vsub.f32 @p1 v23, v5;
	v23 =	vld @p0 [tilespmem:s2+$0x0]  }
0x319: {  	v16 =	vcvt.s32.f32 v16;
	v14 =	vor.u32 $0x3F800000, v14;
	v24 =	vmov @p0 s26;
	v42 =	vld.idx.msk [tilespmem:v32+s23+$0x0], $0xffff;
	s2 =	sor.u32 @p0 s1, s20  }
0x31a: {  	v18 =	vor.u32 @p0 s26, v0;
	v17 =	vand.u32 @p0 $0x180, v24;
	v26 =	vld @p0 [tilespmem:s2+$0x0];
	v35 =	vshll.u32 @p0 v15, $0x9  }
0x31b: {  	v33 =	vcvt.s32.f32 v56;
	v18 =	vand.u32 @p0 $0x7F, v18;
	s1 =	sor.u32 @p0 s1, s19;
	v59 =	vld.idx.msk [tilespmem:v19+s23+$0x0], $0xffff;
	v35 =	vor.u32 @p0 v17, v35  }
0x31c: {  	v16 =	vmul.f32 $6.931471820e-01, v16;
	v25 =	vmul.f32 @p1 v36, v36;
	v29 =	vld @p0 [tilespmem:s1+$0x0];
	v35 =	vor.u32 @p0 v18, v35  }
0x31d: {  	v31 =	vmul.f32 v54, v54;
	v36 =	vmul.f32 v58, v58;
	v19 =	vld.idx.msk [tilespmem:v19+s22+$0x0], $0xffff;
	v38 =	vshll.u32 @p0 v23, $0x9  }
0x31e: {  	v43 =	vmul.f32 $6.931471820e-01, v33;
	v27 =	vor.u32 $0x3F800000, v51;
	v38 =	vor.u32 @p0 v17, v38  }
0x31f: {  	v34 =	vld.idx.msk [tilespmem:v34+s22+$0x0], $0xffff;
	v24 =	vmul.f32 v50, v50;
	v37 =	vmul.f32 v37, v60;
	v38 =	vor.u32 @p0 v18, v38  }
0x320: {  	v32 =	vld.idx.msk [tilespmem:v32+s22+$0x0], $0xffff;
	v14 =	vmul.f32 v14, v63;
	v27 =	vmul.f32 v27, v59;
	v38 =	vadd.s32 @p0 $0x2A00, v38  }
0x321: {  	v13 =	vmul.f32 v13, v42;
	v28 =	vadd.f32 v37, v28;
	v39 =	vshll.u32 @p0 v26, $0x9;
	v35 =	vld.idx.msk @p0 [tilespmem:v35+s3+$0x0], $0xffff  }
0x322: {  	v40 =	vshll.u32 @p0 v29, $0x9;
	v39 =	vor.u32 @p0 v17, v39;
	v19 =	vadd.f32 v27, v19  }
0x323: {  	v16 =	vsub.f32 v28, v16;
	v17 =	vor.u32 @p0 v17, v40;
	v39 =	vor.u32 @p0 v18, v39  }
0x324: {  	v17 =	vor.u32 @p0 v18, v17;
	v18 =	vcvt.s32.f32 v61;
	v9 =	vsub.f32 v19, v9  }
0x325: {  	v14 =	vadd.f32 v14, v34;
	v13 =	vadd.f32 v13, v32;
	v16 =	vmul.f32 v16, v36;
	v38 =	vld.idx.msk @p0 [tilespmem:v38+s3+$0x0], $0xffff  }
0x326: {  	v18 =	vmul.f32 $6.931471820e-01, v18;
	v9 =	vmul.f32 v9, v24;
	v24 =	vmax.f32 @p0 v35, $9.999999740e-06  }
0x327: {  	v39 =	vadd.s32 @p0 $0x5400, v39;
	v17 =	vadd.s32 @p0 $0x7E00, v17;
	v27 =	vshrl.u32 @p0 v24, $0xF  }
0x328: {  	v14 =	vsub.f32 v14, v18;
	v9 =	vadd.f32 $0.0e+00, v9;
	v18 =	vpsel p0, v27, v0  }
0x329: {  	v44 =	vmul.f32 v53, v53;
	v13 =	vsub.f32 v13, v43;
	v18 =	vand.u32 @p0 $0xFF, v18  }
0x32a: {  	v14 =	vmul.f32 v14, v31;
	v27 =	vpsel p0, v38, v0;
	v9 =	vadd.f32 v16, v9  }
0x32b: {  	v45 =	vadd.s32 v3, v22;
	v27 =	vmax.f32 @p0 v27, $9.999999740e-06  }
0x32c: {  	v13 =	vmul.f32 v13, v44;
	v31 =	vld.idx.msk @p0 [tilespmem:v39+s3+$0x0], $0xffff;
	v30 =	vshrl.u32 @p0 v27, $0xF;
	v9 =	vadd.f32 v14, v9  }
0x32d: {  	v17 =	vld.idx.msk @p0 [tilespmem:v17+s3+$0x0], $0xffff;
	v16 =	vand.u32 @p0 $0xFF, v30  }
0x32e: {  	v46 =	vadd.s32 v3, v21;
	v19 =	vadd.s32 @p1 v3, v10;
	v9 =	vadd.f32 v13, v9;
	v10 =	vld.idx.msk @p0 [tilespmem:v18+s23+$0x0], $0xffff  }
0x32f: {  	v11 =	vadd.s32 @p1 v3, v11;
	v5 =	vmul.f32 @p1 v5, v25;
	v6 =	vadd.f32 @p1 v6, v7;
	v13 =	vld.idx.msk @p0 [tilespmem:v18+s22+$0x0], $0xffff  }
0x330: {  	v47 =	vadd.s32 v3, v20;
	v48 =	vadd.s32 v3, v4;
	v49 =	vmov s13;
	[tilespmem:v45+s31+$0x0] =	vst.idx.add.f32.msk $0xffff, v9  }
0x331: {  	v50 =	vor.u32 s13, v0;
	v6 =	vadd.f32 @p1 v5, v6;
	v5 =	vadd.s32 @p1 v3, v12;
	[tilespmem:v45+s0+$0x0] =	vst.idx.add.f32.msk $0xffff, v2  }
0x332: {  	v15 =	vpsel p0, v15, v0;
	v22 =	vpsel p0, v23, v0;
	v23 =	vpsel p0, v26, v0;
	v20 =	vld.idx.msk @p0 [tilespmem:v16+s23+$0x0], $0xffff  }
0x333: {  	v33 =	vand.u32 $0x7F, v50;
	v4 =	vpsel p0, v29, v0;
	v21 =	vpsel p0, v24, v0;
	[tilespmem:v46+s31+$0x0] =	vst.idx.add.f32.msk $0xffff, v9  }
0x334: {  	v26 =	vsub.f32 @p0 $1.000000000e+00, v21;
	v12 =	vpsel p0, v31, v0;
	v17 =	vpsel p0, v17, v0;
	[tilespmem:v46+s0+$0x0] =	vst.idx.add.f32.msk $0xffff, v2  }
0x335: {  	v14 =	vadd.s32 @p1 v3, v8;
	v12 =	vmax.f32 @p0 v12, $9.999999740e-06;
	v17 =	vmax.f32 @p0 v17, $9.999999740e-06;
	[tilespmem:v47+s31+$0x0] =	vst.idx.add.f32.msk $0xffff, v9  }
0x336: {  	v8 =	vshra.s32 @p0 v21, $0x17;
	v21 =	vand.u32 @p0 $0x7FFFFF, v21;
	v29 =	vsub.f32 @p0 $1.000000000e+00, v27;
	[tilespmem:v47+s0+$0x0] =	vst.idx.add.f32.msk $0xffff, v2  }
0x337: {  	s25 =	sand.u32 $0x70, s13;
	v31 =	vshra.s32 @p0 v27, $0x17;
	v26 =	vmul.f32 @p0 v26, v26;
	v24 =	vshrl.u32 @p0 v12, $0xF;
	[tilespmem:v48+s31+$0x0] =	vst.idx.add.f32.msk $0xffff, v9  }
0x338: {  	s26 =	sor.u32 s25, s10;
	v25 =	vshrl.u32 @p0 v17, $0xF;
	v28 =	vsub.f32 @p0 $1.000000000e+00, v17;
	v30 =	vcvt.s32.f32 @p0 v8;
	[tilespmem:v48+s0+$0x0] =	vst.idx.add.f32.msk $0xffff, v2  }
0x339: {  	s28 =	sor.u32 s25, s9;
	v32 =	vand.u32 @p0 $0x7FFFFF, v12;
	v8 =	vor.u32 @p0 $0x3F800000, v21;
	v21 =	vand.u32 @p0 $0x7FFFFF, v27;
	v7 =	vld [tilespmem:s26+$0x0]  }
0x33a: {  	v27 =	vcvt.s32.f32 @p0 v31;
	v24 =	vand.u32 @p0 $0xFF, v24;
	v10 =	vmul.f32 @p0 v8, v10;
	v8 =	vld [tilespmem:s28+$0x0]  }
0x33b: {  	s29 =	sor.u32 s25, s15;
	v25 =	vand.u32 @p0 $0xFF, v25;
	v21 =	vor.u32 @p0 $0x3F800000, v21;
	v9 =	vshra.s32 @p0 v12, $0x17  }
0x33c: {  	s1 =	sor.u32 s25, s14;
	v32 =	vor.u32 @p0 $0x3F800000, v32;
	v29 =	vmul.f32 @p0 v29, v29;
	v31 =	vcvt.s32.f32 @p0 v9;
	v9 =	vld [tilespmem:s29+$0x0]  }
0x33d: {  	v30 =	vmul.f32 @p0 $6.931471820e-01, v30;
	v27 =	vmul.f32 @p0 $6.931471820e-01, v27;
	v13 =	vadd.f32 @p0 v10, v13;
	v10 =	vld [tilespmem:s1+$0x0]  }
0x33e: {  	v20 =	vmul.f32 @p0 v21, v20;
	v21 =	vand.u32 $0x180, v49;
	v51 =	vshll.u32 v7, $0x9  }
0x33f: {  	v18 =	vshra.s32 @p0 v17, $0x17;
	v16 =	vld.idx.msk @p0 [tilespmem:v16+s22+$0x0], $0xffff;
	v52 =	vshll.u32 v8, $0x9;
	v34 =	vor.u32 v21, v51  }
0x340: {  	v17 =	vand.u32 @p0 $0x7FFFFF, v17;
	v36 =	vld.idx.msk @p0 [tilespmem:v24+s23+$0x0], $0xffff;
	v35 =	vor.u32 v21, v52;
	v34 =	vor.u32 v33, v34  }
0x341: {  	v18 =	vcvt.s32.f32 @p0 v18;
	[tilespmem:v14+s31+$0x0] =	vst.idx.add.f32.msk @p1 $0xffff, v6;
	v53 =	vshll.u32 v9, $0x9;
	v35 =	vor.u32 v33, v35  }
0x342: {  	v24 =	vld.idx.msk @p0 [tilespmem:v24+s22+$0x0], $0xffff;
	v54 =	vshll.u32 v10, $0x9;
	v38 =	vor.u32 v21, v53;
	v35 =	vadd.s32 $0x2A00, v35  }
0x343: {  	v17 =	vor.u32 @p0 $0x3F800000, v17;
	v37 =	vld.idx.msk @p0 [tilespmem:v25+s23+$0x0], $0xffff;
	v21 =	vor.u32 v21, v54;
	v55 =	vor.u32 v33, v38  }
0x344: {  	v25 =	vld.idx.msk @p0 [tilespmem:v25+s22+$0x0], $0xffff;
	v13 =	vsub.f32 @p0 v13, v30;
	v21 =	vor.u32 v33, v21;
	v56 =	vadd.s32 $0x5400, v55  }
0x345: {  	v16 =	vadd.f32 @p0 v20, v16;
	v30 =	vmul.f32 @p0 v32, v36;
	v21 =	vadd.s32 $0x7E00, v21;
	v57 =	vld.idx.msk [tilespmem:v34+s3+$0x0], $0xffff  }
0x346: {  	[tilespmem:v14+s0+$0x0] =	vst.idx.add.f32.msk @p1 $0xffff, v2;
	v18 =	vmul.f32 @p0 $6.931471820e-01, v18;
	v12 =	vsub.f32 @p0 $1.000000000e+00, v12;
	v13 =	vmul.f32 @p0 v13, v26  }
0x347: {  	v16 =	vsub.f32 @p0 v16, v27;
	v26 =	vmul.f32 @p0 $6.931471820e-01, v31;
	v24 =	vadd.f32 @p0 v30, v24;
	v58 =	vld.idx.msk [tilespmem:v35+s3+$0x0], $0xffff  }
0x348: {  	v14 =	vadd.s32 @p0 v3, v15;
	v17 =	vmul.f32 @p0 v17, v37;
	v12 =	vmul.f32 @p0 v12, v12  }
0x349: {  	v13 =	vadd.f32 @p0 $0.0e+00, v13;
	v16 =	vmul.f32 @p0 v16, v29;
	v24 =	vsub.f32 @p0 v24, v26;
	v20 =	vld.idx.msk [tilespmem:v56+s3+$0x0], $0xffff  }
0x34a: {  	v17 =	vadd.f32 @p0 v17, v25;
	v25 =	vmul.f32 @p0 v28, v28;
	v59 =	vld.idx.msk [tilespmem:v21+s3+$0x0], $0xffff;
	v60 =	vmax.f32 v57, $9.999999740e-06  }
0x34b: {  	v13 =	vadd.f32 @p0 v16, v13;
	v12 =	vmul.f32 @p0 v24, v12;
	v61 =	vshrl.u32 v60, $0xF  }
0x34c: {  	[tilespmem:v19+s31+$0x0] =	vst.idx.add.f32.msk @p1 $0xffff, v6;
	v17 =	vsub.f32 @p0 v17, v18;
	v63 =	vmax.f32 v58, $9.999999740e-06;
	v62 =	vand.u32 $0xFF, v61  }
0x34d: {  	[tilespmem:v19+s0+$0x0] =	vst.idx.add.f32.msk @p1 $0xffff, v2;
	v19 =	vadd.s32 @p0 v3, v22;
	v12 =	vadd.f32 @p0 v12, v13;
	v35 =	vshrl.u32 v63, $0xF  }
0x34e: {  	[tilespmem:v11+s31+$0x0] =	vst.idx.add.f32.msk @p1 $0xffff, v6;
	v13 =	vmul.f32 @p0 v17, v25;
	v20 =	vmax.f32 v20, $9.999999740e-06;
	v17 =	vand.u32 $0xFF, v35  }
0x34f: {  	[tilespmem:v11+s0+$0x0] =	vst.idx.add.f32.msk @p1 $0xffff, v2;
	v11 =	vadd.s32 @p0 v3, v23;
	v16 =	vmax.f32 v59, $9.999999740e-06;
	v36 =	vshrl.u32 v20, $0xF  }
0x350: {  	v12 =	vadd.f32 @p0 v13, v12;
	v37 =	vshrl.u32 v16, $0xF;
	v13 =	vand.u32 $0xFF, v36  }
0x351: {  	v39 =	vshra.s32 v60, $0x17;
	v40 =	vsub.f32 $1.000000000e+00, v60;
	v22 =	vand.u32 $0xFF, v37;
	v38 =	vld.idx.msk [tilespmem:v62+s23+$0x0], $0xffff  }
0x352: {  	v21 =	vand.u32 $0x7FFFFF, v60;
	v41 =	vshra.s32 v16, $0x17;
	v42 =	vsub.f32 $1.000000000e+00, v16;
	v15 =	vld.idx.msk [tilespmem:v62+s22+$0x0], $0xffff  }
0x353: {  	v44 =	vsub.f32 $1.000000000e+00, v63;
	v45 =	vshra.s32 v20, $0x17;
	v16 =	vand.u32 $0x7FFFFF, v16;
	v43 =	vld.idx.msk [tilespmem:v17+s23+$0x0], $0xffff  }
0x354: {  	v24 =	vcvt.s32.f32 v39;
	v46 =	vshra.s32 v63, $0x17;
	v47 =	vand.u32 $0x7FFFFF, v20;
	v17 =	vld.idx.msk [tilespmem:v17+s22+$0x0], $0xffff  }
0x355: {  	v21 =	vor.u32 $0x3F800000, v21;
	v18 =	vand.u32 $0x7FFFFF, v63;
	v26 =	vcvt.s32.f32 v41;
	v48 =	vld.idx.msk [tilespmem:v13+s23+$0x0], $0xffff  }
0x356: {  	v50 =	vmul.f32 v40, v40;
	v16 =	vor.u32 $0x3F800000, v16;
	v49 =	vld.idx.msk [tilespmem:v22+s23+$0x0], $0xffff;
	v21 =	vmul.f32 v21, v38  }
0x357: {  	v18 =	vor.u32 $0x3F800000, v18;
	v51 =	vcvt.s32.f32 v46;
	v30 =	vcvt.s32.f32 v45;
	v13 =	vld.idx.msk [tilespmem:v13+s22+$0x0], $0xffff  }
0x358: {  	v52 =	vmul.f32 $6.931471820e-01, v24;
	v22 =	vld.idx.msk [tilespmem:v22+s22+$0x0], $0xffff;
	v18 =	vmul.f32 v18, v43;
	v15 =	vadd.f32 v21, v15  }
0x359: {  	[tilespmem:v5+s31+$0x0] =	vst.idx.add.f32.msk @p1 $0xffff, v6;
	v55 =	vor.u32 $0x3F800000, v47;
	v54 =	vmul.f32 v44, v44;
	v53 =	vmul.f32 $6.931471820e-01, v51  }
0x35a: {  	v56 =	vmul.f32 v55, v48;
	v17 =	vadd.f32 v18, v17;
	v15 =	vsub.f32 v15, v52  }
0x35b: {  	[tilespmem:v5+s0+$0x0] =	vst.idx.add.f32.msk @p1 $0xffff, v2;
	v20 =	vsub.f32 $1.000000000e+00, v20;
	v5 =	vmul.f32 $6.931471820e-01, v30;
	v16 =	vmul.f32 v16, v49  }
0x35c: {  	v13 =	vadd.f32 v56, v13;
	v6 =	vsub.f32 v17, v53;
	v15 =	vmul.f32 v15, v50  }
0x35d: {  	[tilespmem:v14+s31+$0x0] =	vst.idx.add.f32.msk @p0 $0xffff, v12;
	v57 =	vmul.f32 v20, v20;
	v58 =	vmul.f32 $6.931471820e-01, v26;
	v16 =	vadd.f32 v16, v22  }
0x35e: {  	[tilespmem:v14+s0+$0x0] =	vst.idx.add.f32.msk @p0 $0xffff, v2;
	v5 =	vsub.f32 v13, v5;
	v6 =	vmul.f32 v6, v54;
	v59 =	vadd.f32 $0.0e+00, v15  }
0x35f: {  	v4 =	vadd.s32 @p0 v3, v4;
	[tilespmem:v19+s31+$0x0] =	vst.idx.add.f32.msk @p0 $0xffff, v12;
	v60 =	vmul.f32 v42, v42  }
0x360: {  	v61 =	vsub.f32 v16, v58;
	v5 =	vmul.f32 v5, v57;
	v6 =	vadd.f32 v6, v59  }
0x361: {  	v7 =	vadd.s32 v3, v7;
	[tilespmem:v19+s0+$0x0] =	vst.idx.add.f32.msk @p0 $0xffff, v2  }
0x362: {  	[tilespmem:v11+s31+$0x0] =	vst.idx.add.f32.msk @p0 $0xffff, v12;
	v62 =	vmul.f32 v61, v60;
	v5 =	vadd.f32 v5, v6  }
0x363: {  	v8 =	vadd.s32 v3, v8;
	[tilespmem:v11+s0+$0x0] =	vst.idx.add.f32.msk @p0 $0xffff, v2  }
0x364: {  	[tilespmem:v4+s31+$0x0] =	vst.idx.add.f32.msk @p0 $0xffff, v12;
	v5 =	vadd.f32 v62, v5  }
0x365: {  	[tilespmem:v4+s0+$0x0] =	vst.idx.add.f32.msk @p0 $0xffff, v2;
	v4 =	vadd.s32 v3, v9  }
0x366: {  	[tilespmem:v7+s31+$0x0] =	vst.idx.add.f32.msk $0xffff, v5  }
0x367: {  	s6 =	sadd.s32 $0x1, s6;
	v63 =	vadd.s32 v3, v10;
	[tilespmem:v7+s0+$0x0] =	vst.idx.add.f32.msk $0xffff, v2  }
0x368: {  	p0 =	sne.s32 s6, $0x8;
	[tilespmem:v8+s31+$0x0] =	vst.idx.add.f32.msk $0xffff, v5  }
.Ltmp23:
0x369: {  	[tilespmem:v8+s0+$0x0] =	vst.idx.add.f32.msk $0xffff, v2;
	(pc) =	sbr.rel @p0 .LBB2_10-.Ltmp23, $4  }
.Ltmp24:
0x36a: {  	[tilespmem:v4+s31+$0x0] =	vst.idx.add.f32.msk $0xffff, v5;
	(pc) =	sbr.rel @!p0 .LBB2_45-.Ltmp24, $4  }
0x36b: {  	[tilespmem:v4+s0+$0x0] =	vst.idx.add.f32.msk $0xffff, v2  }
0x36c: {  	[tilespmem:v63+s31+$0x0] =	vst.idx.add.f32.msk $0xffff, v5  }
0x36d: {  	s1 =	rddreg [dreg:$0x0];
	[tilespmem:v63+s0+$0x0] =	vst.idx.add.f32.msk $0xffff, v2  }
0x36e: {  	_ = 	snop  }
.LBB2_19:
.Ltmp25:
0x36f: {  	(pc) =	sbr.rel .LBB2_26-.Ltmp25, $3  }
0x370: {  	_ =	sdelay $0x1  }
0x371: {  	s26 =	simm.s32 $0x10;
	s18 =	smov.u32 s21  }
0x372: {  	v4 =	vmovc v23;
	v21 =	vmov v12;
	v22 =	vmov v15;
	v20 =	vmov v14;
	s5 =	simm.s32 $0x15010;
	s12 =	smov.u32 s20;
	s8 =	smov.u32 s19  }
.LBB2_37:
.Ltmp26:
0x373: {  	(pc) =	sbr.rel .LBB2_44-.Ltmp26, $3  }
0x374: {  	_ =	sdelay $0x1  }
0x375: {  	s13 =	simm.s32 $0x10;
	s10 =	smov.u32 s25  }
0x376: {  	v4 =	vmovc v23;
	v22 =	vmov v11;
	v21 =	vmov v15;
	v20 =	vmov v12;
	s9 =	smov.u32 s21;
	s15 =	smov.u32 s20;
	s14 =	smov.u32 s19  }
.LBB2_21:
.Ltmp27:
0x377: {  	(pc) =	sbr.rel .LBB2_26-.Ltmp27, $2  }
0x378: {  	_ =	sdelay $0x2  }
0x379: {  	_ = 	snop  }
.LBB2_39:
.Ltmp28:
0x37a: {  	(pc) =	sbr.rel .LBB2_44-.Ltmp28, $2  }
0x37b: {  	_ =	sdelay $0x2  }
0x37c: {  	_ = 	snop  }
.LBB2_23:
.Ltmp29:
0x37d: {  	(pc) =	sbr.rel .LBB2_26-.Ltmp29, $4  }
0x37e: {  	s28 =	simm.s32 $0x30  }
0x37f: {  	s21 =	smov.u32 s18;
	s20 =	smov.u32 s12;
	s19 =	smov.u32 s8  }
0x380: {  	s26 =	simm.s32 $0x50;
	s25 =	simm.s32 $0x15030;
	s18 =	smov.u32 s9  }
0x381: {  	v23 =	vmovc v4;
	v4 =	vmovc v15;
	v21 =	vmov v14;
	v22 =	vmov v17;
	v20 =	vmov v16;
	s5 =	simm.s32 $0x15050;
	s12 =	smov.u32 s15;
	s8 =	smov.u32 s14  }
.LBB2_41:
.Ltmp30:
0x382: {  	(pc) =	sbr.rel .LBB2_44-.Ltmp30, $4  }
0x383: {  	s25 =	smov.u32 s10  }
0x384: {  	s21 =	smov.u32 s9;
	s20 =	smov.u32 s15;
	s19 =	smov.u32 s14  }
0x385: {  	s26 =	simm.s32 $0x30;
	s13 =	simm.s32 $0x50;
	s10 =	smov.u32 s18  }
0x386: {  	v23 =	vmovc v4;
	v4 =	vmovc v17;
	v22 =	vmov v19;
	v21 =	vmov v18;
	v20 =	vmov v15;
	s9 =	smov.u32 s12;
	s15 =	smov.u32 s5;
	s14 =	smov.u32 s8  }
.LBB2_46:
0x387: {  	_ =	sfence.sel $0x180000  }
0x388: {  	[bflag:$0x0] =	sbarrier.arrive $0xFFFF  }
0x389: {  	_ =	strace $0x90000047  }
0x38a: {  	s0 =	stileid.u32;
	[bflag:$0x2] =	sbarrier.arrive $0xFFFF  }
0x38b: {  	p0 =	sne.s32 s0, $0x0;
	s0 =	rddreg [dreg:$0x3]  }
0x38c: {  	s0 =	sadd.s32 @!p0 $0x100000, s0  }
0x38d: {  	[sflag:s0] =	ssyncadd.tile.s32 @!p0 $0x1;
	_ =	shalt  }
.Lfunc_end2:
_tile_overlayer_lowered:
.L_overlay_start_2:
0x38e: {  	(tag) =	ssettag $0x2  }
0x38f: {  	s0 =	rddreg [dreg:$0x0];
	s2 =	stileid.u32  }
0x390: {  	s1 =	rddreg [dreg:$0x1];
	p0 =	sne.s32 s2, $0x0  }
0x391: {  	s3 =	rddreg [dreg:$0x2];
	[bflag:$0x3] =	sbarrier.arrive $0xFFFF;
	s2 =	simm.s32 @!p0 $0x1C03  }
0x392: {  	[timem:s3], [sflag:s2] =	dma.local @!p0 [hbm:s0], s1  }
0x393: {  	s0 =	simm.s32 @!p0 $0x3  }
0x394: {  	_ =	swait.ge @!p0 [sflag:s0], s1  }
0x395: {  	s1 =	ssub.s32 @!p0 $0x0, s1;
	[sflag:s0] =	ssyncset.done @!p0 $0x0  }
0x396: {  	[sflag:s0] =	ssyncadd.s32 @!p0 s1  }
0x397: {  	[bflag:$0x3] =	sbarrier.arrive $0xFFFF  }
0x398: {  	_ =	shalt  }

</sc_bundles>
